<compile_context>
chip_gen: v7x
topology: tpu7x:2x2x1
jax: 0.10.2.dev20260603
libtpu: 0.0.44.dev20260713+nightly
codegen_flags: <defaults>
</compile_context>

<pallas_src>
import jax
import jax.numpy as jnp
from jax import lax
from jax.experimental import pallas as pl
from jax.experimental.pallas import tpu as pltpu
from jax.experimental.pallas import tpu_sc as plsc

_NUM_DETECTORS = 4096
_MAX_ROUNDS = 64
_DIM = 256
_B = 16
_SYN_LEN = 4096
_NRND = _MAX_ROUNDS + 1

_NC = 1
_NS = 16
_NW = _NC * _NS
_L = 16
_CHUNK = _SYN_LEN // _NW
_G = _CHUNK // _L
_W1 = _CHUNK + 8
_W1MAX = _SYN_LEN - _W1


def _dots_tc(det_ref, rnd_ref, proj_ref, alpha_ref, adet_ref, arnd_ref):
    a = alpha_ref[0, 0]
    proj = proj_ref[...]
    dn = (((1,), (1,)), ((), ()))
    adet = lax.dot_general(proj, det_ref[...], dn,
                           preferred_element_type=jnp.float32)
    arnd = lax.dot_general(proj, rnd_ref[...], dn,
                           preferred_element_type=jnp.float32)
    adet_ref[...] = a * adet
    arnd_ref[...] = a * arnd


def _sc_body(syn_hbm, mask_hbm, rlist_hbm, adet_hbm, arnd_hbm, out_hbm,
             adet_v, arnd_v, r_v, syn_v, mask_v, out_v, sem, sem_r):
    wid = lax.axis_index("s") * _NC + lax.axis_index("c")
    base = wid * _CHUNK
    spec_start = pl.multiple_of(jnp.minimum(base, _W1MAX), 8)

    copies = [
        pltpu.async_copy(adet_hbm.at[pl.ds(spec_start, _W1)],
                         adet_v.at[pl.ds(0, _W1)], sem),
        pltpu.async_copy(adet_hbm.at[pl.ds(0, _CHUNK)],
                         adet_v.at[pl.ds(_W1, _CHUNK)], sem),
        pltpu.async_copy(arnd_hbm, arnd_v, sem),
        pltpu.async_copy(syn_hbm.at[:, pl.ds(base, _CHUNK)], syn_v, sem),
        pltpu.async_copy(mask_hbm.at[:, pl.ds(base, _CHUNK)], mask_v, sem),
    ]
    pltpu.async_copy(rlist_hbm, r_v, sem_r).wait()

    r = r_v[...]
    d = lax.div(jnp.full((_L,), _SYN_LEN, jnp.int32), r)
    s_r = jnp.max(r)
    s_d = lax.div(jnp.int32(_SYN_LEN), s_r)
    start1a = pl.multiple_of(
        jnp.minimum(lax.rem(base, s_d) & jnp.int32(~7), jnp.int32(_W1MAX)), 8)

    for c in copies:
        c.wait()

    @pl.when(start1a != spec_start)
    def _refetch():
        pltpu.sync_copy(adet_hbm.at[pl.ds(start1a, _W1)],
                        adet_v.at[pl.ds(0, _W1)])

    half = _CHUNK // 2
    for g in range(_G):
        sl = pl.ds(g * _L, _L)
        p = lax.broadcasted_iota(jnp.int32, (_L,), 0) + (base + g * _L)
        q = lax.div(p, d)
        det_id = p - q * d
        rnd_id = jnp.minimum(q + 1, _MAX_ROUNDS)
        det_local = jnp.where(det_id >= start1a, det_id - start1a,
                              det_id + _W1)
        pe = (plsc.load_gather(adet_v, [det_local]) +
              plsc.load_gather(arnd_v, [rnd_id]))
        for b in range(_B):
            out_v[b, sl] = syn_v[b, sl] + mask_v[b, sl] * pe
        if g == _G // 2 - 1:
            out1 = pltpu.async_copy(out_v.at[:, pl.ds(0, half)],
                                    out_hbm.at[:, pl.ds(base, half)], sem_r)

    out2 = pltpu.async_copy(out_v.at[:, pl.ds(half, half)],
                            out_hbm.at[:, pl.ds(base + half, half)], sem_r)
    out1.wait()
    out2.wait()


@jax.jit
def kernel(syn_bits, r_list, mask, det_emb_w, rnd_emb_w, proj_w, alpha):
    alpha2d = jnp.reshape(alpha, (1, 1)).astype(jnp.float32)

    adet, arnd = pl.pallas_call(
        _dots_tc,
        out_shape=(
            jax.ShapeDtypeStruct((1, _NUM_DETECTORS), jnp.float32),
            jax.ShapeDtypeStruct((1, _NRND), jnp.float32),
        ),
    )(det_emb_w, rnd_emb_w, proj_w, alpha2d)
    adet = jnp.reshape(adet, (_NUM_DETECTORS,))
    arnd = jnp.reshape(arnd, (_NRND,))

    mesh = plsc.VectorSubcoreMesh(core_axis_name="c", subcore_axis_name="s",
                                  num_cores=_NC, num_subcores=_NS)
    sc = pl.kernel(
        _sc_body,
        out_type=jax.ShapeDtypeStruct((_B, _SYN_LEN), jnp.float32),
        mesh=mesh,
        compiler_params=pltpu.CompilerParams(needs_layout_passes=False),
        scratch_types=[
            pltpu.VMEM((_W1 + _CHUNK,), jnp.float32),
            pltpu.VMEM((_NRND,), jnp.float32),
            pltpu.VMEM((_L,), jnp.int32),
            pltpu.VMEM((_B, _CHUNK), jnp.float32),
            pltpu.VMEM((_B, _CHUNK), jnp.float32),
            pltpu.VMEM((_B, _CHUNK), jnp.float32),
            pltpu.SemaphoreType.DMA,
            pltpu.SemaphoreType.DMA,
        ],
    )
    return sc(syn_bits, mask, r_list, adet, arnd)

# --- scband reference (transcript-rebuilt; emitter-appended) ---
"""Pipeline reference for scband-round-positional-projector-15109694947563 (READ-ONLY COPY).

The authoritative reference and input builder live on the scoring server;
editing this copy changes nothing except your own understanding.
"""

import jax, jax.numpy as jnp
import numpy as np

NUM_DETECTORS = 4096
MAX_ROUNDS = 64
DIM = 256
B = 16
SYN_LEN = 4096


def setup_inputs(seed: int = 0) -> dict:
    key = jax.random.key(seed)
    k1, k2, k3, k4 = jax.random.split(key, 4)
    syn_bits = jax.random.uniform(k1, (B, SYN_LEN), dtype=jnp.float32)
    r_list = jnp.ones((B,), dtype=jnp.int32)
    mask = jnp.ones((B, SYN_LEN), dtype=jnp.float32)
    det_emb_w = jax.random.normal(k2, (NUM_DETECTORS, DIM), dtype=jnp.float32) * 0.02
    rnd_emb_w = jax.random.normal(k3, (MAX_ROUNDS + 1, DIM), dtype=jnp.float32) * 0.02
    limit = float(np.sqrt(6.0 / (DIM + 1)))
    proj_w = jax.random.uniform(k4, (1, DIM), minval=-limit, maxval=limit, dtype=jnp.float32)
    alpha = jnp.asarray(0.01, dtype=jnp.float32)
    return {
        'syn_bits': syn_bits,
        'r_list': r_list,
        'mask': mask,
        'det_emb_w': det_emb_w,
        'rnd_emb_w': rnd_emb_w,
        'proj_w': proj_w,
        'alpha': alpha,
    }


def reference(syn_bits, r_list, mask, det_emb_w, rnd_emb_w, proj_w, alpha):
    # All samples share the same number of rounds (uniq.numel() == 1 fast path).
    b, syn_len = syn_bits.shape
    r = r_list[0]
    D = syn_len // r
    pos = jnp.arange(syn_len)
    det_ids = pos % D
    round_ids = jnp.minimum(pos // D + 1, MAX_ROUNDS)
    det_e = jnp.take(det_emb_w, det_ids, axis=0)
    rnd_e = jnp.take(rnd_emb_w, round_ids, axis=0)
    pe = ((det_e + rnd_e) @ proj_w.T)[:, 0]
    out = syn_bits + alpha * pe[None, :]
    out = out * mask + syn_bits * (1.0 - mask)
    return out

if __name__ == "__main__":
    import jax
    _d = setup_inputs()
    print(jax.jit(kernel)(*tuple(_d.values())))

</pallas_src>

<mosaic_0001>
#map = affine_map<(d0, d1) -> (0, 0)>
#map1 = affine_map<(d0, d1) -> (0)>
module attributes {stable_mosaic.version = 14 : i64} {
  func.func @_sc_body(%arg0: i32, %arg1: i32, %arg2: memref<16x4096xf32, #tpu.memory_space<hbm>>, %arg3: memref<16x4096xf32, #tpu.memory_space<hbm>>, %arg4: memref<16xi32, #tpu.memory_space<hbm>>, %arg5: memref<4096xf32, #tpu.memory_space<hbm>>, %arg6: memref<65xf32, #tpu.memory_space<hbm>>, %arg7: memref<16x4096xf32, #tpu.memory_space<hbm>>, %arg8: memref<520xf32, #tpu.memory_space<vmem>>, %arg9: memref<65xf32, #tpu.memory_space<vmem>>, %arg10: memref<16xi32, #tpu.memory_space<vmem>>, %arg11: memref<16x256xf32, #tpu.memory_space<vmem>>, %arg12: memref<16x256xf32, #tpu.memory_space<vmem>>, %arg13: memref<16x256xf32, #tpu.memory_space<vmem>>, %arg14: memref<!tpu.dma_semaphore, #tpu.memory_space<semaphore_mem>>, %arg15: memref<!tpu.dma_semaphore, #tpu.memory_space<semaphore_mem>>) attributes {dimension_semantics = [#tpu.dimension_semantics<core_parallel>, #tpu.dimension_semantics<subcore_parallel>], iteration_bounds = array<i64: 1, 16>, scalar_prefetch = 0 : i64, scratch_operands = 8 : i64, tpu.core_type = #tpu.core_type<sc_vector_subcore>, window_params = [{transform_indices = #map}, {transform_indices = #map}, {transform_indices = #map1}, {transform_indices = #map1}, {transform_indices = #map1}, {transform_indices = #map}]} {
    %mul3A = arith.constant 1 : i32
    %mul3A_0 = arith.muli %arg1, %mul3A : i32
    %add3A = arith.addi %mul3A_0, %arg0 : i32
    %mul3A_1 = arith.constant 256 : i32
    %mul3A_2 = arith.muli %add3A, %mul3A_1 : i32
    %min3A = arith.constant 3832 : i32
    %min3A_3 = arith.minsi %mul3A_2, %min3A : i32
    %multiple_of3A = tpu.assume_multiple %min3A_3, 8 : i32
    %dma_start3A = arith.constant 0 : i32
    %dma_start3A_4 = tpu.memref_slice %arg8[%dma_start3A] : memref<520xf32, #tpu.memory_space<vmem>> -> memref<264xf32, #tpu.memory_space<vmem>>
    %dma_start3A_5 = tpu.memref_slice %arg5[%multiple_of3A] : memref<4096xf32, #tpu.memory_space<hbm>> -> memref<264xf32, #tpu.memory_space<hbm>>
    %dma_start3A_6 = arith.constant 0 : i32
    %dma_start3A_7 = tpu.memref_slice %arg8[%dma_start3A_6] : memref<520xf32, #tpu.memory_space<vmem>> -> memref<264xf32, #tpu.memory_space<vmem>>
    %dma_start3A_8 = tpu.memref_slice %arg5[%multiple_of3A] : memref<4096xf32, #tpu.memory_space<hbm>> -> memref<264xf32, #tpu.memory_space<hbm>>
    tpu.enqueue_dma source(%dma_start3A_8 : memref<264xf32, #tpu.memory_space<hbm>>) target(%dma_start3A_7 : memref<264xf32, #tpu.memory_space<vmem>>) target_semaphore(%arg14 : memref<!tpu.dma_semaphore, #tpu.memory_space<semaphore_mem>>)
    %dma_start3A_9 = arith.constant 264 : i32
    %dma_start3A_10 = tpu.memref_slice %arg8[%dma_start3A_9] : memref<520xf32, #tpu.memory_space<vmem>> -> memref<256xf32, #tpu.memory_space<vmem>>
    %dma_start3A_11 = arith.constant 0 : i32
    %dma_start3A_12 = tpu.memref_slice %arg5[%dma_start3A_11] : memref<4096xf32, #tpu.memory_space<hbm>> -> memref<256xf32, #tpu.memory_space<hbm>>
    %dma_start3A_13 = arith.constant 264 : i32
    %dma_start3A_14 = tpu.memref_slice %arg8[%dma_start3A_13] : memref<520xf32, #tpu.memory_space<vmem>> -> memref<256xf32, #tpu.memory_space<vmem>>
    %dma_start3A_15 = arith.constant 0 : i32
    %dma_start3A_16 = tpu.memref_slice %arg5[%dma_start3A_15] : memref<4096xf32, #tpu.memory_space<hbm>> -> memref<256xf32, #tpu.memory_space<hbm>>
    tpu.enqueue_dma source(%dma_start3A_16 : memref<256xf32, #tpu.memory_space<hbm>>) target(%dma_start3A_14 : memref<256xf32, #tpu.memory_space<vmem>>) target_semaphore(%arg14 : memref<!tpu.dma_semaphore, #tpu.memory_space<semaphore_mem>>)
    tpu.enqueue_dma source(%arg6 : memref<65xf32, #tpu.memory_space<hbm>>) target(%arg9 : memref<65xf32, #tpu.memory_space<vmem>>) target_semaphore(%arg14 : memref<!tpu.dma_semaphore, #tpu.memory_space<semaphore_mem>>)
    %dma_start3A_17 = arith.constant 0 : i32
    %dma_start3A_18 = tpu.memref_slice %arg2[%dma_start3A_17, %mul3A_2] : memref<16x4096xf32, #tpu.memory_space<hbm>> -> memref<16x256xf32, #tpu.memory_space<hbm>>
    %dma_start3A_19 = arith.constant 0 : i32
    %dma_start3A_20 = tpu.memref_slice %arg2[%dma_start3A_19, %mul3A_2] : memref<16x4096xf32, #tpu.memory_space<hbm>> -> memref<16x256xf32, #tpu.memory_space<hbm>>
    tpu.enqueue_dma source(%dma_start3A_20 : memref<16x256xf32, #tpu.memory_space<hbm>>) target(%arg11 : memref<16x256xf32, #tpu.memory_space<vmem>>) target_semaphore(%arg14 : memref<!tpu.dma_semaphore, #tpu.memory_space<semaphore_mem>>)
    %dma_start3A_21 = arith.constant 0 : i32
    %dma_start3A_22 = tpu.memref_slice %arg3[%dma_start3A_21, %mul3A_2] : memref<16x4096xf32, #tpu.memory_space<hbm>> -> memref<16x256xf32, #tpu.memory_space<hbm>>
    %dma_start3A_23 = arith.constant 0 : i32
    %dma_start3A_24 = tpu.memref_slice %arg3[%dma_start3A_23, %mul3A_2] : memref<16x4096xf32, #tpu.memory_space<hbm>> -> memref<16x256xf32, #tpu.memory_space<hbm>>
    tpu.enqueue_dma source(%dma_start3A_24 : memref<16x256xf32, #tpu.memory_space<hbm>>) target(%arg12 : memref<16x256xf32, #tpu.memory_space<vmem>>) target_semaphore(%arg14 : memref<!tpu.dma_semaphore, #tpu.memory_space<semaphore_mem>>)
    tpu.enqueue_dma source(%arg4 : memref<16xi32, #tpu.memory_space<hbm>>) target(%arg10 : memref<16xi32, #tpu.memory_space<vmem>>) target_semaphore(%arg15 : memref<!tpu.dma_semaphore, #tpu.memory_space<semaphore_mem>>)
    tpu.wait_dma2 semaphore(%arg15 : memref<!tpu.dma_semaphore, #tpu.memory_space<semaphore_mem>>) src(%arg4 : memref<16xi32, #tpu.memory_space<hbm>>) dst(%arg10 : memref<16xi32, #tpu.memory_space<vmem>>)
    %get3A = arith.constant 0 : index
    %get3A_25 = tpu.vector_load %arg10[%get3A] {strides = array<i32>} : memref<16xi32, #tpu.memory_space<vmem>>, vector<16xi32>,
    %broadcast_in_dim3A = arith.constant 4096 : i32
    %broadcast_in_dim3A_26 = vector.broadcast %broadcast_in_dim3A : i32 to vector<16xi32>
    %div3A = arith.divsi %broadcast_in_dim3A_26, %get3A_25 : vector<16xi32>
    %reduce_max3A = arith.constant true
    %reduce_max3A_27 = vector.broadcast %reduce_max3A : i1 to vector<16xi1>
    %reduce_max3A_28 = arith.constant -2147483648 : i32
    %reduce_max3A_29 = vector.broadcast %reduce_max3A_28 : i32 to vector<16xi32>
    %reduce_max3A_30 = arith.xori %get3A_25, %reduce_max3A_29 : vector<16xi32>
    %reduce_max3A_31 = tpu.scan <max>, %reduce_max3A_30 masked %reduce_max3A_27 : vector<16xi32>, vector<16xi1> -> vector<16xi32>
    %reduce_max3A_32 = arith.xori %reduce_max3A_31, %reduce_max3A_29 : vector<16xi32>
    %reduce_max3A_33 = vector.extract %reduce_max3A_32[15] : i32 from vector<16xi32>
    %div3A_34 = arith.constant 4096 : i32
    %div3A_35 = arith.divsi %div3A_34, %reduce_max3A_33 : i32
    %rem3A = arith.remsi %mul3A_2, %div3A_35 : i32
    %and3A = arith.constant -8 : i32
    %and3A_36 = arith.andi %rem3A, %and3A : i32
    %min3A_37 = arith.constant 3832 : i32
    %min3A_38 = arith.minsi %and3A_36, %min3A_37 : i32
    %multiple_of3A_39 = tpu.assume_multiple %min3A_38, 8 : i32
    %dma_wait3A = arith.constant 0 : i32
    %dma_wait3A_40 = tpu.memref_slice %arg8[%dma_wait3A] : memref<520xf32, #tpu.memory_space<vmem>> -> memref<264xf32, #tpu.memory_space<vmem>>
    %dma_wait3A_41 = tpu.memref_slice %arg5[%multiple_of3A] : memref<4096xf32, #tpu.memory_space<hbm>> -> memref<264xf32, #tpu.memory_space<hbm>>
    %dma_wait3A_42 = arith.constant 0 : i32
    %dma_wait3A_43 = tpu.memref_slice %arg8[%dma_wait3A_42] : memref<520xf32, #tpu.memory_space<vmem>> -> memref<264xf32, #tpu.memory_space<vmem>>
    %dma_wait3A_44 = tpu.memref_slice %arg5[%multiple_of3A] : memref<4096xf32, #tpu.memory_space<hbm>> -> memref<264xf32, #tpu.memory_space<hbm>>
    tpu.wait_dma2 semaphore(%arg14 : memref<!tpu.dma_semaphore, #tpu.memory_space<semaphore_mem>>) src(%dma_wait3A_44 : memref<264xf32, #tpu.memory_space<hbm>>) dst(%dma_wait3A_43 : memref<264xf32, #tpu.memory_space<vmem>>)
    %dma_wait3A_45 = arith.constant 264 : i32
    %dma_wait3A_46 = tpu.memref_slice %arg8[%dma_wait3A_45] : memref<520xf32, #tpu.memory_space<vmem>> -> memref<256xf32, #tpu.memory_space<vmem>>
    %dma_wait3A_47 = arith.constant 0 : i32
    %dma_wait3A_48 = tpu.memref_slice %arg5[%dma_wait3A_47] : memref<4096xf32, #tpu.memory_space<hbm>> -> memref<256xf32, #tpu.memory_space<hbm>>
    %dma_wait3A_49 = arith.constant 264 : i32
    %dma_wait3A_50 = tpu.memref_slice %arg8[%dma_wait3A_49] : memref<520xf32, #tpu.memory_space<vmem>> -> memref<256xf32, #tpu.memory_space<vmem>>
    %dma_wait3A_51 = arith.constant 0 : i32
    %dma_wait3A_52 = tpu.memref_slice %arg5[%dma_wait3A_51] : memref<4096xf32, #tpu.memory_space<hbm>> -> memref<256xf32, #tpu.memory_space<hbm>>
    tpu.wait_dma2 semaphore(%arg14 : memref<!tpu.dma_semaphore, #tpu.memory_space<semaphore_mem>>) src(%dma_wait3A_52 : memref<256xf32, #tpu.memory_space<hbm>>) dst(%dma_wait3A_50 : memref<256xf32, #tpu.memory_space<vmem>>)
    tpu.wait_dma2 semaphore(%arg14 : memref<!tpu.dma_semaphore, #tpu.memory_space<semaphore_mem>>) src(%arg6 : memref<65xf32, #tpu.memory_space<hbm>>) dst(%arg9 : memref<65xf32, #tpu.memory_space<vmem>>)
    %dma_wait3A_53 = arith.constant 0 : i32
    %dma_wait3A_54 = tpu.memref_slice %arg2[%dma_wait3A_53, %mul3A_2] : memref<16x4096xf32, #tpu.memory_space<hbm>> -> memref<16x256xf32, #tpu.memory_space<hbm>>
    %dma_wait3A_55 = arith.constant 0 : i32
    %dma_wait3A_56 = tpu.memref_slice %arg2[%dma_wait3A_55, %mul3A_2] : memref<16x4096xf32, #tpu.memory_space<hbm>> -> memref<16x256xf32, #tpu.memory_space<hbm>>
    tpu.wait_dma2 semaphore(%arg14 : memref<!tpu.dma_semaphore, #tpu.memory_space<semaphore_mem>>) src(%dma_wait3A_56 : memref<16x256xf32, #tpu.memory_space<hbm>>) dst(%arg11 : memref<16x256xf32, #tpu.memory_space<vmem>>)
    %dma_wait3A_57 = arith.constant 0 : i32
    %dma_wait3A_58 = tpu.memref_slice %arg3[%dma_wait3A_57, %mul3A_2] : memref<16x4096xf32, #tpu.memory_space<hbm>> -> memref<16x256xf32, #tpu.memory_space<hbm>>
    %dma_wait3A_59 = arith.constant 0 : i32
    %dma_wait3A_60 = tpu.memref_slice %arg3[%dma_wait3A_59, %mul3A_2] : memref<16x4096xf32, #tpu.memory_space<hbm>> -> memref<16x256xf32, #tpu.memory_space<hbm>>
    tpu.wait_dma2 semaphore(%arg14 : memref<!tpu.dma_semaphore, #tpu.memory_space<semaphore_mem>>) src(%dma_wait3A_60 : memref<16x256xf32, #tpu.memory_space<hbm>>) dst(%arg12 : memref<16x256xf32, #tpu.memory_space<vmem>>)
    %ne3A = arith.cmpi ne, %multiple_of3A_39, %multiple_of3A : i32
    %convert_element_type3A = arith.extui %ne3A : i1 to i32
    %cond3A = arith.constant 0 : i32
    %cond3A_61 = arith.cmpi ne, %convert_element_type3A, %cond3A : i32
    scf.if %cond3A_61 {
      "tpu.region"() ({
        %run_scoped3A = tpu.sem_alloc : memref<!tpu.dma_semaphore, #tpu.memory_space<semaphore_mem>>
        %dma_start3A_4082 = arith.constant 0 : i32
        %dma_start3A_4083 = tpu.memref_slice %arg8[%dma_start3A_4082] : memref<520xf32, #tpu.memory_space<vmem>> -> memref<264xf32, #tpu.memory_space<vmem>>
        %dma_start3A_4084 = tpu.memref_slice %arg5[%multiple_of3A_39] : memref<4096xf32, #tpu.memory_space<hbm>> -> memref<264xf32, #tpu.memory_space<hbm>>
        %dma_start3A_4085 = arith.constant 0 : i32
        %dma_start3A_4086 = tpu.memref_slice %arg8[%dma_start3A_4085] : memref<520xf32, #tpu.memory_space<vmem>> -> memref<264xf32, #tpu.memory_space<vmem>>
        %dma_start3A_4087 = tpu.memref_slice %arg5[%multiple_of3A_39] : memref<4096xf32, #tpu.memory_space<hbm>> -> memref<264xf32, #tpu.memory_space<hbm>>
        tpu.enqueue_dma source(%dma_start3A_4087 : memref<264xf32, #tpu.memory_space<hbm>>) target(%dma_start3A_4086 : memref<264xf32, #tpu.memory_space<vmem>>) target_semaphore(%run_scoped3A : memref<!tpu.dma_semaphore, #tpu.memory_space<semaphore_mem>>)
        %dma_wait3A_4088 = arith.constant 0 : i32
        %dma_wait3A_4089 = tpu.memref_slice %arg8[%dma_wait3A_4088] : memref<520xf32, #tpu.memory_space<vmem>> -> memref<264xf32, #tpu.memory_space<vmem>>
        %dma_wait3A_4090 = tpu.memref_slice %arg5[%multiple_of3A_39] : memref<4096xf32, #tpu.memory_space<hbm>> -> memref<264xf32, #tpu.memory_space<hbm>>
        %dma_wait3A_4091 = arith.constant 0 : i32
        %dma_wait3A_4092 = tpu.memref_slice %arg8[%dma_wait3A_4091] : memref<520xf32, #tpu.memory_space<vmem>> -> memref<264xf32, #tpu.memory_space<vmem>>
        %dma_wait3A_4093 = tpu.memref_slice %arg5[%multiple_of3A_39] : memref<4096xf32, #tpu.memory_space<hbm>> -> memref<264xf32, #tpu.memory_space<hbm>>
        tpu.wait_dma2 semaphore(%run_scoped3A : memref<!tpu.dma_semaphore, #tpu.memory_space<semaphore_mem>>) src(%dma_wait3A_4093 : memref<264xf32, #tpu.memory_space<hbm>>) dst(%dma_wait3A_4092 : memref<264xf32, #tpu.memory_space<vmem>>)
        tpu.yield
      }) : () -> ()
    } else {
    }
    %iota3A = tpu.iota {dimensions = array<i32: 0>} : vector<16xi32>
    %add3A_62 = arith.constant 0 : i32
    %add3A_63 = arith.addi %mul3A_2, %add3A_62 : i32
    %add3A_64 = vector.broadcast %add3A_63 : i32 to vector<16xi32>
    %add3A_65 = arith.addi %iota3A, %add3A_64 : vector<16xi32>
    %div3A_66 = arith.divsi %add3A_65, %div3A : vector<16xi32>
    %mul3A_67 = arith.muli %div3A_66, %div3A : vector<16xi32>
    %sub3A = arith.subi %add3A_65, %mul3A_67 : vector<16xi32>
    %add3A_68 = arith.constant 1 : i32
    %add3A_69 = vector.broadcast %add3A_68 : i32 to vector<16xi32>
    %add3A_70 = arith.addi %div3A_66, %add3A_69 : vector<16xi32>
    %min3A_71 = arith.constant 64 : i32
    %min3A_72 = vector.broadcast %min3A_71 : i32 to vector<16xi32>
    %min3A_73 = arith.minsi %add3A_70, %min3A_72 : vector<16xi32>
    %ge3A = vector.broadcast %multiple_of3A_39 : i32 to vector<16xi32>
    %ge3A_74 = arith.cmpi sge, %sub3A, %ge3A : vector<16xi32>
    %sub3A_75 = vector.broadcast %multiple_of3A_39 : i32 to vector<16xi32>
    %sub3A_76 = arith.subi %sub3A, %sub3A_75 : vector<16xi32>
    %add3A_77 = arith.constant 264 : i32
    %add3A_78 = vector.broadcast %add3A_77 : i32 to vector<16xi32>
    %add3A_79 = arith.addi %sub3A, %add3A_78 : vector<16xi32>
    %select_n3A = arith.select %ge3A_74, %sub3A_76, %add3A_79 : vector<16xi1>, vector<16xi32>
    %gather3A = tpu.vector_load_idx %arg8[%select_n3A] : memref<520xf32, #tpu.memory_space<vmem>>[vector<16xi32>], vector<16xf32>,
    %gather3A_80 = tpu.vector_load_idx %arg9[%min3A_73] : memref<65xf32, #tpu.memory_space<vmem>>[vector<16xi32>], vector<16xf32>,
    %add3A_81 = arith.addf %gather3A, %gather3A_80 : vector<16xf32>
    %get3A_82 = arith.constant 0 : i32
    %get3A_83 = arith.index_cast %get3A_82 : i32 to index
    %get3A_84 = arith.constant 0 : index
    %get3A_85 = tpu.vector_load %arg11[%get3A_83, %get3A_84] {strides = array<i32>} : memref<16x256xf32, #tpu.memory_space<vmem>>, vector<16xf32>,
    %get3A_86 = arith.constant 0 : i32
    %get3A_87 = arith.index_cast %get3A_86 : i32 to index
    %get3A_88 = arith.constant 0 : index
    %get3A_89 = tpu.vector_load %arg12[%get3A_87, %get3A_88] {strides = array<i32>} : memref<16x256xf32, #tpu.memory_space<vmem>>, vector<16xf32>,
    %mul3A_90 = arith.mulf %get3A_89, %add3A_81 : vector<16xf32>
    %add3A_91 = arith.addf %get3A_85, %mul3A_90 : vector<16xf32>
    %swap3A = arith.constant 0 : i32
    %swap3A_92 = arith.index_cast %swap3A : i32 to index
    %swap3A_93 = arith.constant 0 : index
    %swap3A_94 = tpu.vector_load %arg13[%swap3A_92, %swap3A_93] {strides = array<i32>} : memref<16x256xf32, #tpu.memory_space<vmem>>, vector<16xf32>,
    tpu.vector_store %arg13[%swap3A_92, %swap3A_93], %add3A_91 {strides = array<i32>} : memref<16x256xf32, #tpu.memory_space<vmem>>, vector<16xf32>,
    %get3A_95 = arith.constant 1 : i32
    %get3A_96 = arith.index_cast %get3A_95 : i32 to index
    %get3A_97 = arith.constant 0 : index
    %get3A_98 = tpu.vector_load %arg11[%get3A_96, %get3A_97] {strides = array<i32>} : memref<16x256xf32, #tpu.memory_space<vmem>>, vector<16xf32>,
    %get3A_99 = arith.constant 1 : i32
    %get3A_100 = arith.index_cast %get3A_99 : i32 to index
    %get3A_101 = arith.constant 0 : index
    %get3A_102 = tpu.vector_load %arg12[%get3A_100, %get3A_101] {strides = array<i32>} : memref<16x256xf32, #tpu.memory_space<vmem>>, vector<16xf32>,
    %mul3A_103 = arith.mulf %get3A_102, %add3A_81 : vector<16xf32>
    %add3A_104 = arith.addf %get3A_98, %mul3A_103 : vector<16xf32>
    %swap3A_105 = arith.constant 1 : i32
    %swap3A_106 = arith.index_cast %swap3A_105 : i32 to index
    %swap3A_107 = arith.constant 0 : index
    %swap3A_108 = tpu.vector_load %arg13[%swap3A_106, %swap3A_107] {strides = array<i32>} : memref<16x256xf32, #tpu.memory_space<vmem>>, vector<16xf32>,
    tpu.vector_store %arg13[%swap3A_106, %swap3A_107], %add3A_104 {strides = array<i32>} : memref<16x256xf32, #tpu.memory_space<vmem>>, vector<16xf32>,
    %get3A_109 = arith.constant 2 : i32
    %get3A_110 = arith.index_cast %get3A_109 : i32 to index
    %get3A_111 = arith.constant 0 : index
    %get3A_112 = tpu.vector_load %arg11[%get3A_110, %get3A_111] {strides = array<i32>} : memref<16x256xf32, #tpu.memory_space<vmem>>, vector<16xf32>,
    %get3A_113 = arith.constant 2 : i32
    %get3A_114 = arith.index_cast %get3A_113 : i32 to index
    %get3A_115 = arith.constant 0 : index
    %get3A_116 = tpu.vector_load %arg12[%get3A_114, %get3A_115] {strides = array<i32>} : memref<16x256xf32, #tpu.memory_space<vmem>>, vector<16xf32>,
    %mul3A_117 = arith.mulf %get3A_116, %add3A_81 : vector<16xf32>
    %add3A_118 = arith.addf %get3A_112, %mul3A_117 : vector<16xf32>
    %swap3A_119 = arith.constant 2 : i32
    %swap3A_120 = arith.index_cast %swap3A_119 : i32 to index
    %swap3A_121 = arith.constant 0 : index
    %swap3A_122 = tpu.vector_load %arg13[%swap3A_120, %swap3A_121] {strides = array<i32>} : memref<16x256xf32, #tpu.memory_space<vmem>>, vector<16xf32>,
    tpu.vector_store %arg13[%swap3A_120, %swap3A_121], %add3A_118 {strides = array<i32>} : memref<16x256xf32, #tpu.memory_space<vmem>>, vector<16xf32>,
    %get3A_123 = arith.constant 3 : i32
    %get3A_124 = arith.index_cast %get3A_123 : i32 to index
    %get3A_125 = arith.constant 0 : index
    %get3A_126 = tpu.vector_load %arg11[%get3A_124, %get3A_125] {strides = array<i32>} : memref<16x256xf32, #tpu.memory_space<vmem>>, vector<16xf32>,
    %get3A_127 = arith.constant 3 : i32
    %get3A_128 = arith.index_cast %get3A_127 : i32 to index
    %get3A_129 = arith.constant 0 : index
    %get3A_130 = tpu.vector_load %arg12[%get3A_128, %get3A_129] {strides = array<i32>} : memref<16x256xf32, #tpu.memory_space<vmem>>, vector<16xf32>,
    %mul3A_131 = arith.mulf %get3A_130, %add3A_81 : vector<16xf32>
    %add3A_132 = arith.addf %get3A_126, %mul3A_131 : vector<16xf32>
    %swap3A_133 = arith.constant 3 : i32
    %swap3A_134 = arith.index_cast %swap3A_133 : i32 to index
    %swap3A_135 = arith.constant 0 : index
    %swap3A_136 = tpu.vector_load %arg13[%swap3A_134, %swap3A_135] {strides = array<i32>} : memref<16x256xf32, #tpu.memory_space<vmem>>, vector<16xf32>,
    tpu.vector_store %arg13[%swap3A_134, %swap3A_135], %add3A_132 {strides = array<i32>} : memref<16x256xf32, #tpu.memory_space<vmem>>, vector<16xf32>,
    %get3A_137 = arith.constant 4 : i32
    %get3A_138 = arith.index_cast %get3A_137 : i32 to index
    %get3A_139 = arith.constant 0 : index
    %get3A_140 = tpu.vector_load %arg11[%get3A_138, %get3A_139] {strides = array<i32>} : memref<16x256xf32, #tpu.memory_space<vmem>>, vector<16xf32>,
    %get3A_141 = arith.constant 4 : i32
    %get3A_142 = arith.index_cast %get3A_141 : i32 to index
    %get3A_143 = arith.constant 0 : index
    %get3A_144 = tpu.vector_load %arg12[%get3A_142, %get3A_143] {strides = array<i32>} : memref<16x256xf32, #tpu.memory_space<vmem>>, vector<16xf32>,
    %mul3A_145 = arith.mulf %get3A_144, %add3A_81 : vector<16xf32>
    %add3A_146 = arith.addf %get3A_140, %mul3A_145 : vector<16xf32>
    %swap3A_147 = arith.constant 4 : i32
    %swap3A_148 = arith.index_cast %swap3A_147 : i32 to index
    %swap3A_149 = arith.constant 0 : index
    %swap3A_150 = tpu.vector_load %arg13[%swap3A_148, %swap3A_149] {strides = array<i32>} : memref<16x256xf32, #tpu.memory_space<vmem>>, vector<16xf32>,
    tpu.vector_store %arg13[%swap3A_148, %swap3A_149], %add3A_146 {strides = array<i32>} : memref<16x256xf32, #tpu.memory_space<vmem>>, vector<16xf32>,
    %get3A_151 = arith.constant 5 : i32
    %get3A_152 = arith.index_cast %get3A_151 : i32 to index
    %get3A_153 = arith.constant 0 : index
    %get3A_154 = tpu.vector_load %arg11[%get3A_152, %get3A_153] {strides = array<i32>} : memref<16x256xf32, #tpu.memory_space<vmem>>, vector<16xf32>,
    %get3A_155 = arith.constant 5 : i32
    %get3A_156 = arith.index_cast %get3A_155 : i32 to index
    %get3A_157 = arith.constant 0 : index
    %get3A_158 = tpu.vector_load %arg12[%get3A_156, %get3A_157] {strides = array<i32>} : memref<16x256xf32, #tpu.memory_space<vmem>>, vector<16xf32>,
    %mul3A_159 = arith.mulf %get3A_158, %add3A_81 : vector<16xf32>
    %add3A_160 = arith.addf %get3A_154, %mul3A_159 : vector<16xf32>
    %swap3A_161 = arith.constant 5 : i32
    %swap3A_162 = arith.index_cast %swap3A_161 : i32 to index
    %swap3A_163 = arith.constant 0 : index
    %swap3A_164 = tpu.vector_load %arg13[%swap3A_162, %swap3A_163] {strides = array<i32>} : memref<16x256xf32, #tpu.memory_space<vmem>>, vector<16xf32>,
    tpu.vector_store %arg13[%swap3A_162, %swap3A_163], %add3A_160 {strides = array<i32>} : memref<16x256xf32, #tpu.memory_space<vmem>>, vector<16xf32>,
    %get3A_165 = arith.constant 6 : i32
    %get3A_166 = arith.index_cast %get3A_165 : i32 to index
    %get3A_167 = arith.constant 0 : index
    %get3A_168 = tpu.vector_load %arg11[%get3A_166, %get3A_167] {strides = array<i32>} : memref<16x256xf32, #tpu.memory_space<vmem>>, vector<16xf32>,
    %get3A_169 = arith.constant 6 : i32
    %get3A_170 = arith.index_cast %get3A_169 : i32 to index
    %get3A_171 = arith.constant 0 : index
    %get3A_172 = tpu.vector_load %arg12[%get3A_170, %get3A_171] {strides = array<i32>} : memref<16x256xf32, #tpu.memory_space<vmem>>, vector<16xf32>,
    %mul3A_173 = arith.mulf %get3A_172, %add3A_81 : vector<16xf32>
    %add3A_174 = arith.addf %get3A_168, %mul3A_173 : vector<16xf32>
    %swap3A_175 = arith.constant 6 : i32
    %swap3A_176 = arith.index_cast %swap3A_175 : i32 to index
    %swap3A_177 = arith.constant 0 : index
    %swap3A_178 = tpu.vector_load %arg13[%swap3A_176, %swap3A_177] {strides = array<i32>} : memref<16x256xf32, #tpu.memory_space<vmem>>, vector<16xf32>,
    tpu.vector_store %arg13[%swap3A_176, %swap3A_177], %add3A_174 {strides = array<i32>} : memref<16x256xf32, #tpu.memory_space<vmem>>, vector<16xf32>,
    %get3A_179 = arith.constant 7 : i32
    %get3A_180 = arith.index_cast %get3A_179 : i32 to index
    %get3A_181 = arith.constant 0 : index
    %get3A_182 = tpu.vector_load %arg11[%get3A_180, %get3A_181] {strides = array<i32>} : memref<16x256xf32, #tpu.memory_space<vmem>>, vector<16xf32>,
    %get3A_183 = arith.constant 7 : i32
    %get3A_184 = arith.index_cast %get3A_183 : i32 to index
    %get3A_185 = arith.constant 0 : index
    %get3A_186 = tpu.vector_load %arg12[%get3A_184, %get3A_185] {strides = array<i32>} : memref<16x256xf32, #tpu.memory_space<vmem>>, vector<16xf32>,
    %mul3A_187 = arith.mulf %get3A_186, %add3A_81 : vector<16xf32>
    %add3A_188 = arith.addf %get3A_182, %mul3A_187 : vector<16xf32>
    %swap3A_189 = arith.constant 7 : i32
    %swap3A_190 = arith.index_cast %swap3A_189 : i32 to index
    %swap3A_191 = arith.constant 0 : index
    %swap3A_192 = tpu.vector_load %arg13[%swap3A_190, %swap3A_191] {strides = array<i32>} : memref<16x256xf32, #tpu.memory_space<vmem>>, vector<16xf32>,
    tpu.vector_store %arg13[%swap3A_190, %swap3A_191], %add3A_188 {strides = array<i32>} : memref<16x256xf32, #tpu.memory_space<vmem>>, vector<16xf32>,
    %get3A_193 = arith.constant 8 : i32
    %get3A_194 = arith.index_cast %get3A_193 : i32 to index
    %get3A_195 = arith.constant 0 : index
    %get3A_196 = tpu.vector_load %arg11[%get3A_194, %get3A_195] {strides = array<i32>} : memref<16x256xf32, #tpu.memory_space<vmem>>, vector<16xf32>,
    %get3A_197 = arith.constant 8 : i32
    %get3A_198 = arith.index_cast %get3A_197 : i32 to index
    %get3A_199 = arith.constant 0 : index
    %get3A_200 = tpu.vector_load %arg12[%get3A_198, %get3A_199] {strides = array<i32>} : memref<16x256xf32, #tpu.memory_space<vmem>>, vector<16xf32>,
    %mul3A_201 = arith.mulf %get3A_200, %add3A_81 : vector<16xf32>
    %add3A_202 = arith.addf %get3A_196, %mul3A_201 : vector<16xf32>
    %swap3A_203 = arith.constant 8 : i32
    %swap3A_204 = arith.index_cast %swap3A_203 : i32 to index
    %swap3A_205 = arith.constant 0 : index
    %swap3A_206 = tpu.vector_load %arg13[%swap3A_204, %swap3A_205] {strides = array<i32>} : memref<16x256xf32, #tpu.memory_space<vmem>>, vector<16xf32>,
    tpu.vector_store %arg13[%swap3A_204, %swap3A_205], %add3A_202 {strides = array<i32>} : memref<16x256xf32, #tpu.memory_space<vmem>>, vector<16xf32>,
    %get3A_207 = arith.constant 9 : i32
    %get3A_208 = arith.index_cast %get3A_207 : i32 to index
    %get3A_209 = arith.constant 0 : index
    %get3A_210 = tpu.vector_load %arg11[%get3A_208, %get3A_209] {strides = array<i32>} : memref<16x256xf32, #tpu.memory_space<vmem>>, vector<16xf32>,
    %get3A_211 = arith.constant 9 : i32
    %get3A_212 = arith.index_cast %get3A_211 : i32 to index
    %get3A_213 = arith.constant 0 : index
    %get3A_214 = tpu.vector_load %arg12[%get3A_212, %get3A_213] {strides = array<i32>} : memref<16x256xf32, #tpu.memory_space<vmem>>, vector<16xf32>,
    %mul3A_215 = arith.mulf %get3A_214, %add3A_81 : vector<16xf32>
    %add3A_216 = arith.addf %get3A_210, %mul3A_215 : vector<16xf32>
    %swap3A_217 = arith.constant 9 : i32
    %swap3A_218 = arith.index_cast %swap3A_217 : i32 to index
    %swap3A_219 = arith.constant 0 : index
    %swap3A_220 = tpu.vector_load %arg13[%swap3A_218, %swap3A_219] {strides = array<i32>} : memref<16x256xf32, #tpu.memory_space<vmem>>, vector<16xf32>,
    tpu.vector_store %arg13[%swap3A_218, %swap3A_219], %add3A_216 {strides = array<i32>} : memref<16x256xf32, #tpu.memory_space<vmem>>, vector<16xf32>,
    %get3A_221 = arith.constant 10 : i32
    %get3A_222 = arith.index_cast %get3A_221 : i32 to index
    %get3A_223 = arith.constant 0 : index
    %get3A_224 = tpu.vector_load %arg11[%get3A_222, %get3A_223] {strides = array<i32>} : memref<16x256xf32, #tpu.memory_space<vmem>>, vector<16xf32>,
    %get3A_225 = arith.constant 10 : i32
    %get3A_226 = arith.index_cast %get3A_225 : i32 to index
    %get3A_227 = arith.constant 0 : index
    %get3A_228 = tpu.vector_load %arg12[%get3A_226, %get3A_227] {strides = array<i32>} : memref<16x256xf32, #tpu.memory_space<vmem>>, vector<16xf32>,
    %mul3A_229 = arith.mulf %get3A_228, %add3A_81 : vector<16xf32>
    %add3A_230 = arith.addf %get3A_224, %mul3A_229 : vector<16xf32>
    %swap3A_231 = arith.constant 10 : i32
    %swap3A_232 = arith.index_cast %swap3A_231 : i32 to index
    %swap3A_233 = arith.constant 0 : index
    %swap3A_234 = tpu.vector_load %arg13[%swap3A_232, %swap3A_233] {strides = array<i32>} : memref<16x256xf32, #tpu.memory_space<vmem>>, vector<16xf32>,
    tpu.vector_store %arg13[%swap3A_232, %swap3A_233], %add3A_230 {strides = array<i32>} : memref<16x256xf32, #tpu.memory_space<vmem>>, vector<16xf32>,
    %get3A_235 = arith.constant 11 : i32
    %get3A_236 = arith.index_cast %get3A_235 : i32 to index
    %get3A_237 = arith.constant 0 : index
    %get3A_238 = tpu.vector_load %arg11[%get3A_236, %get3A_237] {strides = array<i32>} : memref<16x256xf32, #tpu.memory_space<vmem>>, vector<16xf32>,
    %get3A_239 = arith.constant 11 : i32
    %get3A_240 = arith.index_cast %get3A_239 : i32 to index
    %get3A_241 = arith.constant 0 : index
    %get3A_242 = tpu.vector_load %arg12[%get3A_240, %get3A_241] {strides = array<i32>} : memref<16x256xf32, #tpu.memory_space<vmem>>, vector<16xf32>,
    %mul3A_243 = arith.mulf %get3A_242, %add3A_81 : vector<16xf32>
    %add3A_244 = arith.addf %get3A_238, %mul3A_243 : vector<16xf32>
    %swap3A_245 = arith.constant 11 : i32
    %swap3A_246 = arith.index_cast %swap3A_245 : i32 to index
    %swap3A_247 = arith.constant 0 : index
    %swap3A_248 = tpu.vector_load %arg13[%swap3A_246, %swap3A_247] {strides = array<i32>} : memref<16x256xf32, #tpu.memory_space<vmem>>, vector<16xf32>,
    tpu.vector_store %arg13[%swap3A_246, %swap3A_247], %add3A_244 {strides = array<i32>} : memref<16x256xf32, #tpu.memory_space<vmem>>, vector<16xf32>,
    %get3A_249 = arith.constant 12 : i32
    %get3A_250 = arith.index_cast %get3A_249 : i32 to index
    %get3A_251 = arith.constant 0 : index
    %get3A_252 = tpu.vector_load %arg11[%get3A_250, %get3A_251] {strides = array<i32>} : memref<16x256xf32, #tpu.memory_space<vmem>>, vector<16xf32>,
    %get3A_253 = arith.constant 12 : i32
    %get3A_254 = arith.index_cast %get3A_253 : i32 to index
    %get3A_255 = arith.constant 0 : index
    %get3A_256 = tpu.vector_load %arg12[%get3A_254, %get3A_255] {strides = array<i32>} : memref<16x256xf32, #tpu.memory_space<vmem>>, vector<16xf32>,
    %mul3A_257 = arith.mulf %get3A_256, %add3A_81 : vector<16xf32>
    %add3A_258 = arith.addf %get3A_252, %mul3A_257 : vector<16xf32>
    %swap3A_259 = arith.constant 12 : i32
    %swap3A_260 = arith.index_cast %swap3A_259 : i32 to index
    %swap3A_261 = arith.constant 0 : index
    %swap3A_262 = tpu.vector_load %arg13[%swap3A_260, %swap3A_261] {strides = array<i32>} : memref<16x256xf32, #tpu.memory_space<vmem>>, vector<16xf32>,
    tpu.vector_store %arg13[%swap3A_260, %swap3A_261], %add3A_258 {strides = array<i32>} : memref<16x256xf32, #tpu.memory_space<vmem>>, vector<16xf32>,
    %get3A_263 = arith.constant 13 : i32
    %get3A_264 = arith.index_cast %get3A_263 : i32 to index
    %get3A_265 = arith.constant 0 : index
    %get3A_266 = tpu.vector_load %arg11[%get3A_264, %get3A_265] {strides = array<i32>} : memref<16x256xf32, #tpu.memory_space<vmem>>, vector<16xf32>,
    %get3A_267 = arith.constant 13 : i32
    %get3A_268 = arith.index_cast %get3A_267 : i32 to index
    %get3A_269 = arith.constant 0 : index
    %get3A_270 = tpu.vector_load %arg12[%get3A_268, %get3A_269] {strides = array<i32>} : memref<16x256xf32, #tpu.memory_space<vmem>>, vector<16xf32>,
    %mul3A_271 = arith.mulf %get3A_270, %add3A_81 : vector<16xf32>
    %add3A_272 = arith.addf %get3A_266, %mul3A_271 : vector<16xf32>
    %swap3A_273 = arith.constant 13 : i32
    %swap3A_274 = arith.index_cast %swap3A_273 : i32 to index
    %swap3A_275 = arith.constant 0 : index
    %swap3A_276 = tpu.vector_load %arg13[%swap3A_274, %swap3A_275] {strides = array<i32>} : memref<16x256xf32, #tpu.memory_space<vmem>>, vector<16xf32>,
    tpu.vector_store %arg13[%swap3A_274, %swap3A_275], %add3A_272 {strides = array<i32>} : memref<16x256xf32, #tpu.memory_space<vmem>>, vector<16xf32>,
    %get3A_277 = arith.constant 14 : i32
    %get3A_278 = arith.index_cast %get3A_277 : i32 to index
    %get3A_279 = arith.constant 0 : index
    %get3A_280 = tpu.vector_load %arg11[%get3A_278, %get3A_279] {strides = array<i32>} : memref<16x256xf32, #tpu.memory_space<vmem>>, vector<16xf32>,
    %get3A_281 = arith.constant 14 : i32
    %get3A_282 = arith.index_cast %get3A_281 : i32 to index
    %get3A_283 = arith.constant 0 : index
    %get3A_284 = tpu.vector_load %arg12[%get3A_282, %get3A_283] {strides = array<i32>} : memref<16x256xf32, #tpu.memory_space<vmem>>, vector<16xf32>,
    %mul3A_285 = arith.mulf %get3A_284, %add3A_81 : vector<16xf32>
    %add3A_286 = arith.addf %get3A_280, %mul3A_285 : vector<16xf32>
    %swap3A_287 = arith.constant 14 : i32
    %swap3A_288 = arith.index_cast %swap3A_287 : i32 to index
    %swap3A_289 = arith.constant 0 : index
    %swap3A_290 = tpu.vector_load %arg13[%swap3A_288, %swap3A_289] {strides = array<i32>} : memref<16x256xf32, #tpu.memory_space<vmem>>, vector<16xf32>,
    tpu.vector_store %arg13[%swap3A_288, %swap3A_289], %add3A_286 {strides = array<i32>} : memref<16x256xf32, #tpu.memory_space<vmem>>, vector<16xf32>,
    %get3A_291 = arith.constant 15 : i32
    %get3A_292 = arith.index_cast %get3A_291 : i32 to index
    %get3A_293 = arith.constant 0 : index
    %get3A_294 = tpu.vector_load %arg11[%get3A_292, %get3A_293] {strides = array<i32>} : memref<16x256xf32, #tpu.memory_space<vmem>>, vector<16xf32>,
    %get3A_295 = arith.constant 15 : i32
    %get3A_296 = arith.index_cast %get3A_295 : i32 to index
    %get3A_297 = arith.constant 0 : index
    %get3A_298 = tpu.vector_load %arg12[%get3A_296, %get3A_297] {strides = array<i32>} : memref<16x256xf32, #tpu.memory_space<vmem>>, vector<16xf32>,
    %mul3A_299 = arith.mulf %get3A_298, %add3A_81 : vector<16xf32>
    %add3A_300 = arith.addf %get3A_294, %mul3A_299 : vector<16xf32>
    %swap3A_301 = arith.constant 15 : i32
    %swap3A_302 = arith.index_cast %swap3A_301 : i32 to index
    %swap3A_303 = arith.constant 0 : index
    %swap3A_304 = tpu.vector_load %arg13[%swap3A_302, %swap3A_303] {strides = array<i32>} : memref<16x256xf32, #tpu.memory_space<vmem>>, vector<16xf32>,
    tpu.vector_store %arg13[%swap3A_302, %swap3A_303], %add3A_300 {strides = array<i32>} : memref<16x256xf32, #tpu.memory_space<vmem>>, vector<16xf32>,
    %iota3A_305 = tpu.iota {dimensions = array<i32: 0>} : vector<16xi32>
    %add3A_306 = arith.constant 16 : i32
    %add3A_307 = arith.addi %mul3A_2, %add3A_306 : i32
    %add3A_308 = vector.broadcast %add3A_307 : i32 to vector<16xi32>
    %add3A_309 = arith.addi %iota3A_305, %add3A_308 : vector<16xi32>
    %div3A_310 = arith.divsi %add3A_309, %div3A : vector<16xi32>
    %mul3A_311 = arith.muli %div3A_310, %div3A : vector<16xi32>
    %sub3A_312 = arith.subi %add3A_309, %mul3A_311 : vector<16xi32>
    %add3A_313 = arith.constant 1 : i32
    %add3A_314 = vector.broadcast %add3A_313 : i32 to vector<16xi32>
    %add3A_315 = arith.addi %div3A_310, %add3A_314 : vector<16xi32>
    %min3A_316 = arith.constant 64 : i32
    %min3A_317 = vector.broadcast %min3A_316 : i32 to vector<16xi32>
    %min3A_318 = arith.minsi %add3A_315, %min3A_317 : vector<16xi32>
    %ge3A_319 = vector.broadcast %multiple_of3A_39 : i32 to vector<16xi32>
    %ge3A_320 = arith.cmpi sge, %sub3A_312, %ge3A_319 : vector<16xi32>
    %sub3A_321 = vector.broadcast %multiple_of3A_39 : i32 to vector<16xi32>
    %sub3A_322 = arith.subi %sub3A_312, %sub3A_321 : vector<16xi32>
    %add3A_323 = arith.constant 264 : i32
    %add3A_324 = vector.broadcast %add3A_323 : i32 to vector<16xi32>
    %add3A_325 = arith.addi %sub3A_312, %add3A_324 : vector<16xi32>
    %select_n3A_326 = arith.select %ge3A_320, %sub3A_322, %add3A_325 : vector<16xi1>, vector<16xi32>
    %gather3A_327 = tpu.vector_load_idx %arg8[%select_n3A_326] : memref<520xf32, #tpu.memory_space<vmem>>[vector<16xi32>], vector<16xf32>,
    %gather3A_328 = tpu.vector_load_idx %arg9[%min3A_318] : memref<65xf32, #tpu.memory_space<vmem>>[vector<16xi32>], vector<16xf32>,
    %add3A_329 = arith.addf %gather3A_327, %gather3A_328 : vector<16xf32>
    %get3A_330 = arith.constant 0 : i32
    %get3A_331 = arith.index_cast %get3A_330 : i32 to index
    %get3A_332 = arith.constant 16 : index
    %get3A_333 = tpu.vector_load %arg11[%get3A_331, %get3A_332] {strides = array<i32>} : memref<16x256xf32, #tpu.memory_space<vmem>>, vector<16xf32>,
    %get3A_334 = arith.constant 0 : i32
    %get3A_335 = arith.index_cast %get3A_334 : i32 to index
    %get3A_336 = arith.constant 16 : index
    %get3A_337 = tpu.vector_load %arg12[%get3A_335, %get3A_336] {strides = array<i32>} : memref<16x256xf32, #tpu.memory_space<vmem>>, vector<16xf32>,
    %mul3A_338 = arith.mulf %get3A_337, %add3A_329 : vector<16xf32>
    %add3A_339 = arith.addf %get3A_333, %mul3A_338 : vector<16xf32>
    %swap3A_340 = arith.constant 0 : i32
    %swap3A_341 = arith.index_cast %swap3A_340 : i32 to index
    %swap3A_342 = arith.constant 16 : index
    %swap3A_343 = tpu.vector_load %arg13[%swap3A_341, %swap3A_342] {strides = array<i32>} : memref<16x256xf32, #tpu.memory_space<vmem>>, vector<16xf32>,
    tpu.vector_store %arg13[%swap3A_341, %swap3A_342], %add3A_339 {strides = array<i32>} : memref<16x256xf32, #tpu.memory_space<vmem>>, vector<16xf32>,
    %get3A_344 = arith.constant 1 : i32
    %get3A_345 = arith.index_cast %get3A_344 : i32 to index
    %get3A_346 = arith.constant 16 : index
    %get3A_347 = tpu.vector_load %arg11[%get3A_345, %get3A_346] {strides = array<i32>} : memref<16x256xf32, #tpu.memory_space<vmem>>, vector<16xf32>,
    %get3A_348 = arith.constant 1 : i32
    %get3A_349 = arith.index_cast %get3A_348 : i32 to index
    %get3A_350 = arith.constant 16 : index
    %get3A_351 = tpu.vector_load %arg12[%get3A_349, %get3A_350] {strides = array<i32>} : memref<16x256xf32, #tpu.memory_space<vmem>>, vector<16xf32>,
    %mul3A_352 = arith.mulf %get3A_351, %add3A_329 : vector<16xf32>
    %add3A_353 = arith.addf %get3A_347, %mul3A_352 : vector<16xf32>
    %swap3A_354 = arith.constant 1 : i32
    %swap3A_355 = arith.index_cast %swap3A_354 : i32 to index
    %swap3A_356 = arith.constant 16 : index
    %swap3A_357 = tpu.vector_load %arg13[%swap3A_355, %swap3A_356] {strides = array<i32>} : memref<16x256xf32, #tpu.memory_space<vmem>>, vector<16xf32>,
    tpu.vector_store %arg13[%swap3A_355, %swap3A_356], %add3A_353 {strides = array<i32>} : memref<16x256xf32, #tpu.memory_space<vmem>>, vector<16xf32>,
    %get3A_358 = arith.constant 2 : i32
    %get3A_359 = arith.index_cast %get3A_358 : i32 to index
    %get3A_360 = arith.constant 16 : index
    %get3A_361 = tpu.vector_load %arg11[%get3A_359, %get3A_360] {strides = array<i32>} : memref<16x256xf32, #tpu.memory_space<vmem>>, vector<16xf32>,
    %get3A_362 = arith.constant 2 : i32
    %get3A_363 = arith.index_cast %get3A_362 : i32 to index
    %get3A_364 = arith.constant 16 : index
    %get3A_365 = tpu.vector_load %arg12[%get3A_363, %get3A_364] {strides = array<i32>} : memref<16x256xf32, #tpu.memory_space<vmem>>, vector<16xf32>,
    %mul3A_366 = arith.mulf %get3A_365, %add3A_329 : vector<16xf32>
    %add3A_367 = arith.addf %get3A_361, %mul3A_366 : vector<16xf32>
    %swap3A_368 = arith.constant 2 : i32
    %swap3A_369 = arith.index_cast %swap3A_368 : i32 to index
    %swap3A_370 = arith.constant 16 : index
    %swap3A_371 = tpu.vector_load %arg13[%swap3A_369, %swap3A_370] {strides = array<i32>} : memref<16x256xf32, #tpu.memory_space<vmem>>, vector<16xf32>,
    tpu.vector_store %arg13[%swap3A_369, %swap3A_370], %add3A_367 {strides = array<i32>} : memref<16x256xf32, #tpu.memory_space<vmem>>, vector<16xf32>,
    %get3A_372 = arith.constant 3 : i32
    %get3A_373 = arith.index_cast %get3A_372 : i32 to index
    %get3A_374 = arith.constant 16 : index
    %get3A_375 = tpu.vector_load %arg11[%get3A_373, %get3A_374] {strides = array<i32>} : memref<16x256xf32, #tpu.memory_space<vmem>>, vector<16xf32>,
    %get3A_376 = arith.constant 3 : i32
    %get3A_377 = arith.index_cast %get3A_376 : i32 to index
    %get3A_378 = arith.constant 16 : index
    %get3A_379 = tpu.vector_load %arg12[%get3A_377, %get3A_378] {strides = array<i32>} : memref<16x256xf32, #tpu.memory_space<vmem>>, vector<16xf32>,
    %mul3A_380 = arith.mulf %get3A_379, %add3A_329 : vector<16xf32>
    %add3A_381 = arith.addf %get3A_375, %mul3A_380 : vector<16xf32>
    %swap3A_382 = arith.constant 3 : i32
    %swap3A_383 = arith.index_cast %swap3A_382 : i32 to index
    %swap3A_384 = arith.constant 16 : index
    %swap3A_385 = tpu.vector_load %arg13[%swap3A_383, %swap3A_384] {strides = array<i32>} : memref<16x256xf32, #tpu.memory_space<vmem>>, vector<16xf32>,
    tpu.vector_store %arg13[%swap3A_383, %swap3A_384], %add3A_381 {strides = array<i32>} : memref<16x256xf32, #tpu.memory_space<vmem>>, vector<16xf32>,
    %get3A_386 = arith.constant 4 : i32
    %get3A_387 = arith.index_cast %get3A_386 : i32 to index
    %get3A_388 = arith.constant 16 : index
    %get3A_389 = tpu.vector_load %arg11[%get3A_387, %get3A_388] {strides = array<i32>} : memref<16x256xf32, #tpu.memory_space<vmem>>, vector<16xf32>,
    %get3A_390 = arith.constant 4 : i32
    %get3A_391 = arith.index_cast %get3A_390 : i32 to index
    %get3A_392 = arith.constant 16 : index
    %get3A_393 = tpu.vector_load %arg12[%get3A_391, %get3A_392] {strides = array<i32>} : memref<16x256xf32, #tpu.memory_space<vmem>>, vector<16xf32>,
    %mul3A_394 = arith.mulf %get3A_393, %add3A_329 : vector<16xf32>
    %add3A_395 = arith.addf %get3A_389, %mul3A_394 : vector<16xf32>
    %swap3A_396 = arith.constant 4 : i32
    %swap3A_397 = arith.index_cast %swap3A_396 : i32 to index
    %swap3A_398 = arith.constant 16 : index
    %swap3A_399 = tpu.vector_load %arg13[%swap3A_397, %swap3A_398] {strides = array<i32>} : memref<16x256xf32, #tpu.memory_space<vmem>>, vector<16xf32>,
    tpu.vector_store %arg13[%swap3A_397, %swap3A_398], %add3A_395 {strides = array<i32>} : memref<16x256xf32, #tpu.memory_space<vmem>>, vector<16xf32>,
    %get3A_400 = arith.constant 5 : i32
    %get3A_401 = arith.index_cast %get3A_400 : i32 to index
    %get3A_402 = arith.constant 16 : index
    %get3A_403 = tpu.vector_load %arg11[%get3A_401, %get3A_402] {strides = array<i32>} : memref<16x256xf32, #tpu.memory_space<vmem>>, vector<16xf32>,
    %get3A_404 = arith.constant 5 : i32
    %get3A_405 = arith.index_cast %get3A_404 : i32 to index
    %get3A_406 = arith.constant 16 : index
    %get3A_407 = tpu.vector_load %arg12[%get3A_405, %get3A_406] {strides = array<i32>} : memref<16x256xf32, #tpu.memory_space<vmem>>, vector<16xf32>,
    %mul3A_408 = arith.mulf %get3A_407, %add3A_329 : vector<16xf32>
    %add3A_409 = arith.addf %get3A_403, %mul3A_408 : vector<16xf32>
    %swap3A_410 = arith.constant 5 : i32
    %swap3A_411 = arith.index_cast %swap3A_410 : i32 to index
    %swap3A_412 = arith.constant 16 : index
    %swap3A_413 = tpu.vector_load %arg13[%swap3A_411, %swap3A_412] {strides = array<i32>} : memref<16x256xf32, #tpu.memory_space<vmem>>, vector<16xf32>,
    tpu.vector_store %arg13[%swap3A_411, %swap3A_412], %add3A_409 {strides = array<i32>} : memref<16x256xf32, #tpu.memory_space<vmem>>, vector<16xf32>,
    %get3A_414 = arith.constant 6 : i32
    %get3A_415 = arith.index_cast %get3A_414 : i32 to index
    %get3A_416 = arith.constant 16 : index
    %get3A_417 = tpu.vector_load %arg11[%get3A_415, %get3A_416] {strides = array<i32>} : memref<16x256xf32, #tpu.memory_space<vmem>>, vector<16xf32>,
    %get3A_418 = arith.constant 6 : i32
    %get3A_419 = arith.index_cast %get3A_418 : i32 to index
    %get3A_420 = arith.constant 16 : index
    %get3A_421 = tpu.vector_load %arg12[%get3A_419, %get3A_420] {strides = array<i32>} : memref<16x256xf32, #tpu.memory_space<vmem>>, vector<16xf32>,
    %mul3A_422 = arith.mulf %get3A_421, %add3A_329 : vector<16xf32>
    %add3A_423 = arith.addf %get3A_417, %mul3A_422 : vector<16xf32>
    %swap3A_424 = arith.constant 6 : i32
    %swap3A_425 = arith.index_cast %swap3A_424 : i32 to index
    %swap3A_426 = arith.constant 16 : index
    %swap3A_427 = tpu.vector_load %arg13[%swap3A_425, %swap3A_426] {strides = array<i32>} : memref<16x256xf32, #tpu.memory_space<vmem>>, vector<16xf32>,
    tpu.vector_store %arg13[%swap3A_425, %swap3A_426], %add3A_423 {strides = array<i32>} : memref<16x256xf32, #tpu.memory_space<vmem>>, vector<16xf32>,
    %get3A_428 = arith.constant 7 : i32
    %get3A_429 = arith.index_cast %get3A_428 : i32 to index
    %get3A_430 = arith.constant 16 : index
    %get3A_431 = tpu.vector_load %arg11[%get3A_429, %get3A_430] {strides = array<i32>} : memref<16x256xf32, #tpu.memory_space<vmem>>, vector<16xf32>,
    %get3A_432 = arith.constant 7 : i32
    %get3A_433 = arith.index_cast %get3A_432 : i32 to index
    %get3A_434 = arith.constant 16 : index
    %get3A_435 = tpu.vector_load %arg12[%get3A_433, %get3A_434] {strides = array<i32>} : memref<16x256xf32, #tpu.memory_space<vmem>>, vector<16xf32>,
    %mul3A_436 = arith.mulf %get3A_435, %add3A_329 : vector<16xf32>
    %add3A_437 = arith.addf %get3A_431, %mul3A_436 : vector<16xf32>
    %swap3A_438 = arith.constant 7 : i32
    %swap3A_439 = arith.index_cast %swap3A_438 : i32 to index
    %swap3A_440 = arith.constant 16 : index
    %swap3A_441 = tpu.vector_load %arg13[%swap3A_439, %swap3A_440] {strides = array<i32>} : memref<16x256xf32, #tpu.memory_space<vmem>>, vector<16xf32>,
    tpu.vector_store %arg13[%swap3A_439, %swap3A_440], %add3A_437 {strides = array<i32>} : memref<16x256xf32, #tpu.memory_space<vmem>>, vector<16xf32>,
    %get3A_442 = arith.constant 8 : i32
    %get3A_443 = arith.index_cast %get3A_442 : i32 to index
    %get3A_444 = arith.constant 16 : index
    %get3A_445 = tpu.vector_load %arg11[%get3A_443, %get3A_444] {strides = array<i32>} : memref<16x256xf32, #tpu.memory_space<vmem>>, vector<16xf32>,
    %get3A_446 = arith.constant 8 : i32
    %get3A_447 = arith.index_cast %get3A_446 : i32 to index
    %get3A_448 = arith.constant 16 : index
    %get3A_449 = tpu.vector_load %arg12[%get3A_447, %get3A_448] {strides = array<i32>} : memref<16x256xf32, #tpu.memory_space<vmem>>, vector<16xf32>,
    %mul3A_450 = arith.mulf %get3A_449, %add3A_329 : vector<16xf32>
    %add3A_451 = arith.addf %get3A_445, %mul3A_450 : vector<16xf32>
    %swap3A_452 = arith.constant 8 : i32
    %swap3A_453 = arith.index_cast %swap3A_452 : i32 to index
    %swap3A_454 = arith.constant 16 : index
    %swap3A_455 = tpu.vector_load %arg13[%swap3A_453, %swap3A_454] {strides = array<i32>} : memref<16x256xf32, #tpu.memory_space<vmem>>, vector<16xf32>,
    tpu.vector_store %arg13[%swap3A_453, %swap3A_454], %add3A_451 {strides = array<i32>} : memref<16x256xf32, #tpu.memory_space<vmem>>, vector<16xf32>,
    %get3A_456 = arith.constant 9 : i32
    %get3A_457 = arith.index_cast %get3A_456 : i32 to index
    %get3A_458 = arith.constant 16 : index
    %get3A_459 = tpu.vector_load %arg11[%get3A_457, %get3A_458] {strides = array<i32>} : memref<16x256xf32, #tpu.memory_space<vmem>>, vector<16xf32>,
    %get3A_460 = arith.constant 9 : i32
    %get3A_461 = arith.index_cast %get3A_460 : i32 to index
    %get3A_462 = arith.constant 16 : index
    %get3A_463 = tpu.vector_load %arg12[%get3A_461, %get3A_462] {strides = array<i32>} : memref<16x256xf32, #tpu.memory_space<vmem>>, vector<16xf32>,
    %mul3A_464 = arith.mulf %get3A_463, %add3A_329 : vector<16xf32>
    %add3A_465 = arith.addf %get3A_459, %mul3A_464 : vector<16xf32>
    %swap3A_466 = arith.constant 9 : i32
    %swap3A_467 = arith.index_cast %swap3A_466 : i32 to index
    %swap3A_468 = arith.constant 16 : index
    %swap3A_469 = tpu.vector_load %arg13[%swap3A_467, %swap3A_468] {strides = array<i32>} : memref<16x256xf32, #tpu.memory_space<vmem>>, vector<16xf32>,
    tpu.vector_store %arg13[%swap3A_467, %swap3A_468], %add3A_465 {strides = array<i32>} : memref<16x256xf32, #tpu.memory_space<vmem>>, vector<16xf32>,
    %get3A_470 = arith.constant 10 : i32
    %get3A_471 = arith.index_cast %get3A_470 : i32 to index
    %get3A_472 = arith.constant 16 : index
    %get3A_473 = tpu.vector_load %arg11[%get3A_471, %get3A_472] {strides = array<i32>} : memref<16x256xf32, #tpu.memory_space<vmem>>, vector<16xf32>,
    %get3A_474 = arith.constant 10 : i32
    %get3A_475 = arith.index_cast %get3A_474 : i32 to index
    %get3A_476 = arith.constant 16 : index
    %get3A_477 = tpu.vector_load %arg12[%get3A_475, %get3A_476] {strides = array<i32>} : memref<16x256xf32, #tpu.memory_space<vmem>>, vector<16xf32>,
    %mul3A_478 = arith.mulf %get3A_477, %add3A_329 : vector<16xf32>
    %add3A_479 = arith.addf %get3A_473, %mul3A_478 : vector<16xf32>
    %swap3A_480 = arith.constant 10 : i32
    %swap3A_481 = arith.index_cast %swap3A_480 : i32 to index
    %swap3A_482 = arith.constant 16 : index
    %swap3A_483 = tpu.vector_load %arg13[%swap3A_481, %swap3A_482] {strides = array<i32>} : memref<16x256xf32, #tpu.memory_space<vmem>>, vector<16xf32>,
    tpu.vector_store %arg13[%swap3A_481, %swap3A_482], %add3A_479 {strides = array<i32>} : memref<16x256xf32, #tpu.memory_space<vmem>>, vector<16xf32>,
    %get3A_484 = arith.constant 11 : i32
    %get3A_485 = arith.index_cast %get3A_484 : i32 to index
    %get3A_486 = arith.constant 16 : index
    %get3A_487 = tpu.vector_load %arg11[%get3A_485, %get3A_486] {strides = array<i32>} : memref<16x256xf32, #tpu.memory_space<vmem>>, vector<16xf32>,
    %get3A_488 = arith.constant 11 : i32
    %get3A_489 = arith.index_cast %get3A_488 : i32 to index
    %get3A_490 = arith.constant 16 : index
    %get3A_491 = tpu.vector_load %arg12[%get3A_489, %get3A_490] {strides = array<i32>} : memref<16x256xf32, #tpu.memory_space<vmem>>, vector<16xf32>,
    %mul3A_492 = arith.mulf %get3A_491, %add3A_329 : vector<16xf32>
    %add3A_493 = arith.addf %get3A_487, %mul3A_492 : vector<16xf32>
    %swap3A_494 = arith.constant 11 : i32
    %swap3A_495 = arith.index_cast %swap3A_494 : i32 to index
    %swap3A_496 = arith.constant 16 : index
    %swap3A_497 = tpu.vector_load %arg13[%swap3A_495, %swap3A_496] {strides = array<i32>} : memref<16x256xf32, #tpu.memory_space<vmem>>, vector<16xf32>,
    tpu.vector_store %arg13[%swap3A_495, %swap3A_496], %add3A_493 {strides = array<i32>} : memref<16x256xf32, #tpu.memory_space<vmem>>, vector<16xf32>,
    %get3A_498 = arith.constant 12 : i32
    %get3A_499 = arith.index_cast %get3A_498 : i32 to index
    %get3A_500 = arith.constant 16 : index
    %get3A_501 = tpu.vector_load %arg11[%get3A_499, %get3A_500] {strides = array<i32>} : memref<16x256xf32, #tpu.memory_space<vmem>>, vector<16xf32>,
    %get3A_502 = arith.constant 12 : i32
    %get3A_503 = arith.index_cast %get3A_502 : i32 to index
    %get3A_504 = arith.constant 16 : index
    %get3A_505 = tpu.vector_load %arg12[%get3A_503, %get3A_504] {strides = array<i32>} : memref<16x256xf32, #tpu.memory_space<vmem>>, vector<16xf32>,
    %mul3A_506 = arith.mulf %get3A_505, %add3A_329 : vector<16xf32>
    %add3A_507 = arith.addf %get3A_501, %mul3A_506 : vector<16xf32>
    %swap3A_508 = arith.constant 12 : i32
    %swap3A_509 = arith.index_cast %swap3A_508 : i32 to index
    %swap3A_510 = arith.constant 16 : index
    %swap3A_511 = tpu.vector_load %arg13[%swap3A_509, %swap3A_510] {strides = array<i32>} : memref<16x256xf32, #tpu.memory_space<vmem>>, vector<16xf32>,
    tpu.vector_store %arg13[%swap3A_509, %swap3A_510], %add3A_507 {strides = array<i32>} : memref<16x256xf32, #tpu.memory_space<vmem>>, vector<16xf32>,
    %get3A_512 = arith.constant 13 : i32
    %get3A_513 = arith.index_cast %get3A_512 : i32 to index
    %get3A_514 = arith.constant 16 : index
    %get3A_515 = tpu.vector_load %arg11[%get3A_513, %get3A_514] {strides = array<i32>} : memref<16x256xf32, #tpu.memory_space<vmem>>, vector<16xf32>,
    %get3A_516 = arith.constant 13 : i32
    %get3A_517 = arith.index_cast %get3A_516 : i32 to index
    %get3A_518 = arith.constant 16 : index
    %get3A_519 = tpu.vector_load %arg12[%get3A_517, %get3A_518] {strides = array<i32>} : memref<16x256xf32, #tpu.memory_space<vmem>>, vector<16xf32>,
    %mul3A_520 = arith.mulf %get3A_519, %add3A_329 : vector<16xf32>
    %add3A_521 = arith.addf %get3A_515, %mul3A_520 : vector<16xf32>
    %swap3A_522 = arith.constant 13 : i32
    %swap3A_523 = arith.index_cast %swap3A_522 : i32 to index
    %swap3A_524 = arith.constant 16 : index
    %swap3A_525 = tpu.vector_load %arg13[%swap3A_523, %swap3A_524] {strides = array<i32>} : memref<16x256xf32, #tpu.memory_space<vmem>>, vector<16xf32>,
    tpu.vector_store %arg13[%swap3A_523, %swap3A_524], %add3A_521 {strides = array<i32>} : memref<16x256xf32, #tpu.memory_space<vmem>>, vector<16xf32>,
    %get3A_526 = arith.constant 14 : i32
    %get3A_527 = arith.index_cast %get3A_526 : i32 to index
    %get3A_528 = arith.constant 16 : index
    %get3A_529 = tpu.vector_load %arg11[%get3A_527, %get3A_528] {strides = array<i32>} : memref<16x256xf32, #tpu.memory_space<vmem>>, vector<16xf32>,
    %get3A_530 = arith.constant 14 : i32
    %get3A_531 = arith.index_cast %get3A_530 : i32 to index
    %get3A_532 = arith.constant 16 : index
    %get3A_533 = tpu.vector_load %arg12[%get3A_531, %get3A_532] {strides = array<i32>} : memref<16x256xf32, #tpu.memory_space<vmem>>, vector<16xf32>,
    %mul3A_534 = arith.mulf %get3A_533, %add3A_329 : vector<16xf32>
    %add3A_535 = arith.addf %get3A_529, %mul3A_534 : vector<16xf32>
    %swap3A_536 = arith.constant 14 : i32
    %swap3A_537 = arith.index_cast %swap3A_536 : i32 to index
    %swap3A_538 = arith.constant 16 : index
    %swap3A_539 = tpu.vector_load %arg13[%swap3A_537, %swap3A_538] {strides = array<i32>} : memref<16x256xf32, #tpu.memory_space<vmem>>, vector<16xf32>,
    tpu.vector_store %arg13[%swap3A_537, %swap3A_538], %add3A_535 {strides = array<i32>} : memref<16x256xf32, #tpu.memory_space<vmem>>, vector<16xf32>,
    %get3A_540 = arith.constant 15 : i32
    %get3A_541 = arith.index_cast %get3A_540 : i32 to index
    %get3A_542 = arith.constant 16 : index
    %get3A_543 = tpu.vector_load %arg11[%get3A_541, %get3A_542] {strides = array<i32>} : memref<16x256xf32, #tpu.memory_space<vmem>>, vector<16xf32>,
    %get3A_544 = arith.constant 15 : i32
    %get3A_545 = arith.index_cast %get3A_544 : i32 to index
    %get3A_546 = arith.constant 16 : index
    %get3A_547 = tpu.vector_load %arg12[%get3A_545, %get3A_546] {strides = array<i32>} : memref<16x256xf32, #tpu.memory_space<vmem>>, vector<16xf32>,
    %mul3A_548 = arith.mulf %get3A_547, %add3A_329 : vector<16xf32>
    %add3A_549 = arith.addf %get3A_543, %mul3A_548 : vector<16xf32>
    %swap3A_550 = arith.constant 15 : i32
    %swap3A_551 = arith.index_cast %swap3A_550 : i32 to index
    %swap3A_552 = arith.constant 16 : index
    %swap3A_553 = tpu.vector_load %arg13[%swap3A_551, %swap3A_552] {strides = array<i32>} : memref<16x256xf32, #tpu.memory_space<vmem>>, vector<16xf32>,
    tpu.vector_store %arg13[%swap3A_551, %swap3A_552], %add3A_549 {strides = array<i32>} : memref<16x256xf32, #tpu.memory_space<vmem>>, vector<16xf32>,
    %iota3A_554 = tpu.iota {dimensions = array<i32: 0>} : vector<16xi32>
    %add3A_555 = arith.constant 32 : i32
    %add3A_556 = arith.addi %mul3A_2, %add3A_555 : i32
    %add3A_557 = vector.broadcast %add3A_556 : i32 to vector<16xi32>
    %add3A_558 = arith.addi %iota3A_554, %add3A_557 : vector<16xi32>
    %div3A_559 = arith.divsi %add3A_558, %div3A : vector<16xi32>
    %mul3A_560 = arith.muli %div3A_559, %div3A : vector<16xi32>
    %sub3A_561 = arith.subi %add3A_558, %mul3A_560 : vector<16xi32>
    %add3A_562 = arith.constant 1 : i32
    %add3A_563 = vector.broadcast %add3A_562 : i32 to vector<16xi32>
    %add3A_564 = arith.addi %div3A_559, %add3A_563 : vector<16xi32>
    %min3A_565 = arith.constant 64 : i32
    %min3A_566 = vector.broadcast %min3A_565 : i32 to vector<16xi32>
    %min3A_567 = arith.minsi %add3A_564, %min3A_566 : vector<16xi32>
    %ge3A_568 = vector.broadcast %multiple_of3A_39 : i32 to vector<16xi32>
    %ge3A_569 = arith.cmpi sge, %sub3A_561, %ge3A_568 : vector<16xi32>
    %sub3A_570 = vector.broadcast %multiple_of3A_39 : i32 to vector<16xi32>
    %sub3A_571 = arith.subi %sub3A_561, %sub3A_570 : vector<16xi32>
    %add3A_572 = arith.constant 264 : i32
    %add3A_573 = vector.broadcast %add3A_572 : i32 to vector<16xi32>
    %add3A_574 = arith.addi %sub3A_561, %add3A_573 : vector<16xi32>
    %select_n3A_575 = arith.select %ge3A_569, %sub3A_571, %add3A_574 : vector<16xi1>, vector<16xi32>
    %gather3A_576 = tpu.vector_load_idx %arg8[%select_n3A_575] : memref<520xf32, #tpu.memory_space<vmem>>[vector<16xi32>], vector<16xf32>,
    %gather3A_577 = tpu.vector_load_idx %arg9[%min3A_567] : memref<65xf32, #tpu.memory_space<vmem>>[vector<16xi32>], vector<16xf32>,
    %add3A_578 = arith.addf %gather3A_576, %gather3A_577 : vector<16xf32>
    %get3A_579 = arith.constant 0 : i32
    %get3A_580 = arith.index_cast %get3A_579 : i32 to index
    %get3A_581 = arith.constant 32 : index
    %get3A_582 = tpu.vector_load %arg11[%get3A_580, %get3A_581] {strides = array<i32>} : memref<16x256xf32, #tpu.memory_space<vmem>>, vector<16xf32>,
    %get3A_583 = arith.constant 0 : i32
    %get3A_584 = arith.index_cast %get3A_583 : i32 to index
    %get3A_585 = arith.constant 32 : index
    %get3A_586 = tpu.vector_load %arg12[%get3A_584, %get3A_585] {strides = array<i32>} : memref<16x256xf32, #tpu.memory_space<vmem>>, vector<16xf32>,
    %mul3A_587 = arith.mulf %get3A_586, %add3A_578 : vector<16xf32>
    %add3A_588 = arith.addf %get3A_582, %mul3A_587 : vector<16xf32>
    %swap3A_589 = arith.constant 0 : i32
    %swap3A_590 = arith.index_cast %swap3A_589 : i32 to index
    %swap3A_591 = arith.constant 32 : index
    %swap3A_592 = tpu.vector_load %arg13[%swap3A_590, %swap3A_591] {strides = array<i32>} : memref<16x256xf32, #tpu.memory_space<vmem>>, vector<16xf32>,
    tpu.vector_store %arg13[%swap3A_590, %swap3A_591], %add3A_588 {strides = array<i32>} : memref<16x256xf32, #tpu.memory_space<vmem>>, vector<16xf32>,
    %get3A_593 = arith.constant 1 : i32
    %get3A_594 = arith.index_cast %get3A_593 : i32 to index
    %get3A_595 = arith.constant 32 : index
    %get3A_596 = tpu.vector_load %arg11[%get3A_594, %get3A_595] {strides = array<i32>} : memref<16x256xf32, #tpu.memory_space<vmem>>, vector<16xf32>,
    %get3A_597 = arith.constant 1 : i32
    %get3A_598 = arith.index_cast %get3A_597 : i32 to index
    %get3A_599 = arith.constant 32 : index
    %get3A_600 = tpu.vector_load %arg12[%get3A_598, %get3A_599] {strides = array<i32>} : memref<16x256xf32, #tpu.memory_space<vmem>>, vector<16xf32>,
    %mul3A_601 = arith.mulf %get3A_600, %add3A_578 : vector<16xf32>
    %add3A_602 = arith.addf %get3A_596, %mul3A_601 : vector<16xf32>
    %swap3A_603 = arith.constant 1 : i32
    %swap3A_604 = arith.index_cast %swap3A_603 : i32 to index
    %swap3A_605 = arith.constant 32 : index
    %swap3A_606 = tpu.vector_load %arg13[%swap3A_604, %swap3A_605] {strides = array<i32>} : memref<16x256xf32, #tpu.memory_space<vmem>>, vector<16xf32>,
    tpu.vector_store %arg13[%swap3A_604, %swap3A_605], %add3A_602 {strides = array<i32>} : memref<16x256xf32, #tpu.memory_space<vmem>>, vector<16xf32>,
    %get3A_607 = arith.constant 2 : i32
    %get3A_608 = arith.index_cast %get3A_607 : i32 to index
    %get3A_609 = arith.constant 32 : index
    %get3A_610 = tpu.vector_load %arg11[%get3A_608, %get3A_609] {strides = array<i32>} : memref<16x256xf32, #tpu.memory_space<vmem>>, vector<16xf32>,
    %get3A_611 = arith.constant 2 : i32
    %get3A_612 = arith.index_cast %get3A_611 : i32 to index
    %get3A_613 = arith.constant 32 : index
    %get3A_614 = tpu.vector_load %arg12[%get3A_612, %get3A_613] {strides = array<i32>} : memref<16x256xf32, #tpu.memory_space<vmem>>, vector<16xf32>,
    %mul3A_615 = arith.mulf %get3A_614, %add3A_578 : vector<16xf32>
    %add3A_616 = arith.addf %get3A_610, %mul3A_615 : vector<16xf32>
    %swap3A_617 = arith.constant 2 : i32
    %swap3A_618 = arith.index_cast %swap3A_617 : i32 to index
    %swap3A_619 = arith.constant 32 : index
    %swap3A_620 = tpu.vector_load %arg13[%swap3A_618, %swap3A_619] {strides = array<i32>} : memref<16x256xf32, #tpu.memory_space<vmem>>, vector<16xf32>,
    tpu.vector_store %arg13[%swap3A_618, %swap3A_619], %add3A_616 {strides = array<i32>} : memref<16x256xf32, #tpu.memory_space<vmem>>, vector<16xf32>,
    %get3A_621 = arith.constant 3 : i32
    %get3A_622 = arith.index_cast %get3A_621 : i32 to index
    %get3A_623 = arith.constant 32 : index
    %get3A_624 = tpu.vector_load %arg11[%get3A_622, %get3A_623] {strides = array<i32>} : memref<16x256xf32, #tpu.memory_space<vmem>>, vector<16xf32>,
    %get3A_625 = arith.constant 3 : i32
    %get3A_626 = arith.index_cast %get3A_625 : i32 to index
    %get3A_627 = arith.constant 32 : index
    %get3A_628 = tpu.vector_load %arg12[%get3A_626, %get3A_627] {strides = array<i32>} : memref<16x256xf32, #tpu.memory_space<vmem>>, vector<16xf32>,
    %mul3A_629 = arith.mulf %get3A_628, %add3A_578 : vector<16xf32>
    %add3A_630 = arith.addf %get3A_624, %mul3A_629 : vector<16xf32>
    %swap3A_631 = arith.constant 3 : i32
    %swap3A_632 = arith.index_cast %swap3A_631 : i32 to index
    %swap3A_633 = arith.constant 32 : index
    %swap3A_634 = tpu.vector_load %arg13[%swap3A_632, %swap3A_633] {strides = array<i32>} : memref<16x256xf32, #tpu.memory_space<vmem>>, vector<16xf32>,
    tpu.vector_store %arg13[%swap3A_632, %swap3A_633], %add3A_630 {strides = array<i32>} : memref<16x256xf32, #tpu.memory_space<vmem>>, vector<16xf32>,
    %get3A_635 = arith.constant 4 : i32
    %get3A_636 = arith.index_cast %get3A_635 : i32 to index
    %get3A_637 = arith.constant 32 : index
    %get3A_638 = tpu.vector_load %arg11[%get3A_636, %get3A_637] {strides = array<i32>} : memref<16x256xf32, #tpu.memory_space<vmem>>, vector<16xf32>,
    %get3A_639 = arith.constant 4 : i32
    %get3A_640 = arith.index_cast %get3A_639 : i32 to index
    %get3A_641 = arith.constant 32 : index
    %get3A_642 = tpu.vector_load %arg12[%get3A_640, %get3A_641] {strides = array<i32>} : memref<16x256xf32, #tpu.memory_space<vmem>>, vector<16xf32>,
    %mul3A_643 = arith.mulf %get3A_642, %add3A_578 : vector<16xf32>
    %add3A_644 = arith.addf %get3A_638, %mul3A_643 : vector<16xf32>
    %swap3A_645 = arith.constant 4 : i32
    %swap3A_646 = arith.index_cast %swap3A_645 : i32 to index
    %swap3A_647 = arith.constant 32 : index
    %swap3A_648 = tpu.vector_load %arg13[%swap3A_646, %swap3A_647] {strides = array<i32>} : memref<16x256xf32, #tpu.memory_space<vmem>>, vector<16xf32>,
    tpu.vector_store %arg13[%swap3A_646, %swap3A_647], %add3A_644 {strides = array<i32>} : memref<16x256xf32, #tpu.memory_space<vmem>>, vector<16xf32>,
    %get3A_649 = arith.constant 5 : i32
    %get3A_650 = arith.index_cast %get3A_649 : i32 to index
    %get3A_651 = arith.constant 32 : index
    %get3A_652 = tpu.vector_load %arg11[%get3A_650, %get3A_651] {strides = array<i32>} : memref<16x256xf32, #tpu.memory_space<vmem>>, vector<16xf32>,
    %get3A_653 = arith.constant 5 : i32
    %get3A_654 = arith.index_cast %get3A_653 : i32 to index
    %get3A_655 = arith.constant 32 : index
    %get3A_656 = tpu.vector_load %arg12[%get3A_654, %get3A_655] {strides = array<i32>} : memref<16x256xf32, #tpu.memory_space<vmem>>, vector<16xf32>,
    %mul3A_657 = arith.mulf %get3A_656, %add3A_578 : vector<16xf32>
    %add3A_658 = arith.addf %get3A_652, %mul3A_657 : vector<16xf32>
    %swap3A_659 = arith.constant 5 : i32
    %swap3A_660 = arith.index_cast %swap3A_659 : i32 to index
    %swap3A_661 = arith.constant 32 : index
    %swap3A_662 = tpu.vector_load %arg13[%swap3A_660, %swap3A_661] {strides = array<i32>} : memref<16x256xf32, #tpu.memory_space<vmem>>, vector<16xf32>,
    tpu.vector_store %arg13[%swap3A_660, %swap3A_661], %add3A_658 {strides = array<i32>} : memref<16x256xf32, #tpu.memory_space<vmem>>, vector<16xf32>,
    %get3A_663 = arith.constant 6 : i32
    %get3A_664 = arith.index_cast %get3A_663 : i32 to index
    %get3A_665 = arith.constant 32 : index
    %get3A_666 = tpu.vector_load %arg11[%get3A_664, %get3A_665] {strides = array<i32>} : memref<16x256xf32, #tpu.memory_space<vmem>>, vector<16xf32>,
    %get3A_667 = arith.constant 6 : i32
    %get3A_668 = arith.index_cast %get3A_667 : i32 to index
    %get3A_669 = arith.constant 32 : index
    %get3A_670 = tpu.vector_load %arg12[%get3A_668, %get3A_669] {strides = array<i32>} : memref<16x256xf32, #tpu.memory_space<vmem>>, vector<16xf32>,
    %mul3A_671 = arith.mulf %get3A_670, %add3A_578 : vector<16xf32>
    %add3A_672 = arith.addf %get3A_666, %mul3A_671 : vector<16xf32>
    %swap3A_673 = arith.constant 6 : i32
    %swap3A_674 = arith.index_cast %swap3A_673 : i32 to index
    %swap3A_675 = arith.constant 32 : index
    %swap3A_676 = tpu.vector_load %arg13[%swap3A_674, %swap3A_675] {strides = array<i32>} : memref<16x256xf32, #tpu.memory_space<vmem>>, vector<16xf32>,
    tpu.vector_store %arg13[%swap3A_674, %swap3A_675], %add3A_672 {strides = array<i32>} : memref<16x256xf32, #tpu.memory_space<vmem>>, vector<16xf32>,
    %get3A_677 = arith.constant 7 : i32
    %get3A_678 = arith.index_cast %get3A_677 : i32 to index
    %get3A_679 = arith.constant 32 : index
    %get3A_680 = tpu.vector_load %arg11[%get3A_678, %get3A_679] {strides = array<i32>} : memref<16x256xf32, #tpu.memory_space<vmem>>, vector<16xf32>,
    %get3A_681 = arith.constant 7 : i32
    %get3A_682 = arith.index_cast %get3A_681 : i32 to index
    %get3A_683 = arith.constant 32 : index
    %get3A_684 = tpu.vector_load %arg12[%get3A_682, %get3A_683] {strides = array<i32>} : memref<16x256xf32, #tpu.memory_space<vmem>>, vector<16xf32>,
    %mul3A_685 = arith.mulf %get3A_684, %add3A_578 : vector<16xf32>
    %add3A_686 = arith.addf %get3A_680, %mul3A_685 : vector<16xf32>
    %swap3A_687 = arith.constant 7 : i32
    %swap3A_688 = arith.index_cast %swap3A_687 : i32 to index
    %swap3A_689 = arith.constant 32 : index
    %swap3A_690 = tpu.vector_load %arg13[%swap3A_688, %swap3A_689] {strides = array<i32>} : memref<16x256xf32, #tpu.memory_space<vmem>>, vector<16xf32>,
    tpu.vector_store %arg13[%swap3A_688, %swap3A_689], %add3A_686 {strides = array<i32>} : memref<16x256xf32, #tpu.memory_space<vmem>>, vector<16xf32>,
    %get3A_691 = arith.constant 8 : i32
    %get3A_692 = arith.index_cast %get3A_691 : i32 to index
    %get3A_693 = arith.constant 32 : index
    %get3A_694 = tpu.vector_load %arg11[%get3A_692, %get3A_693] {strides = array<i32>} : memref<16x256xf32, #tpu.memory_space<vmem>>, vector<16xf32>,
    %get3A_695 = arith.constant 8 : i32
    %get3A_696 = arith.index_cast %get3A_695 : i32 to index
    %get3A_697 = arith.constant 32 : index
    %get3A_698 = tpu.vector_load %arg12[%get3A_696, %get3A_697] {strides = array<i32>} : memref<16x256xf32, #tpu.memory_space<vmem>>, vector<16xf32>,
    %mul3A_699 = arith.mulf %get3A_698, %add3A_578 : vector<16xf32>
    %add3A_700 = arith.addf %get3A_694, %mul3A_699 : vector<16xf32>
    %swap3A_701 = arith.constant 8 : i32
    %swap3A_702 = arith.index_cast %swap3A_701 : i32 to index
    %swap3A_703 = arith.constant 32 : index
    %swap3A_704 = tpu.vector_load %arg13[%swap3A_702, %swap3A_703] {strides = array<i32>} : memref<16x256xf32, #tpu.memory_space<vmem>>, vector<16xf32>,
    tpu.vector_store %arg13[%swap3A_702, %swap3A_703], %add3A_700 {strides = array<i32>} : memref<16x256xf32, #tpu.memory_space<vmem>>, vector<16xf32>,
    %get3A_705 = arith.constant 9 : i32
    %get3A_706 = arith.index_cast %get3A_705 : i32 to index
    %get3A_707 = arith.constant 32 : index
    %get3A_708 = tpu.vector_load %arg11[%get3A_706, %get3A_707] {strides = array<i32>} : memref<16x256xf32, #tpu.memory_space<vmem>>, vector<16xf32>,
    %get3A_709 = arith.constant 9 : i32
    %get3A_710 = arith.index_cast %get3A_709 : i32 to index
    %get3A_711 = arith.constant 32 : index
    %get3A_712 = tpu.vector_load %arg12[%get3A_710, %get3A_711] {strides = array<i32>} : memref<16x256xf32, #tpu.memory_space<vmem>>, vector<16xf32>,
    %mul3A_713 = arith.mulf %get3A_712, %add3A_578 : vector<16xf32>
    %add3A_714 = arith.addf %get3A_708, %mul3A_713 : vector<16xf32>
    %swap3A_715 = arith.constant 9 : i32
    %swap3A_716 = arith.index_cast %swap3A_715 : i32 to index
    %swap3A_717 = arith.constant 32 : index
    %swap3A_718 = tpu.vector_load %arg13[%swap3A_716, %swap3A_717] {strides = array<i32>} : memref<16x256xf32, #tpu.memory_space<vmem>>, vector<16xf32>,
    tpu.vector_store %arg13[%swap3A_716, %swap3A_717], %add3A_714 {strides = array<i32>} : memref<16x256xf32, #tpu.memory_space<vmem>>, vector<16xf32>,
    %get3A_719 = arith.constant 10 : i32
    %get3A_720 = arith.index_cast %get3A_719 : i32 to index
    %get3A_721 = arith.constant 32 : index
    %get3A_722 = tpu.vector_load %arg11[%get3A_720, %get3A_721] {strides = array<i32>} : memref<16x256xf32, #tpu.memory_space<vmem>>, vector<16xf32>,
    %get3A_723 = arith.constant 10 : i32
    %get3A_724 = arith.index_cast %get3A_723 : i32 to index
    %get3A_725 = arith.constant 32 : index
    %get3A_726 = tpu.vector_load %arg12[%get3A_724, %get3A_725] {strides = array<i32>} : memref<16x256xf32, #tpu.memory_space<vmem>>, vector<16xf32>,
    %mul3A_727 = arith.mulf %get3A_726, %add3A_578 : vector<16xf32>
    %add3A_728 = arith.addf %get3A_722, %mul3A_727 : vector<16xf32>
    %swap3A_729 = arith.constant 10 : i32
    %swap3A_730 = arith.index_cast %swap3A_729 : i32 to index
    %swap3A_731 = arith.constant 32 : index
    %swap3A_732 = tpu.vector_load %arg13[%swap3A_730, %swap3A_731] {strides = array<i32>} : memref<16x256xf32, #tpu.memory_space<vmem>>, vector<16xf32>,
    tpu.vector_store %arg13[%swap3A_730, %swap3A_731], %add3A_728 {strides = array<i32>} : memref<16x256xf32, #tpu.memory_space<vmem>>, vector<16xf32>,
    %get3A_733 = arith.constant 11 : i32
    %get3A_734 = arith.index_cast %get3A_733 : i32 to index
    %get3A_735 = arith.constant 32 : index
    %get3A_736 = tpu.vector_load %arg11[%get3A_734, %get3A_735] {strides = array<i32>} : memref<16x256xf32, #tpu.memory_space<vmem>>, vector<16xf32>,
    %get3A_737 = arith.constant 11 : i32
    %get3A_738 = arith.index_cast %get3A_737 : i32 to index
    %get3A_739 = arith.constant 32 : index
    %get3A_740 = tpu.vector_load %arg12[%get3A_738, %get3A_739] {strides = array<i32>} : memref<16x256xf32, #tpu.memory_space<vmem>>, vector<16xf32>,
    %mul3A_741 = arith.mulf %get3A_740, %add3A_578 : vector<16xf32>
    %add3A_742 = arith.addf %get3A_736, %mul3A_741 : vector<16xf32>
    %swap3A_743 = arith.constant 11 : i32
    %swap3A_744 = arith.index_cast %swap3A_743 : i32 to index
    %swap3A_745 = arith.constant 32 : index
    %swap3A_746 = tpu.vector_load %arg13[%swap3A_744, %swap3A_745] {strides = array<i32>} : memref<16x256xf32, #tpu.memory_space<vmem>>, vector<16xf32>,
    tpu.vector_store %arg13[%swap3A_744, %swap3A_745], %add3A_742 {strides = array<i32>} : memref<16x256xf32, #tpu.memory_space<vmem>>, vector<16xf32>,
    %get3A_747 = arith.constant 12 : i32
    %get3A_748 = arith.index_cast %get3A_747 : i32 to index
    %get3A_749 = arith.constant 32 : index
    %get3A_750 = tpu.vector_load %arg11[%get3A_748, %get3A_749] {strides = array<i32>} : memref<16x256xf32, #tpu.memory_space<vmem>>, vector<16xf32>,
    %get3A_751 = arith.constant 12 : i32
    %get3A_752 = arith.index_cast %get3A_751 : i32 to index
    %get3A_753 = arith.constant 32 : index
    %get3A_754 = tpu.vector_load %arg12[%get3A_752, %get3A_753] {strides = array<i32>} : memref<16x256xf32, #tpu.memory_space<vmem>>, vector<16xf32>,
    %mul3A_755 = arith.mulf %get3A_754, %add3A_578 : vector<16xf32>
    %add3A_756 = arith.addf %get3A_750, %mul3A_755 : vector<16xf32>
    %swap3A_757 = arith.constant 12 : i32
    %swap3A_758 = arith.index_cast %swap3A_757 : i32 to index
    %swap3A_759 = arith.constant 32 : index
    %swap3A_760 = tpu.vector_load %arg13[%swap3A_758, %swap3A_759] {strides = array<i32>} : memref<16x256xf32, #tpu.memory_space<vmem>>, vector<16xf32>,
    tpu.vector_store %arg13[%swap3A_758, %swap3A_759], %add3A_756 {strides = array<i32>} : memref<16x256xf32, #tpu.memory_space<vmem>>, vector<16xf32>,
    %get3A_761 = arith.constant 13 : i32
    %get3A_762 = arith.index_cast %get3A_761 : i32 to index
    %get3A_763 = arith.constant 32 : index
    %get3A_764 = tpu.vector_load %arg11[%get3A_762, %get3A_763] {strides = array<i32>} : memref<16x256xf32, #tpu.memory_space<vmem>>, vector<16xf32>,
    %get3A_765 = arith.constant 13 : i32
    %get3A_766 = arith.index_cast %get3A_765 : i32 to index
    %get3A_767 = arith.constant 32 : index
    %get3A_768 = tpu.vector_load %arg12[%get3A_766, %get3A_767] {strides = array<i32>} : memref<16x256xf32, #tpu.memory_space<vmem>>, vector<16xf32>,
    %mul3A_769 = arith.mulf %get3A_768, %add3A_578 : vector<16xf32>
    %add3A_770 = arith.addf %get3A_764, %mul3A_769 : vector<16xf32>
    %swap3A_771 = arith.constant 13 : i32
    %swap3A_772 = arith.index_cast %swap3A_771 : i32 to index
    %swap3A_773 = arith.constant 32 : index
    %swap3A_774 = tpu.vector_load %arg13[%swap3A_772, %swap3A_773] {strides = array<i32>} : memref<16x256xf32, #tpu.memory_space<vmem>>, vector<16xf32>,
    tpu.vector_store %arg13[%swap3A_772, %swap3A_773], %add3A_770 {strides = array<i32>} : memref<16x256xf32, #tpu.memory_space<vmem>>, vector<16xf32>,
    %get3A_775 = arith.constant 14 : i32
    %get3A_776 = arith.index_cast %get3A_775 : i32 to index
    %get3A_777 = arith.constant 32 : index
    %get3A_778 = tpu.vector_load %arg11[%get3A_776, %get3A_777] {strides = array<i32>} : memref<16x256xf32, #tpu.memory_space<vmem>>, vector<16xf32>,
    %get3A_779 = arith.constant 14 : i32
    %get3A_780 = arith.index_cast %get3A_779 : i32 to index
    %get3A_781 = arith.constant 32 : index
    %get3A_782 = tpu.vector_load %arg12[%get3A_780, %get3A_781] {strides = array<i32>} : memref<16x256xf32, #tpu.memory_space<vmem>>, vector<16xf32>,
    %mul3A_783 = arith.mulf %get3A_782, %add3A_578 : vector<16xf32>
    %add3A_784 = arith.addf %get3A_778, %mul3A_783 : vector<16xf32>
    %swap3A_785 = arith.constant 14 : i32
    %swap3A_786 = arith.index_cast %swap3A_785 : i32 to index
    %swap3A_787 = arith.constant 32 : index
    %swap3A_788 = tpu.vector_load %arg13[%swap3A_786, %swap3A_787] {strides = array<i32>} : memref<16x256xf32, #tpu.memory_space<vmem>>, vector<16xf32>,
    tpu.vector_store %arg13[%swap3A_786, %swap3A_787], %add3A_784 {strides = array<i32>} : memref<16x256xf32, #tpu.memory_space<vmem>>, vector<16xf32>,
    %get3A_789 = arith.constant 15 : i32
    %get3A_790 = arith.index_cast %get3A_789 : i32 to index
    %get3A_791 = arith.constant 32 : index
    %get3A_792 = tpu.vector_load %arg11[%get3A_790, %get3A_791] {strides = array<i32>} : memref<16x256xf32, #tpu.memory_space<vmem>>, vector<16xf32>,
    %get3A_793 = arith.constant 15 : i32
    %get3A_794 = arith.index_cast %get3A_793 : i32 to index
    %get3A_795 = arith.constant 32 : index
    %get3A_796 = tpu.vector_load %arg12[%get3A_794, %get3A_795] {strides = array<i32>} : memref<16x256xf32, #tpu.memory_space<vmem>>, vector<16xf32>,
    %mul3A_797 = arith.mulf %get3A_796, %add3A_578 : vector<16xf32>
    %add3A_798 = arith.addf %get3A_792, %mul3A_797 : vector<16xf32>
    %swap3A_799 = arith.constant 15 : i32
    %swap3A_800 = arith.index_cast %swap3A_799 : i32 to index
    %swap3A_801 = arith.constant 32 : index
    %swap3A_802 = tpu.vector_load %arg13[%swap3A_800, %swap3A_801] {strides = array<i32>} : memref<16x256xf32, #tpu.memory_space<vmem>>, vector<16xf32>,
    tpu.vector_store %arg13[%swap3A_800, %swap3A_801], %add3A_798 {strides = array<i32>} : memref<16x256xf32, #tpu.memory_space<vmem>>, vector<16xf32>,
    %iota3A_803 = tpu.iota {dimensions = array<i32: 0>} : vector<16xi32>
    %add3A_804 = arith.constant 48 : i32
    %add3A_805 = arith.addi %mul3A_2, %add3A_804 : i32
    %add3A_806 = vector.broadcast %add3A_805 : i32 to vector<16xi32>
    %add3A_807 = arith.addi %iota3A_803, %add3A_806 : vector<16xi32>
    %div3A_808 = arith.divsi %add3A_807, %div3A : vector<16xi32>
    %mul3A_809 = arith.muli %div3A_808, %div3A : vector<16xi32>
    %sub3A_810 = arith.subi %add3A_807, %mul3A_809 : vector<16xi32>
    %add3A_811 = arith.constant 1 : i32
    %add3A_812 = vector.broadcast %add3A_811 : i32 to vector<16xi32>
    %add3A_813 = arith.addi %div3A_808, %add3A_812 : vector<16xi32>
    %min3A_814 = arith.constant 64 : i32
    %min3A_815 = vector.broadcast %min3A_814 : i32 to vector<16xi32>
    %min3A_816 = arith.minsi %add3A_813, %min3A_815 : vector<16xi32>
    %ge3A_817 = vector.broadcast %multiple_of3A_39 : i32 to vector<16xi32>
    %ge3A_818 = arith.cmpi sge, %sub3A_810, %ge3A_817 : vector<16xi32>
    %sub3A_819 = vector.broadcast %multiple_of3A_39 : i32 to vector<16xi32>
    %sub3A_820 = arith.subi %sub3A_810, %sub3A_819 : vector<16xi32>
    %add3A_821 = arith.constant 264 : i32
    %add3A_822 = vector.broadcast %add3A_821 : i32 to vector<16xi32>
    %add3A_823 = arith.addi %sub3A_810, %add3A_822 : vector<16xi32>
    %select_n3A_824 = arith.select %ge3A_818, %sub3A_820, %add3A_823 : vector<16xi1>, vector<16xi32>
    %gather3A_825 = tpu.vector_load_idx %arg8[%select_n3A_824] : memref<520xf32, #tpu.memory_space<vmem>>[vector<16xi32>], vector<16xf32>,
    %gather3A_826 = tpu.vector_load_idx %arg9[%min3A_816] : memref<65xf32, #tpu.memory_space<vmem>>[vector<16xi32>], vector<16xf32>,
    %add3A_827 = arith.addf %gather3A_825, %gather3A_826 : vector<16xf32>
    %get3A_828 = arith.constant 0 : i32
    %get3A_829 = arith.index_cast %get3A_828 : i32 to index
    %get3A_830 = arith.constant 48 : index
    %get3A_831 = tpu.vector_load %arg11[%get3A_829, %get3A_830] {strides = array<i32>} : memref<16x256xf32, #tpu.memory_space<vmem>>, vector<16xf32>,
    %get3A_832 = arith.constant 0 : i32
    %get3A_833 = arith.index_cast %get3A_832 : i32 to index
    %get3A_834 = arith.constant 48 : index
    %get3A_835 = tpu.vector_load %arg12[%get3A_833, %get3A_834] {strides = array<i32>} : memref<16x256xf32, #tpu.memory_space<vmem>>, vector<16xf32>,
    %mul3A_836 = arith.mulf %get3A_835, %add3A_827 : vector<16xf32>
    %add3A_837 = arith.addf %get3A_831, %mul3A_836 : vector<16xf32>
    %swap3A_838 = arith.constant 0 : i32
    %swap3A_839 = arith.index_cast %swap3A_838 : i32 to index
    %swap3A_840 = arith.constant 48 : index
    %swap3A_841 = tpu.vector_load %arg13[%swap3A_839, %swap3A_840] {strides = array<i32>} : memref<16x256xf32, #tpu.memory_space<vmem>>, vector<16xf32>,
    tpu.vector_store %arg13[%swap3A_839, %swap3A_840], %add3A_837 {strides = array<i32>} : memref<16x256xf32, #tpu.memory_space<vmem>>, vector<16xf32>,
    %get3A_842 = arith.constant 1 : i32
    %get3A_843 = arith.index_cast %get3A_842 : i32 to index
    %get3A_844 = arith.constant 48 : index
    %get3A_845 = tpu.vector_load %arg11[%get3A_843, %get3A_844] {strides = array<i32>} : memref<16x256xf32, #tpu.memory_space<vmem>>, vector<16xf32>,
    %get3A_846 = arith.constant 1 : i32
    %get3A_847 = arith.index_cast %get3A_846 : i32 to index
    %get3A_848 = arith.constant 48 : index
    %get3A_849 = tpu.vector_load %arg12[%get3A_847, %get3A_848] {strides = array<i32>} : memref<16x256xf32, #tpu.memory_space<vmem>>, vector<16xf32>,
    %mul3A_850 = arith.mulf %get3A_849, %add3A_827 : vector<16xf32>
    %add3A_851 = arith.addf %get3A_845, %mul3A_850 : vector<16xf32>
    %swap3A_852 = arith.constant 1 : i32
    %swap3A_853 = arith.index_cast %swap3A_852 : i32 to index
    %swap3A_854 = arith.constant 48 : index
    %swap3A_855 = tpu.vector_load %arg13[%swap3A_853, %swap3A_854] {strides = array<i32>} : memref<16x256xf32, #tpu.memory_space<vmem>>, vector<16xf32>,
    tpu.vector_store %arg13[%swap3A_853, %swap3A_854], %add3A_851 {strides = array<i32>} : memref<16x256xf32, #tpu.memory_space<vmem>>, vector<16xf32>,
    %get3A_856 = arith.constant 2 : i32
    %get3A_857 = arith.index_cast %get3A_856 : i32 to index
    %get3A_858 = arith.constant 48 : index
    %get3A_859 = tpu.vector_load %arg11[%get3A_857, %get3A_858] {strides = array<i32>} : memref<16x256xf32, #tpu.memory_space<vmem>>, vector<16xf32>,
    %get3A_860 = arith.constant 2 : i32
    %get3A_861 = arith.index_cast %get3A_860 : i32 to index
    %get3A_862 = arith.constant 48 : index
    %get3A_863 = tpu.vector_load %arg12[%get3A_861, %get3A_862] {strides = array<i32>} : memref<16x256xf32, #tpu.memory_space<vmem>>, vector<16xf32>,
    %mul3A_864 = arith.mulf %get3A_863, %add3A_827 : vector<16xf32>
    %add3A_865 = arith.addf %get3A_859, %mul3A_864 : vector<16xf32>
    %swap3A_866 = arith.constant 2 : i32
    %swap3A_867 = arith.index_cast %swap3A_866 : i32 to index
    %swap3A_868 = arith.constant 48 : index
    %swap3A_869 = tpu.vector_load %arg13[%swap3A_867, %swap3A_868] {strides = array<i32>} : memref<16x256xf32, #tpu.memory_space<vmem>>, vector<16xf32>,
    tpu.vector_store %arg13[%swap3A_867, %swap3A_868], %add3A_865 {strides = array<i32>} : memref<16x256xf32, #tpu.memory_space<vmem>>, vector<16xf32>,
    %get3A_870 = arith.constant 3 : i32
    %get3A_871 = arith.index_cast %get3A_870 : i32 to index
    %get3A_872 = arith.constant 48 : index
    %get3A_873 = tpu.vector_load %arg11[%get3A_871, %get3A_872] {strides = array<i32>} : memref<16x256xf32, #tpu.memory_space<vmem>>, vector<16xf32>,
    %get3A_874 = arith.constant 3 : i32
    %get3A_875 = arith.index_cast %get3A_874 : i32 to index
    %get3A_876 = arith.constant 48 : index
    %get3A_877 = tpu.vector_load %arg12[%get3A_875, %get3A_876] {strides = array<i32>} : memref<16x256xf32, #tpu.memory_space<vmem>>, vector<16xf32>,
    %mul3A_878 = arith.mulf %get3A_877, %add3A_827 : vector<16xf32>
    %add3A_879 = arith.addf %get3A_873, %mul3A_878 : vector<16xf32>
    %swap3A_880 = arith.constant 3 : i32
    %swap3A_881 = arith.index_cast %swap3A_880 : i32 to index
    %swap3A_882 = arith.constant 48 : index
    %swap3A_883 = tpu.vector_load %arg13[%swap3A_881, %swap3A_882] {strides = array<i32>} : memref<16x256xf32, #tpu.memory_space<vmem>>, vector<16xf32>,
    tpu.vector_store %arg13[%swap3A_881, %swap3A_882], %add3A_879 {strides = array<i32>} : memref<16x256xf32, #tpu.memory_space<vmem>>, vector<16xf32>,
    %get3A_884 = arith.constant 4 : i32
    %get3A_885 = arith.index_cast %get3A_884 : i32 to index
    %get3A_886 = arith.constant 48 : index
    %get3A_887 = tpu.vector_load %arg11[%get3A_885, %get3A_886] {strides = array<i32>} : memref<16x256xf32, #tpu.memory_space<vmem>>, vector<16xf32>,
    %get3A_888 = arith.constant 4 : i32
    %get3A_889 = arith.index_cast %get3A_888 : i32 to index
    %get3A_890 = arith.constant 48 : index
    %get3A_891 = tpu.vector_load %arg12[%get3A_889, %get3A_890] {strides = array<i32>} : memref<16x256xf32, #tpu.memory_space<vmem>>, vector<16xf32>,
    %mul3A_892 = arith.mulf %get3A_891, %add3A_827 : vector<16xf32>
    %add3A_893 = arith.addf %get3A_887, %mul3A_892 : vector<16xf32>
    %swap3A_894 = arith.constant 4 : i32
    %swap3A_895 = arith.index_cast %swap3A_894 : i32 to index
    %swap3A_896 = arith.constant 48 : index
    %swap3A_897 = tpu.vector_load %arg13[%swap3A_895, %swap3A_896] {strides = array<i32>} : memref<16x256xf32, #tpu.memory_space<vmem>>, vector<16xf32>,
    tpu.vector_store %arg13[%swap3A_895, %swap3A_896], %add3A_893 {strides = array<i32>} : memref<16x256xf32, #tpu.memory_space<vmem>>, vector<16xf32>,
    %get3A_898 = arith.constant 5 : i32
    %get3A_899 = arith.index_cast %get3A_898 : i32 to index
    %get3A_900 = arith.constant 48 : index
    %get3A_901 = tpu.vector_load %arg11[%get3A_899, %get3A_900] {strides = array<i32>} : memref<16x256xf32, #tpu.memory_space<vmem>>, vector<16xf32>,
    %get3A_902 = arith.constant 5 : i32
    %get3A_903 = arith.index_cast %get3A_902 : i32 to index
    %get3A_904 = arith.constant 48 : index
    %get3A_905 = tpu.vector_load %arg12[%get3A_903, %get3A_904] {strides = array<i32>} : memref<16x256xf32, #tpu.memory_space<vmem>>, vector<16xf32>,
    %mul3A_906 = arith.mulf %get3A_905, %add3A_827 : vector<16xf32>
    %add3A_907 = arith.addf %get3A_901, %mul3A_906 : vector<16xf32>
    %swap3A_908 = arith.constant 5 : i32
    %swap3A_909 = arith.index_cast %swap3A_908 : i32 to index
    %swap3A_910 = arith.constant 48 : index
    %swap3A_911 = tpu.vector_load %arg13[%swap3A_909, %swap3A_910] {strides = array<i32>} : memref<16x256xf32, #tpu.memory_space<vmem>>, vector<16xf32>,
    tpu.vector_store %arg13[%swap3A_909, %swap3A_910], %add3A_907 {strides = array<i32>} : memref<16x256xf32, #tpu.memory_space<vmem>>, vector<16xf32>,
    %get3A_912 = arith.constant 6 : i32
    %get3A_913 = arith.index_cast %get3A_912 : i32 to index
    %get3A_914 = arith.constant 48 : index
    %get3A_915 = tpu.vector_load %arg11[%get3A_913, %get3A_914] {strides = array<i32>} : memref<16x256xf32, #tpu.memory_space<vmem>>, vector<16xf32>,
    %get3A_916 = arith.constant 6 : i32
    %get3A_917 = arith.index_cast %get3A_916 : i32 to index
    %get3A_918 = arith.constant 48 : index
    %get3A_919 = tpu.vector_load %arg12[%get3A_917, %get3A_918] {strides = array<i32>} : memref<16x256xf32, #tpu.memory_space<vmem>>, vector<16xf32>,
    %mul3A_920 = arith.mulf %get3A_919, %add3A_827 : vector<16xf32>
    %add3A_921 = arith.addf %get3A_915, %mul3A_920 : vector<16xf32>
    %swap3A_922 = arith.constant 6 : i32
    %swap3A_923 = arith.index_cast %swap3A_922 : i32 to index
    %swap3A_924 = arith.constant 48 : index
    %swap3A_925 = tpu.vector_load %arg13[%swap3A_923, %swap3A_924] {strides = array<i32>} : memref<16x256xf32, #tpu.memory_space<vmem>>, vector<16xf32>,
    tpu.vector_store %arg13[%swap3A_923, %swap3A_924], %add3A_921 {strides = array<i32>} : memref<16x256xf32, #tpu.memory_space<vmem>>, vector<16xf32>,
    %get3A_926 = arith.constant 7 : i32
    %get3A_927 = arith.index_cast %get3A_926 : i32 to index
    %get3A_928 = arith.constant 48 : index
    %get3A_929 = tpu.vector_load %arg11[%get3A_927, %get3A_928] {strides = array<i32>} : memref<16x256xf32, #tpu.memory_space<vmem>>, vector<16xf32>,
    %get3A_930 = arith.constant 7 : i32
    %get3A_931 = arith.index_cast %get3A_930 : i32 to index
    %get3A_932 = arith.constant 48 : index
    %get3A_933 = tpu.vector_load %arg12[%get3A_931, %get3A_932] {strides = array<i32>} : memref<16x256xf32, #tpu.memory_space<vmem>>, vector<16xf32>,
    %mul3A_934 = arith.mulf %get3A_933, %add3A_827 : vector<16xf32>
    %add3A_935 = arith.addf %get3A_929, %mul3A_934 : vector<16xf32>
    %swap3A_936 = arith.constant 7 : i32
    %swap3A_937 = arith.index_cast %swap3A_936 : i32 to index
    %swap3A_938 = arith.constant 48 : index
    %swap3A_939 = tpu.vector_load %arg13[%swap3A_937, %swap3A_938] {strides = array<i32>} : memref<16x256xf32, #tpu.memory_space<vmem>>, vector<16xf32>,
    tpu.vector_store %arg13[%swap3A_937, %swap3A_938], %add3A_935 {strides = array<i32>} : memref<16x256xf32, #tpu.memory_space<vmem>>, vector<16xf32>,
    %get3A_940 = arith.constant 8 : i32
    %get3A_941 = arith.index_cast %get3A_940 : i32 to index
    %get3A_942 = arith.constant 48 : index
    %get3A_943 = tpu.vector_load %arg11[%get3A_941, %get3A_942] {strides = array<i32>} : memref<16x256xf32, #tpu.memory_space<vmem>>, vector<16xf32>,
    %get3A_944 = arith.constant 8 : i32
    %get3A_945 = arith.index_cast %get3A_944 : i32 to index
    %get3A_946 = arith.constant 48 : index
    %get3A_947 = tpu.vector_load %arg12[%get3A_945, %get3A_946] {strides = array<i32>} : memref<16x256xf32, #tpu.memory_space<vmem>>, vector<16xf32>,
    %mul3A_948 = arith.mulf %get3A_947, %add3A_827 : vector<16xf32>
    %add3A_949 = arith.addf %get3A_943, %mul3A_948 : vector<16xf32>
    %swap3A_950 = arith.constant 8 : i32
    %swap3A_951 = arith.index_cast %swap3A_950 : i32 to index
    %swap3A_952 = arith.constant 48 : index
    %swap3A_953 = tpu.vector_load %arg13[%swap3A_951, %swap3A_952] {strides = array<i32>} : memref<16x256xf32, #tpu.memory_space<vmem>>, vector<16xf32>,
    tpu.vector_store %arg13[%swap3A_951, %swap3A_952], %add3A_949 {strides = array<i32>} : memref<16x256xf32, #tpu.memory_space<vmem>>, vector<16xf32>,
    %get3A_954 = arith.constant 9 : i32
    %get3A_955 = arith.index_cast %get3A_954 : i32 to index
    %get3A_956 = arith.constant 48 : index
    %get3A_957 = tpu.vector_load %arg11[%get3A_955, %get3A_956] {strides = array<i32>} : memref<16x256xf32, #tpu.memory_space<vmem>>, vector<16xf32>,
    %get3A_958 = arith.constant 9 : i32
    %get3A_959 = arith.index_cast %get3A_958 : i32 to index
    %get3A_960 = arith.constant 48 : index
    %get3A_961 = tpu.vector_load %arg12[%get3A_959, %get3A_960] {strides = array<i32>} : memref<16x256xf32, #tpu.memory_space<vmem>>, vector<16xf32>,
    %mul3A_962 = arith.mulf %get3A_961, %add3A_827 : vector<16xf32>
    %add3A_963 = arith.addf %get3A_957, %mul3A_962 : vector<16xf32>
    %swap3A_964 = arith.constant 9 : i32
    %swap3A_965 = arith.index_cast %swap3A_964 : i32 to index
    %swap3A_966 = arith.constant 48 : index
    %swap3A_967 = tpu.vector_load %arg13[%swap3A_965, %swap3A_966] {strides = array<i32>} : memref<16x256xf32, #tpu.memory_space<vmem>>, vector<16xf32>,
    tpu.vector_store %arg13[%swap3A_965, %swap3A_966], %add3A_963 {strides = array<i32>} : memref<16x256xf32, #tpu.memory_space<vmem>>, vector<16xf32>,
    %get3A_968 = arith.constant 10 : i32
    %get3A_969 = arith.index_cast %get3A_968 : i32 to index
    %get3A_970 = arith.constant 48 : index
    %get3A_971 = tpu.vector_load %arg11[%get3A_969, %get3A_970] {strides = array<i32>} : memref<16x256xf32, #tpu.memory_space<vmem>>, vector<16xf32>,
    %get3A_972 = arith.constant 10 : i32
    %get3A_973 = arith.index_cast %get3A_972 : i32 to index
    %get3A_974 = arith.constant 48 : index
    %get3A_975 = tpu.vector_load %arg12[%get3A_973, %get3A_974] {strides = array<i32>} : memref<16x256xf32, #tpu.memory_space<vmem>>, vector<16xf32>,
    %mul3A_976 = arith.mulf %get3A_975, %add3A_827 : vector<16xf32>
    %add3A_977 = arith.addf %get3A_971, %mul3A_976 : vector<16xf32>
    %swap3A_978 = arith.constant 10 : i32
    %swap3A_979 = arith.index_cast %swap3A_978 : i32 to index
    %swap3A_980 = arith.constant 48 : index
    %swap3A_981 = tpu.vector_load %arg13[%swap3A_979, %swap3A_980] {strides = array<i32>} : memref<16x256xf32, #tpu.memory_space<vmem>>, vector<16xf32>,
    tpu.vector_store %arg13[%swap3A_979, %swap3A_980], %add3A_977 {strides = array<i32>} : memref<16x256xf32, #tpu.memory_space<vmem>>, vector<16xf32>,
    %get3A_982 = arith.constant 11 : i32
    %get3A_983 = arith.index_cast %get3A_982 : i32 to index
    %get3A_984 = arith.constant 48 : index
    %get3A_985 = tpu.vector_load %arg11[%get3A_983, %get3A_984] {strides = array<i32>} : memref<16x256xf32, #tpu.memory_space<vmem>>, vector<16xf32>,
    %get3A_986 = arith.constant 11 : i32
    %get3A_987 = arith.index_cast %get3A_986 : i32 to index
    %get3A_988 = arith.constant 48 : index
    %get3A_989 = tpu.vector_load %arg12[%get3A_987, %get3A_988] {strides = array<i32>} : memref<16x256xf32, #tpu.memory_space<vmem>>, vector<16xf32>,
    %mul3A_990 = arith.mulf %get3A_989, %add3A_827 : vector<16xf32>
    %add3A_991 = arith.addf %get3A_985, %mul3A_990 : vector<16xf32>
    %swap3A_992 = arith.constant 11 : i32
    %swap3A_993 = arith.index_cast %swap3A_992 : i32 to index
    %swap3A_994 = arith.constant 48 : index
    %swap3A_995 = tpu.vector_load %arg13[%swap3A_993, %swap3A_994] {strides = array<i32>} : memref<16x256xf32, #tpu.memory_space<vmem>>, vector<16xf32>,
    tpu.vector_store %arg13[%swap3A_993, %swap3A_994], %add3A_991 {strides = array<i32>} : memref<16x256xf32, #tpu.memory_space<vmem>>, vector<16xf32>,
    %get3A_996 = arith.constant 12 : i32
    %get3A_997 = arith.index_cast %get3A_996 : i32 to index
    %get3A_998 = arith.constant 48 : index
    %get3A_999 = tpu.vector_load %arg11[%get3A_997, %get3A_998] {strides = array<i32>} : memref<16x256xf32, #tpu.memory_space<vmem>>, vector<16xf32>,
    %get3A_1000 = arith.constant 12 : i32
    %get3A_1001 = arith.index_cast %get3A_1000 : i32 to index
    %get3A_1002 = arith.constant 48 : index
    %get3A_1003 = tpu.vector_load %arg12[%get3A_1001, %get3A_1002] {strides = array<i32>} : memref<16x256xf32, #tpu.memory_space<vmem>>, vector<16xf32>,
    %mul3A_1004 = arith.mulf %get3A_1003, %add3A_827 : vector<16xf32>
    %add3A_1005 = arith.addf %get3A_999, %mul3A_1004 : vector<16xf32>
    %swap3A_1006 = arith.constant 12 : i32
    %swap3A_1007 = arith.index_cast %swap3A_1006 : i32 to index
    %swap3A_1008 = arith.constant 48 : index
    %swap3A_1009 = tpu.vector_load %arg13[%swap3A_1007, %swap3A_1008] {strides = array<i32>} : memref<16x256xf32, #tpu.memory_space<vmem>>, vector<16xf32>,
    tpu.vector_store %arg13[%swap3A_1007, %swap3A_1008], %add3A_1005 {strides = array<i32>} : memref<16x256xf32, #tpu.memory_space<vmem>>, vector<16xf32>,
    %get3A_1010 = arith.constant 13 : i32
    %get3A_1011 = arith.index_cast %get3A_1010 : i32 to index
    %get3A_1012 = arith.constant 48 : index
    %get3A_1013 = tpu.vector_load %arg11[%get3A_1011, %get3A_1012] {strides = array<i32>} : memref<16x256xf32, #tpu.memory_space<vmem>>, vector<16xf32>,
    %get3A_1014 = arith.constant 13 : i32
    %get3A_1015 = arith.index_cast %get3A_1014 : i32 to index
    %get3A_1016 = arith.constant 48 : index
    %get3A_1017 = tpu.vector_load %arg12[%get3A_1015, %get3A_1016] {strides = array<i32>} : memref<16x256xf32, #tpu.memory_space<vmem>>, vector<16xf32>,
    %mul3A_1018 = arith.mulf %get3A_1017, %add3A_827 : vector<16xf32>
    %add3A_1019 = arith.addf %get3A_1013, %mul3A_1018 : vector<16xf32>
    %swap3A_1020 = arith.constant 13 : i32
    %swap3A_1021 = arith.index_cast %swap3A_1020 : i32 to index
    %swap3A_1022 = arith.constant 48 : index
    %swap3A_1023 = tpu.vector_load %arg13[%swap3A_1021, %swap3A_1022] {strides = array<i32>} : memref<16x256xf32, #tpu.memory_space<vmem>>, vector<16xf32>,
    tpu.vector_store %arg13[%swap3A_1021, %swap3A_1022], %add3A_1019 {strides = array<i32>} : memref<16x256xf32, #tpu.memory_space<vmem>>, vector<16xf32>,
    %get3A_1024 = arith.constant 14 : i32
    %get3A_1025 = arith.index_cast %get3A_1024 : i32 to index
    %get3A_1026 = arith.constant 48 : index
    %get3A_1027 = tpu.vector_load %arg11[%get3A_1025, %get3A_1026] {strides = array<i32>} : memref<16x256xf32, #tpu.memory_space<vmem>>, vector<16xf32>,
    %get3A_1028 = arith.constant 14 : i32
    %get3A_1029 = arith.index_cast %get3A_1028 : i32 to index
    %get3A_1030 = arith.constant 48 : index
    %get3A_1031 = tpu.vector_load %arg12[%get3A_1029, %get3A_1030] {strides = array<i32>} : memref<16x256xf32, #tpu.memory_space<vmem>>, vector<16xf32>,
    %mul3A_1032 = arith.mulf %get3A_1031, %add3A_827 : vector<16xf32>
    %add3A_1033 = arith.addf %get3A_1027, %mul3A_1032 : vector<16xf32>
    %swap3A_1034 = arith.constant 14 : i32
    %swap3A_1035 = arith.index_cast %swap3A_1034 : i32 to index
    %swap3A_1036 = arith.constant 48 : index
    %swap3A_1037 = tpu.vector_load %arg13[%swap3A_1035, %swap3A_1036] {strides = array<i32>} : memref<16x256xf32, #tpu.memory_space<vmem>>, vector<16xf32>,
    tpu.vector_store %arg13[%swap3A_1035, %swap3A_1036], %add3A_1033 {strides = array<i32>} : memref<16x256xf32, #tpu.memory_space<vmem>>, vector<16xf32>,
    %get3A_1038 = arith.constant 15 : i32
    %get3A_1039 = arith.index_cast %get3A_1038 : i32 to index
    %get3A_1040 = arith.constant 48 : index
    %get3A_1041 = tpu.vector_load %arg11[%get3A_1039, %get3A_1040] {strides = array<i32>} : memref<16x256xf32, #tpu.memory_space<vmem>>, vector<16xf32>,
    %get3A_1042 = arith.constant 15 : i32
    %get3A_1043 = arith.index_cast %get3A_1042 : i32 to index
    %get3A_1044 = arith.constant 48 : index
    %get3A_1045 = tpu.vector_load %arg12[%get3A_1043, %get3A_1044] {strides = array<i32>} : memref<16x256xf32, #tpu.memory_space<vmem>>, vector<16xf32>,
    %mul3A_1046 = arith.mulf %get3A_1045, %add3A_827 : vector<16xf32>
    %add3A_1047 = arith.addf %get3A_1041, %mul3A_1046 : vector<16xf32>
    %swap3A_1048 = arith.constant 15 : i32
    %swap3A_1049 = arith.index_cast %swap3A_1048 : i32 to index
    %swap3A_1050 = arith.constant 48 : index
    %swap3A_1051 = tpu.vector_load %arg13[%swap3A_1049, %swap3A_1050] {strides = array<i32>} : memref<16x256xf32, #tpu.memory_space<vmem>>, vector<16xf32>,
    tpu.vector_store %arg13[%swap3A_1049, %swap3A_1050], %add3A_1047 {strides = array<i32>} : memref<16x256xf32, #tpu.memory_space<vmem>>, vector<16xf32>,
    %iota3A_1052 = tpu.iota {dimensions = array<i32: 0>} : vector<16xi32>
    %add3A_1053 = arith.constant 64 : i32
    %add3A_1054 = arith.addi %mul3A_2, %add3A_1053 : i32
    %add3A_1055 = vector.broadcast %add3A_1054 : i32 to vector<16xi32>
    %add3A_1056 = arith.addi %iota3A_1052, %add3A_1055 : vector<16xi32>
    %div3A_1057 = arith.divsi %add3A_1056, %div3A : vector<16xi32>
    %mul3A_1058 = arith.muli %div3A_1057, %div3A : vector<16xi32>
    %sub3A_1059 = arith.subi %add3A_1056, %mul3A_1058 : vector<16xi32>
    %add3A_1060 = arith.constant 1 : i32
    %add3A_1061 = vector.broadcast %add3A_1060 : i32 to vector<16xi32>
    %add3A_1062 = arith.addi %div3A_1057, %add3A_1061 : vector<16xi32>
    %min3A_1063 = arith.constant 64 : i32
    %min3A_1064 = vector.broadcast %min3A_1063 : i32 to vector<16xi32>
    %min3A_1065 = arith.minsi %add3A_1062, %min3A_1064 : vector<16xi32>
    %ge3A_1066 = vector.broadcast %multiple_of3A_39 : i32 to vector<16xi32>
    %ge3A_1067 = arith.cmpi sge, %sub3A_1059, %ge3A_1066 : vector<16xi32>
    %sub3A_1068 = vector.broadcast %multiple_of3A_39 : i32 to vector<16xi32>
    %sub3A_1069 = arith.subi %sub3A_1059, %sub3A_1068 : vector<16xi32>
    %add3A_1070 = arith.constant 264 : i32
    %add3A_1071 = vector.broadcast %add3A_1070 : i32 to vector<16xi32>
    %add3A_1072 = arith.addi %sub3A_1059, %add3A_1071 : vector<16xi32>
    %select_n3A_1073 = arith.select %ge3A_1067, %sub3A_1069, %add3A_1072 : vector<16xi1>, vector<16xi32>
    %gather3A_1074 = tpu.vector_load_idx %arg8[%select_n3A_1073] : memref<520xf32, #tpu.memory_space<vmem>>[vector<16xi32>], vector<16xf32>,
    %gather3A_1075 = tpu.vector_load_idx %arg9[%min3A_1065] : memref<65xf32, #tpu.memory_space<vmem>>[vector<16xi32>], vector<16xf32>,
    %add3A_1076 = arith.addf %gather3A_1074, %gather3A_1075 : vector<16xf32>
    %get3A_1077 = arith.constant 0 : i32
    %get3A_1078 = arith.index_cast %get3A_1077 : i32 to index
    %get3A_1079 = arith.constant 64 : index
    %get3A_1080 = tpu.vector_load %arg11[%get3A_1078, %get3A_1079] {strides = array<i32>} : memref<16x256xf32, #tpu.memory_space<vmem>>, vector<16xf32>,
    %get3A_1081 = arith.constant 0 : i32
    %get3A_1082 = arith.index_cast %get3A_1081 : i32 to index
    %get3A_1083 = arith.constant 64 : index
    %get3A_1084 = tpu.vector_load %arg12[%get3A_1082, %get3A_1083] {strides = array<i32>} : memref<16x256xf32, #tpu.memory_space<vmem>>, vector<16xf32>,
    %mul3A_1085 = arith.mulf %get3A_1084, %add3A_1076 : vector<16xf32>
    %add3A_1086 = arith.addf %get3A_1080, %mul3A_1085 : vector<16xf32>
    %swap3A_1087 = arith.constant 0 : i32
    %swap3A_1088 = arith.index_cast %swap3A_1087 : i32 to index
    %swap3A_1089 = arith.constant 64 : index
    %swap3A_1090 = tpu.vector_load %arg13[%swap3A_1088, %swap3A_1089] {strides = array<i32>} : memref<16x256xf32, #tpu.memory_space<vmem>>, vector<16xf32>,
    tpu.vector_store %arg13[%swap3A_1088, %swap3A_1089], %add3A_1086 {strides = array<i32>} : memref<16x256xf32, #tpu.memory_space<vmem>>, vector<16xf32>,
    %get3A_1091 = arith.constant 1 : i32
    %get3A_1092 = arith.index_cast %get3A_1091 : i32 to index
    %get3A_1093 = arith.constant 64 : index
    %get3A_1094 = tpu.vector_load %arg11[%get3A_1092, %get3A_1093] {strides = array<i32>} : memref<16x256xf32, #tpu.memory_space<vmem>>, vector<16xf32>,
    %get3A_1095 = arith.constant 1 : i32
    %get3A_1096 = arith.index_cast %get3A_1095 : i32 to index
    %get3A_1097 = arith.constant 64 : index
    %get3A_1098 = tpu.vector_load %arg12[%get3A_1096, %get3A_1097] {strides = array<i32>} : memref<16x256xf32, #tpu.memory_space<vmem>>, vector<16xf32>,
    %mul3A_1099 = arith.mulf %get3A_1098, %add3A_1076 : vector<16xf32>
    %add3A_1100 = arith.addf %get3A_1094, %mul3A_1099 : vector<16xf32>
    %swap3A_1101 = arith.constant 1 : i32
    %swap3A_1102 = arith.index_cast %swap3A_1101 : i32 to index
    %swap3A_1103 = arith.constant 64 : index
    %swap3A_1104 = tpu.vector_load %arg13[%swap3A_1102, %swap3A_1103] {strides = array<i32>} : memref<16x256xf32, #tpu.memory_space<vmem>>, vector<16xf32>,
    tpu.vector_store %arg13[%swap3A_1102, %swap3A_1103], %add3A_1100 {strides = array<i32>} : memref<16x256xf32, #tpu.memory_space<vmem>>, vector<16xf32>,
    %get3A_1105 = arith.constant 2 : i32
    %get3A_1106 = arith.index_cast %get3A_1105 : i32 to index
    %get3A_1107 = arith.constant 64 : index
    %get3A_1108 = tpu.vector_load %arg11[%get3A_1106, %get3A_1107] {strides = array<i32>} : memref<16x256xf32, #tpu.memory_space<vmem>>, vector<16xf32>,
    %get3A_1109 = arith.constant 2 : i32
    %get3A_1110 = arith.index_cast %get3A_1109 : i32 to index
    %get3A_1111 = arith.constant 64 : index
    %get3A_1112 = tpu.vector_load %arg12[%get3A_1110, %get3A_1111] {strides = array<i32>} : memref<16x256xf32, #tpu.memory_space<vmem>>, vector<16xf32>,
    %mul3A_1113 = arith.mulf %get3A_1112, %add3A_1076 : vector<16xf32>
    %add3A_1114 = arith.addf %get3A_1108, %mul3A_1113 : vector<16xf32>
    %swap3A_1115 = arith.constant 2 : i32
    %swap3A_1116 = arith.index_cast %swap3A_1115 : i32 to index
    %swap3A_1117 = arith.constant 64 : index
    %swap3A_1118 = tpu.vector_load %arg13[%swap3A_1116, %swap3A_1117] {strides = array<i32>} : memref<16x256xf32, #tpu.memory_space<vmem>>, vector<16xf32>,
    tpu.vector_store %arg13[%swap3A_1116, %swap3A_1117], %add3A_1114 {strides = array<i32>} : memref<16x256xf32, #tpu.memory_space<vmem>>, vector<16xf32>,
    %get3A_1119 = arith.constant 3 : i32
    %get3A_1120 = arith.index_cast %get3A_1119 : i32 to index
    %get3A_1121 = arith.constant 64 : index
    %get3A_1122 = tpu.vector_load %arg11[%get3A_1120, %get3A_1121] {strides = array<i32>} : memref<16x256xf32, #tpu.memory_space<vmem>>, vector<16xf32>,
    %get3A_1123 = arith.constant 3 : i32
    %get3A_1124 = arith.index_cast %get3A_1123 : i32 to index
    %get3A_1125 = arith.constant 64 : index
    %get3A_1126 = tpu.vector_load %arg12[%get3A_1124, %get3A_1125] {strides = array<i32>} : memref<16x256xf32, #tpu.memory_space<vmem>>, vector<16xf32>,
    %mul3A_1127 = arith.mulf %get3A_1126, %add3A_1076 : vector<16xf32>
    %add3A_1128 = arith.addf %get3A_1122, %mul3A_1127 : vector<16xf32>
    %swap3A_1129 = arith.constant 3 : i32
    %swap3A_1130 = arith.index_cast %swap3A_1129 : i32 to index
    %swap3A_1131 = arith.constant 64 : index
    %swap3A_1132 = tpu.vector_load %arg13[%swap3A_1130, %swap3A_1131] {strides = array<i32>} : memref<16x256xf32, #tpu.memory_space<vmem>>, vector<16xf32>,
    tpu.vector_store %arg13[%swap3A_1130, %swap3A_1131], %add3A_1128 {strides = array<i32>} : memref<16x256xf32, #tpu.memory_space<vmem>>, vector<16xf32>,
    %get3A_1133 = arith.constant 4 : i32
    %get3A_1134 = arith.index_cast %get3A_1133 : i32 to index
    %get3A_1135 = arith.constant 64 : index
    %get3A_1136 = tpu.vector_load %arg11[%get3A_1134, %get3A_1135] {strides = array<i32>} : memref<16x256xf32, #tpu.memory_space<vmem>>, vector<16xf32>,
    %get3A_1137 = arith.constant 4 : i32
    %get3A_1138 = arith.index_cast %get3A_1137 : i32 to index
    %get3A_1139 = arith.constant 64 : index
    %get3A_1140 = tpu.vector_load %arg12[%get3A_1138, %get3A_1139] {strides = array<i32>} : memref<16x256xf32, #tpu.memory_space<vmem>>, vector<16xf32>,
    %mul3A_1141 = arith.mulf %get3A_1140, %add3A_1076 : vector<16xf32>
    %add3A_1142 = arith.addf %get3A_1136, %mul3A_1141 : vector<16xf32>
    %swap3A_1143 = arith.constant 4 : i32
    %swap3A_1144 = arith.index_cast %swap3A_1143 : i32 to index
    %swap3A_1145 = arith.constant 64 : index
    %swap3A_1146 = tpu.vector_load %arg13[%swap3A_1144, %swap3A_1145] {strides = array<i32>} : memref<16x256xf32, #tpu.memory_space<vmem>>, vector<16xf32>,
    tpu.vector_store %arg13[%swap3A_1144, %swap3A_1145], %add3A_1142 {strides = array<i32>} : memref<16x256xf32, #tpu.memory_space<vmem>>, vector<16xf32>,
    %get3A_1147 = arith.constant 5 : i32
    %get3A_1148 = arith.index_cast %get3A_1147 : i32 to index
    %get3A_1149 = arith.constant 64 : index
    %get3A_1150 = tpu.vector_load %arg11[%get3A_1148, %get3A_1149] {strides = array<i32>} : memref<16x256xf32, #tpu.memory_space<vmem>>, vector<16xf32>,
    %get3A_1151 = arith.constant 5 : i32
    %get3A_1152 = arith.index_cast %get3A_1151 : i32 to index
    %get3A_1153 = arith.constant 64 : index
    %get3A_1154 = tpu.vector_load %arg12[%get3A_1152, %get3A_1153] {strides = array<i32>} : memref<16x256xf32, #tpu.memory_space<vmem>>, vector<16xf32>,
    %mul3A_1155 = arith.mulf %get3A_1154, %add3A_1076 : vector<16xf32>
    %add3A_1156 = arith.addf %get3A_1150, %mul3A_1155 : vector<16xf32>
    %swap3A_1157 = arith.constant 5 : i32
    %swap3A_1158 = arith.index_cast %swap3A_1157 : i32 to index
    %swap3A_1159 = arith.constant 64 : index
    %swap3A_1160 = tpu.vector_load %arg13[%swap3A_1158, %swap3A_1159] {strides = array<i32>} : memref<16x256xf32, #tpu.memory_space<vmem>>, vector<16xf32>,
    tpu.vector_store %arg13[%swap3A_1158, %swap3A_1159], %add3A_1156 {strides = array<i32>} : memref<16x256xf32, #tpu.memory_space<vmem>>, vector<16xf32>,
    %get3A_1161 = arith.constant 6 : i32
    %get3A_1162 = arith.index_cast %get3A_1161 : i32 to index
    %get3A_1163 = arith.constant 64 : index
    %get3A_1164 = tpu.vector_load %arg11[%get3A_1162, %get3A_1163] {strides = array<i32>} : memref<16x256xf32, #tpu.memory_space<vmem>>, vector<16xf32>,
    %get3A_1165 = arith.constant 6 : i32
    %get3A_1166 = arith.index_cast %get3A_1165 : i32 to index
    %get3A_1167 = arith.constant 64 : index
    %get3A_1168 = tpu.vector_load %arg12[%get3A_1166, %get3A_1167] {strides = array<i32>} : memref<16x256xf32, #tpu.memory_space<vmem>>, vector<16xf32>,
    %mul3A_1169 = arith.mulf %get3A_1168, %add3A_1076 : vector<16xf32>
    %add3A_1170 = arith.addf %get3A_1164, %mul3A_1169 : vector<16xf32>
    %swap3A_1171 = arith.constant 6 : i32
    %swap3A_1172 = arith.index_cast %swap3A_1171 : i32 to index
    %swap3A_1173 = arith.constant 64 : index
    %swap3A_1174 = tpu.vector_load %arg13[%swap3A_1172, %swap3A_1173] {strides = array<i32>} : memref<16x256xf32, #tpu.memory_space<vmem>>, vector<16xf32>,
    tpu.vector_store %arg13[%swap3A_1172, %swap3A_1173], %add3A_1170 {strides = array<i32>} : memref<16x256xf32, #tpu.memory_space<vmem>>, vector<16xf32>,
    %get3A_1175 = arith.constant 7 : i32
    %get3A_1176 = arith.index_cast %get3A_1175 : i32 to index
    %get3A_1177 = arith.constant 64 : index
    %get3A_1178 = tpu.vector_load %arg11[%get3A_1176, %get3A_1177] {strides = array<i32>} : memref<16x256xf32, #tpu.memory_space<vmem>>, vector<16xf32>,
    %get3A_1179 = arith.constant 7 : i32
    %get3A_1180 = arith.index_cast %get3A_1179 : i32 to index
    %get3A_1181 = arith.constant 64 : index
    %get3A_1182 = tpu.vector_load %arg12[%get3A_1180, %get3A_1181] {strides = array<i32>} : memref<16x256xf32, #tpu.memory_space<vmem>>, vector<16xf32>,
    %mul3A_1183 = arith.mulf %get3A_1182, %add3A_1076 : vector<16xf32>
    %add3A_1184 = arith.addf %get3A_1178, %mul3A_1183 : vector<16xf32>
    %swap3A_1185 = arith.constant 7 : i32
    %swap3A_1186 = arith.index_cast %swap3A_1185 : i32 to index
    %swap3A_1187 = arith.constant 64 : index
    %swap3A_1188 = tpu.vector_load %arg13[%swap3A_1186, %swap3A_1187] {strides = array<i32>} : memref<16x256xf32, #tpu.memory_space<vmem>>, vector<16xf32>,
    tpu.vector_store %arg13[%swap3A_1186, %swap3A_1187], %add3A_1184 {strides = array<i32>} : memref<16x256xf32, #tpu.memory_space<vmem>>, vector<16xf32>,
    %get3A_1189 = arith.constant 8 : i32
    %get3A_1190 = arith.index_cast %get3A_1189 : i32 to index
    %get3A_1191 = arith.constant 64 : index
    %get3A_1192 = tpu.vector_load %arg11[%get3A_1190, %get3A_1191] {strides = array<i32>} : memref<16x256xf32, #tpu.memory_space<vmem>>, vector<16xf32>,
    %get3A_1193 = arith.constant 8 : i32
    %get3A_1194 = arith.index_cast %get3A_1193 : i32 to index
    %get3A_1195 = arith.constant 64 : index
    %get3A_1196 = tpu.vector_load %arg12[%get3A_1194, %get3A_1195] {strides = array<i32>} : memref<16x256xf32, #tpu.memory_space<vmem>>, vector<16xf32>,
    %mul3A_1197 = arith.mulf %get3A_1196, %add3A_1076 : vector<16xf32>
    %add3A_1198 = arith.addf %get3A_1192, %mul3A_1197 : vector<16xf32>
    %swap3A_1199 = arith.constant 8 : i32
    %swap3A_1200 = arith.index_cast %swap3A_1199 : i32 to index
    %swap3A_1201 = arith.constant 64 : index
    %swap3A_1202 = tpu.vector_load %arg13[%swap3A_1200, %swap3A_1201] {strides = array<i32>} : memref<16x256xf32, #tpu.memory_space<vmem>>, vector<16xf32>,
    tpu.vector_store %arg13[%swap3A_1200, %swap3A_1201], %add3A_1198 {strides = array<i32>} : memref<16x256xf32, #tpu.memory_space<vmem>>, vector<16xf32>,
    %get3A_1203 = arith.constant 9 : i32
    %get3A_1204 = arith.index_cast %get3A_1203 : i32 to index
    %get3A_1205 = arith.constant 64 : index
    %get3A_1206 = tpu.vector_load %arg11[%get3A_1204, %get3A_1205] {strides = array<i32>} : memref<16x256xf32, #tpu.memory_space<vmem>>, vector<16xf32>,
    %get3A_1207 = arith.constant 9 : i32
    %get3A_1208 = arith.index_cast %get3A_1207 : i32 to index
    %get3A_1209 = arith.constant 64 : index
    %get3A_1210 = tpu.vector_load %arg12[%get3A_1208, %get3A_1209] {strides = array<i32>} : memref<16x256xf32, #tpu.memory_space<vmem>>, vector<16xf32>,
    %mul3A_1211 = arith.mulf %get3A_1210, %add3A_1076 : vector<16xf32>
    %add3A_1212 = arith.addf %get3A_1206, %mul3A_1211 : vector<16xf32>
    %swap3A_1213 = arith.constant 9 : i32
    %swap3A_1214 = arith.index_cast %swap3A_1213 : i32 to index
    %swap3A_1215 = arith.constant 64 : index
    %swap3A_1216 = tpu.vector_load %arg13[%swap3A_1214, %swap3A_1215] {strides = array<i32>} : memref<16x256xf32, #tpu.memory_space<vmem>>, vector<16xf32>,
    tpu.vector_store %arg13[%swap3A_1214, %swap3A_1215], %add3A_1212 {strides = array<i32>} : memref<16x256xf32, #tpu.memory_space<vmem>>, vector<16xf32>,
    %get3A_1217 = arith.constant 10 : i32
    %get3A_1218 = arith.index_cast %get3A_1217 : i32 to index
    %get3A_1219 = arith.constant 64 : index
    %get3A_1220 = tpu.vector_load %arg11[%get3A_1218, %get3A_1219] {strides = array<i32>} : memref<16x256xf32, #tpu.memory_space<vmem>>, vector<16xf32>,
    %get3A_1221 = arith.constant 10 : i32
    %get3A_1222 = arith.index_cast %get3A_1221 : i32 to index
    %get3A_1223 = arith.constant 64 : index
    %get3A_1224 = tpu.vector_load %arg12[%get3A_1222, %get3A_1223] {strides = array<i32>} : memref<16x256xf32, #tpu.memory_space<vmem>>, vector<16xf32>,
    %mul3A_1225 = arith.mulf %get3A_1224, %add3A_1076 : vector<16xf32>
    %add3A_1226 = arith.addf %get3A_1220, %mul3A_1225 : vector<16xf32>
    %swap3A_1227 = arith.constant 10 : i32
    %swap3A_1228 = arith.index_cast %swap3A_1227 : i32 to index
    %swap3A_1229 = arith.constant 64 : index
    %swap3A_1230 = tpu.vector_load %arg13[%swap3A_1228, %swap3A_1229] {strides = array<i32>} : memref<16x256xf32, #tpu.memory_space<vmem>>, vector<16xf32>,
    tpu.vector_store %arg13[%swap3A_1228, %swap3A_1229], %add3A_1226 {strides = array<i32>} : memref<16x256xf32, #tpu.memory_space<vmem>>, vector<16xf32>,
    %get3A_1231 = arith.constant 11 : i32
    %get3A_1232 = arith.index_cast %get3A_1231 : i32 to index
    %get3A_1233 = arith.constant 64 : index
    %get3A_1234 = tpu.vector_load %arg11[%get3A_1232, %get3A_1233] {strides = array<i32>} : memref<16x256xf32, #tpu.memory_space<vmem>>, vector<16xf32>,
    %get3A_1235 = arith.constant 11 : i32
    %get3A_1236 = arith.index_cast %get3A_1235 : i32 to index
    %get3A_1237 = arith.constant 64 : index
    %get3A_1238 = tpu.vector_load %arg12[%get3A_1236, %get3A_1237] {strides = array<i32>} : memref<16x256xf32, #tpu.memory_space<vmem>>, vector<16xf32>,
    %mul3A_1239 = arith.mulf %get3A_1238, %add3A_1076 : vector<16xf32>
    %add3A_1240 = arith.addf %get3A_1234, %mul3A_1239 : vector<16xf32>
    %swap3A_1241 = arith.constant 11 : i32
    %swap3A_1242 = arith.index_cast %swap3A_1241 : i32 to index
    %swap3A_1243 = arith.constant 64 : index
    %swap3A_1244 = tpu.vector_load %arg13[%swap3A_1242, %swap3A_1243] {strides = array<i32>} : memref<16x256xf32, #tpu.memory_space<vmem>>, vector<16xf32>,
    tpu.vector_store %arg13[%swap3A_1242, %swap3A_1243], %add3A_1240 {strides = array<i32>} : memref<16x256xf32, #tpu.memory_space<vmem>>, vector<16xf32>,
    %get3A_1245 = arith.constant 12 : i32
    %get3A_1246 = arith.index_cast %get3A_1245 : i32 to index
    %get3A_1247 = arith.constant 64 : index
    %get3A_1248 = tpu.vector_load %arg11[%get3A_1246, %get3A_1247] {strides = array<i32>} : memref<16x256xf32, #tpu.memory_space<vmem>>, vector<16xf32>,
    %get3A_1249 = arith.constant 12 : i32
    %get3A_1250 = arith.index_cast %get3A_1249 : i32 to index
    %get3A_1251 = arith.constant 64 : index
    %get3A_1252 = tpu.vector_load %arg12[%get3A_1250, %get3A_1251] {strides = array<i32>} : memref<16x256xf32, #tpu.memory_space<vmem>>, vector<16xf32>,
    %mul3A_1253 = arith.mulf %get3A_1252, %add3A_1076 : vector<16xf32>
    %add3A_1254 = arith.addf %get3A_1248, %mul3A_1253 : vector<16xf32>
    %swap3A_1255 = arith.constant 12 : i32
    %swap3A_1256 = arith.index_cast %swap3A_1255 : i32 to index
    %swap3A_1257 = arith.constant 64 : index
    %swap3A_1258 = tpu.vector_load %arg13[%swap3A_1256, %swap3A_1257] {strides = array<i32>} : memref<16x256xf32, #tpu.memory_space<vmem>>, vector<16xf32>,
    tpu.vector_store %arg13[%swap3A_1256, %swap3A_1257], %add3A_1254 {strides = array<i32>} : memref<16x256xf32, #tpu.memory_space<vmem>>, vector<16xf32>,
    %get3A_1259 = arith.constant 13 : i32
    %get3A_1260 = arith.index_cast %get3A_1259 : i32 to index
    %get3A_1261 = arith.constant 64 : index
    %get3A_1262 = tpu.vector_load %arg11[%get3A_1260, %get3A_1261] {strides = array<i32>} : memref<16x256xf32, #tpu.memory_space<vmem>>, vector<16xf32>,
    %get3A_1263 = arith.constant 13 : i32
    %get3A_1264 = arith.index_cast %get3A_1263 : i32 to index
    %get3A_1265 = arith.constant 64 : index
    %get3A_1266 = tpu.vector_load %arg12[%get3A_1264, %get3A_1265] {strides = array<i32>} : memref<16x256xf32, #tpu.memory_space<vmem>>, vector<16xf32>,
    %mul3A_1267 = arith.mulf %get3A_1266, %add3A_1076 : vector<16xf32>
    %add3A_1268 = arith.addf %get3A_1262, %mul3A_1267 : vector<16xf32>
    %swap3A_1269 = arith.constant 13 : i32
    %swap3A_1270 = arith.index_cast %swap3A_1269 : i32 to index
    %swap3A_1271 = arith.constant 64 : index
    %swap3A_1272 = tpu.vector_load %arg13[%swap3A_1270, %swap3A_1271] {strides = array<i32>} : memref<16x256xf32, #tpu.memory_space<vmem>>, vector<16xf32>,
    tpu.vector_store %arg13[%swap3A_1270, %swap3A_1271], %add3A_1268 {strides = array<i32>} : memref<16x256xf32, #tpu.memory_space<vmem>>, vector<16xf32>,
    %get3A_1273 = arith.constant 14 : i32
    %get3A_1274 = arith.index_cast %get3A_1273 : i32 to index
    %get3A_1275 = arith.constant 64 : index
    %get3A_1276 = tpu.vector_load %arg11[%get3A_1274, %get3A_1275] {strides = array<i32>} : memref<16x256xf32, #tpu.memory_space<vmem>>, vector<16xf32>,
    %get3A_1277 = arith.constant 14 : i32
    %get3A_1278 = arith.index_cast %get3A_1277 : i32 to index
    %get3A_1279 = arith.constant 64 : index
    %get3A_1280 = tpu.vector_load %arg12[%get3A_1278, %get3A_1279] {strides = array<i32>} : memref<16x256xf32, #tpu.memory_space<vmem>>, vector<16xf32>,
    %mul3A_1281 = arith.mulf %get3A_1280, %add3A_1076 : vector<16xf32>
    %add3A_1282 = arith.addf %get3A_1276, %mul3A_1281 : vector<16xf32>
    %swap3A_1283 = arith.constant 14 : i32
    %swap3A_1284 = arith.index_cast %swap3A_1283 : i32 to index
    %swap3A_1285 = arith.constant 64 : index
    %swap3A_1286 = tpu.vector_load %arg13[%swap3A_1284, %swap3A_1285] {strides = array<i32>} : memref<16x256xf32, #tpu.memory_space<vmem>>, vector<16xf32>,
    tpu.vector_store %arg13[%swap3A_1284, %swap3A_1285], %add3A_1282 {strides = array<i32>} : memref<16x256xf32, #tpu.memory_space<vmem>>, vector<16xf32>,
    %get3A_1287 = arith.constant 15 : i32
    %get3A_1288 = arith.index_cast %get3A_1287 : i32 to index
    %get3A_1289 = arith.constant 64 : index
    %get3A_1290 = tpu.vector_load %arg11[%get3A_1288, %get3A_1289] {strides = array<i32>} : memref<16x256xf32, #tpu.memory_space<vmem>>, vector<16xf32>,
    %get3A_1291 = arith.constant 15 : i32
    %get3A_1292 = arith.index_cast %get3A_1291 : i32 to index
    %get3A_1293 = arith.constant 64 : index
    %get3A_1294 = tpu.vector_load %arg12[%get3A_1292, %get3A_1293] {strides = array<i32>} : memref<16x256xf32, #tpu.memory_space<vmem>>, vector<16xf32>,
    %mul3A_1295 = arith.mulf %get3A_1294, %add3A_1076 : vector<16xf32>
    %add3A_1296 = arith.addf %get3A_1290, %mul3A_1295 : vector<16xf32>
    %swap3A_1297 = arith.constant 15 : i32
    %swap3A_1298 = arith.index_cast %swap3A_1297 : i32 to index
    %swap3A_1299 = arith.constant 64 : index
    %swap3A_1300 = tpu.vector_load %arg13[%swap3A_1298, %swap3A_1299] {strides = array<i32>} : memref<16x256xf32, #tpu.memory_space<vmem>>, vector<16xf32>,
    tpu.vector_store %arg13[%swap3A_1298, %swap3A_1299], %add3A_1296 {strides = array<i32>} : memref<16x256xf32, #tpu.memory_space<vmem>>, vector<16xf32>,
    %iota3A_1301 = tpu.iota {dimensions = array<i32: 0>} : vector<16xi32>
    %add3A_1302 = arith.constant 80 : i32
    %add3A_1303 = arith.addi %mul3A_2, %add3A_1302 : i32
    %add3A_1304 = vector.broadcast %add3A_1303 : i32 to vector<16xi32>
    %add3A_1305 = arith.addi %iota3A_1301, %add3A_1304 : vector<16xi32>
    %div3A_1306 = arith.divsi %add3A_1305, %div3A : vector<16xi32>
    %mul3A_1307 = arith.muli %div3A_1306, %div3A : vector<16xi32>
    %sub3A_1308 = arith.subi %add3A_1305, %mul3A_1307 : vector<16xi32>
    %add3A_1309 = arith.constant 1 : i32
    %add3A_1310 = vector.broadcast %add3A_1309 : i32 to vector<16xi32>
    %add3A_1311 = arith.addi %div3A_1306, %add3A_1310 : vector<16xi32>
    %min3A_1312 = arith.constant 64 : i32
    %min3A_1313 = vector.broadcast %min3A_1312 : i32 to vector<16xi32>
    %min3A_1314 = arith.minsi %add3A_1311, %min3A_1313 : vector<16xi32>
    %ge3A_1315 = vector.broadcast %multiple_of3A_39 : i32 to vector<16xi32>
    %ge3A_1316 = arith.cmpi sge, %sub3A_1308, %ge3A_1315 : vector<16xi32>
    %sub3A_1317 = vector.broadcast %multiple_of3A_39 : i32 to vector<16xi32>
    %sub3A_1318 = arith.subi %sub3A_1308, %sub3A_1317 : vector<16xi32>
    %add3A_1319 = arith.constant 264 : i32
    %add3A_1320 = vector.broadcast %add3A_1319 : i32 to vector<16xi32>
    %add3A_1321 = arith.addi %sub3A_1308, %add3A_1320 : vector<16xi32>
    %select_n3A_1322 = arith.select %ge3A_1316, %sub3A_1318, %add3A_1321 : vector<16xi1>, vector<16xi32>
    %gather3A_1323 = tpu.vector_load_idx %arg8[%select_n3A_1322] : memref<520xf32, #tpu.memory_space<vmem>>[vector<16xi32>], vector<16xf32>,
    %gather3A_1324 = tpu.vector_load_idx %arg9[%min3A_1314] : memref<65xf32, #tpu.memory_space<vmem>>[vector<16xi32>], vector<16xf32>,
    %add3A_1325 = arith.addf %gather3A_1323, %gather3A_1324 : vector<16xf32>
    %get3A_1326 = arith.constant 0 : i32
    %get3A_1327 = arith.index_cast %get3A_1326 : i32 to index
    %get3A_1328 = arith.constant 80 : index
    %get3A_1329 = tpu.vector_load %arg11[%get3A_1327, %get3A_1328] {strides = array<i32>} : memref<16x256xf32, #tpu.memory_space<vmem>>, vector<16xf32>,
    %get3A_1330 = arith.constant 0 : i32
    %get3A_1331 = arith.index_cast %get3A_1330 : i32 to index
    %get3A_1332 = arith.constant 80 : index
    %get3A_1333 = tpu.vector_load %arg12[%get3A_1331, %get3A_1332] {strides = array<i32>} : memref<16x256xf32, #tpu.memory_space<vmem>>, vector<16xf32>,
    %mul3A_1334 = arith.mulf %get3A_1333, %add3A_1325 : vector<16xf32>
    %add3A_1335 = arith.addf %get3A_1329, %mul3A_1334 : vector<16xf32>
    %swap3A_1336 = arith.constant 0 : i32
    %swap3A_1337 = arith.index_cast %swap3A_1336 : i32 to index
    %swap3A_1338 = arith.constant 80 : index
    %swap3A_1339 = tpu.vector_load %arg13[%swap3A_1337, %swap3A_1338] {strides = array<i32>} : memref<16x256xf32, #tpu.memory_space<vmem>>, vector<16xf32>,
    tpu.vector_store %arg13[%swap3A_1337, %swap3A_1338], %add3A_1335 {strides = array<i32>} : memref<16x256xf32, #tpu.memory_space<vmem>>, vector<16xf32>,
    %get3A_1340 = arith.constant 1 : i32
    %get3A_1341 = arith.index_cast %get3A_1340 : i32 to index
    %get3A_1342 = arith.constant 80 : index
    %get3A_1343 = tpu.vector_load %arg11[%get3A_1341, %get3A_1342] {strides = array<i32>} : memref<16x256xf32, #tpu.memory_space<vmem>>, vector<16xf32>,
    %get3A_1344 = arith.constant 1 : i32
    %get3A_1345 = arith.index_cast %get3A_1344 : i32 to index
    %get3A_1346 = arith.constant 80 : index
    %get3A_1347 = tpu.vector_load %arg12[%get3A_1345, %get3A_1346] {strides = array<i32>} : memref<16x256xf32, #tpu.memory_space<vmem>>, vector<16xf32>,
    %mul3A_1348 = arith.mulf %get3A_1347, %add3A_1325 : vector<16xf32>
    %add3A_1349 = arith.addf %get3A_1343, %mul3A_1348 : vector<16xf32>
    %swap3A_1350 = arith.constant 1 : i32
    %swap3A_1351 = arith.index_cast %swap3A_1350 : i32 to index
    %swap3A_1352 = arith.constant 80 : index
    %swap3A_1353 = tpu.vector_load %arg13[%swap3A_1351, %swap3A_1352] {strides = array<i32>} : memref<16x256xf32, #tpu.memory_space<vmem>>, vector<16xf32>,
    tpu.vector_store %arg13[%swap3A_1351, %swap3A_1352], %add3A_1349 {strides = array<i32>} : memref<16x256xf32, #tpu.memory_space<vmem>>, vector<16xf32>,
    %get3A_1354 = arith.constant 2 : i32
    %get3A_1355 = arith.index_cast %get3A_1354 : i32 to index
    %get3A_1356 = arith.constant 80 : index
    %get3A_1357 = tpu.vector_load %arg11[%get3A_1355, %get3A_1356] {strides = array<i32>} : memref<16x256xf32, #tpu.memory_space<vmem>>, vector<16xf32>,
    %get3A_1358 = arith.constant 2 : i32
    %get3A_1359 = arith.index_cast %get3A_1358 : i32 to index
    %get3A_1360 = arith.constant 80 : index
    %get3A_1361 = tpu.vector_load %arg12[%get3A_1359, %get3A_1360] {strides = array<i32>} : memref<16x256xf32, #tpu.memory_space<vmem>>, vector<16xf32>,
    %mul3A_1362 = arith.mulf %get3A_1361, %add3A_1325 : vector<16xf32>
    %add3A_1363 = arith.addf %get3A_1357, %mul3A_1362 : vector<16xf32>
    %swap3A_1364 = arith.constant 2 : i32
    %swap3A_1365 = arith.index_cast %swap3A_1364 : i32 to index
    %swap3A_1366 = arith.constant 80 : index
    %swap3A_1367 = tpu.vector_load %arg13[%swap3A_1365, %swap3A_1366] {strides = array<i32>} : memref<16x256xf32, #tpu.memory_space<vmem>>, vector<16xf32>,
    tpu.vector_store %arg13[%swap3A_1365, %swap3A_1366], %add3A_1363 {strides = array<i32>} : memref<16x256xf32, #tpu.memory_space<vmem>>, vector<16xf32>,
    %get3A_1368 = arith.constant 3 : i32
    %get3A_1369 = arith.index_cast %get3A_1368 : i32 to index
    %get3A_1370 = arith.constant 80 : index
    %get3A_1371 = tpu.vector_load %arg11[%get3A_1369, %get3A_1370] {strides = array<i32>} : memref<16x256xf32, #tpu.memory_space<vmem>>, vector<16xf32>,
    %get3A_1372 = arith.constant 3 : i32
    %get3A_1373 = arith.index_cast %get3A_1372 : i32 to index
    %get3A_1374 = arith.constant 80 : index
    %get3A_1375 = tpu.vector_load %arg12[%get3A_1373, %get3A_1374] {strides = array<i32>} : memref<16x256xf32, #tpu.memory_space<vmem>>, vector<16xf32>,
    %mul3A_1376 = arith.mulf %get3A_1375, %add3A_1325 : vector<16xf32>
    %add3A_1377 = arith.addf %get3A_1371, %mul3A_1376 : vector<16xf32>
    %swap3A_1378 = arith.constant 3 : i32
    %swap3A_1379 = arith.index_cast %swap3A_1378 : i32 to index
    %swap3A_1380 = arith.constant 80 : index
    %swap3A_1381 = tpu.vector_load %arg13[%swap3A_1379, %swap3A_1380] {strides = array<i32>} : memref<16x256xf32, #tpu.memory_space<vmem>>, vector<16xf32>,
    tpu.vector_store %arg13[%swap3A_1379, %swap3A_1380], %add3A_1377 {strides = array<i32>} : memref<16x256xf32, #tpu.memory_space<vmem>>, vector<16xf32>,
    %get3A_1382 = arith.constant 4 : i32
    %get3A_1383 = arith.index_cast %get3A_1382 : i32 to index
    %get3A_1384 = arith.constant 80 : index
    %get3A_1385 = tpu.vector_load %arg11[%get3A_1383, %get3A_1384] {strides = array<i32>} : memref<16x256xf32, #tpu.memory_space<vmem>>, vector<16xf32>,
    %get3A_1386 = arith.constant 4 : i32
    %get3A_1387 = arith.index_cast %get3A_1386 : i32 to index
    %get3A_1388 = arith.constant 80 : index
    %get3A_1389 = tpu.vector_load %arg12[%get3A_1387, %get3A_1388] {strides = array<i32>} : memref<16x256xf32, #tpu.memory_space<vmem>>, vector<16xf32>,
    %mul3A_1390 = arith.mulf %get3A_1389, %add3A_1325 : vector<16xf32>
    %add3A_1391 = arith.addf %get3A_1385, %mul3A_1390 : vector<16xf32>
    %swap3A_1392 = arith.constant 4 : i32
    %swap3A_1393 = arith.index_cast %swap3A_1392 : i32 to index
    %swap3A_1394 = arith.constant 80 : index
    %swap3A_1395 = tpu.vector_load %arg13[%swap3A_1393, %swap3A_1394] {strides = array<i32>} : memref<16x256xf32, #tpu.memory_space<vmem>>, vector<16xf32>,
    tpu.vector_store %arg13[%swap3A_1393, %swap3A_1394], %add3A_1391 {strides = array<i32>} : memref<16x256xf32, #tpu.memory_space<vmem>>, vector<16xf32>,
    %get3A_1396 = arith.constant 5 : i32
    %get3A_1397 = arith.index_cast %get3A_1396 : i32 to index
    %get3A_1398 = arith.constant 80 : index
    %get3A_1399 = tpu.vector_load %arg11[%get3A_1397, %get3A_1398] {strides = array<i32>} : memref<16x256xf32, #tpu.memory_space<vmem>>, vector<16xf32>,
    %get3A_1400 = arith.constant 5 : i32
    %get3A_1401 = arith.index_cast %get3A_1400 : i32 to index
    %get3A_1402 = arith.constant 80 : index
    %get3A_1403 = tpu.vector_load %arg12[%get3A_1401, %get3A_1402] {strides = array<i32>} : memref<16x256xf32, #tpu.memory_space<vmem>>, vector<16xf32>,
    %mul3A_1404 = arith.mulf %get3A_1403, %add3A_1325 : vector<16xf32>
    %add3A_1405 = arith.addf %get3A_1399, %mul3A_1404 : vector<16xf32>
    %swap3A_1406 = arith.constant 5 : i32
    %swap3A_1407 = arith.index_cast %swap3A_1406 : i32 to index
    %swap3A_1408 = arith.constant 80 : index
    %swap3A_1409 = tpu.vector_load %arg13[%swap3A_1407, %swap3A_1408] {strides = array<i32>} : memref<16x256xf32, #tpu.memory_space<vmem>>, vector<16xf32>,
    tpu.vector_store %arg13[%swap3A_1407, %swap3A_1408], %add3A_1405 {strides = array<i32>} : memref<16x256xf32, #tpu.memory_space<vmem>>, vector<16xf32>,
    %get3A_1410 = arith.constant 6 : i32
    %get3A_1411 = arith.index_cast %get3A_1410 : i32 to index
    %get3A_1412 = arith.constant 80 : index
    %get3A_1413 = tpu.vector_load %arg11[%get3A_1411, %get3A_1412] {strides = array<i32>} : memref<16x256xf32, #tpu.memory_space<vmem>>, vector<16xf32>,
    %get3A_1414 = arith.constant 6 : i32
    %get3A_1415 = arith.index_cast %get3A_1414 : i32 to index
    %get3A_1416 = arith.constant 80 : index
    %get3A_1417 = tpu.vector_load %arg12[%get3A_1415, %get3A_1416] {strides = array<i32>} : memref<16x256xf32, #tpu.memory_space<vmem>>, vector<16xf32>,
    %mul3A_1418 = arith.mulf %get3A_1417, %add3A_1325 : vector<16xf32>
    %add3A_1419 = arith.addf %get3A_1413, %mul3A_1418 : vector<16xf32>
    %swap3A_1420 = arith.constant 6 : i32
    %swap3A_1421 = arith.index_cast %swap3A_1420 : i32 to index
    %swap3A_1422 = arith.constant 80 : index
    %swap3A_1423 = tpu.vector_load %arg13[%swap3A_1421, %swap3A_1422] {strides = array<i32>} : memref<16x256xf32, #tpu.memory_space<vmem>>, vector<16xf32>,
    tpu.vector_store %arg13[%swap3A_1421, %swap3A_1422], %add3A_1419 {strides = array<i32>} : memref<16x256xf32, #tpu.memory_space<vmem>>, vector<16xf32>,
    %get3A_1424 = arith.constant 7 : i32
    %get3A_1425 = arith.index_cast %get3A_1424 : i32 to index
    %get3A_1426 = arith.constant 80 : index
    %get3A_1427 = tpu.vector_load %arg11[%get3A_1425, %get3A_1426] {strides = array<i32>} : memref<16x256xf32, #tpu.memory_space<vmem>>, vector<16xf32>,
    %get3A_1428 = arith.constant 7 : i32
    %get3A_1429 = arith.index_cast %get3A_1428 : i32 to index
    %get3A_1430 = arith.constant 80 : index
    %get3A_1431 = tpu.vector_load %arg12[%get3A_1429, %get3A_1430] {strides = array<i32>} : memref<16x256xf32, #tpu.memory_space<vmem>>, vector<16xf32>,
    %mul3A_1432 = arith.mulf %get3A_1431, %add3A_1325 : vector<16xf32>
    %add3A_1433 = arith.addf %get3A_1427, %mul3A_1432 : vector<16xf32>
    %swap3A_1434 = arith.constant 7 : i32
    %swap3A_1435 = arith.index_cast %swap3A_1434 : i32 to index
    %swap3A_1436 = arith.constant 80 : index
    %swap3A_1437 = tpu.vector_load %arg13[%swap3A_1435, %swap3A_1436] {strides = array<i32>} : memref<16x256xf32, #tpu.memory_space<vmem>>, vector<16xf32>,
    tpu.vector_store %arg13[%swap3A_1435, %swap3A_1436], %add3A_1433 {strides = array<i32>} : memref<16x256xf32, #tpu.memory_space<vmem>>, vector<16xf32>,
    %get3A_1438 = arith.constant 8 : i32
    %get3A_1439 = arith.index_cast %get3A_1438 : i32 to index
    %get3A_1440 = arith.constant 80 : index
    %get3A_1441 = tpu.vector_load %arg11[%get3A_1439, %get3A_1440] {strides = array<i32>} : memref<16x256xf32, #tpu.memory_space<vmem>>, vector<16xf32>,
    %get3A_1442 = arith.constant 8 : i32
    %get3A_1443 = arith.index_cast %get3A_1442 : i32 to index
    %get3A_1444 = arith.constant 80 : index
    %get3A_1445 = tpu.vector_load %arg12[%get3A_1443, %get3A_1444] {strides = array<i32>} : memref<16x256xf32, #tpu.memory_space<vmem>>, vector<16xf32>,
    %mul3A_1446 = arith.mulf %get3A_1445, %add3A_1325 : vector<16xf32>
    %add3A_1447 = arith.addf %get3A_1441, %mul3A_1446 : vector<16xf32>
    %swap3A_1448 = arith.constant 8 : i32
    %swap3A_1449 = arith.index_cast %swap3A_1448 : i32 to index
    %swap3A_1450 = arith.constant 80 : index
    %swap3A_1451 = tpu.vector_load %arg13[%swap3A_1449, %swap3A_1450] {strides = array<i32>} : memref<16x256xf32, #tpu.memory_space<vmem>>, vector<16xf32>,
    tpu.vector_store %arg13[%swap3A_1449, %swap3A_1450], %add3A_1447 {strides = array<i32>} : memref<16x256xf32, #tpu.memory_space<vmem>>, vector<16xf32>,
    %get3A_1452 = arith.constant 9 : i32
    %get3A_1453 = arith.index_cast %get3A_1452 : i32 to index
    %get3A_1454 = arith.constant 80 : index
    %get3A_1455 = tpu.vector_load %arg11[%get3A_1453, %get3A_1454] {strides = array<i32>} : memref<16x256xf32, #tpu.memory_space<vmem>>, vector<16xf32>,
    %get3A_1456 = arith.constant 9 : i32
    %get3A_1457 = arith.index_cast %get3A_1456 : i32 to index
    %get3A_1458 = arith.constant 80 : index
    %get3A_1459 = tpu.vector_load %arg12[%get3A_1457, %get3A_1458] {strides = array<i32>} : memref<16x256xf32, #tpu.memory_space<vmem>>, vector<16xf32>,
    %mul3A_1460 = arith.mulf %get3A_1459, %add3A_1325 : vector<16xf32>
    %add3A_1461 = arith.addf %get3A_1455, %mul3A_1460 : vector<16xf32>
    %swap3A_1462 = arith.constant 9 : i32
    %swap3A_1463 = arith.index_cast %swap3A_1462 : i32 to index
    %swap3A_1464 = arith.constant 80 : index
    %swap3A_1465 = tpu.vector_load %arg13[%swap3A_1463, %swap3A_1464] {strides = array<i32>} : memref<16x256xf32, #tpu.memory_space<vmem>>, vector<16xf32>,
    tpu.vector_store %arg13[%swap3A_1463, %swap3A_1464], %add3A_1461 {strides = array<i32>} : memref<16x256xf32, #tpu.memory_space<vmem>>, vector<16xf32>,
    %get3A_1466 = arith.constant 10 : i32
    %get3A_1467 = arith.index_cast %get3A_1466 : i32 to index
    %get3A_1468 = arith.constant 80 : index
    %get3A_1469 = tpu.vector_load %arg11[%get3A_1467, %get3A_1468] {strides = array<i32>} : memref<16x256xf32, #tpu.memory_space<vmem>>, vector<16xf32>,
    %get3A_1470 = arith.constant 10 : i32
    %get3A_1471 = arith.index_cast %get3A_1470 : i32 to index
    %get3A_1472 = arith.constant 80 : index
    %get3A_1473 = tpu.vector_load %arg12[%get3A_1471, %get3A_1472] {strides = array<i32>} : memref<16x256xf32, #tpu.memory_space<vmem>>, vector<16xf32>,
    %mul3A_1474 = arith.mulf %get3A_1473, %add3A_1325 : vector<16xf32>
    %add3A_1475 = arith.addf %get3A_1469, %mul3A_1474 : vector<16xf32>
    %swap3A_1476 = arith.constant 10 : i32
    %swap3A_1477 = arith.index_cast %swap3A_1476 : i32 to index
    %swap3A_1478 = arith.constant 80 : index
    %swap3A_1479 = tpu.vector_load %arg13[%swap3A_1477, %swap3A_1478] {strides = array<i32>} : memref<16x256xf32, #tpu.memory_space<vmem>>, vector<16xf32>,
    tpu.vector_store %arg13[%swap3A_1477, %swap3A_1478], %add3A_1475 {strides = array<i32>} : memref<16x256xf32, #tpu.memory_space<vmem>>, vector<16xf32>,
    %get3A_1480 = arith.constant 11 : i32
    %get3A_1481 = arith.index_cast %get3A_1480 : i32 to index
    %get3A_1482 = arith.constant 80 : index
    %get3A_1483 = tpu.vector_load %arg11[%get3A_1481, %get3A_1482] {strides = array<i32>} : memref<16x256xf32, #tpu.memory_space<vmem>>, vector<16xf32>,
    %get3A_1484 = arith.constant 11 : i32
    %get3A_1485 = arith.index_cast %get3A_1484 : i32 to index
    %get3A_1486 = arith.constant 80 : index
    %get3A_1487 = tpu.vector_load %arg12[%get3A_1485, %get3A_1486] {strides = array<i32>} : memref<16x256xf32, #tpu.memory_space<vmem>>, vector<16xf32>,
    %mul3A_1488 = arith.mulf %get3A_1487, %add3A_1325 : vector<16xf32>
    %add3A_1489 = arith.addf %get3A_1483, %mul3A_1488 : vector<16xf32>
    %swap3A_1490 = arith.constant 11 : i32
    %swap3A_1491 = arith.index_cast %swap3A_1490 : i32 to index
    %swap3A_1492 = arith.constant 80 : index
    %swap3A_1493 = tpu.vector_load %arg13[%swap3A_1491, %swap3A_1492] {strides = array<i32>} : memref<16x256xf32, #tpu.memory_space<vmem>>, vector<16xf32>,
    tpu.vector_store %arg13[%swap3A_1491, %swap3A_1492], %add3A_1489 {strides = array<i32>} : memref<16x256xf32, #tpu.memory_space<vmem>>, vector<16xf32>,
    %get3A_1494 = arith.constant 12 : i32
    %get3A_1495 = arith.index_cast %get3A_1494 : i32 to index
    %get3A_1496 = arith.constant 80 : index
    %get3A_1497 = tpu.vector_load %arg11[%get3A_1495, %get3A_1496] {strides = array<i32>} : memref<16x256xf32, #tpu.memory_space<vmem>>, vector<16xf32>,
    %get3A_1498 = arith.constant 12 : i32
    %get3A_1499 = arith.index_cast %get3A_1498 : i32 to index
    %get3A_1500 = arith.constant 80 : index
    %get3A_1501 = tpu.vector_load %arg12[%get3A_1499, %get3A_1500] {strides = array<i32>} : memref<16x256xf32, #tpu.memory_space<vmem>>, vector<16xf32>,
    %mul3A_1502 = arith.mulf %get3A_1501, %add3A_1325 : vector<16xf32>
    %add3A_1503 = arith.addf %get3A_1497, %mul3A_1502 : vector<16xf32>
    %swap3A_1504 = arith.constant 12 : i32
    %swap3A_1505 = arith.index_cast %swap3A_1504 : i32 to index
    %swap3A_1506 = arith.constant 80 : index
    %swap3A_1507 = tpu.vector_load %arg13[%swap3A_1505, %swap3A_1506] {strides = array<i32>} : memref<16x256xf32, #tpu.memory_space<vmem>>, vector<16xf32>,
    tpu.vector_store %arg13[%swap3A_1505, %swap3A_1506], %add3A_1503 {strides = array<i32>} : memref<16x256xf32, #tpu.memory_space<vmem>>, vector<16xf32>,
    %get3A_1508 = arith.constant 13 : i32
    %get3A_1509 = arith.index_cast %get3A_1508 : i32 to index
    %get3A_1510 = arith.constant 80 : index
    %get3A_1511 = tpu.vector_load %arg11[%get3A_1509, %get3A_1510] {strides = array<i32>} : memref<16x256xf32, #tpu.memory_space<vmem>>, vector<16xf32>,
    %get3A_1512 = arith.constant 13 : i32
    %get3A_1513 = arith.index_cast %get3A_1512 : i32 to index
    %get3A_1514 = arith.constant 80 : index
    %get3A_1515 = tpu.vector_load %arg12[%get3A_1513, %get3A_1514] {strides = array<i32>} : memref<16x256xf32, #tpu.memory_space<vmem>>, vector<16xf32>,
    %mul3A_1516 = arith.mulf %get3A_1515, %add3A_1325 : vector<16xf32>
    %add3A_1517 = arith.addf %get3A_1511, %mul3A_1516 : vector<16xf32>
    %swap3A_1518 = arith.constant 13 : i32
    %swap3A_1519 = arith.index_cast %swap3A_1518 : i32 to index
    %swap3A_1520 = arith.constant 80 : index
    %swap3A_1521 = tpu.vector_load %arg13[%swap3A_1519, %swap3A_1520] {strides = array<i32>} : memref<16x256xf32, #tpu.memory_space<vmem>>, vector<16xf32>,
    tpu.vector_store %arg13[%swap3A_1519, %swap3A_1520], %add3A_1517 {strides = array<i32>} : memref<16x256xf32, #tpu.memory_space<vmem>>, vector<16xf32>,
    %get3A_1522 = arith.constant 14 : i32
    %get3A_1523 = arith.index_cast %get3A_1522 : i32 to index
    %get3A_1524 = arith.constant 80 : index
    %get3A_1525 = tpu.vector_load %arg11[%get3A_1523, %get3A_1524] {strides = array<i32>} : memref<16x256xf32, #tpu.memory_space<vmem>>, vector<16xf32>,
    %get3A_1526 = arith.constant 14 : i32
    %get3A_1527 = arith.index_cast %get3A_1526 : i32 to index
    %get3A_1528 = arith.constant 80 : index
    %get3A_1529 = tpu.vector_load %arg12[%get3A_1527, %get3A_1528] {strides = array<i32>} : memref<16x256xf32, #tpu.memory_space<vmem>>, vector<16xf32>,
    %mul3A_1530 = arith.mulf %get3A_1529, %add3A_1325 : vector<16xf32>
    %add3A_1531 = arith.addf %get3A_1525, %mul3A_1530 : vector<16xf32>
    %swap3A_1532 = arith.constant 14 : i32
    %swap3A_1533 = arith.index_cast %swap3A_1532 : i32 to index
    %swap3A_1534 = arith.constant 80 : index
    %swap3A_1535 = tpu.vector_load %arg13[%swap3A_1533, %swap3A_1534] {strides = array<i32>} : memref<16x256xf32, #tpu.memory_space<vmem>>, vector<16xf32>,
    tpu.vector_store %arg13[%swap3A_1533, %swap3A_1534], %add3A_1531 {strides = array<i32>} : memref<16x256xf32, #tpu.memory_space<vmem>>, vector<16xf32>,
    %get3A_1536 = arith.constant 15 : i32
    %get3A_1537 = arith.index_cast %get3A_1536 : i32 to index
    %get3A_1538 = arith.constant 80 : index
    %get3A_1539 = tpu.vector_load %arg11[%get3A_1537, %get3A_1538] {strides = array<i32>} : memref<16x256xf32, #tpu.memory_space<vmem>>, vector<16xf32>,
    %get3A_1540 = arith.constant 15 : i32
    %get3A_1541 = arith.index_cast %get3A_1540 : i32 to index
    %get3A_1542 = arith.constant 80 : index
    %get3A_1543 = tpu.vector_load %arg12[%get3A_1541, %get3A_1542] {strides = array<i32>} : memref<16x256xf32, #tpu.memory_space<vmem>>, vector<16xf32>,
    %mul3A_1544 = arith.mulf %get3A_1543, %add3A_1325 : vector<16xf32>
    %add3A_1545 = arith.addf %get3A_1539, %mul3A_1544 : vector<16xf32>
    %swap3A_1546 = arith.constant 15 : i32
    %swap3A_1547 = arith.index_cast %swap3A_1546 : i32 to index
    %swap3A_1548 = arith.constant 80 : index
    %swap3A_1549 = tpu.vector_load %arg13[%swap3A_1547, %swap3A_1548] {strides = array<i32>} : memref<16x256xf32, #tpu.memory_space<vmem>>, vector<16xf32>,
    tpu.vector_store %arg13[%swap3A_1547, %swap3A_1548], %add3A_1545 {strides = array<i32>} : memref<16x256xf32, #tpu.memory_space<vmem>>, vector<16xf32>,
    %iota3A_1550 = tpu.iota {dimensions = array<i32: 0>} : vector<16xi32>
    %add3A_1551 = arith.constant 96 : i32
    %add3A_1552 = arith.addi %mul3A_2, %add3A_1551 : i32
    %add3A_1553 = vector.broadcast %add3A_1552 : i32 to vector<16xi32>
    %add3A_1554 = arith.addi %iota3A_1550, %add3A_1553 : vector<16xi32>
    %div3A_1555 = arith.divsi %add3A_1554, %div3A : vector<16xi32>
    %mul3A_1556 = arith.muli %div3A_1555, %div3A : vector<16xi32>
    %sub3A_1557 = arith.subi %add3A_1554, %mul3A_1556 : vector<16xi32>
    %add3A_1558 = arith.constant 1 : i32
    %add3A_1559 = vector.broadcast %add3A_1558 : i32 to vector<16xi32>
    %add3A_1560 = arith.addi %div3A_1555, %add3A_1559 : vector<16xi32>
    %min3A_1561 = arith.constant 64 : i32
    %min3A_1562 = vector.broadcast %min3A_1561 : i32 to vector<16xi32>
    %min3A_1563 = arith.minsi %add3A_1560, %min3A_1562 : vector<16xi32>
    %ge3A_1564 = vector.broadcast %multiple_of3A_39 : i32 to vector<16xi32>
    %ge3A_1565 = arith.cmpi sge, %sub3A_1557, %ge3A_1564 : vector<16xi32>
    %sub3A_1566 = vector.broadcast %multiple_of3A_39 : i32 to vector<16xi32>
    %sub3A_1567 = arith.subi %sub3A_1557, %sub3A_1566 : vector<16xi32>
    %add3A_1568 = arith.constant 264 : i32
    %add3A_1569 = vector.broadcast %add3A_1568 : i32 to vector<16xi32>
    %add3A_1570 = arith.addi %sub3A_1557, %add3A_1569 : vector<16xi32>
    %select_n3A_1571 = arith.select %ge3A_1565, %sub3A_1567, %add3A_1570 : vector<16xi1>, vector<16xi32>
    %gather3A_1572 = tpu.vector_load_idx %arg8[%select_n3A_1571] : memref<520xf32, #tpu.memory_space<vmem>>[vector<16xi32>], vector<16xf32>,
    %gather3A_1573 = tpu.vector_load_idx %arg9[%min3A_1563] : memref<65xf32, #tpu.memory_space<vmem>>[vector<16xi32>], vector<16xf32>,
    %add3A_1574 = arith.addf %gather3A_1572, %gather3A_1573 : vector<16xf32>
    %get3A_1575 = arith.constant 0 : i32
    %get3A_1576 = arith.index_cast %get3A_1575 : i32 to index
    %get3A_1577 = arith.constant 96 : index
    %get3A_1578 = tpu.vector_load %arg11[%get3A_1576, %get3A_1577] {strides = array<i32>} : memref<16x256xf32, #tpu.memory_space<vmem>>, vector<16xf32>,
    %get3A_1579 = arith.constant 0 : i32
    %get3A_1580 = arith.index_cast %get3A_1579 : i32 to index
    %get3A_1581 = arith.constant 96 : index
    %get3A_1582 = tpu.vector_load %arg12[%get3A_1580, %get3A_1581] {strides = array<i32>} : memref<16x256xf32, #tpu.memory_space<vmem>>, vector<16xf32>,
    %mul3A_1583 = arith.mulf %get3A_1582, %add3A_1574 : vector<16xf32>
    %add3A_1584 = arith.addf %get3A_1578, %mul3A_1583 : vector<16xf32>
    %swap3A_1585 = arith.constant 0 : i32
    %swap3A_1586 = arith.index_cast %swap3A_1585 : i32 to index
    %swap3A_1587 = arith.constant 96 : index
    %swap3A_1588 = tpu.vector_load %arg13[%swap3A_1586, %swap3A_1587] {strides = array<i32>} : memref<16x256xf32, #tpu.memory_space<vmem>>, vector<16xf32>,
    tpu.vector_store %arg13[%swap3A_1586, %swap3A_1587], %add3A_1584 {strides = array<i32>} : memref<16x256xf32, #tpu.memory_space<vmem>>, vector<16xf32>,
    %get3A_1589 = arith.constant 1 : i32
    %get3A_1590 = arith.index_cast %get3A_1589 : i32 to index
    %get3A_1591 = arith.constant 96 : index
    %get3A_1592 = tpu.vector_load %arg11[%get3A_1590, %get3A_1591] {strides = array<i32>} : memref<16x256xf32, #tpu.memory_space<vmem>>, vector<16xf32>,
    %get3A_1593 = arith.constant 1 : i32
    %get3A_1594 = arith.index_cast %get3A_1593 : i32 to index
    %get3A_1595 = arith.constant 96 : index
    %get3A_1596 = tpu.vector_load %arg12[%get3A_1594, %get3A_1595] {strides = array<i32>} : memref<16x256xf32, #tpu.memory_space<vmem>>, vector<16xf32>,
    %mul3A_1597 = arith.mulf %get3A_1596, %add3A_1574 : vector<16xf32>
    %add3A_1598 = arith.addf %get3A_1592, %mul3A_1597 : vector<16xf32>
    %swap3A_1599 = arith.constant 1 : i32
    %swap3A_1600 = arith.index_cast %swap3A_1599 : i32 to index
    %swap3A_1601 = arith.constant 96 : index
    %swap3A_1602 = tpu.vector_load %arg13[%swap3A_1600, %swap3A_1601] {strides = array<i32>} : memref<16x256xf32, #tpu.memory_space<vmem>>, vector<16xf32>,
    tpu.vector_store %arg13[%swap3A_1600, %swap3A_1601], %add3A_1598 {strides = array<i32>} : memref<16x256xf32, #tpu.memory_space<vmem>>, vector<16xf32>,
    %get3A_1603 = arith.constant 2 : i32
    %get3A_1604 = arith.index_cast %get3A_1603 : i32 to index
    %get3A_1605 = arith.constant 96 : index
    %get3A_1606 = tpu.vector_load %arg11[%get3A_1604, %get3A_1605] {strides = array<i32>} : memref<16x256xf32, #tpu.memory_space<vmem>>, vector<16xf32>,
    %get3A_1607 = arith.constant 2 : i32
    %get3A_1608 = arith.index_cast %get3A_1607 : i32 to index
    %get3A_1609 = arith.constant 96 : index
    %get3A_1610 = tpu.vector_load %arg12[%get3A_1608, %get3A_1609] {strides = array<i32>} : memref<16x256xf32, #tpu.memory_space<vmem>>, vector<16xf32>,
    %mul3A_1611 = arith.mulf %get3A_1610, %add3A_1574 : vector<16xf32>
    %add3A_1612 = arith.addf %get3A_1606, %mul3A_1611 : vector<16xf32>
    %swap3A_1613 = arith.constant 2 : i32
    %swap3A_1614 = arith.index_cast %swap3A_1613 : i32 to index
    %swap3A_1615 = arith.constant 96 : index
    %swap3A_1616 = tpu.vector_load %arg13[%swap3A_1614, %swap3A_1615] {strides = array<i32>} : memref<16x256xf32, #tpu.memory_space<vmem>>, vector<16xf32>,
    tpu.vector_store %arg13[%swap3A_1614, %swap3A_1615], %add3A_1612 {strides = array<i32>} : memref<16x256xf32, #tpu.memory_space<vmem>>, vector<16xf32>,
    %get3A_1617 = arith.constant 3 : i32
    %get3A_1618 = arith.index_cast %get3A_1617 : i32 to index
    %get3A_1619 = arith.constant 96 : index
    %get3A_1620 = tpu.vector_load %arg11[%get3A_1618, %get3A_1619] {strides = array<i32>} : memref<16x256xf32, #tpu.memory_space<vmem>>, vector<16xf32>,
    %get3A_1621 = arith.constant 3 : i32
    %get3A_1622 = arith.index_cast %get3A_1621 : i32 to index
    %get3A_1623 = arith.constant 96 : index
    %get3A_1624 = tpu.vector_load %arg12[%get3A_1622, %get3A_1623] {strides = array<i32>} : memref<16x256xf32, #tpu.memory_space<vmem>>, vector<16xf32>,
    %mul3A_1625 = arith.mulf %get3A_1624, %add3A_1574 : vector<16xf32>
    %add3A_1626 = arith.addf %get3A_1620, %mul3A_1625 : vector<16xf32>
    %swap3A_1627 = arith.constant 3 : i32
    %swap3A_1628 = arith.index_cast %swap3A_1627 : i32 to index
    %swap3A_1629 = arith.constant 96 : index
    %swap3A_1630 = tpu.vector_load %arg13[%swap3A_1628, %swap3A_1629] {strides = array<i32>} : memref<16x256xf32, #tpu.memory_space<vmem>>, vector<16xf32>,
    tpu.vector_store %arg13[%swap3A_1628, %swap3A_1629], %add3A_1626 {strides = array<i32>} : memref<16x256xf32, #tpu.memory_space<vmem>>, vector<16xf32>,
    %get3A_1631 = arith.constant 4 : i32
    %get3A_1632 = arith.index_cast %get3A_1631 : i32 to index
    %get3A_1633 = arith.constant 96 : index
    %get3A_1634 = tpu.vector_load %arg11[%get3A_1632, %get3A_1633] {strides = array<i32>} : memref<16x256xf32, #tpu.memory_space<vmem>>, vector<16xf32>,
    %get3A_1635 = arith.constant 4 : i32
    %get3A_1636 = arith.index_cast %get3A_1635 : i32 to index
    %get3A_1637 = arith.constant 96 : index
    %get3A_1638 = tpu.vector_load %arg12[%get3A_1636, %get3A_1637] {strides = array<i32>} : memref<16x256xf32, #tpu.memory_space<vmem>>, vector<16xf32>,
    %mul3A_1639 = arith.mulf %get3A_1638, %add3A_1574 : vector<16xf32>
    %add3A_1640 = arith.addf %get3A_1634, %mul3A_1639 : vector<16xf32>
    %swap3A_1641 = arith.constant 4 : i32
    %swap3A_1642 = arith.index_cast %swap3A_1641 : i32 to index
    %swap3A_1643 = arith.constant 96 : index
    %swap3A_1644 = tpu.vector_load %arg13[%swap3A_1642, %swap3A_1643] {strides = array<i32>} : memref<16x256xf32, #tpu.memory_space<vmem>>, vector<16xf32>,
    tpu.vector_store %arg13[%swap3A_1642, %swap3A_1643], %add3A_1640 {strides = array<i32>} : memref<16x256xf32, #tpu.memory_space<vmem>>, vector<16xf32>,
    %get3A_1645 = arith.constant 5 : i32
    %get3A_1646 = arith.index_cast %get3A_1645 : i32 to index
    %get3A_1647 = arith.constant 96 : index
    %get3A_1648 = tpu.vector_load %arg11[%get3A_1646, %get3A_1647] {strides = array<i32>} : memref<16x256xf32, #tpu.memory_space<vmem>>, vector<16xf32>,
    %get3A_1649 = arith.constant 5 : i32
    %get3A_1650 = arith.index_cast %get3A_1649 : i32 to index
    %get3A_1651 = arith.constant 96 : index
    %get3A_1652 = tpu.vector_load %arg12[%get3A_1650, %get3A_1651] {strides = array<i32>} : memref<16x256xf32, #tpu.memory_space<vmem>>, vector<16xf32>,
    %mul3A_1653 = arith.mulf %get3A_1652, %add3A_1574 : vector<16xf32>
    %add3A_1654 = arith.addf %get3A_1648, %mul3A_1653 : vector<16xf32>
    %swap3A_1655 = arith.constant 5 : i32
    %swap3A_1656 = arith.index_cast %swap3A_1655 : i32 to index
    %swap3A_1657 = arith.constant 96 : index
    %swap3A_1658 = tpu.vector_load %arg13[%swap3A_1656, %swap3A_1657] {strides = array<i32>} : memref<16x256xf32, #tpu.memory_space<vmem>>, vector<16xf32>,
    tpu.vector_store %arg13[%swap3A_1656, %swap3A_1657], %add3A_1654 {strides = array<i32>} : memref<16x256xf32, #tpu.memory_space<vmem>>, vector<16xf32>,
    %get3A_1659 = arith.constant 6 : i32
    %get3A_1660 = arith.index_cast %get3A_1659 : i32 to index
    %get3A_1661 = arith.constant 96 : index
    %get3A_1662 = tpu.vector_load %arg11[%get3A_1660, %get3A_1661] {strides = array<i32>} : memref<16x256xf32, #tpu.memory_space<vmem>>, vector<16xf32>,
    %get3A_1663 = arith.constant 6 : i32
    %get3A_1664 = arith.index_cast %get3A_1663 : i32 to index
    %get3A_1665 = arith.constant 96 : index
    %get3A_1666 = tpu.vector_load %arg12[%get3A_1664, %get3A_1665] {strides = array<i32>} : memref<16x256xf32, #tpu.memory_space<vmem>>, vector<16xf32>,
    %mul3A_1667 = arith.mulf %get3A_1666, %add3A_1574 : vector<16xf32>
    %add3A_1668 = arith.addf %get3A_1662, %mul3A_1667 : vector<16xf32>
    %swap3A_1669 = arith.constant 6 : i32
    %swap3A_1670 = arith.index_cast %swap3A_1669 : i32 to index
    %swap3A_1671 = arith.constant 96 : index
    %swap3A_1672 = tpu.vector_load %arg13[%swap3A_1670, %swap3A_1671] {strides = array<i32>} : memref<16x256xf32, #tpu.memory_space<vmem>>, vector<16xf32>,
    tpu.vector_store %arg13[%swap3A_1670, %swap3A_1671], %add3A_1668 {strides = array<i32>} : memref<16x256xf32, #tpu.memory_space<vmem>>, vector<16xf32>,
    %get3A_1673 = arith.constant 7 : i32
    %get3A_1674 = arith.index_cast %get3A_1673 : i32 to index
    %get3A_1675 = arith.constant 96 : index
    %get3A_1676 = tpu.vector_load %arg11[%get3A_1674, %get3A_1675] {strides = array<i32>} : memref<16x256xf32, #tpu.memory_space<vmem>>, vector<16xf32>,
    %get3A_1677 = arith.constant 7 : i32
    %get3A_1678 = arith.index_cast %get3A_1677 : i32 to index
    %get3A_1679 = arith.constant 96 : index
    %get3A_1680 = tpu.vector_load %arg12[%get3A_1678, %get3A_1679] {strides = array<i32>} : memref<16x256xf32, #tpu.memory_space<vmem>>, vector<16xf32>,
    %mul3A_1681 = arith.mulf %get3A_1680, %add3A_1574 : vector<16xf32>
    %add3A_1682 = arith.addf %get3A_1676, %mul3A_1681 : vector<16xf32>
    %swap3A_1683 = arith.constant 7 : i32
    %swap3A_1684 = arith.index_cast %swap3A_1683 : i32 to index
    %swap3A_1685 = arith.constant 96 : index
    %swap3A_1686 = tpu.vector_load %arg13[%swap3A_1684, %swap3A_1685] {strides = array<i32>} : memref<16x256xf32, #tpu.memory_space<vmem>>, vector<16xf32>,
    tpu.vector_store %arg13[%swap3A_1684, %swap3A_1685], %add3A_1682 {strides = array<i32>} : memref<16x256xf32, #tpu.memory_space<vmem>>, vector<16xf32>,
    %get3A_1687 = arith.constant 8 : i32
    %get3A_1688 = arith.index_cast %get3A_1687 : i32 to index
    %get3A_1689 = arith.constant 96 : index
    %get3A_1690 = tpu.vector_load %arg11[%get3A_1688, %get3A_1689] {strides = array<i32>} : memref<16x256xf32, #tpu.memory_space<vmem>>, vector<16xf32>,
    %get3A_1691 = arith.constant 8 : i32
    %get3A_1692 = arith.index_cast %get3A_1691 : i32 to index
    %get3A_1693 = arith.constant 96 : index
    %get3A_1694 = tpu.vector_load %arg12[%get3A_1692, %get3A_1693] {strides = array<i32>} : memref<16x256xf32, #tpu.memory_space<vmem>>, vector<16xf32>,
    %mul3A_1695 = arith.mulf %get3A_1694, %add3A_1574 : vector<16xf32>
    %add3A_1696 = arith.addf %get3A_1690, %mul3A_1695 : vector<16xf32>
    %swap3A_1697 = arith.constant 8 : i32
    %swap3A_1698 = arith.index_cast %swap3A_1697 : i32 to index
    %swap3A_1699 = arith.constant 96 : index
    %swap3A_1700 = tpu.vector_load %arg13[%swap3A_1698, %swap3A_1699] {strides = array<i32>} : memref<16x256xf32, #tpu.memory_space<vmem>>, vector<16xf32>,
    tpu.vector_store %arg13[%swap3A_1698, %swap3A_1699], %add3A_1696 {strides = array<i32>} : memref<16x256xf32, #tpu.memory_space<vmem>>, vector<16xf32>,
    %get3A_1701 = arith.constant 9 : i32
    %get3A_1702 = arith.index_cast %get3A_1701 : i32 to index
    %get3A_1703 = arith.constant 96 : index
    %get3A_1704 = tpu.vector_load %arg11[%get3A_1702, %get3A_1703] {strides = array<i32>} : memref<16x256xf32, #tpu.memory_space<vmem>>, vector<16xf32>,
    %get3A_1705 = arith.constant 9 : i32
    %get3A_1706 = arith.index_cast %get3A_1705 : i32 to index
    %get3A_1707 = arith.constant 96 : index
    %get3A_1708 = tpu.vector_load %arg12[%get3A_1706, %get3A_1707] {strides = array<i32>} : memref<16x256xf32, #tpu.memory_space<vmem>>, vector<16xf32>,
    %mul3A_1709 = arith.mulf %get3A_1708, %add3A_1574 : vector<16xf32>
    %add3A_1710 = arith.addf %get3A_1704, %mul3A_1709 : vector<16xf32>
    %swap3A_1711 = arith.constant 9 : i32
    %swap3A_1712 = arith.index_cast %swap3A_1711 : i32 to index
    %swap3A_1713 = arith.constant 96 : index
    %swap3A_1714 = tpu.vector_load %arg13[%swap3A_1712, %swap3A_1713] {strides = array<i32>} : memref<16x256xf32, #tpu.memory_space<vmem>>, vector<16xf32>,
    tpu.vector_store %arg13[%swap3A_1712, %swap3A_1713], %add3A_1710 {strides = array<i32>} : memref<16x256xf32, #tpu.memory_space<vmem>>, vector<16xf32>,
    %get3A_1715 = arith.constant 10 : i32
    %get3A_1716 = arith.index_cast %get3A_1715 : i32 to index
    %get3A_1717 = arith.constant 96 : index
    %get3A_1718 = tpu.vector_load %arg11[%get3A_1716, %get3A_1717] {strides = array<i32>} : memref<16x256xf32, #tpu.memory_space<vmem>>, vector<16xf32>,
    %get3A_1719 = arith.constant 10 : i32
    %get3A_1720 = arith.index_cast %get3A_1719 : i32 to index
    %get3A_1721 = arith.constant 96 : index
    %get3A_1722 = tpu.vector_load %arg12[%get3A_1720, %get3A_1721] {strides = array<i32>} : memref<16x256xf32, #tpu.memory_space<vmem>>, vector<16xf32>,
    %mul3A_1723 = arith.mulf %get3A_1722, %add3A_1574 : vector<16xf32>
    %add3A_1724 = arith.addf %get3A_1718, %mul3A_1723 : vector<16xf32>
    %swap3A_1725 = arith.constant 10 : i32
    %swap3A_1726 = arith.index_cast %swap3A_1725 : i32 to index
    %swap3A_1727 = arith.constant 96 : index
    %swap3A_1728 = tpu.vector_load %arg13[%swap3A_1726, %swap3A_1727] {strides = array<i32>} : memref<16x256xf32, #tpu.memory_space<vmem>>, vector<16xf32>,
    tpu.vector_store %arg13[%swap3A_1726, %swap3A_1727], %add3A_1724 {strides = array<i32>} : memref<16x256xf32, #tpu.memory_space<vmem>>, vector<16xf32>,
    %get3A_1729 = arith.constant 11 : i32
    %get3A_1730 = arith.index_cast %get3A_1729 : i32 to index
    %get3A_1731 = arith.constant 96 : index
    %get3A_1732 = tpu.vector_load %arg11[%get3A_1730, %get3A_1731] {strides = array<i32>} : memref<16x256xf32, #tpu.memory_space<vmem>>, vector<16xf32>,
    %get3A_1733 = arith.constant 11 : i32
    %get3A_1734 = arith.index_cast %get3A_1733 : i32 to index
    %get3A_1735 = arith.constant 96 : index
    %get3A_1736 = tpu.vector_load %arg12[%get3A_1734, %get3A_1735] {strides = array<i32>} : memref<16x256xf32, #tpu.memory_space<vmem>>, vector<16xf32>,
    %mul3A_1737 = arith.mulf %get3A_1736, %add3A_1574 : vector<16xf32>
    %add3A_1738 = arith.addf %get3A_1732, %mul3A_1737 : vector<16xf32>
    %swap3A_1739 = arith.constant 11 : i32
    %swap3A_1740 = arith.index_cast %swap3A_1739 : i32 to index
    %swap3A_1741 = arith.constant 96 : index
    %swap3A_1742 = tpu.vector_load %arg13[%swap3A_1740, %swap3A_1741] {strides = array<i32>} : memref<16x256xf32, #tpu.memory_space<vmem>>, vector<16xf32>,
    tpu.vector_store %arg13[%swap3A_1740, %swap3A_1741], %add3A_1738 {strides = array<i32>} : memref<16x256xf32, #tpu.memory_space<vmem>>, vector<16xf32>,
    %get3A_1743 = arith.constant 12 : i32
    %get3A_1744 = arith.index_cast %get3A_1743 : i32 to index
    %get3A_1745 = arith.constant 96 : index
    %get3A_1746 = tpu.vector_load %arg11[%get3A_1744, %get3A_1745] {strides = array<i32>} : memref<16x256xf32, #tpu.memory_space<vmem>>, vector<16xf32>,
    %get3A_1747 = arith.constant 12 : i32
    %get3A_1748 = arith.index_cast %get3A_1747 : i32 to index
    %get3A_1749 = arith.constant 96 : index
    %get3A_1750 = tpu.vector_load %arg12[%get3A_1748, %get3A_1749] {strides = array<i32>} : memref<16x256xf32, #tpu.memory_space<vmem>>, vector<16xf32>,
    %mul3A_1751 = arith.mulf %get3A_1750, %add3A_1574 : vector<16xf32>
    %add3A_1752 = arith.addf %get3A_1746, %mul3A_1751 : vector<16xf32>
    %swap3A_1753 = arith.constant 12 : i32
    %swap3A_1754 = arith.index_cast %swap3A_1753 : i32 to index
    %swap3A_1755 = arith.constant 96 : index
    %swap3A_1756 = tpu.vector_load %arg13[%swap3A_1754, %swap3A_1755] {strides = array<i32>} : memref<16x256xf32, #tpu.memory_space<vmem>>, vector<16xf32>,
    tpu.vector_store %arg13[%swap3A_1754, %swap3A_1755], %add3A_1752 {strides = array<i32>} : memref<16x256xf32, #tpu.memory_space<vmem>>, vector<16xf32>,
    %get3A_1757 = arith.constant 13 : i32
    %get3A_1758 = arith.index_cast %get3A_1757 : i32 to index
    %get3A_1759 = arith.constant 96 : index
    %get3A_1760 = tpu.vector_load %arg11[%get3A_1758, %get3A_1759] {strides = array<i32>} : memref<16x256xf32, #tpu.memory_space<vmem>>, vector<16xf32>,
    %get3A_1761 = arith.constant 13 : i32
    %get3A_1762 = arith.index_cast %get3A_1761 : i32 to index
    %get3A_1763 = arith.constant 96 : index
    %get3A_1764 = tpu.vector_load %arg12[%get3A_1762, %get3A_1763] {strides = array<i32>} : memref<16x256xf32, #tpu.memory_space<vmem>>, vector<16xf32>,
    %mul3A_1765 = arith.mulf %get3A_1764, %add3A_1574 : vector<16xf32>
    %add3A_1766 = arith.addf %get3A_1760, %mul3A_1765 : vector<16xf32>
    %swap3A_1767 = arith.constant 13 : i32
    %swap3A_1768 = arith.index_cast %swap3A_1767 : i32 to index
    %swap3A_1769 = arith.constant 96 : index
    %swap3A_1770 = tpu.vector_load %arg13[%swap3A_1768, %swap3A_1769] {strides = array<i32>} : memref<16x256xf32, #tpu.memory_space<vmem>>, vector<16xf32>,
    tpu.vector_store %arg13[%swap3A_1768, %swap3A_1769], %add3A_1766 {strides = array<i32>} : memref<16x256xf32, #tpu.memory_space<vmem>>, vector<16xf32>,
    %get3A_1771 = arith.constant 14 : i32
    %get3A_1772 = arith.index_cast %get3A_1771 : i32 to index
    %get3A_1773 = arith.constant 96 : index
    %get3A_1774 = tpu.vector_load %arg11[%get3A_1772, %get3A_1773] {strides = array<i32>} : memref<16x256xf32, #tpu.memory_space<vmem>>, vector<16xf32>,
    %get3A_1775 = arith.constant 14 : i32
    %get3A_1776 = arith.index_cast %get3A_1775 : i32 to index
    %get3A_1777 = arith.constant 96 : index
    %get3A_1778 = tpu.vector_load %arg12[%get3A_1776, %get3A_1777] {strides = array<i32>} : memref<16x256xf32, #tpu.memory_space<vmem>>, vector<16xf32>,
    %mul3A_1779 = arith.mulf %get3A_1778, %add3A_1574 : vector<16xf32>
    %add3A_1780 = arith.addf %get3A_1774, %mul3A_1779 : vector<16xf32>
    %swap3A_1781 = arith.constant 14 : i32
    %swap3A_1782 = arith.index_cast %swap3A_1781 : i32 to index
    %swap3A_1783 = arith.constant 96 : index
    %swap3A_1784 = tpu.vector_load %arg13[%swap3A_1782, %swap3A_1783] {strides = array<i32>} : memref<16x256xf32, #tpu.memory_space<vmem>>, vector<16xf32>,
    tpu.vector_store %arg13[%swap3A_1782, %swap3A_1783], %add3A_1780 {strides = array<i32>} : memref<16x256xf32, #tpu.memory_space<vmem>>, vector<16xf32>,
    %get3A_1785 = arith.constant 15 : i32
    %get3A_1786 = arith.index_cast %get3A_1785 : i32 to index
    %get3A_1787 = arith.constant 96 : index
    %get3A_1788 = tpu.vector_load %arg11[%get3A_1786, %get3A_1787] {strides = array<i32>} : memref<16x256xf32, #tpu.memory_space<vmem>>, vector<16xf32>,
    %get3A_1789 = arith.constant 15 : i32
    %get3A_1790 = arith.index_cast %get3A_1789 : i32 to index
    %get3A_1791 = arith.constant 96 : index
    %get3A_1792 = tpu.vector_load %arg12[%get3A_1790, %get3A_1791] {strides = array<i32>} : memref<16x256xf32, #tpu.memory_space<vmem>>, vector<16xf32>,
    %mul3A_1793 = arith.mulf %get3A_1792, %add3A_1574 : vector<16xf32>
    %add3A_1794 = arith.addf %get3A_1788, %mul3A_1793 : vector<16xf32>
    %swap3A_1795 = arith.constant 15 : i32
    %swap3A_1796 = arith.index_cast %swap3A_1795 : i32 to index
    %swap3A_1797 = arith.constant 96 : index
    %swap3A_1798 = tpu.vector_load %arg13[%swap3A_1796, %swap3A_1797] {strides = array<i32>} : memref<16x256xf32, #tpu.memory_space<vmem>>, vector<16xf32>,
    tpu.vector_store %arg13[%swap3A_1796, %swap3A_1797], %add3A_1794 {strides = array<i32>} : memref<16x256xf32, #tpu.memory_space<vmem>>, vector<16xf32>,
    %iota3A_1799 = tpu.iota {dimensions = array<i32: 0>} : vector<16xi32>
    %add3A_1800 = arith.constant 112 : i32
    %add3A_1801 = arith.addi %mul3A_2, %add3A_1800 : i32
    %add3A_1802 = vector.broadcast %add3A_1801 : i32 to vector<16xi32>
    %add3A_1803 = arith.addi %iota3A_1799, %add3A_1802 : vector<16xi32>
    %div3A_1804 = arith.divsi %add3A_1803, %div3A : vector<16xi32>
    %mul3A_1805 = arith.muli %div3A_1804, %div3A : vector<16xi32>
    %sub3A_1806 = arith.subi %add3A_1803, %mul3A_1805 : vector<16xi32>
    %add3A_1807 = arith.constant 1 : i32
    %add3A_1808 = vector.broadcast %add3A_1807 : i32 to vector<16xi32>
    %add3A_1809 = arith.addi %div3A_1804, %add3A_1808 : vector<16xi32>
    %min3A_1810 = arith.constant 64 : i32
    %min3A_1811 = vector.broadcast %min3A_1810 : i32 to vector<16xi32>
    %min3A_1812 = arith.minsi %add3A_1809, %min3A_1811 : vector<16xi32>
    %ge3A_1813 = vector.broadcast %multiple_of3A_39 : i32 to vector<16xi32>
    %ge3A_1814 = arith.cmpi sge, %sub3A_1806, %ge3A_1813 : vector<16xi32>
    %sub3A_1815 = vector.broadcast %multiple_of3A_39 : i32 to vector<16xi32>
    %sub3A_1816 = arith.subi %sub3A_1806, %sub3A_1815 : vector<16xi32>
    %add3A_1817 = arith.constant 264 : i32
    %add3A_1818 = vector.broadcast %add3A_1817 : i32 to vector<16xi32>
    %add3A_1819 = arith.addi %sub3A_1806, %add3A_1818 : vector<16xi32>
    %select_n3A_1820 = arith.select %ge3A_1814, %sub3A_1816, %add3A_1819 : vector<16xi1>, vector<16xi32>
    %gather3A_1821 = tpu.vector_load_idx %arg8[%select_n3A_1820] : memref<520xf32, #tpu.memory_space<vmem>>[vector<16xi32>], vector<16xf32>,
    %gather3A_1822 = tpu.vector_load_idx %arg9[%min3A_1812] : memref<65xf32, #tpu.memory_space<vmem>>[vector<16xi32>], vector<16xf32>,
    %add3A_1823 = arith.addf %gather3A_1821, %gather3A_1822 : vector<16xf32>
    %get3A_1824 = arith.constant 0 : i32
    %get3A_1825 = arith.index_cast %get3A_1824 : i32 to index
    %get3A_1826 = arith.constant 112 : index
    %get3A_1827 = tpu.vector_load %arg11[%get3A_1825, %get3A_1826] {strides = array<i32>} : memref<16x256xf32, #tpu.memory_space<vmem>>, vector<16xf32>,
    %get3A_1828 = arith.constant 0 : i32
    %get3A_1829 = arith.index_cast %get3A_1828 : i32 to index
    %get3A_1830 = arith.constant 112 : index
    %get3A_1831 = tpu.vector_load %arg12[%get3A_1829, %get3A_1830] {strides = array<i32>} : memref<16x256xf32, #tpu.memory_space<vmem>>, vector<16xf32>,
    %mul3A_1832 = arith.mulf %get3A_1831, %add3A_1823 : vector<16xf32>
    %add3A_1833 = arith.addf %get3A_1827, %mul3A_1832 : vector<16xf32>
    %swap3A_1834 = arith.constant 0 : i32
    %swap3A_1835 = arith.index_cast %swap3A_1834 : i32 to index
    %swap3A_1836 = arith.constant 112 : index
    %swap3A_1837 = tpu.vector_load %arg13[%swap3A_1835, %swap3A_1836] {strides = array<i32>} : memref<16x256xf32, #tpu.memory_space<vmem>>, vector<16xf32>,
    tpu.vector_store %arg13[%swap3A_1835, %swap3A_1836], %add3A_1833 {strides = array<i32>} : memref<16x256xf32, #tpu.memory_space<vmem>>, vector<16xf32>,
    %get3A_1838 = arith.constant 1 : i32
    %get3A_1839 = arith.index_cast %get3A_1838 : i32 to index
    %get3A_1840 = arith.constant 112 : index
    %get3A_1841 = tpu.vector_load %arg11[%get3A_1839, %get3A_1840] {strides = array<i32>} : memref<16x256xf32, #tpu.memory_space<vmem>>, vector<16xf32>,
    %get3A_1842 = arith.constant 1 : i32
    %get3A_1843 = arith.index_cast %get3A_1842 : i32 to index
    %get3A_1844 = arith.constant 112 : index
    %get3A_1845 = tpu.vector_load %arg12[%get3A_1843, %get3A_1844] {strides = array<i32>} : memref<16x256xf32, #tpu.memory_space<vmem>>, vector<16xf32>,
    %mul3A_1846 = arith.mulf %get3A_1845, %add3A_1823 : vector<16xf32>
    %add3A_1847 = arith.addf %get3A_1841, %mul3A_1846 : vector<16xf32>
    %swap3A_1848 = arith.constant 1 : i32
    %swap3A_1849 = arith.index_cast %swap3A_1848 : i32 to index
    %swap3A_1850 = arith.constant 112 : index
    %swap3A_1851 = tpu.vector_load %arg13[%swap3A_1849, %swap3A_1850] {strides = array<i32>} : memref<16x256xf32, #tpu.memory_space<vmem>>, vector<16xf32>,
    tpu.vector_store %arg13[%swap3A_1849, %swap3A_1850], %add3A_1847 {strides = array<i32>} : memref<16x256xf32, #tpu.memory_space<vmem>>, vector<16xf32>,
    %get3A_1852 = arith.constant 2 : i32
    %get3A_1853 = arith.index_cast %get3A_1852 : i32 to index
    %get3A_1854 = arith.constant 112 : index
    %get3A_1855 = tpu.vector_load %arg11[%get3A_1853, %get3A_1854] {strides = array<i32>} : memref<16x256xf32, #tpu.memory_space<vmem>>, vector<16xf32>,
    %get3A_1856 = arith.constant 2 : i32
    %get3A_1857 = arith.index_cast %get3A_1856 : i32 to index
    %get3A_1858 = arith.constant 112 : index
    %get3A_1859 = tpu.vector_load %arg12[%get3A_1857, %get3A_1858] {strides = array<i32>} : memref<16x256xf32, #tpu.memory_space<vmem>>, vector<16xf32>,
    %mul3A_1860 = arith.mulf %get3A_1859, %add3A_1823 : vector<16xf32>
    %add3A_1861 = arith.addf %get3A_1855, %mul3A_1860 : vector<16xf32>
    %swap3A_1862 = arith.constant 2 : i32
    %swap3A_1863 = arith.index_cast %swap3A_1862 : i32 to index
    %swap3A_1864 = arith.constant 112 : index
    %swap3A_1865 = tpu.vector_load %arg13[%swap3A_1863, %swap3A_1864] {strides = array<i32>} : memref<16x256xf32, #tpu.memory_space<vmem>>, vector<16xf32>,
    tpu.vector_store %arg13[%swap3A_1863, %swap3A_1864], %add3A_1861 {strides = array<i32>} : memref<16x256xf32, #tpu.memory_space<vmem>>, vector<16xf32>,
    %get3A_1866 = arith.constant 3 : i32
    %get3A_1867 = arith.index_cast %get3A_1866 : i32 to index
    %get3A_1868 = arith.constant 112 : index
    %get3A_1869 = tpu.vector_load %arg11[%get3A_1867, %get3A_1868] {strides = array<i32>} : memref<16x256xf32, #tpu.memory_space<vmem>>, vector<16xf32>,
    %get3A_1870 = arith.constant 3 : i32
    %get3A_1871 = arith.index_cast %get3A_1870 : i32 to index
    %get3A_1872 = arith.constant 112 : index
    %get3A_1873 = tpu.vector_load %arg12[%get3A_1871, %get3A_1872] {strides = array<i32>} : memref<16x256xf32, #tpu.memory_space<vmem>>, vector<16xf32>,
    %mul3A_1874 = arith.mulf %get3A_1873, %add3A_1823 : vector<16xf32>
    %add3A_1875 = arith.addf %get3A_1869, %mul3A_1874 : vector<16xf32>
    %swap3A_1876 = arith.constant 3 : i32
    %swap3A_1877 = arith.index_cast %swap3A_1876 : i32 to index
    %swap3A_1878 = arith.constant 112 : index
    %swap3A_1879 = tpu.vector_load %arg13[%swap3A_1877, %swap3A_1878] {strides = array<i32>} : memref<16x256xf32, #tpu.memory_space<vmem>>, vector<16xf32>,
    tpu.vector_store %arg13[%swap3A_1877, %swap3A_1878], %add3A_1875 {strides = array<i32>} : memref<16x256xf32, #tpu.memory_space<vmem>>, vector<16xf32>,
    %get3A_1880 = arith.constant 4 : i32
    %get3A_1881 = arith.index_cast %get3A_1880 : i32 to index
    %get3A_1882 = arith.constant 112 : index
    %get3A_1883 = tpu.vector_load %arg11[%get3A_1881, %get3A_1882] {strides = array<i32>} : memref<16x256xf32, #tpu.memory_space<vmem>>, vector<16xf32>,
    %get3A_1884 = arith.constant 4 : i32
    %get3A_1885 = arith.index_cast %get3A_1884 : i32 to index
    %get3A_1886 = arith.constant 112 : index
    %get3A_1887 = tpu.vector_load %arg12[%get3A_1885, %get3A_1886] {strides = array<i32>} : memref<16x256xf32, #tpu.memory_space<vmem>>, vector<16xf32>,
    %mul3A_1888 = arith.mulf %get3A_1887, %add3A_1823 : vector<16xf32>
    %add3A_1889 = arith.addf %get3A_1883, %mul3A_1888 : vector<16xf32>
    %swap3A_1890 = arith.constant 4 : i32
    %swap3A_1891 = arith.index_cast %swap3A_1890 : i32 to index
    %swap3A_1892 = arith.constant 112 : index
    %swap3A_1893 = tpu.vector_load %arg13[%swap3A_1891, %swap3A_1892] {strides = array<i32>} : memref<16x256xf32, #tpu.memory_space<vmem>>, vector<16xf32>,
    tpu.vector_store %arg13[%swap3A_1891, %swap3A_1892], %add3A_1889 {strides = array<i32>} : memref<16x256xf32, #tpu.memory_space<vmem>>, vector<16xf32>,
    %get3A_1894 = arith.constant 5 : i32
    %get3A_1895 = arith.index_cast %get3A_1894 : i32 to index
    %get3A_1896 = arith.constant 112 : index
    %get3A_1897 = tpu.vector_load %arg11[%get3A_1895, %get3A_1896] {strides = array<i32>} : memref<16x256xf32, #tpu.memory_space<vmem>>, vector<16xf32>,
    %get3A_1898 = arith.constant 5 : i32
    %get3A_1899 = arith.index_cast %get3A_1898 : i32 to index
    %get3A_1900 = arith.constant 112 : index
    %get3A_1901 = tpu.vector_load %arg12[%get3A_1899, %get3A_1900] {strides = array<i32>} : memref<16x256xf32, #tpu.memory_space<vmem>>, vector<16xf32>,
    %mul3A_1902 = arith.mulf %get3A_1901, %add3A_1823 : vector<16xf32>
    %add3A_1903 = arith.addf %get3A_1897, %mul3A_1902 : vector<16xf32>
    %swap3A_1904 = arith.constant 5 : i32
    %swap3A_1905 = arith.index_cast %swap3A_1904 : i32 to index
    %swap3A_1906 = arith.constant 112 : index
    %swap3A_1907 = tpu.vector_load %arg13[%swap3A_1905, %swap3A_1906] {strides = array<i32>} : memref<16x256xf32, #tpu.memory_space<vmem>>, vector<16xf32>,
    tpu.vector_store %arg13[%swap3A_1905, %swap3A_1906], %add3A_1903 {strides = array<i32>} : memref<16x256xf32, #tpu.memory_space<vmem>>, vector<16xf32>,
    %get3A_1908 = arith.constant 6 : i32
    %get3A_1909 = arith.index_cast %get3A_1908 : i32 to index
    %get3A_1910 = arith.constant 112 : index
    %get3A_1911 = tpu.vector_load %arg11[%get3A_1909, %get3A_1910] {strides = array<i32>} : memref<16x256xf32, #tpu.memory_space<vmem>>, vector<16xf32>,
    %get3A_1912 = arith.constant 6 : i32
    %get3A_1913 = arith.index_cast %get3A_1912 : i32 to index
    %get3A_1914 = arith.constant 112 : index
    %get3A_1915 = tpu.vector_load %arg12[%get3A_1913, %get3A_1914] {strides = array<i32>} : memref<16x256xf32, #tpu.memory_space<vmem>>, vector<16xf32>,
    %mul3A_1916 = arith.mulf %get3A_1915, %add3A_1823 : vector<16xf32>
    %add3A_1917 = arith.addf %get3A_1911, %mul3A_1916 : vector<16xf32>
    %swap3A_1918 = arith.constant 6 : i32
    %swap3A_1919 = arith.index_cast %swap3A_1918 : i32 to index
    %swap3A_1920 = arith.constant 112 : index
    %swap3A_1921 = tpu.vector_load %arg13[%swap3A_1919, %swap3A_1920] {strides = array<i32>} : memref<16x256xf32, #tpu.memory_space<vmem>>, vector<16xf32>,
    tpu.vector_store %arg13[%swap3A_1919, %swap3A_1920], %add3A_1917 {strides = array<i32>} : memref<16x256xf32, #tpu.memory_space<vmem>>, vector<16xf32>,
    %get3A_1922 = arith.constant 7 : i32
    %get3A_1923 = arith.index_cast %get3A_1922 : i32 to index
    %get3A_1924 = arith.constant 112 : index
    %get3A_1925 = tpu.vector_load %arg11[%get3A_1923, %get3A_1924] {strides = array<i32>} : memref<16x256xf32, #tpu.memory_space<vmem>>, vector<16xf32>,
    %get3A_1926 = arith.constant 7 : i32
    %get3A_1927 = arith.index_cast %get3A_1926 : i32 to index
    %get3A_1928 = arith.constant 112 : index
    %get3A_1929 = tpu.vector_load %arg12[%get3A_1927, %get3A_1928] {strides = array<i32>} : memref<16x256xf32, #tpu.memory_space<vmem>>, vector<16xf32>,
    %mul3A_1930 = arith.mulf %get3A_1929, %add3A_1823 : vector<16xf32>
    %add3A_1931 = arith.addf %get3A_1925, %mul3A_1930 : vector<16xf32>
    %swap3A_1932 = arith.constant 7 : i32
    %swap3A_1933 = arith.index_cast %swap3A_1932 : i32 to index
    %swap3A_1934 = arith.constant 112 : index
    %swap3A_1935 = tpu.vector_load %arg13[%swap3A_1933, %swap3A_1934] {strides = array<i32>} : memref<16x256xf32, #tpu.memory_space<vmem>>, vector<16xf32>,
    tpu.vector_store %arg13[%swap3A_1933, %swap3A_1934], %add3A_1931 {strides = array<i32>} : memref<16x256xf32, #tpu.memory_space<vmem>>, vector<16xf32>,
    %get3A_1936 = arith.constant 8 : i32
    %get3A_1937 = arith.index_cast %get3A_1936 : i32 to index
    %get3A_1938 = arith.constant 112 : index
    %get3A_1939 = tpu.vector_load %arg11[%get3A_1937, %get3A_1938] {strides = array<i32>} : memref<16x256xf32, #tpu.memory_space<vmem>>, vector<16xf32>,
    %get3A_1940 = arith.constant 8 : i32
    %get3A_1941 = arith.index_cast %get3A_1940 : i32 to index
    %get3A_1942 = arith.constant 112 : index
    %get3A_1943 = tpu.vector_load %arg12[%get3A_1941, %get3A_1942] {strides = array<i32>} : memref<16x256xf32, #tpu.memory_space<vmem>>, vector<16xf32>,
    %mul3A_1944 = arith.mulf %get3A_1943, %add3A_1823 : vector<16xf32>
    %add3A_1945 = arith.addf %get3A_1939, %mul3A_1944 : vector<16xf32>
    %swap3A_1946 = arith.constant 8 : i32
    %swap3A_1947 = arith.index_cast %swap3A_1946 : i32 to index
    %swap3A_1948 = arith.constant 112 : index
    %swap3A_1949 = tpu.vector_load %arg13[%swap3A_1947, %swap3A_1948] {strides = array<i32>} : memref<16x256xf32, #tpu.memory_space<vmem>>, vector<16xf32>,
    tpu.vector_store %arg13[%swap3A_1947, %swap3A_1948], %add3A_1945 {strides = array<i32>} : memref<16x256xf32, #tpu.memory_space<vmem>>, vector<16xf32>,
    %get3A_1950 = arith.constant 9 : i32
    %get3A_1951 = arith.index_cast %get3A_1950 : i32 to index
    %get3A_1952 = arith.constant 112 : index
    %get3A_1953 = tpu.vector_load %arg11[%get3A_1951, %get3A_1952] {strides = array<i32>} : memref<16x256xf32, #tpu.memory_space<vmem>>, vector<16xf32>,
    %get3A_1954 = arith.constant 9 : i32
    %get3A_1955 = arith.index_cast %get3A_1954 : i32 to index
    %get3A_1956 = arith.constant 112 : index
    %get3A_1957 = tpu.vector_load %arg12[%get3A_1955, %get3A_1956] {strides = array<i32>} : memref<16x256xf32, #tpu.memory_space<vmem>>, vector<16xf32>,
    %mul3A_1958 = arith.mulf %get3A_1957, %add3A_1823 : vector<16xf32>
    %add3A_1959 = arith.addf %get3A_1953, %mul3A_1958 : vector<16xf32>
    %swap3A_1960 = arith.constant 9 : i32
    %swap3A_1961 = arith.index_cast %swap3A_1960 : i32 to index
    %swap3A_1962 = arith.constant 112 : index
    %swap3A_1963 = tpu.vector_load %arg13[%swap3A_1961, %swap3A_1962] {strides = array<i32>} : memref<16x256xf32, #tpu.memory_space<vmem>>, vector<16xf32>,
    tpu.vector_store %arg13[%swap3A_1961, %swap3A_1962], %add3A_1959 {strides = array<i32>} : memref<16x256xf32, #tpu.memory_space<vmem>>, vector<16xf32>,
    %get3A_1964 = arith.constant 10 : i32
    %get3A_1965 = arith.index_cast %get3A_1964 : i32 to index
    %get3A_1966 = arith.constant 112 : index
    %get3A_1967 = tpu.vector_load %arg11[%get3A_1965, %get3A_1966] {strides = array<i32>} : memref<16x256xf32, #tpu.memory_space<vmem>>, vector<16xf32>,
    %get3A_1968 = arith.constant 10 : i32
    %get3A_1969 = arith.index_cast %get3A_1968 : i32 to index
    %get3A_1970 = arith.constant 112 : index
    %get3A_1971 = tpu.vector_load %arg12[%get3A_1969, %get3A_1970] {strides = array<i32>} : memref<16x256xf32, #tpu.memory_space<vmem>>, vector<16xf32>,
    %mul3A_1972 = arith.mulf %get3A_1971, %add3A_1823 : vector<16xf32>
    %add3A_1973 = arith.addf %get3A_1967, %mul3A_1972 : vector<16xf32>
    %swap3A_1974 = arith.constant 10 : i32
    %swap3A_1975 = arith.index_cast %swap3A_1974 : i32 to index
    %swap3A_1976 = arith.constant 112 : index
    %swap3A_1977 = tpu.vector_load %arg13[%swap3A_1975, %swap3A_1976] {strides = array<i32>} : memref<16x256xf32, #tpu.memory_space<vmem>>, vector<16xf32>,
    tpu.vector_store %arg13[%swap3A_1975, %swap3A_1976], %add3A_1973 {strides = array<i32>} : memref<16x256xf32, #tpu.memory_space<vmem>>, vector<16xf32>,
    %get3A_1978 = arith.constant 11 : i32
    %get3A_1979 = arith.index_cast %get3A_1978 : i32 to index
    %get3A_1980 = arith.constant 112 : index
    %get3A_1981 = tpu.vector_load %arg11[%get3A_1979, %get3A_1980] {strides = array<i32>} : memref<16x256xf32, #tpu.memory_space<vmem>>, vector<16xf32>,
    %get3A_1982 = arith.constant 11 : i32
    %get3A_1983 = arith.index_cast %get3A_1982 : i32 to index
    %get3A_1984 = arith.constant 112 : index
    %get3A_1985 = tpu.vector_load %arg12[%get3A_1983, %get3A_1984] {strides = array<i32>} : memref<16x256xf32, #tpu.memory_space<vmem>>, vector<16xf32>,
    %mul3A_1986 = arith.mulf %get3A_1985, %add3A_1823 : vector<16xf32>
    %add3A_1987 = arith.addf %get3A_1981, %mul3A_1986 : vector<16xf32>
    %swap3A_1988 = arith.constant 11 : i32
    %swap3A_1989 = arith.index_cast %swap3A_1988 : i32 to index
    %swap3A_1990 = arith.constant 112 : index
    %swap3A_1991 = tpu.vector_load %arg13[%swap3A_1989, %swap3A_1990] {strides = array<i32>} : memref<16x256xf32, #tpu.memory_space<vmem>>, vector<16xf32>,
    tpu.vector_store %arg13[%swap3A_1989, %swap3A_1990], %add3A_1987 {strides = array<i32>} : memref<16x256xf32, #tpu.memory_space<vmem>>, vector<16xf32>,
    %get3A_1992 = arith.constant 12 : i32
    %get3A_1993 = arith.index_cast %get3A_1992 : i32 to index
    %get3A_1994 = arith.constant 112 : index
    %get3A_1995 = tpu.vector_load %arg11[%get3A_1993, %get3A_1994] {strides = array<i32>} : memref<16x256xf32, #tpu.memory_space<vmem>>, vector<16xf32>,
    %get3A_1996 = arith.constant 12 : i32
    %get3A_1997 = arith.index_cast %get3A_1996 : i32 to index
    %get3A_1998 = arith.constant 112 : index
    %get3A_1999 = tpu.vector_load %arg12[%get3A_1997, %get3A_1998] {strides = array<i32>} : memref<16x256xf32, #tpu.memory_space<vmem>>, vector<16xf32>,
    %mul3A_2000 = arith.mulf %get3A_1999, %add3A_1823 : vector<16xf32>
    %add3A_2001 = arith.addf %get3A_1995, %mul3A_2000 : vector<16xf32>
    %swap3A_2002 = arith.constant 12 : i32
    %swap3A_2003 = arith.index_cast %swap3A_2002 : i32 to index
    %swap3A_2004 = arith.constant 112 : index
    %swap3A_2005 = tpu.vector_load %arg13[%swap3A_2003, %swap3A_2004] {strides = array<i32>} : memref<16x256xf32, #tpu.memory_space<vmem>>, vector<16xf32>,
    tpu.vector_store %arg13[%swap3A_2003, %swap3A_2004], %add3A_2001 {strides = array<i32>} : memref<16x256xf32, #tpu.memory_space<vmem>>, vector<16xf32>,
    %get3A_2006 = arith.constant 13 : i32
    %get3A_2007 = arith.index_cast %get3A_2006 : i32 to index
    %get3A_2008 = arith.constant 112 : index
    %get3A_2009 = tpu.vector_load %arg11[%get3A_2007, %get3A_2008] {strides = array<i32>} : memref<16x256xf32, #tpu.memory_space<vmem>>, vector<16xf32>,
    %get3A_2010 = arith.constant 13 : i32
    %get3A_2011 = arith.index_cast %get3A_2010 : i32 to index
    %get3A_2012 = arith.constant 112 : index
    %get3A_2013 = tpu.vector_load %arg12[%get3A_2011, %get3A_2012] {strides = array<i32>} : memref<16x256xf32, #tpu.memory_space<vmem>>, vector<16xf32>,
    %mul3A_2014 = arith.mulf %get3A_2013, %add3A_1823 : vector<16xf32>
    %add3A_2015 = arith.addf %get3A_2009, %mul3A_2014 : vector<16xf32>
    %swap3A_2016 = arith.constant 13 : i32
    %swap3A_2017 = arith.index_cast %swap3A_2016 : i32 to index
    %swap3A_2018 = arith.constant 112 : index
    %swap3A_2019 = tpu.vector_load %arg13[%swap3A_2017, %swap3A_2018] {strides = array<i32>} : memref<16x256xf32, #tpu.memory_space<vmem>>, vector<16xf32>,
    tpu.vector_store %arg13[%swap3A_2017, %swap3A_2018], %add3A_2015 {strides = array<i32>} : memref<16x256xf32, #tpu.memory_space<vmem>>, vector<16xf32>,
    %get3A_2020 = arith.constant 14 : i32
    %get3A_2021 = arith.index_cast %get3A_2020 : i32 to index
    %get3A_2022 = arith.constant 112 : index
    %get3A_2023 = tpu.vector_load %arg11[%get3A_2021, %get3A_2022] {strides = array<i32>} : memref<16x256xf32, #tpu.memory_space<vmem>>, vector<16xf32>,
    %get3A_2024 = arith.constant 14 : i32
    %get3A_2025 = arith.index_cast %get3A_2024 : i32 to index
    %get3A_2026 = arith.constant 112 : index
    %get3A_2027 = tpu.vector_load %arg12[%get3A_2025, %get3A_2026] {strides = array<i32>} : memref<16x256xf32, #tpu.memory_space<vmem>>, vector<16xf32>,
    %mul3A_2028 = arith.mulf %get3A_2027, %add3A_1823 : vector<16xf32>
    %add3A_2029 = arith.addf %get3A_2023, %mul3A_2028 : vector<16xf32>
    %swap3A_2030 = arith.constant 14 : i32
    %swap3A_2031 = arith.index_cast %swap3A_2030 : i32 to index
    %swap3A_2032 = arith.constant 112 : index
    %swap3A_2033 = tpu.vector_load %arg13[%swap3A_2031, %swap3A_2032] {strides = array<i32>} : memref<16x256xf32, #tpu.memory_space<vmem>>, vector<16xf32>,
    tpu.vector_store %arg13[%swap3A_2031, %swap3A_2032], %add3A_2029 {strides = array<i32>} : memref<16x256xf32, #tpu.memory_space<vmem>>, vector<16xf32>,
    %get3A_2034 = arith.constant 15 : i32
    %get3A_2035 = arith.index_cast %get3A_2034 : i32 to index
    %get3A_2036 = arith.constant 112 : index
    %get3A_2037 = tpu.vector_load %arg11[%get3A_2035, %get3A_2036] {strides = array<i32>} : memref<16x256xf32, #tpu.memory_space<vmem>>, vector<16xf32>,
    %get3A_2038 = arith.constant 15 : i32
    %get3A_2039 = arith.index_cast %get3A_2038 : i32 to index
    %get3A_2040 = arith.constant 112 : index
    %get3A_2041 = tpu.vector_load %arg12[%get3A_2039, %get3A_2040] {strides = array<i32>} : memref<16x256xf32, #tpu.memory_space<vmem>>, vector<16xf32>,
    %mul3A_2042 = arith.mulf %get3A_2041, %add3A_1823 : vector<16xf32>
    %add3A_2043 = arith.addf %get3A_2037, %mul3A_2042 : vector<16xf32>
    %swap3A_2044 = arith.constant 15 : i32
    %swap3A_2045 = arith.index_cast %swap3A_2044 : i32 to index
    %swap3A_2046 = arith.constant 112 : index
    %swap3A_2047 = tpu.vector_load %arg13[%swap3A_2045, %swap3A_2046] {strides = array<i32>} : memref<16x256xf32, #tpu.memory_space<vmem>>, vector<16xf32>,
    tpu.vector_store %arg13[%swap3A_2045, %swap3A_2046], %add3A_2043 {strides = array<i32>} : memref<16x256xf32, #tpu.memory_space<vmem>>, vector<16xf32>,
    %dma_start3A_2048 = arith.constant 0 : i32
    %dma_start3A_2049 = arith.constant 0 : i32
    %dma_start3A_2050 = tpu.memref_slice %arg13[%dma_start3A_2048, %dma_start3A_2049] : memref<16x256xf32, #tpu.memory_space<vmem>> -> memref<16x128xf32, #tpu.memory_space<vmem>>
    %dma_start3A_2051 = arith.constant 0 : i32
    %dma_start3A_2052 = tpu.memref_slice %arg7[%dma_start3A_2051, %mul3A_2] : memref<16x4096xf32, #tpu.memory_space<hbm>> -> memref<16x128xf32, #tpu.memory_space<hbm>>
    %dma_start3A_2053 = arith.constant 0 : i32
    %dma_start3A_2054 = tpu.memref_slice %arg7[%dma_start3A_2053, %mul3A_2] : memref<16x4096xf32, #tpu.memory_space<hbm>> -> memref<16x128xf32, #tpu.memory_space<hbm>>
    %dma_start3A_2055 = arith.constant 0 : i32
    %dma_start3A_2056 = arith.constant 0 : i32
    %dma_start3A_2057 = tpu.memref_slice %arg13[%dma_start3A_2055, %dma_start3A_2056] : memref<16x256xf32, #tpu.memory_space<vmem>> -> memref<16x128xf32, #tpu.memory_space<vmem>>
    tpu.enqueue_dma source(%dma_start3A_2057 : memref<16x128xf32, #tpu.memory_space<vmem>>) target(%dma_start3A_2054 : memref<16x128xf32, #tpu.memory_space<hbm>>) target_semaphore(%arg15 : memref<!tpu.dma_semaphore, #tpu.memory_space<semaphore_mem>>)
    %iota3A_2058 = tpu.iota {dimensions = array<i32: 0>} : vector<16xi32>
    %add3A_2059 = arith.constant 128 : i32
    %add3A_2060 = arith.addi %mul3A_2, %add3A_2059 : i32
    %add3A_2061 = vector.broadcast %add3A_2060 : i32 to vector<16xi32>
    %add3A_2062 = arith.addi %iota3A_2058, %add3A_2061 : vector<16xi32>
    %div3A_2063 = arith.divsi %add3A_2062, %div3A : vector<16xi32>
    %mul3A_2064 = arith.muli %div3A_2063, %div3A : vector<16xi32>
    %sub3A_2065 = arith.subi %add3A_2062, %mul3A_2064 : vector<16xi32>
    %add3A_2066 = arith.constant 1 : i32
    %add3A_2067 = vector.broadcast %add3A_2066 : i32 to vector<16xi32>
    %add3A_2068 = arith.addi %div3A_2063, %add3A_2067 : vector<16xi32>
    %min3A_2069 = arith.constant 64 : i32
    %min3A_2070 = vector.broadcast %min3A_2069 : i32 to vector<16xi32>
    %min3A_2071 = arith.minsi %add3A_2068, %min3A_2070 : vector<16xi32>
    %ge3A_2072 = vector.broadcast %multiple_of3A_39 : i32 to vector<16xi32>
    %ge3A_2073 = arith.cmpi sge, %sub3A_2065, %ge3A_2072 : vector<16xi32>
    %sub3A_2074 = vector.broadcast %multiple_of3A_39 : i32 to vector<16xi32>
    %sub3A_2075 = arith.subi %sub3A_2065, %sub3A_2074 : vector<16xi32>
    %add3A_2076 = arith.constant 264 : i32
    %add3A_2077 = vector.broadcast %add3A_2076 : i32 to vector<16xi32>
    %add3A_2078 = arith.addi %sub3A_2065, %add3A_2077 : vector<16xi32>
    %select_n3A_2079 = arith.select %ge3A_2073, %sub3A_2075, %add3A_2078 : vector<16xi1>, vector<16xi32>
    %gather3A_2080 = tpu.vector_load_idx %arg8[%select_n3A_2079] : memref<520xf32, #tpu.memory_space<vmem>>[vector<16xi32>], vector<16xf32>,
    %gather3A_2081 = tpu.vector_load_idx %arg9[%min3A_2071] : memref<65xf32, #tpu.memory_space<vmem>>[vector<16xi32>], vector<16xf32>,
    %add3A_2082 = arith.addf %gather3A_2080, %gather3A_2081 : vector<16xf32>
    %get3A_2083 = arith.constant 0 : i32
    %get3A_2084 = arith.index_cast %get3A_2083 : i32 to index
    %get3A_2085 = arith.constant 128 : index
    %get3A_2086 = tpu.vector_load %arg11[%get3A_2084, %get3A_2085] {strides = array<i32>} : memref<16x256xf32, #tpu.memory_space<vmem>>, vector<16xf32>,
    %get3A_2087 = arith.constant 0 : i32
    %get3A_2088 = arith.index_cast %get3A_2087 : i32 to index
    %get3A_2089 = arith.constant 128 : index
    %get3A_2090 = tpu.vector_load %arg12[%get3A_2088, %get3A_2089] {strides = array<i32>} : memref<16x256xf32, #tpu.memory_space<vmem>>, vector<16xf32>,
    %mul3A_2091 = arith.mulf %get3A_2090, %add3A_2082 : vector<16xf32>
    %add3A_2092 = arith.addf %get3A_2086, %mul3A_2091 : vector<16xf32>
    %swap3A_2093 = arith.constant 0 : i32
    %swap3A_2094 = arith.index_cast %swap3A_2093 : i32 to index
    %swap3A_2095 = arith.constant 128 : index
    %swap3A_2096 = tpu.vector_load %arg13[%swap3A_2094, %swap3A_2095] {strides = array<i32>} : memref<16x256xf32, #tpu.memory_space<vmem>>, vector<16xf32>,
    tpu.vector_store %arg13[%swap3A_2094, %swap3A_2095], %add3A_2092 {strides = array<i32>} : memref<16x256xf32, #tpu.memory_space<vmem>>, vector<16xf32>,
    %get3A_2097 = arith.constant 1 : i32
    %get3A_2098 = arith.index_cast %get3A_2097 : i32 to index
    %get3A_2099 = arith.constant 128 : index
    %get3A_2100 = tpu.vector_load %arg11[%get3A_2098, %get3A_2099] {strides = array<i32>} : memref<16x256xf32, #tpu.memory_space<vmem>>, vector<16xf32>,
    %get3A_2101 = arith.constant 1 : i32
    %get3A_2102 = arith.index_cast %get3A_2101 : i32 to index
    %get3A_2103 = arith.constant 128 : index
    %get3A_2104 = tpu.vector_load %arg12[%get3A_2102, %get3A_2103] {strides = array<i32>} : memref<16x256xf32, #tpu.memory_space<vmem>>, vector<16xf32>,
    %mul3A_2105 = arith.mulf %get3A_2104, %add3A_2082 : vector<16xf32>
    %add3A_2106 = arith.addf %get3A_2100, %mul3A_2105 : vector<16xf32>
    %swap3A_2107 = arith.constant 1 : i32
    %swap3A_2108 = arith.index_cast %swap3A_2107 : i32 to index
    %swap3A_2109 = arith.constant 128 : index
    %swap3A_2110 = tpu.vector_load %arg13[%swap3A_2108, %swap3A_2109] {strides = array<i32>} : memref<16x256xf32, #tpu.memory_space<vmem>>, vector<16xf32>,
    tpu.vector_store %arg13[%swap3A_2108, %swap3A_2109], %add3A_2106 {strides = array<i32>} : memref<16x256xf32, #tpu.memory_space<vmem>>, vector<16xf32>,
    %get3A_2111 = arith.constant 2 : i32
    %get3A_2112 = arith.index_cast %get3A_2111 : i32 to index
    %get3A_2113 = arith.constant 128 : index
    %get3A_2114 = tpu.vector_load %arg11[%get3A_2112, %get3A_2113] {strides = array<i32>} : memref<16x256xf32, #tpu.memory_space<vmem>>, vector<16xf32>,
    %get3A_2115 = arith.constant 2 : i32
    %get3A_2116 = arith.index_cast %get3A_2115 : i32 to index
    %get3A_2117 = arith.constant 128 : index
    %get3A_2118 = tpu.vector_load %arg12[%get3A_2116, %get3A_2117] {strides = array<i32>} : memref<16x256xf32, #tpu.memory_space<vmem>>, vector<16xf32>,
    %mul3A_2119 = arith.mulf %get3A_2118, %add3A_2082 : vector<16xf32>
    %add3A_2120 = arith.addf %get3A_2114, %mul3A_2119 : vector<16xf32>
    %swap3A_2121 = arith.constant 2 : i32
    %swap3A_2122 = arith.index_cast %swap3A_2121 : i32 to index
    %swap3A_2123 = arith.constant 128 : index
    %swap3A_2124 = tpu.vector_load %arg13[%swap3A_2122, %swap3A_2123] {strides = array<i32>} : memref<16x256xf32, #tpu.memory_space<vmem>>, vector<16xf32>,
    tpu.vector_store %arg13[%swap3A_2122, %swap3A_2123], %add3A_2120 {strides = array<i32>} : memref<16x256xf32, #tpu.memory_space<vmem>>, vector<16xf32>,
    %get3A_2125 = arith.constant 3 : i32
    %get3A_2126 = arith.index_cast %get3A_2125 : i32 to index
    %get3A_2127 = arith.constant 128 : index
    %get3A_2128 = tpu.vector_load %arg11[%get3A_2126, %get3A_2127] {strides = array<i32>} : memref<16x256xf32, #tpu.memory_space<vmem>>, vector<16xf32>,
    %get3A_2129 = arith.constant 3 : i32
    %get3A_2130 = arith.index_cast %get3A_2129 : i32 to index
    %get3A_2131 = arith.constant 128 : index
    %get3A_2132 = tpu.vector_load %arg12[%get3A_2130, %get3A_2131] {strides = array<i32>} : memref<16x256xf32, #tpu.memory_space<vmem>>, vector<16xf32>,
    %mul3A_2133 = arith.mulf %get3A_2132, %add3A_2082 : vector<16xf32>
    %add3A_2134 = arith.addf %get3A_2128, %mul3A_2133 : vector<16xf32>
    %swap3A_2135 = arith.constant 3 : i32
    %swap3A_2136 = arith.index_cast %swap3A_2135 : i32 to index
    %swap3A_2137 = arith.constant 128 : index
    %swap3A_2138 = tpu.vector_load %arg13[%swap3A_2136, %swap3A_2137] {strides = array<i32>} : memref<16x256xf32, #tpu.memory_space<vmem>>, vector<16xf32>,
    tpu.vector_store %arg13[%swap3A_2136, %swap3A_2137], %add3A_2134 {strides = array<i32>} : memref<16x256xf32, #tpu.memory_space<vmem>>, vector<16xf32>,
    %get3A_2139 = arith.constant 4 : i32
    %get3A_2140 = arith.index_cast %get3A_2139 : i32 to index
    %get3A_2141 = arith.constant 128 : index
    %get3A_2142 = tpu.vector_load %arg11[%get3A_2140, %get3A_2141] {strides = array<i32>} : memref<16x256xf32, #tpu.memory_space<vmem>>, vector<16xf32>,
    %get3A_2143 = arith.constant 4 : i32
    %get3A_2144 = arith.index_cast %get3A_2143 : i32 to index
    %get3A_2145 = arith.constant 128 : index
    %get3A_2146 = tpu.vector_load %arg12[%get3A_2144, %get3A_2145] {strides = array<i32>} : memref<16x256xf32, #tpu.memory_space<vmem>>, vector<16xf32>,
    %mul3A_2147 = arith.mulf %get3A_2146, %add3A_2082 : vector<16xf32>
    %add3A_2148 = arith.addf %get3A_2142, %mul3A_2147 : vector<16xf32>
    %swap3A_2149 = arith.constant 4 : i32
    %swap3A_2150 = arith.index_cast %swap3A_2149 : i32 to index
    %swap3A_2151 = arith.constant 128 : index
    %swap3A_2152 = tpu.vector_load %arg13[%swap3A_2150, %swap3A_2151] {strides = array<i32>} : memref<16x256xf32, #tpu.memory_space<vmem>>, vector<16xf32>,
    tpu.vector_store %arg13[%swap3A_2150, %swap3A_2151], %add3A_2148 {strides = array<i32>} : memref<16x256xf32, #tpu.memory_space<vmem>>, vector<16xf32>,
    %get3A_2153 = arith.constant 5 : i32
    %get3A_2154 = arith.index_cast %get3A_2153 : i32 to index
    %get3A_2155 = arith.constant 128 : index
    %get3A_2156 = tpu.vector_load %arg11[%get3A_2154, %get3A_2155] {strides = array<i32>} : memref<16x256xf32, #tpu.memory_space<vmem>>, vector<16xf32>,
    %get3A_2157 = arith.constant 5 : i32
    %get3A_2158 = arith.index_cast %get3A_2157 : i32 to index
    %get3A_2159 = arith.constant 128 : index
    %get3A_2160 = tpu.vector_load %arg12[%get3A_2158, %get3A_2159] {strides = array<i32>} : memref<16x256xf32, #tpu.memory_space<vmem>>, vector<16xf32>,
    %mul3A_2161 = arith.mulf %get3A_2160, %add3A_2082 : vector<16xf32>
    %add3A_2162 = arith.addf %get3A_2156, %mul3A_2161 : vector<16xf32>
    %swap3A_2163 = arith.constant 5 : i32
    %swap3A_2164 = arith.index_cast %swap3A_2163 : i32 to index
    %swap3A_2165 = arith.constant 128 : index
    %swap3A_2166 = tpu.vector_load %arg13[%swap3A_2164, %swap3A_2165] {strides = array<i32>} : memref<16x256xf32, #tpu.memory_space<vmem>>, vector<16xf32>,
    tpu.vector_store %arg13[%swap3A_2164, %swap3A_2165], %add3A_2162 {strides = array<i32>} : memref<16x256xf32, #tpu.memory_space<vmem>>, vector<16xf32>,
    %get3A_2167 = arith.constant 6 : i32
    %get3A_2168 = arith.index_cast %get3A_2167 : i32 to index
    %get3A_2169 = arith.constant 128 : index
    %get3A_2170 = tpu.vector_load %arg11[%get3A_2168, %get3A_2169] {strides = array<i32>} : memref<16x256xf32, #tpu.memory_space<vmem>>, vector<16xf32>,
    %get3A_2171 = arith.constant 6 : i32
    %get3A_2172 = arith.index_cast %get3A_2171 : i32 to index
    %get3A_2173 = arith.constant 128 : index
    %get3A_2174 = tpu.vector_load %arg12[%get3A_2172, %get3A_2173] {strides = array<i32>} : memref<16x256xf32, #tpu.memory_space<vmem>>, vector<16xf32>,
    %mul3A_2175 = arith.mulf %get3A_2174, %add3A_2082 : vector<16xf32>
    %add3A_2176 = arith.addf %get3A_2170, %mul3A_2175 : vector<16xf32>
    %swap3A_2177 = arith.constant 6 : i32
    %swap3A_2178 = arith.index_cast %swap3A_2177 : i32 to index
    %swap3A_2179 = arith.constant 128 : index
    %swap3A_2180 = tpu.vector_load %arg13[%swap3A_2178, %swap3A_2179] {strides = array<i32>} : memref<16x256xf32, #tpu.memory_space<vmem>>, vector<16xf32>,
    tpu.vector_store %arg13[%swap3A_2178, %swap3A_2179], %add3A_2176 {strides = array<i32>} : memref<16x256xf32, #tpu.memory_space<vmem>>, vector<16xf32>,
    %get3A_2181 = arith.constant 7 : i32
    %get3A_2182 = arith.index_cast %get3A_2181 : i32 to index
    %get3A_2183 = arith.constant 128 : index
    %get3A_2184 = tpu.vector_load %arg11[%get3A_2182, %get3A_2183] {strides = array<i32>} : memref<16x256xf32, #tpu.memory_space<vmem>>, vector<16xf32>,
    %get3A_2185 = arith.constant 7 : i32
    %get3A_2186 = arith.index_cast %get3A_2185 : i32 to index
    %get3A_2187 = arith.constant 128 : index
    %get3A_2188 = tpu.vector_load %arg12[%get3A_2186, %get3A_2187] {strides = array<i32>} : memref<16x256xf32, #tpu.memory_space<vmem>>, vector<16xf32>,
    %mul3A_2189 = arith.mulf %get3A_2188, %add3A_2082 : vector<16xf32>
    %add3A_2190 = arith.addf %get3A_2184, %mul3A_2189 : vector<16xf32>
    %swap3A_2191 = arith.constant 7 : i32
    %swap3A_2192 = arith.index_cast %swap3A_2191 : i32 to index
    %swap3A_2193 = arith.constant 128 : index
    %swap3A_2194 = tpu.vector_load %arg13[%swap3A_2192, %swap3A_2193] {strides = array<i32>} : memref<16x256xf32, #tpu.memory_space<vmem>>, vector<16xf32>,
    tpu.vector_store %arg13[%swap3A_2192, %swap3A_2193], %add3A_2190 {strides = array<i32>} : memref<16x256xf32, #tpu.memory_space<vmem>>, vector<16xf32>,
    %get3A_2195 = arith.constant 8 : i32
    %get3A_2196 = arith.index_cast %get3A_2195 : i32 to index
    %get3A_2197 = arith.constant 128 : index
    %get3A_2198 = tpu.vector_load %arg11[%get3A_2196, %get3A_2197] {strides = array<i32>} : memref<16x256xf32, #tpu.memory_space<vmem>>, vector<16xf32>,
    %get3A_2199 = arith.constant 8 : i32
    %get3A_2200 = arith.index_cast %get3A_2199 : i32 to index
    %get3A_2201 = arith.constant 128 : index
    %get3A_2202 = tpu.vector_load %arg12[%get3A_2200, %get3A_2201] {strides = array<i32>} : memref<16x256xf32, #tpu.memory_space<vmem>>, vector<16xf32>,
    %mul3A_2203 = arith.mulf %get3A_2202, %add3A_2082 : vector<16xf32>
    %add3A_2204 = arith.addf %get3A_2198, %mul3A_2203 : vector<16xf32>
    %swap3A_2205 = arith.constant 8 : i32
    %swap3A_2206 = arith.index_cast %swap3A_2205 : i32 to index
    %swap3A_2207 = arith.constant 128 : index
    %swap3A_2208 = tpu.vector_load %arg13[%swap3A_2206, %swap3A_2207] {strides = array<i32>} : memref<16x256xf32, #tpu.memory_space<vmem>>, vector<16xf32>,
    tpu.vector_store %arg13[%swap3A_2206, %swap3A_2207], %add3A_2204 {strides = array<i32>} : memref<16x256xf32, #tpu.memory_space<vmem>>, vector<16xf32>,
    %get3A_2209 = arith.constant 9 : i32
    %get3A_2210 = arith.index_cast %get3A_2209 : i32 to index
    %get3A_2211 = arith.constant 128 : index
    %get3A_2212 = tpu.vector_load %arg11[%get3A_2210, %get3A_2211] {strides = array<i32>} : memref<16x256xf32, #tpu.memory_space<vmem>>, vector<16xf32>,
    %get3A_2213 = arith.constant 9 : i32
    %get3A_2214 = arith.index_cast %get3A_2213 : i32 to index
    %get3A_2215 = arith.constant 128 : index
    %get3A_2216 = tpu.vector_load %arg12[%get3A_2214, %get3A_2215] {strides = array<i32>} : memref<16x256xf32, #tpu.memory_space<vmem>>, vector<16xf32>,
    %mul3A_2217 = arith.mulf %get3A_2216, %add3A_2082 : vector<16xf32>
    %add3A_2218 = arith.addf %get3A_2212, %mul3A_2217 : vector<16xf32>
    %swap3A_2219 = arith.constant 9 : i32
    %swap3A_2220 = arith.index_cast %swap3A_2219 : i32 to index
    %swap3A_2221 = arith.constant 128 : index
    %swap3A_2222 = tpu.vector_load %arg13[%swap3A_2220, %swap3A_2221] {strides = array<i32>} : memref<16x256xf32, #tpu.memory_space<vmem>>, vector<16xf32>,
    tpu.vector_store %arg13[%swap3A_2220, %swap3A_2221], %add3A_2218 {strides = array<i32>} : memref<16x256xf32, #tpu.memory_space<vmem>>, vector<16xf32>,
    %get3A_2223 = arith.constant 10 : i32
    %get3A_2224 = arith.index_cast %get3A_2223 : i32 to index
    %get3A_2225 = arith.constant 128 : index
    %get3A_2226 = tpu.vector_load %arg11[%get3A_2224, %get3A_2225] {strides = array<i32>} : memref<16x256xf32, #tpu.memory_space<vmem>>, vector<16xf32>,
    %get3A_2227 = arith.constant 10 : i32
    %get3A_2228 = arith.index_cast %get3A_2227 : i32 to index
    %get3A_2229 = arith.constant 128 : index
    %get3A_2230 = tpu.vector_load %arg12[%get3A_2228, %get3A_2229] {strides = array<i32>} : memref<16x256xf32, #tpu.memory_space<vmem>>, vector<16xf32>,
    %mul3A_2231 = arith.mulf %get3A_2230, %add3A_2082 : vector<16xf32>
    %add3A_2232 = arith.addf %get3A_2226, %mul3A_2231 : vector<16xf32>
    %swap3A_2233 = arith.constant 10 : i32
    %swap3A_2234 = arith.index_cast %swap3A_2233 : i32 to index
    %swap3A_2235 = arith.constant 128 : index
    %swap3A_2236 = tpu.vector_load %arg13[%swap3A_2234, %swap3A_2235] {strides = array<i32>} : memref<16x256xf32, #tpu.memory_space<vmem>>, vector<16xf32>,
    tpu.vector_store %arg13[%swap3A_2234, %swap3A_2235], %add3A_2232 {strides = array<i32>} : memref<16x256xf32, #tpu.memory_space<vmem>>, vector<16xf32>,
    %get3A_2237 = arith.constant 11 : i32
    %get3A_2238 = arith.index_cast %get3A_2237 : i32 to index
    %get3A_2239 = arith.constant 128 : index
    %get3A_2240 = tpu.vector_load %arg11[%get3A_2238, %get3A_2239] {strides = array<i32>} : memref<16x256xf32, #tpu.memory_space<vmem>>, vector<16xf32>,
    %get3A_2241 = arith.constant 11 : i32
    %get3A_2242 = arith.index_cast %get3A_2241 : i32 to index
    %get3A_2243 = arith.constant 128 : index
    %get3A_2244 = tpu.vector_load %arg12[%get3A_2242, %get3A_2243] {strides = array<i32>} : memref<16x256xf32, #tpu.memory_space<vmem>>, vector<16xf32>,
    %mul3A_2245 = arith.mulf %get3A_2244, %add3A_2082 : vector<16xf32>
    %add3A_2246 = arith.addf %get3A_2240, %mul3A_2245 : vector<16xf32>
    %swap3A_2247 = arith.constant 11 : i32
    %swap3A_2248 = arith.index_cast %swap3A_2247 : i32 to index
    %swap3A_2249 = arith.constant 128 : index
    %swap3A_2250 = tpu.vector_load %arg13[%swap3A_2248, %swap3A_2249] {strides = array<i32>} : memref<16x256xf32, #tpu.memory_space<vmem>>, vector<16xf32>,
    tpu.vector_store %arg13[%swap3A_2248, %swap3A_2249], %add3A_2246 {strides = array<i32>} : memref<16x256xf32, #tpu.memory_space<vmem>>, vector<16xf32>,
    %get3A_2251 = arith.constant 12 : i32
    %get3A_2252 = arith.index_cast %get3A_2251 : i32 to index
    %get3A_2253 = arith.constant 128 : index
    %get3A_2254 = tpu.vector_load %arg11[%get3A_2252, %get3A_2253] {strides = array<i32>} : memref<16x256xf32, #tpu.memory_space<vmem>>, vector<16xf32>,
    %get3A_2255 = arith.constant 12 : i32
    %get3A_2256 = arith.index_cast %get3A_2255 : i32 to index
    %get3A_2257 = arith.constant 128 : index
    %get3A_2258 = tpu.vector_load %arg12[%get3A_2256, %get3A_2257] {strides = array<i32>} : memref<16x256xf32, #tpu.memory_space<vmem>>, vector<16xf32>,
    %mul3A_2259 = arith.mulf %get3A_2258, %add3A_2082 : vector<16xf32>
    %add3A_2260 = arith.addf %get3A_2254, %mul3A_2259 : vector<16xf32>
    %swap3A_2261 = arith.constant 12 : i32
    %swap3A_2262 = arith.index_cast %swap3A_2261 : i32 to index
    %swap3A_2263 = arith.constant 128 : index
    %swap3A_2264 = tpu.vector_load %arg13[%swap3A_2262, %swap3A_2263] {strides = array<i32>} : memref<16x256xf32, #tpu.memory_space<vmem>>, vector<16xf32>,
    tpu.vector_store %arg13[%swap3A_2262, %swap3A_2263], %add3A_2260 {strides = array<i32>} : memref<16x256xf32, #tpu.memory_space<vmem>>, vector<16xf32>,
    %get3A_2265 = arith.constant 13 : i32
    %get3A_2266 = arith.index_cast %get3A_2265 : i32 to index
    %get3A_2267 = arith.constant 128 : index
    %get3A_2268 = tpu.vector_load %arg11[%get3A_2266, %get3A_2267] {strides = array<i32>} : memref<16x256xf32, #tpu.memory_space<vmem>>, vector<16xf32>,
    %get3A_2269 = arith.constant 13 : i32
    %get3A_2270 = arith.index_cast %get3A_2269 : i32 to index
    %get3A_2271 = arith.constant 128 : index
    %get3A_2272 = tpu.vector_load %arg12[%get3A_2270, %get3A_2271] {strides = array<i32>} : memref<16x256xf32, #tpu.memory_space<vmem>>, vector<16xf32>,
    %mul3A_2273 = arith.mulf %get3A_2272, %add3A_2082 : vector<16xf32>
    %add3A_2274 = arith.addf %get3A_2268, %mul3A_2273 : vector<16xf32>
    %swap3A_2275 = arith.constant 13 : i32
    %swap3A_2276 = arith.index_cast %swap3A_2275 : i32 to index
    %swap3A_2277 = arith.constant 128 : index
    %swap3A_2278 = tpu.vector_load %arg13[%swap3A_2276, %swap3A_2277] {strides = array<i32>} : memref<16x256xf32, #tpu.memory_space<vmem>>, vector<16xf32>,
    tpu.vector_store %arg13[%swap3A_2276, %swap3A_2277], %add3A_2274 {strides = array<i32>} : memref<16x256xf32, #tpu.memory_space<vmem>>, vector<16xf32>,
    %get3A_2279 = arith.constant 14 : i32
    %get3A_2280 = arith.index_cast %get3A_2279 : i32 to index
    %get3A_2281 = arith.constant 128 : index
    %get3A_2282 = tpu.vector_load %arg11[%get3A_2280, %get3A_2281] {strides = array<i32>} : memref<16x256xf32, #tpu.memory_space<vmem>>, vector<16xf32>,
    %get3A_2283 = arith.constant 14 : i32
    %get3A_2284 = arith.index_cast %get3A_2283 : i32 to index
    %get3A_2285 = arith.constant 128 : index
    %get3A_2286 = tpu.vector_load %arg12[%get3A_2284, %get3A_2285] {strides = array<i32>} : memref<16x256xf32, #tpu.memory_space<vmem>>, vector<16xf32>,
    %mul3A_2287 = arith.mulf %get3A_2286, %add3A_2082 : vector<16xf32>
    %add3A_2288 = arith.addf %get3A_2282, %mul3A_2287 : vector<16xf32>
    %swap3A_2289 = arith.constant 14 : i32
    %swap3A_2290 = arith.index_cast %swap3A_2289 : i32 to index
    %swap3A_2291 = arith.constant 128 : index
    %swap3A_2292 = tpu.vector_load %arg13[%swap3A_2290, %swap3A_2291] {strides = array<i32>} : memref<16x256xf32, #tpu.memory_space<vmem>>, vector<16xf32>,
    tpu.vector_store %arg13[%swap3A_2290, %swap3A_2291], %add3A_2288 {strides = array<i32>} : memref<16x256xf32, #tpu.memory_space<vmem>>, vector<16xf32>,
    %get3A_2293 = arith.constant 15 : i32
    %get3A_2294 = arith.index_cast %get3A_2293 : i32 to index
    %get3A_2295 = arith.constant 128 : index
    %get3A_2296 = tpu.vector_load %arg11[%get3A_2294, %get3A_2295] {strides = array<i32>} : memref<16x256xf32, #tpu.memory_space<vmem>>, vector<16xf32>,
    %get3A_2297 = arith.constant 15 : i32
    %get3A_2298 = arith.index_cast %get3A_2297 : i32 to index
    %get3A_2299 = arith.constant 128 : index
    %get3A_2300 = tpu.vector_load %arg12[%get3A_2298, %get3A_2299] {strides = array<i32>} : memref<16x256xf32, #tpu.memory_space<vmem>>, vector<16xf32>,
    %mul3A_2301 = arith.mulf %get3A_2300, %add3A_2082 : vector<16xf32>
    %add3A_2302 = arith.addf %get3A_2296, %mul3A_2301 : vector<16xf32>
    %swap3A_2303 = arith.constant 15 : i32
    %swap3A_2304 = arith.index_cast %swap3A_2303 : i32 to index
    %swap3A_2305 = arith.constant 128 : index
    %swap3A_2306 = tpu.vector_load %arg13[%swap3A_2304, %swap3A_2305] {strides = array<i32>} : memref<16x256xf32, #tpu.memory_space<vmem>>, vector<16xf32>,
    tpu.vector_store %arg13[%swap3A_2304, %swap3A_2305], %add3A_2302 {strides = array<i32>} : memref<16x256xf32, #tpu.memory_space<vmem>>, vector<16xf32>,
    %iota3A_2307 = tpu.iota {dimensions = array<i32: 0>} : vector<16xi32>
    %add3A_2308 = arith.constant 144 : i32
    %add3A_2309 = arith.addi %mul3A_2, %add3A_2308 : i32
    %add3A_2310 = vector.broadcast %add3A_2309 : i32 to vector<16xi32>
    %add3A_2311 = arith.addi %iota3A_2307, %add3A_2310 : vector<16xi32>
    %div3A_2312 = arith.divsi %add3A_2311, %div3A : vector<16xi32>
    %mul3A_2313 = arith.muli %div3A_2312, %div3A : vector<16xi32>
    %sub3A_2314 = arith.subi %add3A_2311, %mul3A_2313 : vector<16xi32>
    %add3A_2315 = arith.constant 1 : i32
    %add3A_2316 = vector.broadcast %add3A_2315 : i32 to vector<16xi32>
    %add3A_2317 = arith.addi %div3A_2312, %add3A_2316 : vector<16xi32>
    %min3A_2318 = arith.constant 64 : i32
    %min3A_2319 = vector.broadcast %min3A_2318 : i32 to vector<16xi32>
    %min3A_2320 = arith.minsi %add3A_2317, %min3A_2319 : vector<16xi32>
    %ge3A_2321 = vector.broadcast %multiple_of3A_39 : i32 to vector<16xi32>
    %ge3A_2322 = arith.cmpi sge, %sub3A_2314, %ge3A_2321 : vector<16xi32>
    %sub3A_2323 = vector.broadcast %multiple_of3A_39 : i32 to vector<16xi32>
    %sub3A_2324 = arith.subi %sub3A_2314, %sub3A_2323 : vector<16xi32>
    %add3A_2325 = arith.constant 264 : i32
    %add3A_2326 = vector.broadcast %add3A_2325 : i32 to vector<16xi32>
    %add3A_2327 = arith.addi %sub3A_2314, %add3A_2326 : vector<16xi32>
    %select_n3A_2328 = arith.select %ge3A_2322, %sub3A_2324, %add3A_2327 : vector<16xi1>, vector<16xi32>
    %gather3A_2329 = tpu.vector_load_idx %arg8[%select_n3A_2328] : memref<520xf32, #tpu.memory_space<vmem>>[vector<16xi32>], vector<16xf32>,
    %gather3A_2330 = tpu.vector_load_idx %arg9[%min3A_2320] : memref<65xf32, #tpu.memory_space<vmem>>[vector<16xi32>], vector<16xf32>,
    %add3A_2331 = arith.addf %gather3A_2329, %gather3A_2330 : vector<16xf32>
    %get3A_2332 = arith.constant 0 : i32
    %get3A_2333 = arith.index_cast %get3A_2332 : i32 to index
    %get3A_2334 = arith.constant 144 : index
    %get3A_2335 = tpu.vector_load %arg11[%get3A_2333, %get3A_2334] {strides = array<i32>} : memref<16x256xf32, #tpu.memory_space<vmem>>, vector<16xf32>,
    %get3A_2336 = arith.constant 0 : i32
    %get3A_2337 = arith.index_cast %get3A_2336 : i32 to index
    %get3A_2338 = arith.constant 144 : index
    %get3A_2339 = tpu.vector_load %arg12[%get3A_2337, %get3A_2338] {strides = array<i32>} : memref<16x256xf32, #tpu.memory_space<vmem>>, vector<16xf32>,
    %mul3A_2340 = arith.mulf %get3A_2339, %add3A_2331 : vector<16xf32>
    %add3A_2341 = arith.addf %get3A_2335, %mul3A_2340 : vector<16xf32>
    %swap3A_2342 = arith.constant 0 : i32
    %swap3A_2343 = arith.index_cast %swap3A_2342 : i32 to index
    %swap3A_2344 = arith.constant 144 : index
    %swap3A_2345 = tpu.vector_load %arg13[%swap3A_2343, %swap3A_2344] {strides = array<i32>} : memref<16x256xf32, #tpu.memory_space<vmem>>, vector<16xf32>,
    tpu.vector_store %arg13[%swap3A_2343, %swap3A_2344], %add3A_2341 {strides = array<i32>} : memref<16x256xf32, #tpu.memory_space<vmem>>, vector<16xf32>,
    %get3A_2346 = arith.constant 1 : i32
    %get3A_2347 = arith.index_cast %get3A_2346 : i32 to index
    %get3A_2348 = arith.constant 144 : index
    %get3A_2349 = tpu.vector_load %arg11[%get3A_2347, %get3A_2348] {strides = array<i32>} : memref<16x256xf32, #tpu.memory_space<vmem>>, vector<16xf32>,
    %get3A_2350 = arith.constant 1 : i32
    %get3A_2351 = arith.index_cast %get3A_2350 : i32 to index
    %get3A_2352 = arith.constant 144 : index
    %get3A_2353 = tpu.vector_load %arg12[%get3A_2351, %get3A_2352] {strides = array<i32>} : memref<16x256xf32, #tpu.memory_space<vmem>>, vector<16xf32>,
    %mul3A_2354 = arith.mulf %get3A_2353, %add3A_2331 : vector<16xf32>
    %add3A_2355 = arith.addf %get3A_2349, %mul3A_2354 : vector<16xf32>
    %swap3A_2356 = arith.constant 1 : i32
    %swap3A_2357 = arith.index_cast %swap3A_2356 : i32 to index
    %swap3A_2358 = arith.constant 144 : index
    %swap3A_2359 = tpu.vector_load %arg13[%swap3A_2357, %swap3A_2358] {strides = array<i32>} : memref<16x256xf32, #tpu.memory_space<vmem>>, vector<16xf32>,
    tpu.vector_store %arg13[%swap3A_2357, %swap3A_2358], %add3A_2355 {strides = array<i32>} : memref<16x256xf32, #tpu.memory_space<vmem>>, vector<16xf32>,
    %get3A_2360 = arith.constant 2 : i32
    %get3A_2361 = arith.index_cast %get3A_2360 : i32 to index
    %get3A_2362 = arith.constant 144 : index
    %get3A_2363 = tpu.vector_load %arg11[%get3A_2361, %get3A_2362] {strides = array<i32>} : memref<16x256xf32, #tpu.memory_space<vmem>>, vector<16xf32>,
    %get3A_2364 = arith.constant 2 : i32
    %get3A_2365 = arith.index_cast %get3A_2364 : i32 to index
    %get3A_2366 = arith.constant 144 : index
    %get3A_2367 = tpu.vector_load %arg12[%get3A_2365, %get3A_2366] {strides = array<i32>} : memref<16x256xf32, #tpu.memory_space<vmem>>, vector<16xf32>,
    %mul3A_2368 = arith.mulf %get3A_2367, %add3A_2331 : vector<16xf32>
    %add3A_2369 = arith.addf %get3A_2363, %mul3A_2368 : vector<16xf32>
    %swap3A_2370 = arith.constant 2 : i32
    %swap3A_2371 = arith.index_cast %swap3A_2370 : i32 to index
    %swap3A_2372 = arith.constant 144 : index
    %swap3A_2373 = tpu.vector_load %arg13[%swap3A_2371, %swap3A_2372] {strides = array<i32>} : memref<16x256xf32, #tpu.memory_space<vmem>>, vector<16xf32>,
    tpu.vector_store %arg13[%swap3A_2371, %swap3A_2372], %add3A_2369 {strides = array<i32>} : memref<16x256xf32, #tpu.memory_space<vmem>>, vector<16xf32>,
    %get3A_2374 = arith.constant 3 : i32
    %get3A_2375 = arith.index_cast %get3A_2374 : i32 to index
    %get3A_2376 = arith.constant 144 : index
    %get3A_2377 = tpu.vector_load %arg11[%get3A_2375, %get3A_2376] {strides = array<i32>} : memref<16x256xf32, #tpu.memory_space<vmem>>, vector<16xf32>,
    %get3A_2378 = arith.constant 3 : i32
    %get3A_2379 = arith.index_cast %get3A_2378 : i32 to index
    %get3A_2380 = arith.constant 144 : index
    %get3A_2381 = tpu.vector_load %arg12[%get3A_2379, %get3A_2380] {strides = array<i32>} : memref<16x256xf32, #tpu.memory_space<vmem>>, vector<16xf32>,
    %mul3A_2382 = arith.mulf %get3A_2381, %add3A_2331 : vector<16xf32>
    %add3A_2383 = arith.addf %get3A_2377, %mul3A_2382 : vector<16xf32>
    %swap3A_2384 = arith.constant 3 : i32
    %swap3A_2385 = arith.index_cast %swap3A_2384 : i32 to index
    %swap3A_2386 = arith.constant 144 : index
    %swap3A_2387 = tpu.vector_load %arg13[%swap3A_2385, %swap3A_2386] {strides = array<i32>} : memref<16x256xf32, #tpu.memory_space<vmem>>, vector<16xf32>,
    tpu.vector_store %arg13[%swap3A_2385, %swap3A_2386], %add3A_2383 {strides = array<i32>} : memref<16x256xf32, #tpu.memory_space<vmem>>, vector<16xf32>,
    %get3A_2388 = arith.constant 4 : i32
    %get3A_2389 = arith.index_cast %get3A_2388 : i32 to index
    %get3A_2390 = arith.constant 144 : index
    %get3A_2391 = tpu.vector_load %arg11[%get3A_2389, %get3A_2390] {strides = array<i32>} : memref<16x256xf32, #tpu.memory_space<vmem>>, vector<16xf32>,
    %get3A_2392 = arith.constant 4 : i32
    %get3A_2393 = arith.index_cast %get3A_2392 : i32 to index
    %get3A_2394 = arith.constant 144 : index
    %get3A_2395 = tpu.vector_load %arg12[%get3A_2393, %get3A_2394] {strides = array<i32>} : memref<16x256xf32, #tpu.memory_space<vmem>>, vector<16xf32>,
    %mul3A_2396 = arith.mulf %get3A_2395, %add3A_2331 : vector<16xf32>
    %add3A_2397 = arith.addf %get3A_2391, %mul3A_2396 : vector<16xf32>
    %swap3A_2398 = arith.constant 4 : i32
    %swap3A_2399 = arith.index_cast %swap3A_2398 : i32 to index
    %swap3A_2400 = arith.constant 144 : index
    %swap3A_2401 = tpu.vector_load %arg13[%swap3A_2399, %swap3A_2400] {strides = array<i32>} : memref<16x256xf32, #tpu.memory_space<vmem>>, vector<16xf32>,
    tpu.vector_store %arg13[%swap3A_2399, %swap3A_2400], %add3A_2397 {strides = array<i32>} : memref<16x256xf32, #tpu.memory_space<vmem>>, vector<16xf32>,
    %get3A_2402 = arith.constant 5 : i32
    %get3A_2403 = arith.index_cast %get3A_2402 : i32 to index
    %get3A_2404 = arith.constant 144 : index
    %get3A_2405 = tpu.vector_load %arg11[%get3A_2403, %get3A_2404] {strides = array<i32>} : memref<16x256xf32, #tpu.memory_space<vmem>>, vector<16xf32>,
    %get3A_2406 = arith.constant 5 : i32
    %get3A_2407 = arith.index_cast %get3A_2406 : i32 to index
    %get3A_2408 = arith.constant 144 : index
    %get3A_2409 = tpu.vector_load %arg12[%get3A_2407, %get3A_2408] {strides = array<i32>} : memref<16x256xf32, #tpu.memory_space<vmem>>, vector<16xf32>,
    %mul3A_2410 = arith.mulf %get3A_2409, %add3A_2331 : vector<16xf32>
    %add3A_2411 = arith.addf %get3A_2405, %mul3A_2410 : vector<16xf32>
    %swap3A_2412 = arith.constant 5 : i32
    %swap3A_2413 = arith.index_cast %swap3A_2412 : i32 to index
    %swap3A_2414 = arith.constant 144 : index
    %swap3A_2415 = tpu.vector_load %arg13[%swap3A_2413, %swap3A_2414] {strides = array<i32>} : memref<16x256xf32, #tpu.memory_space<vmem>>, vector<16xf32>,
    tpu.vector_store %arg13[%swap3A_2413, %swap3A_2414], %add3A_2411 {strides = array<i32>} : memref<16x256xf32, #tpu.memory_space<vmem>>, vector<16xf32>,
    %get3A_2416 = arith.constant 6 : i32
    %get3A_2417 = arith.index_cast %get3A_2416 : i32 to index
    %get3A_2418 = arith.constant 144 : index
    %get3A_2419 = tpu.vector_load %arg11[%get3A_2417, %get3A_2418] {strides = array<i32>} : memref<16x256xf32, #tpu.memory_space<vmem>>, vector<16xf32>,
    %get3A_2420 = arith.constant 6 : i32
    %get3A_2421 = arith.index_cast %get3A_2420 : i32 to index
    %get3A_2422 = arith.constant 144 : index
    %get3A_2423 = tpu.vector_load %arg12[%get3A_2421, %get3A_2422] {strides = array<i32>} : memref<16x256xf32, #tpu.memory_space<vmem>>, vector<16xf32>,
    %mul3A_2424 = arith.mulf %get3A_2423, %add3A_2331 : vector<16xf32>
    %add3A_2425 = arith.addf %get3A_2419, %mul3A_2424 : vector<16xf32>
    %swap3A_2426 = arith.constant 6 : i32
    %swap3A_2427 = arith.index_cast %swap3A_2426 : i32 to index
    %swap3A_2428 = arith.constant 144 : index
    %swap3A_2429 = tpu.vector_load %arg13[%swap3A_2427, %swap3A_2428] {strides = array<i32>} : memref<16x256xf32, #tpu.memory_space<vmem>>, vector<16xf32>,
    tpu.vector_store %arg13[%swap3A_2427, %swap3A_2428], %add3A_2425 {strides = array<i32>} : memref<16x256xf32, #tpu.memory_space<vmem>>, vector<16xf32>,
    %get3A_2430 = arith.constant 7 : i32
    %get3A_2431 = arith.index_cast %get3A_2430 : i32 to index
    %get3A_2432 = arith.constant 144 : index
    %get3A_2433 = tpu.vector_load %arg11[%get3A_2431, %get3A_2432] {strides = array<i32>} : memref<16x256xf32, #tpu.memory_space<vmem>>, vector<16xf32>,
    %get3A_2434 = arith.constant 7 : i32
    %get3A_2435 = arith.index_cast %get3A_2434 : i32 to index
    %get3A_2436 = arith.constant 144 : index
    %get3A_2437 = tpu.vector_load %arg12[%get3A_2435, %get3A_2436] {strides = array<i32>} : memref<16x256xf32, #tpu.memory_space<vmem>>, vector<16xf32>,
    %mul3A_2438 = arith.mulf %get3A_2437, %add3A_2331 : vector<16xf32>
    %add3A_2439 = arith.addf %get3A_2433, %mul3A_2438 : vector<16xf32>
    %swap3A_2440 = arith.constant 7 : i32
    %swap3A_2441 = arith.index_cast %swap3A_2440 : i32 to index
    %swap3A_2442 = arith.constant 144 : index
    %swap3A_2443 = tpu.vector_load %arg13[%swap3A_2441, %swap3A_2442] {strides = array<i32>} : memref<16x256xf32, #tpu.memory_space<vmem>>, vector<16xf32>,
    tpu.vector_store %arg13[%swap3A_2441, %swap3A_2442], %add3A_2439 {strides = array<i32>} : memref<16x256xf32, #tpu.memory_space<vmem>>, vector<16xf32>,
    %get3A_2444 = arith.constant 8 : i32
    %get3A_2445 = arith.index_cast %get3A_2444 : i32 to index
    %get3A_2446 = arith.constant 144 : index
    %get3A_2447 = tpu.vector_load %arg11[%get3A_2445, %get3A_2446] {strides = array<i32>} : memref<16x256xf32, #tpu.memory_space<vmem>>, vector<16xf32>,
    %get3A_2448 = arith.constant 8 : i32
    %get3A_2449 = arith.index_cast %get3A_2448 : i32 to index
    %get3A_2450 = arith.constant 144 : index
    %get3A_2451 = tpu.vector_load %arg12[%get3A_2449, %get3A_2450] {strides = array<i32>} : memref<16x256xf32, #tpu.memory_space<vmem>>, vector<16xf32>,
    %mul3A_2452 = arith.mulf %get3A_2451, %add3A_2331 : vector<16xf32>
    %add3A_2453 = arith.addf %get3A_2447, %mul3A_2452 : vector<16xf32>
    %swap3A_2454 = arith.constant 8 : i32
    %swap3A_2455 = arith.index_cast %swap3A_2454 : i32 to index
    %swap3A_2456 = arith.constant 144 : index
    %swap3A_2457 = tpu.vector_load %arg13[%swap3A_2455, %swap3A_2456] {strides = array<i32>} : memref<16x256xf32, #tpu.memory_space<vmem>>, vector<16xf32>,
    tpu.vector_store %arg13[%swap3A_2455, %swap3A_2456], %add3A_2453 {strides = array<i32>} : memref<16x256xf32, #tpu.memory_space<vmem>>, vector<16xf32>,
    %get3A_2458 = arith.constant 9 : i32
    %get3A_2459 = arith.index_cast %get3A_2458 : i32 to index
    %get3A_2460 = arith.constant 144 : index
    %get3A_2461 = tpu.vector_load %arg11[%get3A_2459, %get3A_2460] {strides = array<i32>} : memref<16x256xf32, #tpu.memory_space<vmem>>, vector<16xf32>,
    %get3A_2462 = arith.constant 9 : i32
    %get3A_2463 = arith.index_cast %get3A_2462 : i32 to index
    %get3A_2464 = arith.constant 144 : index
    %get3A_2465 = tpu.vector_load %arg12[%get3A_2463, %get3A_2464] {strides = array<i32>} : memref<16x256xf32, #tpu.memory_space<vmem>>, vector<16xf32>,
    %mul3A_2466 = arith.mulf %get3A_2465, %add3A_2331 : vector<16xf32>
    %add3A_2467 = arith.addf %get3A_2461, %mul3A_2466 : vector<16xf32>
    %swap3A_2468 = arith.constant 9 : i32
    %swap3A_2469 = arith.index_cast %swap3A_2468 : i32 to index
    %swap3A_2470 = arith.constant 144 : index
    %swap3A_2471 = tpu.vector_load %arg13[%swap3A_2469, %swap3A_2470] {strides = array<i32>} : memref<16x256xf32, #tpu.memory_space<vmem>>, vector<16xf32>,
    tpu.vector_store %arg13[%swap3A_2469, %swap3A_2470], %add3A_2467 {strides = array<i32>} : memref<16x256xf32, #tpu.memory_space<vmem>>, vector<16xf32>,
    %get3A_2472 = arith.constant 10 : i32
    %get3A_2473 = arith.index_cast %get3A_2472 : i32 to index
    %get3A_2474 = arith.constant 144 : index
    %get3A_2475 = tpu.vector_load %arg11[%get3A_2473, %get3A_2474] {strides = array<i32>} : memref<16x256xf32, #tpu.memory_space<vmem>>, vector<16xf32>,
    %get3A_2476 = arith.constant 10 : i32
    %get3A_2477 = arith.index_cast %get3A_2476 : i32 to index
    %get3A_2478 = arith.constant 144 : index
    %get3A_2479 = tpu.vector_load %arg12[%get3A_2477, %get3A_2478] {strides = array<i32>} : memref<16x256xf32, #tpu.memory_space<vmem>>, vector<16xf32>,
    %mul3A_2480 = arith.mulf %get3A_2479, %add3A_2331 : vector<16xf32>
    %add3A_2481 = arith.addf %get3A_2475, %mul3A_2480 : vector<16xf32>
    %swap3A_2482 = arith.constant 10 : i32
    %swap3A_2483 = arith.index_cast %swap3A_2482 : i32 to index
    %swap3A_2484 = arith.constant 144 : index
    %swap3A_2485 = tpu.vector_load %arg13[%swap3A_2483, %swap3A_2484] {strides = array<i32>} : memref<16x256xf32, #tpu.memory_space<vmem>>, vector<16xf32>,
    tpu.vector_store %arg13[%swap3A_2483, %swap3A_2484], %add3A_2481 {strides = array<i32>} : memref<16x256xf32, #tpu.memory_space<vmem>>, vector<16xf32>,
    %get3A_2486 = arith.constant 11 : i32
    %get3A_2487 = arith.index_cast %get3A_2486 : i32 to index
    %get3A_2488 = arith.constant 144 : index
    %get3A_2489 = tpu.vector_load %arg11[%get3A_2487, %get3A_2488] {strides = array<i32>} : memref<16x256xf32, #tpu.memory_space<vmem>>, vector<16xf32>,
    %get3A_2490 = arith.constant 11 : i32
    %get3A_2491 = arith.index_cast %get3A_2490 : i32 to index
    %get3A_2492 = arith.constant 144 : index
    %get3A_2493 = tpu.vector_load %arg12[%get3A_2491, %get3A_2492] {strides = array<i32>} : memref<16x256xf32, #tpu.memory_space<vmem>>, vector<16xf32>,
    %mul3A_2494 = arith.mulf %get3A_2493, %add3A_2331 : vector<16xf32>
    %add3A_2495 = arith.addf %get3A_2489, %mul3A_2494 : vector<16xf32>
    %swap3A_2496 = arith.constant 11 : i32
    %swap3A_2497 = arith.index_cast %swap3A_2496 : i32 to index
    %swap3A_2498 = arith.constant 144 : index
    %swap3A_2499 = tpu.vector_load %arg13[%swap3A_2497, %swap3A_2498] {strides = array<i32>} : memref<16x256xf32, #tpu.memory_space<vmem>>, vector<16xf32>,
    tpu.vector_store %arg13[%swap3A_2497, %swap3A_2498], %add3A_2495 {strides = array<i32>} : memref<16x256xf32, #tpu.memory_space<vmem>>, vector<16xf32>,
    %get3A_2500 = arith.constant 12 : i32
    %get3A_2501 = arith.index_cast %get3A_2500 : i32 to index
    %get3A_2502 = arith.constant 144 : index
    %get3A_2503 = tpu.vector_load %arg11[%get3A_2501, %get3A_2502] {strides = array<i32>} : memref<16x256xf32, #tpu.memory_space<vmem>>, vector<16xf32>,
    %get3A_2504 = arith.constant 12 : i32
    %get3A_2505 = arith.index_cast %get3A_2504 : i32 to index
    %get3A_2506 = arith.constant 144 : index
    %get3A_2507 = tpu.vector_load %arg12[%get3A_2505, %get3A_2506] {strides = array<i32>} : memref<16x256xf32, #tpu.memory_space<vmem>>, vector<16xf32>,
    %mul3A_2508 = arith.mulf %get3A_2507, %add3A_2331 : vector<16xf32>
    %add3A_2509 = arith.addf %get3A_2503, %mul3A_2508 : vector<16xf32>
    %swap3A_2510 = arith.constant 12 : i32
    %swap3A_2511 = arith.index_cast %swap3A_2510 : i32 to index
    %swap3A_2512 = arith.constant 144 : index
    %swap3A_2513 = tpu.vector_load %arg13[%swap3A_2511, %swap3A_2512] {strides = array<i32>} : memref<16x256xf32, #tpu.memory_space<vmem>>, vector<16xf32>,
    tpu.vector_store %arg13[%swap3A_2511, %swap3A_2512], %add3A_2509 {strides = array<i32>} : memref<16x256xf32, #tpu.memory_space<vmem>>, vector<16xf32>,
    %get3A_2514 = arith.constant 13 : i32
    %get3A_2515 = arith.index_cast %get3A_2514 : i32 to index
    %get3A_2516 = arith.constant 144 : index
    %get3A_2517 = tpu.vector_load %arg11[%get3A_2515, %get3A_2516] {strides = array<i32>} : memref<16x256xf32, #tpu.memory_space<vmem>>, vector<16xf32>,
    %get3A_2518 = arith.constant 13 : i32
    %get3A_2519 = arith.index_cast %get3A_2518 : i32 to index
    %get3A_2520 = arith.constant 144 : index
    %get3A_2521 = tpu.vector_load %arg12[%get3A_2519, %get3A_2520] {strides = array<i32>} : memref<16x256xf32, #tpu.memory_space<vmem>>, vector<16xf32>,
    %mul3A_2522 = arith.mulf %get3A_2521, %add3A_2331 : vector<16xf32>
    %add3A_2523 = arith.addf %get3A_2517, %mul3A_2522 : vector<16xf32>
    %swap3A_2524 = arith.constant 13 : i32
    %swap3A_2525 = arith.index_cast %swap3A_2524 : i32 to index
    %swap3A_2526 = arith.constant 144 : index
    %swap3A_2527 = tpu.vector_load %arg13[%swap3A_2525, %swap3A_2526] {strides = array<i32>} : memref<16x256xf32, #tpu.memory_space<vmem>>, vector<16xf32>,
    tpu.vector_store %arg13[%swap3A_2525, %swap3A_2526], %add3A_2523 {strides = array<i32>} : memref<16x256xf32, #tpu.memory_space<vmem>>, vector<16xf32>,
    %get3A_2528 = arith.constant 14 : i32
    %get3A_2529 = arith.index_cast %get3A_2528 : i32 to index
    %get3A_2530 = arith.constant 144 : index
    %get3A_2531 = tpu.vector_load %arg11[%get3A_2529, %get3A_2530] {strides = array<i32>} : memref<16x256xf32, #tpu.memory_space<vmem>>, vector<16xf32>,
    %get3A_2532 = arith.constant 14 : i32
    %get3A_2533 = arith.index_cast %get3A_2532 : i32 to index
    %get3A_2534 = arith.constant 144 : index
    %get3A_2535 = tpu.vector_load %arg12[%get3A_2533, %get3A_2534] {strides = array<i32>} : memref<16x256xf32, #tpu.memory_space<vmem>>, vector<16xf32>,
    %mul3A_2536 = arith.mulf %get3A_2535, %add3A_2331 : vector<16xf32>
    %add3A_2537 = arith.addf %get3A_2531, %mul3A_2536 : vector<16xf32>
    %swap3A_2538 = arith.constant 14 : i32
    %swap3A_2539 = arith.index_cast %swap3A_2538 : i32 to index
    %swap3A_2540 = arith.constant 144 : index
    %swap3A_2541 = tpu.vector_load %arg13[%swap3A_2539, %swap3A_2540] {strides = array<i32>} : memref<16x256xf32, #tpu.memory_space<vmem>>, vector<16xf32>,
    tpu.vector_store %arg13[%swap3A_2539, %swap3A_2540], %add3A_2537 {strides = array<i32>} : memref<16x256xf32, #tpu.memory_space<vmem>>, vector<16xf32>,
    %get3A_2542 = arith.constant 15 : i32
    %get3A_2543 = arith.index_cast %get3A_2542 : i32 to index
    %get3A_2544 = arith.constant 144 : index
    %get3A_2545 = tpu.vector_load %arg11[%get3A_2543, %get3A_2544] {strides = array<i32>} : memref<16x256xf32, #tpu.memory_space<vmem>>, vector<16xf32>,
    %get3A_2546 = arith.constant 15 : i32
    %get3A_2547 = arith.index_cast %get3A_2546 : i32 to index
    %get3A_2548 = arith.constant 144 : index
    %get3A_2549 = tpu.vector_load %arg12[%get3A_2547, %get3A_2548] {strides = array<i32>} : memref<16x256xf32, #tpu.memory_space<vmem>>, vector<16xf32>,
    %mul3A_2550 = arith.mulf %get3A_2549, %add3A_2331 : vector<16xf32>
    %add3A_2551 = arith.addf %get3A_2545, %mul3A_2550 : vector<16xf32>
    %swap3A_2552 = arith.constant 15 : i32
    %swap3A_2553 = arith.index_cast %swap3A_2552 : i32 to index
    %swap3A_2554 = arith.constant 144 : index
    %swap3A_2555 = tpu.vector_load %arg13[%swap3A_2553, %swap3A_2554] {strides = array<i32>} : memref<16x256xf32, #tpu.memory_space<vmem>>, vector<16xf32>,
    tpu.vector_store %arg13[%swap3A_2553, %swap3A_2554], %add3A_2551 {strides = array<i32>} : memref<16x256xf32, #tpu.memory_space<vmem>>, vector<16xf32>,
    %iota3A_2556 = tpu.iota {dimensions = array<i32: 0>} : vector<16xi32>
    %add3A_2557 = arith.constant 160 : i32
    %add3A_2558 = arith.addi %mul3A_2, %add3A_2557 : i32
    %add3A_2559 = vector.broadcast %add3A_2558 : i32 to vector<16xi32>
    %add3A_2560 = arith.addi %iota3A_2556, %add3A_2559 : vector<16xi32>
    %div3A_2561 = arith.divsi %add3A_2560, %div3A : vector<16xi32>
    %mul3A_2562 = arith.muli %div3A_2561, %div3A : vector<16xi32>
    %sub3A_2563 = arith.subi %add3A_2560, %mul3A_2562 : vector<16xi32>
    %add3A_2564 = arith.constant 1 : i32
    %add3A_2565 = vector.broadcast %add3A_2564 : i32 to vector<16xi32>
    %add3A_2566 = arith.addi %div3A_2561, %add3A_2565 : vector<16xi32>
    %min3A_2567 = arith.constant 64 : i32
    %min3A_2568 = vector.broadcast %min3A_2567 : i32 to vector<16xi32>
    %min3A_2569 = arith.minsi %add3A_2566, %min3A_2568 : vector<16xi32>
    %ge3A_2570 = vector.broadcast %multiple_of3A_39 : i32 to vector<16xi32>
    %ge3A_2571 = arith.cmpi sge, %sub3A_2563, %ge3A_2570 : vector<16xi32>
    %sub3A_2572 = vector.broadcast %multiple_of3A_39 : i32 to vector<16xi32>
    %sub3A_2573 = arith.subi %sub3A_2563, %sub3A_2572 : vector<16xi32>
    %add3A_2574 = arith.constant 264 : i32
    %add3A_2575 = vector.broadcast %add3A_2574 : i32 to vector<16xi32>
    %add3A_2576 = arith.addi %sub3A_2563, %add3A_2575 : vector<16xi32>
    %select_n3A_2577 = arith.select %ge3A_2571, %sub3A_2573, %add3A_2576 : vector<16xi1>, vector<16xi32>
    %gather3A_2578 = tpu.vector_load_idx %arg8[%select_n3A_2577] : memref<520xf32, #tpu.memory_space<vmem>>[vector<16xi32>], vector<16xf32>,
    %gather3A_2579 = tpu.vector_load_idx %arg9[%min3A_2569] : memref<65xf32, #tpu.memory_space<vmem>>[vector<16xi32>], vector<16xf32>,
    %add3A_2580 = arith.addf %gather3A_2578, %gather3A_2579 : vector<16xf32>
    %get3A_2581 = arith.constant 0 : i32
    %get3A_2582 = arith.index_cast %get3A_2581 : i32 to index
    %get3A_2583 = arith.constant 160 : index
    %get3A_2584 = tpu.vector_load %arg11[%get3A_2582, %get3A_2583] {strides = array<i32>} : memref<16x256xf32, #tpu.memory_space<vmem>>, vector<16xf32>,
    %get3A_2585 = arith.constant 0 : i32
    %get3A_2586 = arith.index_cast %get3A_2585 : i32 to index
    %get3A_2587 = arith.constant 160 : index
    %get3A_2588 = tpu.vector_load %arg12[%get3A_2586, %get3A_2587] {strides = array<i32>} : memref<16x256xf32, #tpu.memory_space<vmem>>, vector<16xf32>,
    %mul3A_2589 = arith.mulf %get3A_2588, %add3A_2580 : vector<16xf32>
    %add3A_2590 = arith.addf %get3A_2584, %mul3A_2589 : vector<16xf32>
    %swap3A_2591 = arith.constant 0 : i32
    %swap3A_2592 = arith.index_cast %swap3A_2591 : i32 to index
    %swap3A_2593 = arith.constant 160 : index
    %swap3A_2594 = tpu.vector_load %arg13[%swap3A_2592, %swap3A_2593] {strides = array<i32>} : memref<16x256xf32, #tpu.memory_space<vmem>>, vector<16xf32>,
    tpu.vector_store %arg13[%swap3A_2592, %swap3A_2593], %add3A_2590 {strides = array<i32>} : memref<16x256xf32, #tpu.memory_space<vmem>>, vector<16xf32>,
    %get3A_2595 = arith.constant 1 : i32
    %get3A_2596 = arith.index_cast %get3A_2595 : i32 to index
    %get3A_2597 = arith.constant 160 : index
    %get3A_2598 = tpu.vector_load %arg11[%get3A_2596, %get3A_2597] {strides = array<i32>} : memref<16x256xf32, #tpu.memory_space<vmem>>, vector<16xf32>,
    %get3A_2599 = arith.constant 1 : i32
    %get3A_2600 = arith.index_cast %get3A_2599 : i32 to index
    %get3A_2601 = arith.constant 160 : index
    %get3A_2602 = tpu.vector_load %arg12[%get3A_2600, %get3A_2601] {strides = array<i32>} : memref<16x256xf32, #tpu.memory_space<vmem>>, vector<16xf32>,
    %mul3A_2603 = arith.mulf %get3A_2602, %add3A_2580 : vector<16xf32>
    %add3A_2604 = arith.addf %get3A_2598, %mul3A_2603 : vector<16xf32>
    %swap3A_2605 = arith.constant 1 : i32
    %swap3A_2606 = arith.index_cast %swap3A_2605 : i32 to index
    %swap3A_2607 = arith.constant 160 : index
    %swap3A_2608 = tpu.vector_load %arg13[%swap3A_2606, %swap3A_2607] {strides = array<i32>} : memref<16x256xf32, #tpu.memory_space<vmem>>, vector<16xf32>,
    tpu.vector_store %arg13[%swap3A_2606, %swap3A_2607], %add3A_2604 {strides = array<i32>} : memref<16x256xf32, #tpu.memory_space<vmem>>, vector<16xf32>,
    %get3A_2609 = arith.constant 2 : i32
    %get3A_2610 = arith.index_cast %get3A_2609 : i32 to index
    %get3A_2611 = arith.constant 160 : index
    %get3A_2612 = tpu.vector_load %arg11[%get3A_2610, %get3A_2611] {strides = array<i32>} : memref<16x256xf32, #tpu.memory_space<vmem>>, vector<16xf32>,
    %get3A_2613 = arith.constant 2 : i32
    %get3A_2614 = arith.index_cast %get3A_2613 : i32 to index
    %get3A_2615 = arith.constant 160 : index
    %get3A_2616 = tpu.vector_load %arg12[%get3A_2614, %get3A_2615] {strides = array<i32>} : memref<16x256xf32, #tpu.memory_space<vmem>>, vector<16xf32>,
    %mul3A_2617 = arith.mulf %get3A_2616, %add3A_2580 : vector<16xf32>
    %add3A_2618 = arith.addf %get3A_2612, %mul3A_2617 : vector<16xf32>
    %swap3A_2619 = arith.constant 2 : i32
    %swap3A_2620 = arith.index_cast %swap3A_2619 : i32 to index
    %swap3A_2621 = arith.constant 160 : index
    %swap3A_2622 = tpu.vector_load %arg13[%swap3A_2620, %swap3A_2621] {strides = array<i32>} : memref<16x256xf32, #tpu.memory_space<vmem>>, vector<16xf32>,
    tpu.vector_store %arg13[%swap3A_2620, %swap3A_2621], %add3A_2618 {strides = array<i32>} : memref<16x256xf32, #tpu.memory_space<vmem>>, vector<16xf32>,
    %get3A_2623 = arith.constant 3 : i32
    %get3A_2624 = arith.index_cast %get3A_2623 : i32 to index
    %get3A_2625 = arith.constant 160 : index
    %get3A_2626 = tpu.vector_load %arg11[%get3A_2624, %get3A_2625] {strides = array<i32>} : memref<16x256xf32, #tpu.memory_space<vmem>>, vector<16xf32>,
    %get3A_2627 = arith.constant 3 : i32
    %get3A_2628 = arith.index_cast %get3A_2627 : i32 to index
    %get3A_2629 = arith.constant 160 : index
    %get3A_2630 = tpu.vector_load %arg12[%get3A_2628, %get3A_2629] {strides = array<i32>} : memref<16x256xf32, #tpu.memory_space<vmem>>, vector<16xf32>,
    %mul3A_2631 = arith.mulf %get3A_2630, %add3A_2580 : vector<16xf32>
    %add3A_2632 = arith.addf %get3A_2626, %mul3A_2631 : vector<16xf32>
    %swap3A_2633 = arith.constant 3 : i32
    %swap3A_2634 = arith.index_cast %swap3A_2633 : i32 to index
    %swap3A_2635 = arith.constant 160 : index
    %swap3A_2636 = tpu.vector_load %arg13[%swap3A_2634, %swap3A_2635] {strides = array<i32>} : memref<16x256xf32, #tpu.memory_space<vmem>>, vector<16xf32>,
    tpu.vector_store %arg13[%swap3A_2634, %swap3A_2635], %add3A_2632 {strides = array<i32>} : memref<16x256xf32, #tpu.memory_space<vmem>>, vector<16xf32>,
    %get3A_2637 = arith.constant 4 : i32
    %get3A_2638 = arith.index_cast %get3A_2637 : i32 to index
    %get3A_2639 = arith.constant 160 : index
    %get3A_2640 = tpu.vector_load %arg11[%get3A_2638, %get3A_2639] {strides = array<i32>} : memref<16x256xf32, #tpu.memory_space<vmem>>, vector<16xf32>,
    %get3A_2641 = arith.constant 4 : i32
    %get3A_2642 = arith.index_cast %get3A_2641 : i32 to index
    %get3A_2643 = arith.constant 160 : index
    %get3A_2644 = tpu.vector_load %arg12[%get3A_2642, %get3A_2643] {strides = array<i32>} : memref<16x256xf32, #tpu.memory_space<vmem>>, vector<16xf32>,
    %mul3A_2645 = arith.mulf %get3A_2644, %add3A_2580 : vector<16xf32>
    %add3A_2646 = arith.addf %get3A_2640, %mul3A_2645 : vector<16xf32>
    %swap3A_2647 = arith.constant 4 : i32
    %swap3A_2648 = arith.index_cast %swap3A_2647 : i32 to index
    %swap3A_2649 = arith.constant 160 : index
    %swap3A_2650 = tpu.vector_load %arg13[%swap3A_2648, %swap3A_2649] {strides = array<i32>} : memref<16x256xf32, #tpu.memory_space<vmem>>, vector<16xf32>,
    tpu.vector_store %arg13[%swap3A_2648, %swap3A_2649], %add3A_2646 {strides = array<i32>} : memref<16x256xf32, #tpu.memory_space<vmem>>, vector<16xf32>,
    %get3A_2651 = arith.constant 5 : i32
    %get3A_2652 = arith.index_cast %get3A_2651 : i32 to index
    %get3A_2653 = arith.constant 160 : index
    %get3A_2654 = tpu.vector_load %arg11[%get3A_2652, %get3A_2653] {strides = array<i32>} : memref<16x256xf32, #tpu.memory_space<vmem>>, vector<16xf32>,
    %get3A_2655 = arith.constant 5 : i32
    %get3A_2656 = arith.index_cast %get3A_2655 : i32 to index
    %get3A_2657 = arith.constant 160 : index
    %get3A_2658 = tpu.vector_load %arg12[%get3A_2656, %get3A_2657] {strides = array<i32>} : memref<16x256xf32, #tpu.memory_space<vmem>>, vector<16xf32>,
    %mul3A_2659 = arith.mulf %get3A_2658, %add3A_2580 : vector<16xf32>
    %add3A_2660 = arith.addf %get3A_2654, %mul3A_2659 : vector<16xf32>
    %swap3A_2661 = arith.constant 5 : i32
    %swap3A_2662 = arith.index_cast %swap3A_2661 : i32 to index
    %swap3A_2663 = arith.constant 160 : index
    %swap3A_2664 = tpu.vector_load %arg13[%swap3A_2662, %swap3A_2663] {strides = array<i32>} : memref<16x256xf32, #tpu.memory_space<vmem>>, vector<16xf32>,
    tpu.vector_store %arg13[%swap3A_2662, %swap3A_2663], %add3A_2660 {strides = array<i32>} : memref<16x256xf32, #tpu.memory_space<vmem>>, vector<16xf32>,
    %get3A_2665 = arith.constant 6 : i32
    %get3A_2666 = arith.index_cast %get3A_2665 : i32 to index
    %get3A_2667 = arith.constant 160 : index
    %get3A_2668 = tpu.vector_load %arg11[%get3A_2666, %get3A_2667] {strides = array<i32>} : memref<16x256xf32, #tpu.memory_space<vmem>>, vector<16xf32>,
    %get3A_2669 = arith.constant 6 : i32
    %get3A_2670 = arith.index_cast %get3A_2669 : i32 to index
    %get3A_2671 = arith.constant 160 : index
    %get3A_2672 = tpu.vector_load %arg12[%get3A_2670, %get3A_2671] {strides = array<i32>} : memref<16x256xf32, #tpu.memory_space<vmem>>, vector<16xf32>,
    %mul3A_2673 = arith.mulf %get3A_2672, %add3A_2580 : vector<16xf32>
    %add3A_2674 = arith.addf %get3A_2668, %mul3A_2673 : vector<16xf32>
    %swap3A_2675 = arith.constant 6 : i32
    %swap3A_2676 = arith.index_cast %swap3A_2675 : i32 to index
    %swap3A_2677 = arith.constant 160 : index
    %swap3A_2678 = tpu.vector_load %arg13[%swap3A_2676, %swap3A_2677] {strides = array<i32>} : memref<16x256xf32, #tpu.memory_space<vmem>>, vector<16xf32>,
    tpu.vector_store %arg13[%swap3A_2676, %swap3A_2677], %add3A_2674 {strides = array<i32>} : memref<16x256xf32, #tpu.memory_space<vmem>>, vector<16xf32>,
    %get3A_2679 = arith.constant 7 : i32
    %get3A_2680 = arith.index_cast %get3A_2679 : i32 to index
    %get3A_2681 = arith.constant 160 : index
    %get3A_2682 = tpu.vector_load %arg11[%get3A_2680, %get3A_2681] {strides = array<i32>} : memref<16x256xf32, #tpu.memory_space<vmem>>, vector<16xf32>,
    %get3A_2683 = arith.constant 7 : i32
    %get3A_2684 = arith.index_cast %get3A_2683 : i32 to index
    %get3A_2685 = arith.constant 160 : index
    %get3A_2686 = tpu.vector_load %arg12[%get3A_2684, %get3A_2685] {strides = array<i32>} : memref<16x256xf32, #tpu.memory_space<vmem>>, vector<16xf32>,
    %mul3A_2687 = arith.mulf %get3A_2686, %add3A_2580 : vector<16xf32>
    %add3A_2688 = arith.addf %get3A_2682, %mul3A_2687 : vector<16xf32>
    %swap3A_2689 = arith.constant 7 : i32
    %swap3A_2690 = arith.index_cast %swap3A_2689 : i32 to index
    %swap3A_2691 = arith.constant 160 : index
    %swap3A_2692 = tpu.vector_load %arg13[%swap3A_2690, %swap3A_2691] {strides = array<i32>} : memref<16x256xf32, #tpu.memory_space<vmem>>, vector<16xf32>,
    tpu.vector_store %arg13[%swap3A_2690, %swap3A_2691], %add3A_2688 {strides = array<i32>} : memref<16x256xf32, #tpu.memory_space<vmem>>, vector<16xf32>,
    %get3A_2693 = arith.constant 8 : i32
    %get3A_2694 = arith.index_cast %get3A_2693 : i32 to index
    %get3A_2695 = arith.constant 160 : index
    %get3A_2696 = tpu.vector_load %arg11[%get3A_2694, %get3A_2695] {strides = array<i32>} : memref<16x256xf32, #tpu.memory_space<vmem>>, vector<16xf32>,
    %get3A_2697 = arith.constant 8 : i32
    %get3A_2698 = arith.index_cast %get3A_2697 : i32 to index
    %get3A_2699 = arith.constant 160 : index
    %get3A_2700 = tpu.vector_load %arg12[%get3A_2698, %get3A_2699] {strides = array<i32>} : memref<16x256xf32, #tpu.memory_space<vmem>>, vector<16xf32>,
    %mul3A_2701 = arith.mulf %get3A_2700, %add3A_2580 : vector<16xf32>
    %add3A_2702 = arith.addf %get3A_2696, %mul3A_2701 : vector<16xf32>
    %swap3A_2703 = arith.constant 8 : i32
    %swap3A_2704 = arith.index_cast %swap3A_2703 : i32 to index
    %swap3A_2705 = arith.constant 160 : index
    %swap3A_2706 = tpu.vector_load %arg13[%swap3A_2704, %swap3A_2705] {strides = array<i32>} : memref<16x256xf32, #tpu.memory_space<vmem>>, vector<16xf32>,
    tpu.vector_store %arg13[%swap3A_2704, %swap3A_2705], %add3A_2702 {strides = array<i32>} : memref<16x256xf32, #tpu.memory_space<vmem>>, vector<16xf32>,
    %get3A_2707 = arith.constant 9 : i32
    %get3A_2708 = arith.index_cast %get3A_2707 : i32 to index
    %get3A_2709 = arith.constant 160 : index
    %get3A_2710 = tpu.vector_load %arg11[%get3A_2708, %get3A_2709] {strides = array<i32>} : memref<16x256xf32, #tpu.memory_space<vmem>>, vector<16xf32>,
    %get3A_2711 = arith.constant 9 : i32
    %get3A_2712 = arith.index_cast %get3A_2711 : i32 to index
    %get3A_2713 = arith.constant 160 : index
    %get3A_2714 = tpu.vector_load %arg12[%get3A_2712, %get3A_2713] {strides = array<i32>} : memref<16x256xf32, #tpu.memory_space<vmem>>, vector<16xf32>,
    %mul3A_2715 = arith.mulf %get3A_2714, %add3A_2580 : vector<16xf32>
    %add3A_2716 = arith.addf %get3A_2710, %mul3A_2715 : vector<16xf32>
    %swap3A_2717 = arith.constant 9 : i32
    %swap3A_2718 = arith.index_cast %swap3A_2717 : i32 to index
    %swap3A_2719 = arith.constant 160 : index
    %swap3A_2720 = tpu.vector_load %arg13[%swap3A_2718, %swap3A_2719] {strides = array<i32>} : memref<16x256xf32, #tpu.memory_space<vmem>>, vector<16xf32>,
    tpu.vector_store %arg13[%swap3A_2718, %swap3A_2719], %add3A_2716 {strides = array<i32>} : memref<16x256xf32, #tpu.memory_space<vmem>>, vector<16xf32>,
    %get3A_2721 = arith.constant 10 : i32
    %get3A_2722 = arith.index_cast %get3A_2721 : i32 to index
    %get3A_2723 = arith.constant 160 : index
    %get3A_2724 = tpu.vector_load %arg11[%get3A_2722, %get3A_2723] {strides = array<i32>} : memref<16x256xf32, #tpu.memory_space<vmem>>, vector<16xf32>,
    %get3A_2725 = arith.constant 10 : i32
    %get3A_2726 = arith.index_cast %get3A_2725 : i32 to index
    %get3A_2727 = arith.constant 160 : index
    %get3A_2728 = tpu.vector_load %arg12[%get3A_2726, %get3A_2727] {strides = array<i32>} : memref<16x256xf32, #tpu.memory_space<vmem>>, vector<16xf32>,
    %mul3A_2729 = arith.mulf %get3A_2728, %add3A_2580 : vector<16xf32>
    %add3A_2730 = arith.addf %get3A_2724, %mul3A_2729 : vector<16xf32>
    %swap3A_2731 = arith.constant 10 : i32
    %swap3A_2732 = arith.index_cast %swap3A_2731 : i32 to index
    %swap3A_2733 = arith.constant 160 : index
    %swap3A_2734 = tpu.vector_load %arg13[%swap3A_2732, %swap3A_2733] {strides = array<i32>} : memref<16x256xf32, #tpu.memory_space<vmem>>, vector<16xf32>,
    tpu.vector_store %arg13[%swap3A_2732, %swap3A_2733], %add3A_2730 {strides = array<i32>} : memref<16x256xf32, #tpu.memory_space<vmem>>, vector<16xf32>,
    %get3A_2735 = arith.constant 11 : i32
    %get3A_2736 = arith.index_cast %get3A_2735 : i32 to index
    %get3A_2737 = arith.constant 160 : index
    %get3A_2738 = tpu.vector_load %arg11[%get3A_2736, %get3A_2737] {strides = array<i32>} : memref<16x256xf32, #tpu.memory_space<vmem>>, vector<16xf32>,
    %get3A_2739 = arith.constant 11 : i32
    %get3A_2740 = arith.index_cast %get3A_2739 : i32 to index
    %get3A_2741 = arith.constant 160 : index
    %get3A_2742 = tpu.vector_load %arg12[%get3A_2740, %get3A_2741] {strides = array<i32>} : memref<16x256xf32, #tpu.memory_space<vmem>>, vector<16xf32>,
    %mul3A_2743 = arith.mulf %get3A_2742, %add3A_2580 : vector<16xf32>
    %add3A_2744 = arith.addf %get3A_2738, %mul3A_2743 : vector<16xf32>
    %swap3A_2745 = arith.constant 11 : i32
    %swap3A_2746 = arith.index_cast %swap3A_2745 : i32 to index
    %swap3A_2747 = arith.constant 160 : index
    %swap3A_2748 = tpu.vector_load %arg13[%swap3A_2746, %swap3A_2747] {strides = array<i32>} : memref<16x256xf32, #tpu.memory_space<vmem>>, vector<16xf32>,
    tpu.vector_store %arg13[%swap3A_2746, %swap3A_2747], %add3A_2744 {strides = array<i32>} : memref<16x256xf32, #tpu.memory_space<vmem>>, vector<16xf32>,
    %get3A_2749 = arith.constant 12 : i32
    %get3A_2750 = arith.index_cast %get3A_2749 : i32 to index
    %get3A_2751 = arith.constant 160 : index
    %get3A_2752 = tpu.vector_load %arg11[%get3A_2750, %get3A_2751] {strides = array<i32>} : memref<16x256xf32, #tpu.memory_space<vmem>>, vector<16xf32>,
    %get3A_2753 = arith.constant 12 : i32
    %get3A_2754 = arith.index_cast %get3A_2753 : i32 to index
    %get3A_2755 = arith.constant 160 : index
    %get3A_2756 = tpu.vector_load %arg12[%get3A_2754, %get3A_2755] {strides = array<i32>} : memref<16x256xf32, #tpu.memory_space<vmem>>, vector<16xf32>,
    %mul3A_2757 = arith.mulf %get3A_2756, %add3A_2580 : vector<16xf32>
    %add3A_2758 = arith.addf %get3A_2752, %mul3A_2757 : vector<16xf32>
    %swap3A_2759 = arith.constant 12 : i32
    %swap3A_2760 = arith.index_cast %swap3A_2759 : i32 to index
    %swap3A_2761 = arith.constant 160 : index
    %swap3A_2762 = tpu.vector_load %arg13[%swap3A_2760, %swap3A_2761] {strides = array<i32>} : memref<16x256xf32, #tpu.memory_space<vmem>>, vector<16xf32>,
    tpu.vector_store %arg13[%swap3A_2760, %swap3A_2761], %add3A_2758 {strides = array<i32>} : memref<16x256xf32, #tpu.memory_space<vmem>>, vector<16xf32>,
    %get3A_2763 = arith.constant 13 : i32
    %get3A_2764 = arith.index_cast %get3A_2763 : i32 to index
    %get3A_2765 = arith.constant 160 : index
    %get3A_2766 = tpu.vector_load %arg11[%get3A_2764, %get3A_2765] {strides = array<i32>} : memref<16x256xf32, #tpu.memory_space<vmem>>, vector<16xf32>,
    %get3A_2767 = arith.constant 13 : i32
    %get3A_2768 = arith.index_cast %get3A_2767 : i32 to index
    %get3A_2769 = arith.constant 160 : index
    %get3A_2770 = tpu.vector_load %arg12[%get3A_2768, %get3A_2769] {strides = array<i32>} : memref<16x256xf32, #tpu.memory_space<vmem>>, vector<16xf32>,
    %mul3A_2771 = arith.mulf %get3A_2770, %add3A_2580 : vector<16xf32>
    %add3A_2772 = arith.addf %get3A_2766, %mul3A_2771 : vector<16xf32>
    %swap3A_2773 = arith.constant 13 : i32
    %swap3A_2774 = arith.index_cast %swap3A_2773 : i32 to index
    %swap3A_2775 = arith.constant 160 : index
    %swap3A_2776 = tpu.vector_load %arg13[%swap3A_2774, %swap3A_2775] {strides = array<i32>} : memref<16x256xf32, #tpu.memory_space<vmem>>, vector<16xf32>,
    tpu.vector_store %arg13[%swap3A_2774, %swap3A_2775], %add3A_2772 {strides = array<i32>} : memref<16x256xf32, #tpu.memory_space<vmem>>, vector<16xf32>,
    %get3A_2777 = arith.constant 14 : i32
    %get3A_2778 = arith.index_cast %get3A_2777 : i32 to index
    %get3A_2779 = arith.constant 160 : index
    %get3A_2780 = tpu.vector_load %arg11[%get3A_2778, %get3A_2779] {strides = array<i32>} : memref<16x256xf32, #tpu.memory_space<vmem>>, vector<16xf32>,
    %get3A_2781 = arith.constant 14 : i32
    %get3A_2782 = arith.index_cast %get3A_2781 : i32 to index
    %get3A_2783 = arith.constant 160 : index
    %get3A_2784 = tpu.vector_load %arg12[%get3A_2782, %get3A_2783] {strides = array<i32>} : memref<16x256xf32, #tpu.memory_space<vmem>>, vector<16xf32>,
    %mul3A_2785 = arith.mulf %get3A_2784, %add3A_2580 : vector<16xf32>
    %add3A_2786 = arith.addf %get3A_2780, %mul3A_2785 : vector<16xf32>
    %swap3A_2787 = arith.constant 14 : i32
    %swap3A_2788 = arith.index_cast %swap3A_2787 : i32 to index
    %swap3A_2789 = arith.constant 160 : index
    %swap3A_2790 = tpu.vector_load %arg13[%swap3A_2788, %swap3A_2789] {strides = array<i32>} : memref<16x256xf32, #tpu.memory_space<vmem>>, vector<16xf32>,
    tpu.vector_store %arg13[%swap3A_2788, %swap3A_2789], %add3A_2786 {strides = array<i32>} : memref<16x256xf32, #tpu.memory_space<vmem>>, vector<16xf32>,
    %get3A_2791 = arith.constant 15 : i32
    %get3A_2792 = arith.index_cast %get3A_2791 : i32 to index
    %get3A_2793 = arith.constant 160 : index
    %get3A_2794 = tpu.vector_load %arg11[%get3A_2792, %get3A_2793] {strides = array<i32>} : memref<16x256xf32, #tpu.memory_space<vmem>>, vector<16xf32>,
    %get3A_2795 = arith.constant 15 : i32
    %get3A_2796 = arith.index_cast %get3A_2795 : i32 to index
    %get3A_2797 = arith.constant 160 : index
    %get3A_2798 = tpu.vector_load %arg12[%get3A_2796, %get3A_2797] {strides = array<i32>} : memref<16x256xf32, #tpu.memory_space<vmem>>, vector<16xf32>,
    %mul3A_2799 = arith.mulf %get3A_2798, %add3A_2580 : vector<16xf32>
    %add3A_2800 = arith.addf %get3A_2794, %mul3A_2799 : vector<16xf32>
    %swap3A_2801 = arith.constant 15 : i32
    %swap3A_2802 = arith.index_cast %swap3A_2801 : i32 to index
    %swap3A_2803 = arith.constant 160 : index
    %swap3A_2804 = tpu.vector_load %arg13[%swap3A_2802, %swap3A_2803] {strides = array<i32>} : memref<16x256xf32, #tpu.memory_space<vmem>>, vector<16xf32>,
    tpu.vector_store %arg13[%swap3A_2802, %swap3A_2803], %add3A_2800 {strides = array<i32>} : memref<16x256xf32, #tpu.memory_space<vmem>>, vector<16xf32>,
    %iota3A_2805 = tpu.iota {dimensions = array<i32: 0>} : vector<16xi32>
    %add3A_2806 = arith.constant 176 : i32
    %add3A_2807 = arith.addi %mul3A_2, %add3A_2806 : i32
    %add3A_2808 = vector.broadcast %add3A_2807 : i32 to vector<16xi32>
    %add3A_2809 = arith.addi %iota3A_2805, %add3A_2808 : vector<16xi32>
    %div3A_2810 = arith.divsi %add3A_2809, %div3A : vector<16xi32>
    %mul3A_2811 = arith.muli %div3A_2810, %div3A : vector<16xi32>
    %sub3A_2812 = arith.subi %add3A_2809, %mul3A_2811 : vector<16xi32>
    %add3A_2813 = arith.constant 1 : i32
    %add3A_2814 = vector.broadcast %add3A_2813 : i32 to vector<16xi32>
    %add3A_2815 = arith.addi %div3A_2810, %add3A_2814 : vector<16xi32>
    %min3A_2816 = arith.constant 64 : i32
    %min3A_2817 = vector.broadcast %min3A_2816 : i32 to vector<16xi32>
    %min3A_2818 = arith.minsi %add3A_2815, %min3A_2817 : vector<16xi32>
    %ge3A_2819 = vector.broadcast %multiple_of3A_39 : i32 to vector<16xi32>
    %ge3A_2820 = arith.cmpi sge, %sub3A_2812, %ge3A_2819 : vector<16xi32>
    %sub3A_2821 = vector.broadcast %multiple_of3A_39 : i32 to vector<16xi32>
    %sub3A_2822 = arith.subi %sub3A_2812, %sub3A_2821 : vector<16xi32>
    %add3A_2823 = arith.constant 264 : i32
    %add3A_2824 = vector.broadcast %add3A_2823 : i32 to vector<16xi32>
    %add3A_2825 = arith.addi %sub3A_2812, %add3A_2824 : vector<16xi32>
    %select_n3A_2826 = arith.select %ge3A_2820, %sub3A_2822, %add3A_2825 : vector<16xi1>, vector<16xi32>
    %gather3A_2827 = tpu.vector_load_idx %arg8[%select_n3A_2826] : memref<520xf32, #tpu.memory_space<vmem>>[vector<16xi32>], vector<16xf32>,
    %gather3A_2828 = tpu.vector_load_idx %arg9[%min3A_2818] : memref<65xf32, #tpu.memory_space<vmem>>[vector<16xi32>], vector<16xf32>,
    %add3A_2829 = arith.addf %gather3A_2827, %gather3A_2828 : vector<16xf32>
    %get3A_2830 = arith.constant 0 : i32
    %get3A_2831 = arith.index_cast %get3A_2830 : i32 to index
    %get3A_2832 = arith.constant 176 : index
    %get3A_2833 = tpu.vector_load %arg11[%get3A_2831, %get3A_2832] {strides = array<i32>} : memref<16x256xf32, #tpu.memory_space<vmem>>, vector<16xf32>,
    %get3A_2834 = arith.constant 0 : i32
    %get3A_2835 = arith.index_cast %get3A_2834 : i32 to index
    %get3A_2836 = arith.constant 176 : index
    %get3A_2837 = tpu.vector_load %arg12[%get3A_2835, %get3A_2836] {strides = array<i32>} : memref<16x256xf32, #tpu.memory_space<vmem>>, vector<16xf32>,
    %mul3A_2838 = arith.mulf %get3A_2837, %add3A_2829 : vector<16xf32>
    %add3A_2839 = arith.addf %get3A_2833, %mul3A_2838 : vector<16xf32>
    %swap3A_2840 = arith.constant 0 : i32
    %swap3A_2841 = arith.index_cast %swap3A_2840 : i32 to index
    %swap3A_2842 = arith.constant 176 : index
    %swap3A_2843 = tpu.vector_load %arg13[%swap3A_2841, %swap3A_2842] {strides = array<i32>} : memref<16x256xf32, #tpu.memory_space<vmem>>, vector<16xf32>,
    tpu.vector_store %arg13[%swap3A_2841, %swap3A_2842], %add3A_2839 {strides = array<i32>} : memref<16x256xf32, #tpu.memory_space<vmem>>, vector<16xf32>,
    %get3A_2844 = arith.constant 1 : i32
    %get3A_2845 = arith.index_cast %get3A_2844 : i32 to index
    %get3A_2846 = arith.constant 176 : index
    %get3A_2847 = tpu.vector_load %arg11[%get3A_2845, %get3A_2846] {strides = array<i32>} : memref<16x256xf32, #tpu.memory_space<vmem>>, vector<16xf32>,
    %get3A_2848 = arith.constant 1 : i32
    %get3A_2849 = arith.index_cast %get3A_2848 : i32 to index
    %get3A_2850 = arith.constant 176 : index
    %get3A_2851 = tpu.vector_load %arg12[%get3A_2849, %get3A_2850] {strides = array<i32>} : memref<16x256xf32, #tpu.memory_space<vmem>>, vector<16xf32>,
    %mul3A_2852 = arith.mulf %get3A_2851, %add3A_2829 : vector<16xf32>
    %add3A_2853 = arith.addf %get3A_2847, %mul3A_2852 : vector<16xf32>
    %swap3A_2854 = arith.constant 1 : i32
    %swap3A_2855 = arith.index_cast %swap3A_2854 : i32 to index
    %swap3A_2856 = arith.constant 176 : index
    %swap3A_2857 = tpu.vector_load %arg13[%swap3A_2855, %swap3A_2856] {strides = array<i32>} : memref<16x256xf32, #tpu.memory_space<vmem>>, vector<16xf32>,
    tpu.vector_store %arg13[%swap3A_2855, %swap3A_2856], %add3A_2853 {strides = array<i32>} : memref<16x256xf32, #tpu.memory_space<vmem>>, vector<16xf32>,
    %get3A_2858 = arith.constant 2 : i32
    %get3A_2859 = arith.index_cast %get3A_2858 : i32 to index
    %get3A_2860 = arith.constant 176 : index
    %get3A_2861 = tpu.vector_load %arg11[%get3A_2859, %get3A_2860] {strides = array<i32>} : memref<16x256xf32, #tpu.memory_space<vmem>>, vector<16xf32>,
    %get3A_2862 = arith.constant 2 : i32
    %get3A_2863 = arith.index_cast %get3A_2862 : i32 to index
    %get3A_2864 = arith.constant 176 : index
    %get3A_2865 = tpu.vector_load %arg12[%get3A_2863, %get3A_2864] {strides = array<i32>} : memref<16x256xf32, #tpu.memory_space<vmem>>, vector<16xf32>,
    %mul3A_2866 = arith.mulf %get3A_2865, %add3A_2829 : vector<16xf32>
    %add3A_2867 = arith.addf %get3A_2861, %mul3A_2866 : vector<16xf32>
    %swap3A_2868 = arith.constant 2 : i32
    %swap3A_2869 = arith.index_cast %swap3A_2868 : i32 to index
    %swap3A_2870 = arith.constant 176 : index
    %swap3A_2871 = tpu.vector_load %arg13[%swap3A_2869, %swap3A_2870] {strides = array<i32>} : memref<16x256xf32, #tpu.memory_space<vmem>>, vector<16xf32>,
    tpu.vector_store %arg13[%swap3A_2869, %swap3A_2870], %add3A_2867 {strides = array<i32>} : memref<16x256xf32, #tpu.memory_space<vmem>>, vector<16xf32>,
    %get3A_2872 = arith.constant 3 : i32
    %get3A_2873 = arith.index_cast %get3A_2872 : i32 to index
    %get3A_2874 = arith.constant 176 : index
    %get3A_2875 = tpu.vector_load %arg11[%get3A_2873, %get3A_2874] {strides = array<i32>} : memref<16x256xf32, #tpu.memory_space<vmem>>, vector<16xf32>,
    %get3A_2876 = arith.constant 3 : i32
    %get3A_2877 = arith.index_cast %get3A_2876 : i32 to index
    %get3A_2878 = arith.constant 176 : index
    %get3A_2879 = tpu.vector_load %arg12[%get3A_2877, %get3A_2878] {strides = array<i32>} : memref<16x256xf32, #tpu.memory_space<vmem>>, vector<16xf32>,
    %mul3A_2880 = arith.mulf %get3A_2879, %add3A_2829 : vector<16xf32>
    %add3A_2881 = arith.addf %get3A_2875, %mul3A_2880 : vector<16xf32>
    %swap3A_2882 = arith.constant 3 : i32
    %swap3A_2883 = arith.index_cast %swap3A_2882 : i32 to index
    %swap3A_2884 = arith.constant 176 : index
    %swap3A_2885 = tpu.vector_load %arg13[%swap3A_2883, %swap3A_2884] {strides = array<i32>} : memref<16x256xf32, #tpu.memory_space<vmem>>, vector<16xf32>,
    tpu.vector_store %arg13[%swap3A_2883, %swap3A_2884], %add3A_2881 {strides = array<i32>} : memref<16x256xf32, #tpu.memory_space<vmem>>, vector<16xf32>,
    %get3A_2886 = arith.constant 4 : i32
    %get3A_2887 = arith.index_cast %get3A_2886 : i32 to index
    %get3A_2888 = arith.constant 176 : index
    %get3A_2889 = tpu.vector_load %arg11[%get3A_2887, %get3A_2888] {strides = array<i32>} : memref<16x256xf32, #tpu.memory_space<vmem>>, vector<16xf32>,
    %get3A_2890 = arith.constant 4 : i32
    %get3A_2891 = arith.index_cast %get3A_2890 : i32 to index
    %get3A_2892 = arith.constant 176 : index
    %get3A_2893 = tpu.vector_load %arg12[%get3A_2891, %get3A_2892] {strides = array<i32>} : memref<16x256xf32, #tpu.memory_space<vmem>>, vector<16xf32>,
    %mul3A_2894 = arith.mulf %get3A_2893, %add3A_2829 : vector<16xf32>
    %add3A_2895 = arith.addf %get3A_2889, %mul3A_2894 : vector<16xf32>
    %swap3A_2896 = arith.constant 4 : i32
    %swap3A_2897 = arith.index_cast %swap3A_2896 : i32 to index
    %swap3A_2898 = arith.constant 176 : index
    %swap3A_2899 = tpu.vector_load %arg13[%swap3A_2897, %swap3A_2898] {strides = array<i32>} : memref<16x256xf32, #tpu.memory_space<vmem>>, vector<16xf32>,
    tpu.vector_store %arg13[%swap3A_2897, %swap3A_2898], %add3A_2895 {strides = array<i32>} : memref<16x256xf32, #tpu.memory_space<vmem>>, vector<16xf32>,
    %get3A_2900 = arith.constant 5 : i32
    %get3A_2901 = arith.index_cast %get3A_2900 : i32 to index
    %get3A_2902 = arith.constant 176 : index
    %get3A_2903 = tpu.vector_load %arg11[%get3A_2901, %get3A_2902] {strides = array<i32>} : memref<16x256xf32, #tpu.memory_space<vmem>>, vector<16xf32>,
    %get3A_2904 = arith.constant 5 : i32
    %get3A_2905 = arith.index_cast %get3A_2904 : i32 to index
    %get3A_2906 = arith.constant 176 : index
    %get3A_2907 = tpu.vector_load %arg12[%get3A_2905, %get3A_2906] {strides = array<i32>} : memref<16x256xf32, #tpu.memory_space<vmem>>, vector<16xf32>,
    %mul3A_2908 = arith.mulf %get3A_2907, %add3A_2829 : vector<16xf32>
    %add3A_2909 = arith.addf %get3A_2903, %mul3A_2908 : vector<16xf32>
    %swap3A_2910 = arith.constant 5 : i32
    %swap3A_2911 = arith.index_cast %swap3A_2910 : i32 to index
    %swap3A_2912 = arith.constant 176 : index
    %swap3A_2913 = tpu.vector_load %arg13[%swap3A_2911, %swap3A_2912] {strides = array<i32>} : memref<16x256xf32, #tpu.memory_space<vmem>>, vector<16xf32>,
    tpu.vector_store %arg13[%swap3A_2911, %swap3A_2912], %add3A_2909 {strides = array<i32>} : memref<16x256xf32, #tpu.memory_space<vmem>>, vector<16xf32>,
    %get3A_2914 = arith.constant 6 : i32
    %get3A_2915 = arith.index_cast %get3A_2914 : i32 to index
    %get3A_2916 = arith.constant 176 : index
    %get3A_2917 = tpu.vector_load %arg11[%get3A_2915, %get3A_2916] {strides = array<i32>} : memref<16x256xf32, #tpu.memory_space<vmem>>, vector<16xf32>,
    %get3A_2918 = arith.constant 6 : i32
    %get3A_2919 = arith.index_cast %get3A_2918 : i32 to index
    %get3A_2920 = arith.constant 176 : index
    %get3A_2921 = tpu.vector_load %arg12[%get3A_2919, %get3A_2920] {strides = array<i32>} : memref<16x256xf32, #tpu.memory_space<vmem>>, vector<16xf32>,
    %mul3A_2922 = arith.mulf %get3A_2921, %add3A_2829 : vector<16xf32>
    %add3A_2923 = arith.addf %get3A_2917, %mul3A_2922 : vector<16xf32>
    %swap3A_2924 = arith.constant 6 : i32
    %swap3A_2925 = arith.index_cast %swap3A_2924 : i32 to index
    %swap3A_2926 = arith.constant 176 : index
    %swap3A_2927 = tpu.vector_load %arg13[%swap3A_2925, %swap3A_2926] {strides = array<i32>} : memref<16x256xf32, #tpu.memory_space<vmem>>, vector<16xf32>,
    tpu.vector_store %arg13[%swap3A_2925, %swap3A_2926], %add3A_2923 {strides = array<i32>} : memref<16x256xf32, #tpu.memory_space<vmem>>, vector<16xf32>,
    %get3A_2928 = arith.constant 7 : i32
    %get3A_2929 = arith.index_cast %get3A_2928 : i32 to index
    %get3A_2930 = arith.constant 176 : index
    %get3A_2931 = tpu.vector_load %arg11[%get3A_2929, %get3A_2930] {strides = array<i32>} : memref<16x256xf32, #tpu.memory_space<vmem>>, vector<16xf32>,
    %get3A_2932 = arith.constant 7 : i32
    %get3A_2933 = arith.index_cast %get3A_2932 : i32 to index
    %get3A_2934 = arith.constant 176 : index
    %get3A_2935 = tpu.vector_load %arg12[%get3A_2933, %get3A_2934] {strides = array<i32>} : memref<16x256xf32, #tpu.memory_space<vmem>>, vector<16xf32>,
    %mul3A_2936 = arith.mulf %get3A_2935, %add3A_2829 : vector<16xf32>
    %add3A_2937 = arith.addf %get3A_2931, %mul3A_2936 : vector<16xf32>
    %swap3A_2938 = arith.constant 7 : i32
    %swap3A_2939 = arith.index_cast %swap3A_2938 : i32 to index
    %swap3A_2940 = arith.constant 176 : index
    %swap3A_2941 = tpu.vector_load %arg13[%swap3A_2939, %swap3A_2940] {strides = array<i32>} : memref<16x256xf32, #tpu.memory_space<vmem>>, vector<16xf32>,
    tpu.vector_store %arg13[%swap3A_2939, %swap3A_2940], %add3A_2937 {strides = array<i32>} : memref<16x256xf32, #tpu.memory_space<vmem>>, vector<16xf32>,
    %get3A_2942 = arith.constant 8 : i32
    %get3A_2943 = arith.index_cast %get3A_2942 : i32 to index
    %get3A_2944 = arith.constant 176 : index
    %get3A_2945 = tpu.vector_load %arg11[%get3A_2943, %get3A_2944] {strides = array<i32>} : memref<16x256xf32, #tpu.memory_space<vmem>>, vector<16xf32>,
    %get3A_2946 = arith.constant 8 : i32
    %get3A_2947 = arith.index_cast %get3A_2946 : i32 to index
    %get3A_2948 = arith.constant 176 : index
    %get3A_2949 = tpu.vector_load %arg12[%get3A_2947, %get3A_2948] {strides = array<i32>} : memref<16x256xf32, #tpu.memory_space<vmem>>, vector<16xf32>,
    %mul3A_2950 = arith.mulf %get3A_2949, %add3A_2829 : vector<16xf32>
    %add3A_2951 = arith.addf %get3A_2945, %mul3A_2950 : vector<16xf32>
    %swap3A_2952 = arith.constant 8 : i32
    %swap3A_2953 = arith.index_cast %swap3A_2952 : i32 to index
    %swap3A_2954 = arith.constant 176 : index
    %swap3A_2955 = tpu.vector_load %arg13[%swap3A_2953, %swap3A_2954] {strides = array<i32>} : memref<16x256xf32, #tpu.memory_space<vmem>>, vector<16xf32>,
    tpu.vector_store %arg13[%swap3A_2953, %swap3A_2954], %add3A_2951 {strides = array<i32>} : memref<16x256xf32, #tpu.memory_space<vmem>>, vector<16xf32>,
    %get3A_2956 = arith.constant 9 : i32
    %get3A_2957 = arith.index_cast %get3A_2956 : i32 to index
    %get3A_2958 = arith.constant 176 : index
    %get3A_2959 = tpu.vector_load %arg11[%get3A_2957, %get3A_2958] {strides = array<i32>} : memref<16x256xf32, #tpu.memory_space<vmem>>, vector<16xf32>,
    %get3A_2960 = arith.constant 9 : i32
    %get3A_2961 = arith.index_cast %get3A_2960 : i32 to index
    %get3A_2962 = arith.constant 176 : index
    %get3A_2963 = tpu.vector_load %arg12[%get3A_2961, %get3A_2962] {strides = array<i32>} : memref<16x256xf32, #tpu.memory_space<vmem>>, vector<16xf32>,
    %mul3A_2964 = arith.mulf %get3A_2963, %add3A_2829 : vector<16xf32>
    %add3A_2965 = arith.addf %get3A_2959, %mul3A_2964 : vector<16xf32>
    %swap3A_2966 = arith.constant 9 : i32
    %swap3A_2967 = arith.index_cast %swap3A_2966 : i32 to index
    %swap3A_2968 = arith.constant 176 : index
    %swap3A_2969 = tpu.vector_load %arg13[%swap3A_2967, %swap3A_2968] {strides = array<i32>} : memref<16x256xf32, #tpu.memory_space<vmem>>, vector<16xf32>,
    tpu.vector_store %arg13[%swap3A_2967, %swap3A_2968], %add3A_2965 {strides = array<i32>} : memref<16x256xf32, #tpu.memory_space<vmem>>, vector<16xf32>,
    %get3A_2970 = arith.constant 10 : i32
    %get3A_2971 = arith.index_cast %get3A_2970 : i32 to index
    %get3A_2972 = arith.constant 176 : index
    %get3A_2973 = tpu.vector_load %arg11[%get3A_2971, %get3A_2972] {strides = array<i32>} : memref<16x256xf32, #tpu.memory_space<vmem>>, vector<16xf32>,
    %get3A_2974 = arith.constant 10 : i32
    %get3A_2975 = arith.index_cast %get3A_2974 : i32 to index
    %get3A_2976 = arith.constant 176 : index
    %get3A_2977 = tpu.vector_load %arg12[%get3A_2975, %get3A_2976] {strides = array<i32>} : memref<16x256xf32, #tpu.memory_space<vmem>>, vector<16xf32>,
    %mul3A_2978 = arith.mulf %get3A_2977, %add3A_2829 : vector<16xf32>
    %add3A_2979 = arith.addf %get3A_2973, %mul3A_2978 : vector<16xf32>
    %swap3A_2980 = arith.constant 10 : i32
    %swap3A_2981 = arith.index_cast %swap3A_2980 : i32 to index
    %swap3A_2982 = arith.constant 176 : index
    %swap3A_2983 = tpu.vector_load %arg13[%swap3A_2981, %swap3A_2982] {strides = array<i32>} : memref<16x256xf32, #tpu.memory_space<vmem>>, vector<16xf32>,
    tpu.vector_store %arg13[%swap3A_2981, %swap3A_2982], %add3A_2979 {strides = array<i32>} : memref<16x256xf32, #tpu.memory_space<vmem>>, vector<16xf32>,
    %get3A_2984 = arith.constant 11 : i32
    %get3A_2985 = arith.index_cast %get3A_2984 : i32 to index
    %get3A_2986 = arith.constant 176 : index
    %get3A_2987 = tpu.vector_load %arg11[%get3A_2985, %get3A_2986] {strides = array<i32>} : memref<16x256xf32, #tpu.memory_space<vmem>>, vector<16xf32>,
    %get3A_2988 = arith.constant 11 : i32
    %get3A_2989 = arith.index_cast %get3A_2988 : i32 to index
    %get3A_2990 = arith.constant 176 : index
    %get3A_2991 = tpu.vector_load %arg12[%get3A_2989, %get3A_2990] {strides = array<i32>} : memref<16x256xf32, #tpu.memory_space<vmem>>, vector<16xf32>,
    %mul3A_2992 = arith.mulf %get3A_2991, %add3A_2829 : vector<16xf32>
    %add3A_2993 = arith.addf %get3A_2987, %mul3A_2992 : vector<16xf32>
    %swap3A_2994 = arith.constant 11 : i32
    %swap3A_2995 = arith.index_cast %swap3A_2994 : i32 to index
    %swap3A_2996 = arith.constant 176 : index
    %swap3A_2997 = tpu.vector_load %arg13[%swap3A_2995, %swap3A_2996] {strides = array<i32>} : memref<16x256xf32, #tpu.memory_space<vmem>>, vector<16xf32>,
    tpu.vector_store %arg13[%swap3A_2995, %swap3A_2996], %add3A_2993 {strides = array<i32>} : memref<16x256xf32, #tpu.memory_space<vmem>>, vector<16xf32>,
    %get3A_2998 = arith.constant 12 : i32
    %get3A_2999 = arith.index_cast %get3A_2998 : i32 to index
    %get3A_3000 = arith.constant 176 : index
    %get3A_3001 = tpu.vector_load %arg11[%get3A_2999, %get3A_3000] {strides = array<i32>} : memref<16x256xf32, #tpu.memory_space<vmem>>, vector<16xf32>,
    %get3A_3002 = arith.constant 12 : i32
    %get3A_3003 = arith.index_cast %get3A_3002 : i32 to index
    %get3A_3004 = arith.constant 176 : index
    %get3A_3005 = tpu.vector_load %arg12[%get3A_3003, %get3A_3004] {strides = array<i32>} : memref<16x256xf32, #tpu.memory_space<vmem>>, vector<16xf32>,
    %mul3A_3006 = arith.mulf %get3A_3005, %add3A_2829 : vector<16xf32>
    %add3A_3007 = arith.addf %get3A_3001, %mul3A_3006 : vector<16xf32>
    %swap3A_3008 = arith.constant 12 : i32
    %swap3A_3009 = arith.index_cast %swap3A_3008 : i32 to index
    %swap3A_3010 = arith.constant 176 : index
    %swap3A_3011 = tpu.vector_load %arg13[%swap3A_3009, %swap3A_3010] {strides = array<i32>} : memref<16x256xf32, #tpu.memory_space<vmem>>, vector<16xf32>,
    tpu.vector_store %arg13[%swap3A_3009, %swap3A_3010], %add3A_3007 {strides = array<i32>} : memref<16x256xf32, #tpu.memory_space<vmem>>, vector<16xf32>,
    %get3A_3012 = arith.constant 13 : i32
    %get3A_3013 = arith.index_cast %get3A_3012 : i32 to index
    %get3A_3014 = arith.constant 176 : index
    %get3A_3015 = tpu.vector_load %arg11[%get3A_3013, %get3A_3014] {strides = array<i32>} : memref<16x256xf32, #tpu.memory_space<vmem>>, vector<16xf32>,
    %get3A_3016 = arith.constant 13 : i32
    %get3A_3017 = arith.index_cast %get3A_3016 : i32 to index
    %get3A_3018 = arith.constant 176 : index
    %get3A_3019 = tpu.vector_load %arg12[%get3A_3017, %get3A_3018] {strides = array<i32>} : memref<16x256xf32, #tpu.memory_space<vmem>>, vector<16xf32>,
    %mul3A_3020 = arith.mulf %get3A_3019, %add3A_2829 : vector<16xf32>
    %add3A_3021 = arith.addf %get3A_3015, %mul3A_3020 : vector<16xf32>
    %swap3A_3022 = arith.constant 13 : i32
    %swap3A_3023 = arith.index_cast %swap3A_3022 : i32 to index
    %swap3A_3024 = arith.constant 176 : index
    %swap3A_3025 = tpu.vector_load %arg13[%swap3A_3023, %swap3A_3024] {strides = array<i32>} : memref<16x256xf32, #tpu.memory_space<vmem>>, vector<16xf32>,
    tpu.vector_store %arg13[%swap3A_3023, %swap3A_3024], %add3A_3021 {strides = array<i32>} : memref<16x256xf32, #tpu.memory_space<vmem>>, vector<16xf32>,
    %get3A_3026 = arith.constant 14 : i32
    %get3A_3027 = arith.index_cast %get3A_3026 : i32 to index
    %get3A_3028 = arith.constant 176 : index
    %get3A_3029 = tpu.vector_load %arg11[%get3A_3027, %get3A_3028] {strides = array<i32>} : memref<16x256xf32, #tpu.memory_space<vmem>>, vector<16xf32>,
    %get3A_3030 = arith.constant 14 : i32
    %get3A_3031 = arith.index_cast %get3A_3030 : i32 to index
    %get3A_3032 = arith.constant 176 : index
    %get3A_3033 = tpu.vector_load %arg12[%get3A_3031, %get3A_3032] {strides = array<i32>} : memref<16x256xf32, #tpu.memory_space<vmem>>, vector<16xf32>,
    %mul3A_3034 = arith.mulf %get3A_3033, %add3A_2829 : vector<16xf32>
    %add3A_3035 = arith.addf %get3A_3029, %mul3A_3034 : vector<16xf32>
    %swap3A_3036 = arith.constant 14 : i32
    %swap3A_3037 = arith.index_cast %swap3A_3036 : i32 to index
    %swap3A_3038 = arith.constant 176 : index
    %swap3A_3039 = tpu.vector_load %arg13[%swap3A_3037, %swap3A_3038] {strides = array<i32>} : memref<16x256xf32, #tpu.memory_space<vmem>>, vector<16xf32>,
    tpu.vector_store %arg13[%swap3A_3037, %swap3A_3038], %add3A_3035 {strides = array<i32>} : memref<16x256xf32, #tpu.memory_space<vmem>>, vector<16xf32>,
    %get3A_3040 = arith.constant 15 : i32
    %get3A_3041 = arith.index_cast %get3A_3040 : i32 to index
    %get3A_3042 = arith.constant 176 : index
    %get3A_3043 = tpu.vector_load %arg11[%get3A_3041, %get3A_3042] {strides = array<i32>} : memref<16x256xf32, #tpu.memory_space<vmem>>, vector<16xf32>,
    %get3A_3044 = arith.constant 15 : i32
    %get3A_3045 = arith.index_cast %get3A_3044 : i32 to index
    %get3A_3046 = arith.constant 176 : index
    %get3A_3047 = tpu.vector_load %arg12[%get3A_3045, %get3A_3046] {strides = array<i32>} : memref<16x256xf32, #tpu.memory_space<vmem>>, vector<16xf32>,
    %mul3A_3048 = arith.mulf %get3A_3047, %add3A_2829 : vector<16xf32>
    %add3A_3049 = arith.addf %get3A_3043, %mul3A_3048 : vector<16xf32>
    %swap3A_3050 = arith.constant 15 : i32
    %swap3A_3051 = arith.index_cast %swap3A_3050 : i32 to index
    %swap3A_3052 = arith.constant 176 : index
    %swap3A_3053 = tpu.vector_load %arg13[%swap3A_3051, %swap3A_3052] {strides = array<i32>} : memref<16x256xf32, #tpu.memory_space<vmem>>, vector<16xf32>,
    tpu.vector_store %arg13[%swap3A_3051, %swap3A_3052], %add3A_3049 {strides = array<i32>} : memref<16x256xf32, #tpu.memory_space<vmem>>, vector<16xf32>,
    %iota3A_3054 = tpu.iota {dimensions = array<i32: 0>} : vector<16xi32>
    %add3A_3055 = arith.constant 192 : i32
    %add3A_3056 = arith.addi %mul3A_2, %add3A_3055 : i32
    %add3A_3057 = vector.broadcast %add3A_3056 : i32 to vector<16xi32>
    %add3A_3058 = arith.addi %iota3A_3054, %add3A_3057 : vector<16xi32>
    %div3A_3059 = arith.divsi %add3A_3058, %div3A : vector<16xi32>
    %mul3A_3060 = arith.muli %div3A_3059, %div3A : vector<16xi32>
    %sub3A_3061 = arith.subi %add3A_3058, %mul3A_3060 : vector<16xi32>
    %add3A_3062 = arith.constant 1 : i32
    %add3A_3063 = vector.broadcast %add3A_3062 : i32 to vector<16xi32>
    %add3A_3064 = arith.addi %div3A_3059, %add3A_3063 : vector<16xi32>
    %min3A_3065 = arith.constant 64 : i32
    %min3A_3066 = vector.broadcast %min3A_3065 : i32 to vector<16xi32>
    %min3A_3067 = arith.minsi %add3A_3064, %min3A_3066 : vector<16xi32>
    %ge3A_3068 = vector.broadcast %multiple_of3A_39 : i32 to vector<16xi32>
    %ge3A_3069 = arith.cmpi sge, %sub3A_3061, %ge3A_3068 : vector<16xi32>
    %sub3A_3070 = vector.broadcast %multiple_of3A_39 : i32 to vector<16xi32>
    %sub3A_3071 = arith.subi %sub3A_3061, %sub3A_3070 : vector<16xi32>
    %add3A_3072 = arith.constant 264 : i32
    %add3A_3073 = vector.broadcast %add3A_3072 : i32 to vector<16xi32>
    %add3A_3074 = arith.addi %sub3A_3061, %add3A_3073 : vector<16xi32>
    %select_n3A_3075 = arith.select %ge3A_3069, %sub3A_3071, %add3A_3074 : vector<16xi1>, vector<16xi32>
    %gather3A_3076 = tpu.vector_load_idx %arg8[%select_n3A_3075] : memref<520xf32, #tpu.memory_space<vmem>>[vector<16xi32>], vector<16xf32>,
    %gather3A_3077 = tpu.vector_load_idx %arg9[%min3A_3067] : memref<65xf32, #tpu.memory_space<vmem>>[vector<16xi32>], vector<16xf32>,
    %add3A_3078 = arith.addf %gather3A_3076, %gather3A_3077 : vector<16xf32>
    %get3A_3079 = arith.constant 0 : i32
    %get3A_3080 = arith.index_cast %get3A_3079 : i32 to index
    %get3A_3081 = arith.constant 192 : index
    %get3A_3082 = tpu.vector_load %arg11[%get3A_3080, %get3A_3081] {strides = array<i32>} : memref<16x256xf32, #tpu.memory_space<vmem>>, vector<16xf32>,
    %get3A_3083 = arith.constant 0 : i32
    %get3A_3084 = arith.index_cast %get3A_3083 : i32 to index
    %get3A_3085 = arith.constant 192 : index
    %get3A_3086 = tpu.vector_load %arg12[%get3A_3084, %get3A_3085] {strides = array<i32>} : memref<16x256xf32, #tpu.memory_space<vmem>>, vector<16xf32>,
    %mul3A_3087 = arith.mulf %get3A_3086, %add3A_3078 : vector<16xf32>
    %add3A_3088 = arith.addf %get3A_3082, %mul3A_3087 : vector<16xf32>
    %swap3A_3089 = arith.constant 0 : i32
    %swap3A_3090 = arith.index_cast %swap3A_3089 : i32 to index
    %swap3A_3091 = arith.constant 192 : index
    %swap3A_3092 = tpu.vector_load %arg13[%swap3A_3090, %swap3A_3091] {strides = array<i32>} : memref<16x256xf32, #tpu.memory_space<vmem>>, vector<16xf32>,
    tpu.vector_store %arg13[%swap3A_3090, %swap3A_3091], %add3A_3088 {strides = array<i32>} : memref<16x256xf32, #tpu.memory_space<vmem>>, vector<16xf32>,
    %get3A_3093 = arith.constant 1 : i32
    %get3A_3094 = arith.index_cast %get3A_3093 : i32 to index
    %get3A_3095 = arith.constant 192 : index
    %get3A_3096 = tpu.vector_load %arg11[%get3A_3094, %get3A_3095] {strides = array<i32>} : memref<16x256xf32, #tpu.memory_space<vmem>>, vector<16xf32>,
    %get3A_3097 = arith.constant 1 : i32
    %get3A_3098 = arith.index_cast %get3A_3097 : i32 to index
    %get3A_3099 = arith.constant 192 : index
    %get3A_3100 = tpu.vector_load %arg12[%get3A_3098, %get3A_3099] {strides = array<i32>} : memref<16x256xf32, #tpu.memory_space<vmem>>, vector<16xf32>,
    %mul3A_3101 = arith.mulf %get3A_3100, %add3A_3078 : vector<16xf32>
    %add3A_3102 = arith.addf %get3A_3096, %mul3A_3101 : vector<16xf32>
    %swap3A_3103 = arith.constant 1 : i32
    %swap3A_3104 = arith.index_cast %swap3A_3103 : i32 to index
    %swap3A_3105 = arith.constant 192 : index
    %swap3A_3106 = tpu.vector_load %arg13[%swap3A_3104, %swap3A_3105] {strides = array<i32>} : memref<16x256xf32, #tpu.memory_space<vmem>>, vector<16xf32>,
    tpu.vector_store %arg13[%swap3A_3104, %swap3A_3105], %add3A_3102 {strides = array<i32>} : memref<16x256xf32, #tpu.memory_space<vmem>>, vector<16xf32>,
    %get3A_3107 = arith.constant 2 : i32
    %get3A_3108 = arith.index_cast %get3A_3107 : i32 to index
    %get3A_3109 = arith.constant 192 : index
    %get3A_3110 = tpu.vector_load %arg11[%get3A_3108, %get3A_3109] {strides = array<i32>} : memref<16x256xf32, #tpu.memory_space<vmem>>, vector<16xf32>,
    %get3A_3111 = arith.constant 2 : i32
    %get3A_3112 = arith.index_cast %get3A_3111 : i32 to index
    %get3A_3113 = arith.constant 192 : index
    %get3A_3114 = tpu.vector_load %arg12[%get3A_3112, %get3A_3113] {strides = array<i32>} : memref<16x256xf32, #tpu.memory_space<vmem>>, vector<16xf32>,
    %mul3A_3115 = arith.mulf %get3A_3114, %add3A_3078 : vector<16xf32>
    %add3A_3116 = arith.addf %get3A_3110, %mul3A_3115 : vector<16xf32>
    %swap3A_3117 = arith.constant 2 : i32
    %swap3A_3118 = arith.index_cast %swap3A_3117 : i32 to index
    %swap3A_3119 = arith.constant 192 : index
    %swap3A_3120 = tpu.vector_load %arg13[%swap3A_3118, %swap3A_3119] {strides = array<i32>} : memref<16x256xf32, #tpu.memory_space<vmem>>, vector<16xf32>,
    tpu.vector_store %arg13[%swap3A_3118, %swap3A_3119], %add3A_3116 {strides = array<i32>} : memref<16x256xf32, #tpu.memory_space<vmem>>, vector<16xf32>,
    %get3A_3121 = arith.constant 3 : i32
    %get3A_3122 = arith.index_cast %get3A_3121 : i32 to index
    %get3A_3123 = arith.constant 192 : index
    %get3A_3124 = tpu.vector_load %arg11[%get3A_3122, %get3A_3123] {strides = array<i32>} : memref<16x256xf32, #tpu.memory_space<vmem>>, vector<16xf32>,
    %get3A_3125 = arith.constant 3 : i32
    %get3A_3126 = arith.index_cast %get3A_3125 : i32 to index
    %get3A_3127 = arith.constant 192 : index
    %get3A_3128 = tpu.vector_load %arg12[%get3A_3126, %get3A_3127] {strides = array<i32>} : memref<16x256xf32, #tpu.memory_space<vmem>>, vector<16xf32>,
    %mul3A_3129 = arith.mulf %get3A_3128, %add3A_3078 : vector<16xf32>
    %add3A_3130 = arith.addf %get3A_3124, %mul3A_3129 : vector<16xf32>
    %swap3A_3131 = arith.constant 3 : i32
    %swap3A_3132 = arith.index_cast %swap3A_3131 : i32 to index
    %swap3A_3133 = arith.constant 192 : index
    %swap3A_3134 = tpu.vector_load %arg13[%swap3A_3132, %swap3A_3133] {strides = array<i32>} : memref<16x256xf32, #tpu.memory_space<vmem>>, vector<16xf32>,
    tpu.vector_store %arg13[%swap3A_3132, %swap3A_3133], %add3A_3130 {strides = array<i32>} : memref<16x256xf32, #tpu.memory_space<vmem>>, vector<16xf32>,
    %get3A_3135 = arith.constant 4 : i32
    %get3A_3136 = arith.index_cast %get3A_3135 : i32 to index
    %get3A_3137 = arith.constant 192 : index
    %get3A_3138 = tpu.vector_load %arg11[%get3A_3136, %get3A_3137] {strides = array<i32>} : memref<16x256xf32, #tpu.memory_space<vmem>>, vector<16xf32>,
    %get3A_3139 = arith.constant 4 : i32
    %get3A_3140 = arith.index_cast %get3A_3139 : i32 to index
    %get3A_3141 = arith.constant 192 : index
    %get3A_3142 = tpu.vector_load %arg12[%get3A_3140, %get3A_3141] {strides = array<i32>} : memref<16x256xf32, #tpu.memory_space<vmem>>, vector<16xf32>,
    %mul3A_3143 = arith.mulf %get3A_3142, %add3A_3078 : vector<16xf32>
    %add3A_3144 = arith.addf %get3A_3138, %mul3A_3143 : vector<16xf32>
    %swap3A_3145 = arith.constant 4 : i32
    %swap3A_3146 = arith.index_cast %swap3A_3145 : i32 to index
    %swap3A_3147 = arith.constant 192 : index
    %swap3A_3148 = tpu.vector_load %arg13[%swap3A_3146, %swap3A_3147] {strides = array<i32>} : memref<16x256xf32, #tpu.memory_space<vmem>>, vector<16xf32>,
    tpu.vector_store %arg13[%swap3A_3146, %swap3A_3147], %add3A_3144 {strides = array<i32>} : memref<16x256xf32, #tpu.memory_space<vmem>>, vector<16xf32>,
    %get3A_3149 = arith.constant 5 : i32
    %get3A_3150 = arith.index_cast %get3A_3149 : i32 to index
    %get3A_3151 = arith.constant 192 : index
    %get3A_3152 = tpu.vector_load %arg11[%get3A_3150, %get3A_3151] {strides = array<i32>} : memref<16x256xf32, #tpu.memory_space<vmem>>, vector<16xf32>,
    %get3A_3153 = arith.constant 5 : i32
    %get3A_3154 = arith.index_cast %get3A_3153 : i32 to index
    %get3A_3155 = arith.constant 192 : index
    %get3A_3156 = tpu.vector_load %arg12[%get3A_3154, %get3A_3155] {strides = array<i32>} : memref<16x256xf32, #tpu.memory_space<vmem>>, vector<16xf32>,
    %mul3A_3157 = arith.mulf %get3A_3156, %add3A_3078 : vector<16xf32>
    %add3A_3158 = arith.addf %get3A_3152, %mul3A_3157 : vector<16xf32>
    %swap3A_3159 = arith.constant 5 : i32
    %swap3A_3160 = arith.index_cast %swap3A_3159 : i32 to index
    %swap3A_3161 = arith.constant 192 : index
    %swap3A_3162 = tpu.vector_load %arg13[%swap3A_3160, %swap3A_3161] {strides = array<i32>} : memref<16x256xf32, #tpu.memory_space<vmem>>, vector<16xf32>,
    tpu.vector_store %arg13[%swap3A_3160, %swap3A_3161], %add3A_3158 {strides = array<i32>} : memref<16x256xf32, #tpu.memory_space<vmem>>, vector<16xf32>,
    %get3A_3163 = arith.constant 6 : i32
    %get3A_3164 = arith.index_cast %get3A_3163 : i32 to index
    %get3A_3165 = arith.constant 192 : index
    %get3A_3166 = tpu.vector_load %arg11[%get3A_3164, %get3A_3165] {strides = array<i32>} : memref<16x256xf32, #tpu.memory_space<vmem>>, vector<16xf32>,
    %get3A_3167 = arith.constant 6 : i32
    %get3A_3168 = arith.index_cast %get3A_3167 : i32 to index
    %get3A_3169 = arith.constant 192 : index
    %get3A_3170 = tpu.vector_load %arg12[%get3A_3168, %get3A_3169] {strides = array<i32>} : memref<16x256xf32, #tpu.memory_space<vmem>>, vector<16xf32>,
    %mul3A_3171 = arith.mulf %get3A_3170, %add3A_3078 : vector<16xf32>
    %add3A_3172 = arith.addf %get3A_3166, %mul3A_3171 : vector<16xf32>
    %swap3A_3173 = arith.constant 6 : i32
    %swap3A_3174 = arith.index_cast %swap3A_3173 : i32 to index
    %swap3A_3175 = arith.constant 192 : index
    %swap3A_3176 = tpu.vector_load %arg13[%swap3A_3174, %swap3A_3175] {strides = array<i32>} : memref<16x256xf32, #tpu.memory_space<vmem>>, vector<16xf32>,
    tpu.vector_store %arg13[%swap3A_3174, %swap3A_3175], %add3A_3172 {strides = array<i32>} : memref<16x256xf32, #tpu.memory_space<vmem>>, vector<16xf32>,
    %get3A_3177 = arith.constant 7 : i32
    %get3A_3178 = arith.index_cast %get3A_3177 : i32 to index
    %get3A_3179 = arith.constant 192 : index
    %get3A_3180 = tpu.vector_load %arg11[%get3A_3178, %get3A_3179] {strides = array<i32>} : memref<16x256xf32, #tpu.memory_space<vmem>>, vector<16xf32>,
    %get3A_3181 = arith.constant 7 : i32
    %get3A_3182 = arith.index_cast %get3A_3181 : i32 to index
    %get3A_3183 = arith.constant 192 : index
    %get3A_3184 = tpu.vector_load %arg12[%get3A_3182, %get3A_3183] {strides = array<i32>} : memref<16x256xf32, #tpu.memory_space<vmem>>, vector<16xf32>,
    %mul3A_3185 = arith.mulf %get3A_3184, %add3A_3078 : vector<16xf32>
    %add3A_3186 = arith.addf %get3A_3180, %mul3A_3185 : vector<16xf32>
    %swap3A_3187 = arith.constant 7 : i32
    %swap3A_3188 = arith.index_cast %swap3A_3187 : i32 to index
    %swap3A_3189 = arith.constant 192 : index
    %swap3A_3190 = tpu.vector_load %arg13[%swap3A_3188, %swap3A_3189] {strides = array<i32>} : memref<16x256xf32, #tpu.memory_space<vmem>>, vector<16xf32>,
    tpu.vector_store %arg13[%swap3A_3188, %swap3A_3189], %add3A_3186 {strides = array<i32>} : memref<16x256xf32, #tpu.memory_space<vmem>>, vector<16xf32>,
    %get3A_3191 = arith.constant 8 : i32
    %get3A_3192 = arith.index_cast %get3A_3191 : i32 to index
    %get3A_3193 = arith.constant 192 : index
    %get3A_3194 = tpu.vector_load %arg11[%get3A_3192, %get3A_3193] {strides = array<i32>} : memref<16x256xf32, #tpu.memory_space<vmem>>, vector<16xf32>,
    %get3A_3195 = arith.constant 8 : i32
    %get3A_3196 = arith.index_cast %get3A_3195 : i32 to index
    %get3A_3197 = arith.constant 192 : index
    %get3A_3198 = tpu.vector_load %arg12[%get3A_3196, %get3A_3197] {strides = array<i32>} : memref<16x256xf32, #tpu.memory_space<vmem>>, vector<16xf32>,
    %mul3A_3199 = arith.mulf %get3A_3198, %add3A_3078 : vector<16xf32>
    %add3A_3200 = arith.addf %get3A_3194, %mul3A_3199 : vector<16xf32>
    %swap3A_3201 = arith.constant 8 : i32
    %swap3A_3202 = arith.index_cast %swap3A_3201 : i32 to index
    %swap3A_3203 = arith.constant 192 : index
    %swap3A_3204 = tpu.vector_load %arg13[%swap3A_3202, %swap3A_3203] {strides = array<i32>} : memref<16x256xf32, #tpu.memory_space<vmem>>, vector<16xf32>,
    tpu.vector_store %arg13[%swap3A_3202, %swap3A_3203], %add3A_3200 {strides = array<i32>} : memref<16x256xf32, #tpu.memory_space<vmem>>, vector<16xf32>,
    %get3A_3205 = arith.constant 9 : i32
    %get3A_3206 = arith.index_cast %get3A_3205 : i32 to index
    %get3A_3207 = arith.constant 192 : index
    %get3A_3208 = tpu.vector_load %arg11[%get3A_3206, %get3A_3207] {strides = array<i32>} : memref<16x256xf32, #tpu.memory_space<vmem>>, vector<16xf32>,
    %get3A_3209 = arith.constant 9 : i32
    %get3A_3210 = arith.index_cast %get3A_3209 : i32 to index
    %get3A_3211 = arith.constant 192 : index
    %get3A_3212 = tpu.vector_load %arg12[%get3A_3210, %get3A_3211] {strides = array<i32>} : memref<16x256xf32, #tpu.memory_space<vmem>>, vector<16xf32>,
    %mul3A_3213 = arith.mulf %get3A_3212, %add3A_3078 : vector<16xf32>
    %add3A_3214 = arith.addf %get3A_3208, %mul3A_3213 : vector<16xf32>
    %swap3A_3215 = arith.constant 9 : i32
    %swap3A_3216 = arith.index_cast %swap3A_3215 : i32 to index
    %swap3A_3217 = arith.constant 192 : index
    %swap3A_3218 = tpu.vector_load %arg13[%swap3A_3216, %swap3A_3217] {strides = array<i32>} : memref<16x256xf32, #tpu.memory_space<vmem>>, vector<16xf32>,
    tpu.vector_store %arg13[%swap3A_3216, %swap3A_3217], %add3A_3214 {strides = array<i32>} : memref<16x256xf32, #tpu.memory_space<vmem>>, vector<16xf32>,
    %get3A_3219 = arith.constant 10 : i32
    %get3A_3220 = arith.index_cast %get3A_3219 : i32 to index
    %get3A_3221 = arith.constant 192 : index
    %get3A_3222 = tpu.vector_load %arg11[%get3A_3220, %get3A_3221] {strides = array<i32>} : memref<16x256xf32, #tpu.memory_space<vmem>>, vector<16xf32>,
    %get3A_3223 = arith.constant 10 : i32
    %get3A_3224 = arith.index_cast %get3A_3223 : i32 to index
    %get3A_3225 = arith.constant 192 : index
    %get3A_3226 = tpu.vector_load %arg12[%get3A_3224, %get3A_3225] {strides = array<i32>} : memref<16x256xf32, #tpu.memory_space<vmem>>, vector<16xf32>,
    %mul3A_3227 = arith.mulf %get3A_3226, %add3A_3078 : vector<16xf32>
    %add3A_3228 = arith.addf %get3A_3222, %mul3A_3227 : vector<16xf32>
    %swap3A_3229 = arith.constant 10 : i32
    %swap3A_3230 = arith.index_cast %swap3A_3229 : i32 to index
    %swap3A_3231 = arith.constant 192 : index
    %swap3A_3232 = tpu.vector_load %arg13[%swap3A_3230, %swap3A_3231] {strides = array<i32>} : memref<16x256xf32, #tpu.memory_space<vmem>>, vector<16xf32>,
    tpu.vector_store %arg13[%swap3A_3230, %swap3A_3231], %add3A_3228 {strides = array<i32>} : memref<16x256xf32, #tpu.memory_space<vmem>>, vector<16xf32>,
    %get3A_3233 = arith.constant 11 : i32
    %get3A_3234 = arith.index_cast %get3A_3233 : i32 to index
    %get3A_3235 = arith.constant 192 : index
    %get3A_3236 = tpu.vector_load %arg11[%get3A_3234, %get3A_3235] {strides = array<i32>} : memref<16x256xf32, #tpu.memory_space<vmem>>, vector<16xf32>,
    %get3A_3237 = arith.constant 11 : i32
    %get3A_3238 = arith.index_cast %get3A_3237 : i32 to index
    %get3A_3239 = arith.constant 192 : index
    %get3A_3240 = tpu.vector_load %arg12[%get3A_3238, %get3A_3239] {strides = array<i32>} : memref<16x256xf32, #tpu.memory_space<vmem>>, vector<16xf32>,
    %mul3A_3241 = arith.mulf %get3A_3240, %add3A_3078 : vector<16xf32>
    %add3A_3242 = arith.addf %get3A_3236, %mul3A_3241 : vector<16xf32>
    %swap3A_3243 = arith.constant 11 : i32
    %swap3A_3244 = arith.index_cast %swap3A_3243 : i32 to index
    %swap3A_3245 = arith.constant 192 : index
    %swap3A_3246 = tpu.vector_load %arg13[%swap3A_3244, %swap3A_3245] {strides = array<i32>} : memref<16x256xf32, #tpu.memory_space<vmem>>, vector<16xf32>,
    tpu.vector_store %arg13[%swap3A_3244, %swap3A_3245], %add3A_3242 {strides = array<i32>} : memref<16x256xf32, #tpu.memory_space<vmem>>, vector<16xf32>,
    %get3A_3247 = arith.constant 12 : i32
    %get3A_3248 = arith.index_cast %get3A_3247 : i32 to index
    %get3A_3249 = arith.constant 192 : index
    %get3A_3250 = tpu.vector_load %arg11[%get3A_3248, %get3A_3249] {strides = array<i32>} : memref<16x256xf32, #tpu.memory_space<vmem>>, vector<16xf32>,
    %get3A_3251 = arith.constant 12 : i32
    %get3A_3252 = arith.index_cast %get3A_3251 : i32 to index
    %get3A_3253 = arith.constant 192 : index
    %get3A_3254 = tpu.vector_load %arg12[%get3A_3252, %get3A_3253] {strides = array<i32>} : memref<16x256xf32, #tpu.memory_space<vmem>>, vector<16xf32>,
    %mul3A_3255 = arith.mulf %get3A_3254, %add3A_3078 : vector<16xf32>
    %add3A_3256 = arith.addf %get3A_3250, %mul3A_3255 : vector<16xf32>
    %swap3A_3257 = arith.constant 12 : i32
    %swap3A_3258 = arith.index_cast %swap3A_3257 : i32 to index
    %swap3A_3259 = arith.constant 192 : index
    %swap3A_3260 = tpu.vector_load %arg13[%swap3A_3258, %swap3A_3259] {strides = array<i32>} : memref<16x256xf32, #tpu.memory_space<vmem>>, vector<16xf32>,
    tpu.vector_store %arg13[%swap3A_3258, %swap3A_3259], %add3A_3256 {strides = array<i32>} : memref<16x256xf32, #tpu.memory_space<vmem>>, vector<16xf32>,
    %get3A_3261 = arith.constant 13 : i32
    %get3A_3262 = arith.index_cast %get3A_3261 : i32 to index
    %get3A_3263 = arith.constant 192 : index
    %get3A_3264 = tpu.vector_load %arg11[%get3A_3262, %get3A_3263] {strides = array<i32>} : memref<16x256xf32, #tpu.memory_space<vmem>>, vector<16xf32>,
    %get3A_3265 = arith.constant 13 : i32
    %get3A_3266 = arith.index_cast %get3A_3265 : i32 to index
    %get3A_3267 = arith.constant 192 : index
    %get3A_3268 = tpu.vector_load %arg12[%get3A_3266, %get3A_3267] {strides = array<i32>} : memref<16x256xf32, #tpu.memory_space<vmem>>, vector<16xf32>,
    %mul3A_3269 = arith.mulf %get3A_3268, %add3A_3078 : vector<16xf32>
    %add3A_3270 = arith.addf %get3A_3264, %mul3A_3269 : vector<16xf32>
    %swap3A_3271 = arith.constant 13 : i32
    %swap3A_3272 = arith.index_cast %swap3A_3271 : i32 to index
    %swap3A_3273 = arith.constant 192 : index
    %swap3A_3274 = tpu.vector_load %arg13[%swap3A_3272, %swap3A_3273] {strides = array<i32>} : memref<16x256xf32, #tpu.memory_space<vmem>>, vector<16xf32>,
    tpu.vector_store %arg13[%swap3A_3272, %swap3A_3273], %add3A_3270 {strides = array<i32>} : memref<16x256xf32, #tpu.memory_space<vmem>>, vector<16xf32>,
    %get3A_3275 = arith.constant 14 : i32
    %get3A_3276 = arith.index_cast %get3A_3275 : i32 to index
    %get3A_3277 = arith.constant 192 : index
    %get3A_3278 = tpu.vector_load %arg11[%get3A_3276, %get3A_3277] {strides = array<i32>} : memref<16x256xf32, #tpu.memory_space<vmem>>, vector<16xf32>,
    %get3A_3279 = arith.constant 14 : i32
    %get3A_3280 = arith.index_cast %get3A_3279 : i32 to index
    %get3A_3281 = arith.constant 192 : index
    %get3A_3282 = tpu.vector_load %arg12[%get3A_3280, %get3A_3281] {strides = array<i32>} : memref<16x256xf32, #tpu.memory_space<vmem>>, vector<16xf32>,
    %mul3A_3283 = arith.mulf %get3A_3282, %add3A_3078 : vector<16xf32>
    %add3A_3284 = arith.addf %get3A_3278, %mul3A_3283 : vector<16xf32>
    %swap3A_3285 = arith.constant 14 : i32
    %swap3A_3286 = arith.index_cast %swap3A_3285 : i32 to index
    %swap3A_3287 = arith.constant 192 : index
    %swap3A_3288 = tpu.vector_load %arg13[%swap3A_3286, %swap3A_3287] {strides = array<i32>} : memref<16x256xf32, #tpu.memory_space<vmem>>, vector<16xf32>,
    tpu.vector_store %arg13[%swap3A_3286, %swap3A_3287], %add3A_3284 {strides = array<i32>} : memref<16x256xf32, #tpu.memory_space<vmem>>, vector<16xf32>,
    %get3A_3289 = arith.constant 15 : i32
    %get3A_3290 = arith.index_cast %get3A_3289 : i32 to index
    %get3A_3291 = arith.constant 192 : index
    %get3A_3292 = tpu.vector_load %arg11[%get3A_3290, %get3A_3291] {strides = array<i32>} : memref<16x256xf32, #tpu.memory_space<vmem>>, vector<16xf32>,
    %get3A_3293 = arith.constant 15 : i32
    %get3A_3294 = arith.index_cast %get3A_3293 : i32 to index
    %get3A_3295 = arith.constant 192 : index
    %get3A_3296 = tpu.vector_load %arg12[%get3A_3294, %get3A_3295] {strides = array<i32>} : memref<16x256xf32, #tpu.memory_space<vmem>>, vector<16xf32>,
    %mul3A_3297 = arith.mulf %get3A_3296, %add3A_3078 : vector<16xf32>
    %add3A_3298 = arith.addf %get3A_3292, %mul3A_3297 : vector<16xf32>
    %swap3A_3299 = arith.constant 15 : i32
    %swap3A_3300 = arith.index_cast %swap3A_3299 : i32 to index
    %swap3A_3301 = arith.constant 192 : index
    %swap3A_3302 = tpu.vector_load %arg13[%swap3A_3300, %swap3A_3301] {strides = array<i32>} : memref<16x256xf32, #tpu.memory_space<vmem>>, vector<16xf32>,
    tpu.vector_store %arg13[%swap3A_3300, %swap3A_3301], %add3A_3298 {strides = array<i32>} : memref<16x256xf32, #tpu.memory_space<vmem>>, vector<16xf32>,
    %iota3A_3303 = tpu.iota {dimensions = array<i32: 0>} : vector<16xi32>
    %add3A_3304 = arith.constant 208 : i32
    %add3A_3305 = arith.addi %mul3A_2, %add3A_3304 : i32
    %add3A_3306 = vector.broadcast %add3A_3305 : i32 to vector<16xi32>
    %add3A_3307 = arith.addi %iota3A_3303, %add3A_3306 : vector<16xi32>
    %div3A_3308 = arith.divsi %add3A_3307, %div3A : vector<16xi32>
    %mul3A_3309 = arith.muli %div3A_3308, %div3A : vector<16xi32>
    %sub3A_3310 = arith.subi %add3A_3307, %mul3A_3309 : vector<16xi32>
    %add3A_3311 = arith.constant 1 : i32
    %add3A_3312 = vector.broadcast %add3A_3311 : i32 to vector<16xi32>
    %add3A_3313 = arith.addi %div3A_3308, %add3A_3312 : vector<16xi32>
    %min3A_3314 = arith.constant 64 : i32
    %min3A_3315 = vector.broadcast %min3A_3314 : i32 to vector<16xi32>
    %min3A_3316 = arith.minsi %add3A_3313, %min3A_3315 : vector<16xi32>
    %ge3A_3317 = vector.broadcast %multiple_of3A_39 : i32 to vector<16xi32>
    %ge3A_3318 = arith.cmpi sge, %sub3A_3310, %ge3A_3317 : vector<16xi32>
    %sub3A_3319 = vector.broadcast %multiple_of3A_39 : i32 to vector<16xi32>
    %sub3A_3320 = arith.subi %sub3A_3310, %sub3A_3319 : vector<16xi32>
    %add3A_3321 = arith.constant 264 : i32
    %add3A_3322 = vector.broadcast %add3A_3321 : i32 to vector<16xi32>
    %add3A_3323 = arith.addi %sub3A_3310, %add3A_3322 : vector<16xi32>
    %select_n3A_3324 = arith.select %ge3A_3318, %sub3A_3320, %add3A_3323 : vector<16xi1>, vector<16xi32>
    %gather3A_3325 = tpu.vector_load_idx %arg8[%select_n3A_3324] : memref<520xf32, #tpu.memory_space<vmem>>[vector<16xi32>], vector<16xf32>,
    %gather3A_3326 = tpu.vector_load_idx %arg9[%min3A_3316] : memref<65xf32, #tpu.memory_space<vmem>>[vector<16xi32>], vector<16xf32>,
    %add3A_3327 = arith.addf %gather3A_3325, %gather3A_3326 : vector<16xf32>
    %get3A_3328 = arith.constant 0 : i32
    %get3A_3329 = arith.index_cast %get3A_3328 : i32 to index
    %get3A_3330 = arith.constant 208 : index
    %get3A_3331 = tpu.vector_load %arg11[%get3A_3329, %get3A_3330] {strides = array<i32>} : memref<16x256xf32, #tpu.memory_space<vmem>>, vector<16xf32>,
    %get3A_3332 = arith.constant 0 : i32
    %get3A_3333 = arith.index_cast %get3A_3332 : i32 to index
    %get3A_3334 = arith.constant 208 : index
    %get3A_3335 = tpu.vector_load %arg12[%get3A_3333, %get3A_3334] {strides = array<i32>} : memref<16x256xf32, #tpu.memory_space<vmem>>, vector<16xf32>,
    %mul3A_3336 = arith.mulf %get3A_3335, %add3A_3327 : vector<16xf32>
    %add3A_3337 = arith.addf %get3A_3331, %mul3A_3336 : vector<16xf32>
    %swap3A_3338 = arith.constant 0 : i32
    %swap3A_3339 = arith.index_cast %swap3A_3338 : i32 to index
    %swap3A_3340 = arith.constant 208 : index
    %swap3A_3341 = tpu.vector_load %arg13[%swap3A_3339, %swap3A_3340] {strides = array<i32>} : memref<16x256xf32, #tpu.memory_space<vmem>>, vector<16xf32>,
    tpu.vector_store %arg13[%swap3A_3339, %swap3A_3340], %add3A_3337 {strides = array<i32>} : memref<16x256xf32, #tpu.memory_space<vmem>>, vector<16xf32>,
    %get3A_3342 = arith.constant 1 : i32
    %get3A_3343 = arith.index_cast %get3A_3342 : i32 to index
    %get3A_3344 = arith.constant 208 : index
    %get3A_3345 = tpu.vector_load %arg11[%get3A_3343, %get3A_3344] {strides = array<i32>} : memref<16x256xf32, #tpu.memory_space<vmem>>, vector<16xf32>,
    %get3A_3346 = arith.constant 1 : i32
    %get3A_3347 = arith.index_cast %get3A_3346 : i32 to index
    %get3A_3348 = arith.constant 208 : index
    %get3A_3349 = tpu.vector_load %arg12[%get3A_3347, %get3A_3348] {strides = array<i32>} : memref<16x256xf32, #tpu.memory_space<vmem>>, vector<16xf32>,
    %mul3A_3350 = arith.mulf %get3A_3349, %add3A_3327 : vector<16xf32>
    %add3A_3351 = arith.addf %get3A_3345, %mul3A_3350 : vector<16xf32>
    %swap3A_3352 = arith.constant 1 : i32
    %swap3A_3353 = arith.index_cast %swap3A_3352 : i32 to index
    %swap3A_3354 = arith.constant 208 : index
    %swap3A_3355 = tpu.vector_load %arg13[%swap3A_3353, %swap3A_3354] {strides = array<i32>} : memref<16x256xf32, #tpu.memory_space<vmem>>, vector<16xf32>,
    tpu.vector_store %arg13[%swap3A_3353, %swap3A_3354], %add3A_3351 {strides = array<i32>} : memref<16x256xf32, #tpu.memory_space<vmem>>, vector<16xf32>,
    %get3A_3356 = arith.constant 2 : i32
    %get3A_3357 = arith.index_cast %get3A_3356 : i32 to index
    %get3A_3358 = arith.constant 208 : index
    %get3A_3359 = tpu.vector_load %arg11[%get3A_3357, %get3A_3358] {strides = array<i32>} : memref<16x256xf32, #tpu.memory_space<vmem>>, vector<16xf32>,
    %get3A_3360 = arith.constant 2 : i32
    %get3A_3361 = arith.index_cast %get3A_3360 : i32 to index
    %get3A_3362 = arith.constant 208 : index
    %get3A_3363 = tpu.vector_load %arg12[%get3A_3361, %get3A_3362] {strides = array<i32>} : memref<16x256xf32, #tpu.memory_space<vmem>>, vector<16xf32>,
    %mul3A_3364 = arith.mulf %get3A_3363, %add3A_3327 : vector<16xf32>
    %add3A_3365 = arith.addf %get3A_3359, %mul3A_3364 : vector<16xf32>
    %swap3A_3366 = arith.constant 2 : i32
    %swap3A_3367 = arith.index_cast %swap3A_3366 : i32 to index
    %swap3A_3368 = arith.constant 208 : index
    %swap3A_3369 = tpu.vector_load %arg13[%swap3A_3367, %swap3A_3368] {strides = array<i32>} : memref<16x256xf32, #tpu.memory_space<vmem>>, vector<16xf32>,
    tpu.vector_store %arg13[%swap3A_3367, %swap3A_3368], %add3A_3365 {strides = array<i32>} : memref<16x256xf32, #tpu.memory_space<vmem>>, vector<16xf32>,
    %get3A_3370 = arith.constant 3 : i32
    %get3A_3371 = arith.index_cast %get3A_3370 : i32 to index
    %get3A_3372 = arith.constant 208 : index
    %get3A_3373 = tpu.vector_load %arg11[%get3A_3371, %get3A_3372] {strides = array<i32>} : memref<16x256xf32, #tpu.memory_space<vmem>>, vector<16xf32>,
    %get3A_3374 = arith.constant 3 : i32
    %get3A_3375 = arith.index_cast %get3A_3374 : i32 to index
    %get3A_3376 = arith.constant 208 : index
    %get3A_3377 = tpu.vector_load %arg12[%get3A_3375, %get3A_3376] {strides = array<i32>} : memref<16x256xf32, #tpu.memory_space<vmem>>, vector<16xf32>,
    %mul3A_3378 = arith.mulf %get3A_3377, %add3A_3327 : vector<16xf32>
    %add3A_3379 = arith.addf %get3A_3373, %mul3A_3378 : vector<16xf32>
    %swap3A_3380 = arith.constant 3 : i32
    %swap3A_3381 = arith.index_cast %swap3A_3380 : i32 to index
    %swap3A_3382 = arith.constant 208 : index
    %swap3A_3383 = tpu.vector_load %arg13[%swap3A_3381, %swap3A_3382] {strides = array<i32>} : memref<16x256xf32, #tpu.memory_space<vmem>>, vector<16xf32>,
    tpu.vector_store %arg13[%swap3A_3381, %swap3A_3382], %add3A_3379 {strides = array<i32>} : memref<16x256xf32, #tpu.memory_space<vmem>>, vector<16xf32>,
    %get3A_3384 = arith.constant 4 : i32
    %get3A_3385 = arith.index_cast %get3A_3384 : i32 to index
    %get3A_3386 = arith.constant 208 : index
    %get3A_3387 = tpu.vector_load %arg11[%get3A_3385, %get3A_3386] {strides = array<i32>} : memref<16x256xf32, #tpu.memory_space<vmem>>, vector<16xf32>,
    %get3A_3388 = arith.constant 4 : i32
    %get3A_3389 = arith.index_cast %get3A_3388 : i32 to index
    %get3A_3390 = arith.constant 208 : index
    %get3A_3391 = tpu.vector_load %arg12[%get3A_3389, %get3A_3390] {strides = array<i32>} : memref<16x256xf32, #tpu.memory_space<vmem>>, vector<16xf32>,
    %mul3A_3392 = arith.mulf %get3A_3391, %add3A_3327 : vector<16xf32>
    %add3A_3393 = arith.addf %get3A_3387, %mul3A_3392 : vector<16xf32>
    %swap3A_3394 = arith.constant 4 : i32
    %swap3A_3395 = arith.index_cast %swap3A_3394 : i32 to index
    %swap3A_3396 = arith.constant 208 : index
    %swap3A_3397 = tpu.vector_load %arg13[%swap3A_3395, %swap3A_3396] {strides = array<i32>} : memref<16x256xf32, #tpu.memory_space<vmem>>, vector<16xf32>,
    tpu.vector_store %arg13[%swap3A_3395, %swap3A_3396], %add3A_3393 {strides = array<i32>} : memref<16x256xf32, #tpu.memory_space<vmem>>, vector<16xf32>,
    %get3A_3398 = arith.constant 5 : i32
    %get3A_3399 = arith.index_cast %get3A_3398 : i32 to index
    %get3A_3400 = arith.constant 208 : index
    %get3A_3401 = tpu.vector_load %arg11[%get3A_3399, %get3A_3400] {strides = array<i32>} : memref<16x256xf32, #tpu.memory_space<vmem>>, vector<16xf32>,
    %get3A_3402 = arith.constant 5 : i32
    %get3A_3403 = arith.index_cast %get3A_3402 : i32 to index
    %get3A_3404 = arith.constant 208 : index
    %get3A_3405 = tpu.vector_load %arg12[%get3A_3403, %get3A_3404] {strides = array<i32>} : memref<16x256xf32, #tpu.memory_space<vmem>>, vector<16xf32>,
    %mul3A_3406 = arith.mulf %get3A_3405, %add3A_3327 : vector<16xf32>
    %add3A_3407 = arith.addf %get3A_3401, %mul3A_3406 : vector<16xf32>
    %swap3A_3408 = arith.constant 5 : i32
    %swap3A_3409 = arith.index_cast %swap3A_3408 : i32 to index
    %swap3A_3410 = arith.constant 208 : index
    %swap3A_3411 = tpu.vector_load %arg13[%swap3A_3409, %swap3A_3410] {strides = array<i32>} : memref<16x256xf32, #tpu.memory_space<vmem>>, vector<16xf32>,
    tpu.vector_store %arg13[%swap3A_3409, %swap3A_3410], %add3A_3407 {strides = array<i32>} : memref<16x256xf32, #tpu.memory_space<vmem>>, vector<16xf32>,
    %get3A_3412 = arith.constant 6 : i32
    %get3A_3413 = arith.index_cast %get3A_3412 : i32 to index
    %get3A_3414 = arith.constant 208 : index
    %get3A_3415 = tpu.vector_load %arg11[%get3A_3413, %get3A_3414] {strides = array<i32>} : memref<16x256xf32, #tpu.memory_space<vmem>>, vector<16xf32>,
    %get3A_3416 = arith.constant 6 : i32
    %get3A_3417 = arith.index_cast %get3A_3416 : i32 to index
    %get3A_3418 = arith.constant 208 : index
    %get3A_3419 = tpu.vector_load %arg12[%get3A_3417, %get3A_3418] {strides = array<i32>} : memref<16x256xf32, #tpu.memory_space<vmem>>, vector<16xf32>,
    %mul3A_3420 = arith.mulf %get3A_3419, %add3A_3327 : vector<16xf32>
    %add3A_3421 = arith.addf %get3A_3415, %mul3A_3420 : vector<16xf32>
    %swap3A_3422 = arith.constant 6 : i32
    %swap3A_3423 = arith.index_cast %swap3A_3422 : i32 to index
    %swap3A_3424 = arith.constant 208 : index
    %swap3A_3425 = tpu.vector_load %arg13[%swap3A_3423, %swap3A_3424] {strides = array<i32>} : memref<16x256xf32, #tpu.memory_space<vmem>>, vector<16xf32>,
    tpu.vector_store %arg13[%swap3A_3423, %swap3A_3424], %add3A_3421 {strides = array<i32>} : memref<16x256xf32, #tpu.memory_space<vmem>>, vector<16xf32>,
    %get3A_3426 = arith.constant 7 : i32
    %get3A_3427 = arith.index_cast %get3A_3426 : i32 to index
    %get3A_3428 = arith.constant 208 : index
    %get3A_3429 = tpu.vector_load %arg11[%get3A_3427, %get3A_3428] {strides = array<i32>} : memref<16x256xf32, #tpu.memory_space<vmem>>, vector<16xf32>,
    %get3A_3430 = arith.constant 7 : i32
    %get3A_3431 = arith.index_cast %get3A_3430 : i32 to index
    %get3A_3432 = arith.constant 208 : index
    %get3A_3433 = tpu.vector_load %arg12[%get3A_3431, %get3A_3432] {strides = array<i32>} : memref<16x256xf32, #tpu.memory_space<vmem>>, vector<16xf32>,
    %mul3A_3434 = arith.mulf %get3A_3433, %add3A_3327 : vector<16xf32>
    %add3A_3435 = arith.addf %get3A_3429, %mul3A_3434 : vector<16xf32>
    %swap3A_3436 = arith.constant 7 : i32
    %swap3A_3437 = arith.index_cast %swap3A_3436 : i32 to index
    %swap3A_3438 = arith.constant 208 : index
    %swap3A_3439 = tpu.vector_load %arg13[%swap3A_3437, %swap3A_3438] {strides = array<i32>} : memref<16x256xf32, #tpu.memory_space<vmem>>, vector<16xf32>,
    tpu.vector_store %arg13[%swap3A_3437, %swap3A_3438], %add3A_3435 {strides = array<i32>} : memref<16x256xf32, #tpu.memory_space<vmem>>, vector<16xf32>,
    %get3A_3440 = arith.constant 8 : i32
    %get3A_3441 = arith.index_cast %get3A_3440 : i32 to index
    %get3A_3442 = arith.constant 208 : index
    %get3A_3443 = tpu.vector_load %arg11[%get3A_3441, %get3A_3442] {strides = array<i32>} : memref<16x256xf32, #tpu.memory_space<vmem>>, vector<16xf32>,
    %get3A_3444 = arith.constant 8 : i32
    %get3A_3445 = arith.index_cast %get3A_3444 : i32 to index
    %get3A_3446 = arith.constant 208 : index
    %get3A_3447 = tpu.vector_load %arg12[%get3A_3445, %get3A_3446] {strides = array<i32>} : memref<16x256xf32, #tpu.memory_space<vmem>>, vector<16xf32>,
    %mul3A_3448 = arith.mulf %get3A_3447, %add3A_3327 : vector<16xf32>
    %add3A_3449 = arith.addf %get3A_3443, %mul3A_3448 : vector<16xf32>
    %swap3A_3450 = arith.constant 8 : i32
    %swap3A_3451 = arith.index_cast %swap3A_3450 : i32 to index
    %swap3A_3452 = arith.constant 208 : index
    %swap3A_3453 = tpu.vector_load %arg13[%swap3A_3451, %swap3A_3452] {strides = array<i32>} : memref<16x256xf32, #tpu.memory_space<vmem>>, vector<16xf32>,
    tpu.vector_store %arg13[%swap3A_3451, %swap3A_3452], %add3A_3449 {strides = array<i32>} : memref<16x256xf32, #tpu.memory_space<vmem>>, vector<16xf32>,
    %get3A_3454 = arith.constant 9 : i32
    %get3A_3455 = arith.index_cast %get3A_3454 : i32 to index
    %get3A_3456 = arith.constant 208 : index
    %get3A_3457 = tpu.vector_load %arg11[%get3A_3455, %get3A_3456] {strides = array<i32>} : memref<16x256xf32, #tpu.memory_space<vmem>>, vector<16xf32>,
    %get3A_3458 = arith.constant 9 : i32
    %get3A_3459 = arith.index_cast %get3A_3458 : i32 to index
    %get3A_3460 = arith.constant 208 : index
    %get3A_3461 = tpu.vector_load %arg12[%get3A_3459, %get3A_3460] {strides = array<i32>} : memref<16x256xf32, #tpu.memory_space<vmem>>, vector<16xf32>,
    %mul3A_3462 = arith.mulf %get3A_3461, %add3A_3327 : vector<16xf32>
    %add3A_3463 = arith.addf %get3A_3457, %mul3A_3462 : vector<16xf32>
    %swap3A_3464 = arith.constant 9 : i32
    %swap3A_3465 = arith.index_cast %swap3A_3464 : i32 to index
    %swap3A_3466 = arith.constant 208 : index
    %swap3A_3467 = tpu.vector_load %arg13[%swap3A_3465, %swap3A_3466] {strides = array<i32>} : memref<16x256xf32, #tpu.memory_space<vmem>>, vector<16xf32>,
    tpu.vector_store %arg13[%swap3A_3465, %swap3A_3466], %add3A_3463 {strides = array<i32>} : memref<16x256xf32, #tpu.memory_space<vmem>>, vector<16xf32>,
    %get3A_3468 = arith.constant 10 : i32
    %get3A_3469 = arith.index_cast %get3A_3468 : i32 to index
    %get3A_3470 = arith.constant 208 : index
    %get3A_3471 = tpu.vector_load %arg11[%get3A_3469, %get3A_3470] {strides = array<i32>} : memref<16x256xf32, #tpu.memory_space<vmem>>, vector<16xf32>,
    %get3A_3472 = arith.constant 10 : i32
    %get3A_3473 = arith.index_cast %get3A_3472 : i32 to index
    %get3A_3474 = arith.constant 208 : index
    %get3A_3475 = tpu.vector_load %arg12[%get3A_3473, %get3A_3474] {strides = array<i32>} : memref<16x256xf32, #tpu.memory_space<vmem>>, vector<16xf32>,
    %mul3A_3476 = arith.mulf %get3A_3475, %add3A_3327 : vector<16xf32>
    %add3A_3477 = arith.addf %get3A_3471, %mul3A_3476 : vector<16xf32>
    %swap3A_3478 = arith.constant 10 : i32
    %swap3A_3479 = arith.index_cast %swap3A_3478 : i32 to index
    %swap3A_3480 = arith.constant 208 : index
    %swap3A_3481 = tpu.vector_load %arg13[%swap3A_3479, %swap3A_3480] {strides = array<i32>} : memref<16x256xf32, #tpu.memory_space<vmem>>, vector<16xf32>,
    tpu.vector_store %arg13[%swap3A_3479, %swap3A_3480], %add3A_3477 {strides = array<i32>} : memref<16x256xf32, #tpu.memory_space<vmem>>, vector<16xf32>,
    %get3A_3482 = arith.constant 11 : i32
    %get3A_3483 = arith.index_cast %get3A_3482 : i32 to index
    %get3A_3484 = arith.constant 208 : index
    %get3A_3485 = tpu.vector_load %arg11[%get3A_3483, %get3A_3484] {strides = array<i32>} : memref<16x256xf32, #tpu.memory_space<vmem>>, vector<16xf32>,
    %get3A_3486 = arith.constant 11 : i32
    %get3A_3487 = arith.index_cast %get3A_3486 : i32 to index
    %get3A_3488 = arith.constant 208 : index
    %get3A_3489 = tpu.vector_load %arg12[%get3A_3487, %get3A_3488] {strides = array<i32>} : memref<16x256xf32, #tpu.memory_space<vmem>>, vector<16xf32>,
    %mul3A_3490 = arith.mulf %get3A_3489, %add3A_3327 : vector<16xf32>
    %add3A_3491 = arith.addf %get3A_3485, %mul3A_3490 : vector<16xf32>
    %swap3A_3492 = arith.constant 11 : i32
    %swap3A_3493 = arith.index_cast %swap3A_3492 : i32 to index
    %swap3A_3494 = arith.constant 208 : index
    %swap3A_3495 = tpu.vector_load %arg13[%swap3A_3493, %swap3A_3494] {strides = array<i32>} : memref<16x256xf32, #tpu.memory_space<vmem>>, vector<16xf32>,
    tpu.vector_store %arg13[%swap3A_3493, %swap3A_3494], %add3A_3491 {strides = array<i32>} : memref<16x256xf32, #tpu.memory_space<vmem>>, vector<16xf32>,
    %get3A_3496 = arith.constant 12 : i32
    %get3A_3497 = arith.index_cast %get3A_3496 : i32 to index
    %get3A_3498 = arith.constant 208 : index
    %get3A_3499 = tpu.vector_load %arg11[%get3A_3497, %get3A_3498] {strides = array<i32>} : memref<16x256xf32, #tpu.memory_space<vmem>>, vector<16xf32>,
    %get3A_3500 = arith.constant 12 : i32
    %get3A_3501 = arith.index_cast %get3A_3500 : i32 to index
    %get3A_3502 = arith.constant 208 : index
    %get3A_3503 = tpu.vector_load %arg12[%get3A_3501, %get3A_3502] {strides = array<i32>} : memref<16x256xf32, #tpu.memory_space<vmem>>, vector<16xf32>,
    %mul3A_3504 = arith.mulf %get3A_3503, %add3A_3327 : vector<16xf32>
    %add3A_3505 = arith.addf %get3A_3499, %mul3A_3504 : vector<16xf32>
    %swap3A_3506 = arith.constant 12 : i32
    %swap3A_3507 = arith.index_cast %swap3A_3506 : i32 to index
    %swap3A_3508 = arith.constant 208 : index
    %swap3A_3509 = tpu.vector_load %arg13[%swap3A_3507, %swap3A_3508] {strides = array<i32>} : memref<16x256xf32, #tpu.memory_space<vmem>>, vector<16xf32>,
    tpu.vector_store %arg13[%swap3A_3507, %swap3A_3508], %add3A_3505 {strides = array<i32>} : memref<16x256xf32, #tpu.memory_space<vmem>>, vector<16xf32>,
    %get3A_3510 = arith.constant 13 : i32
    %get3A_3511 = arith.index_cast %get3A_3510 : i32 to index
    %get3A_3512 = arith.constant 208 : index
    %get3A_3513 = tpu.vector_load %arg11[%get3A_3511, %get3A_3512] {strides = array<i32>} : memref<16x256xf32, #tpu.memory_space<vmem>>, vector<16xf32>,
    %get3A_3514 = arith.constant 13 : i32
    %get3A_3515 = arith.index_cast %get3A_3514 : i32 to index
    %get3A_3516 = arith.constant 208 : index
    %get3A_3517 = tpu.vector_load %arg12[%get3A_3515, %get3A_3516] {strides = array<i32>} : memref<16x256xf32, #tpu.memory_space<vmem>>, vector<16xf32>,
    %mul3A_3518 = arith.mulf %get3A_3517, %add3A_3327 : vector<16xf32>
    %add3A_3519 = arith.addf %get3A_3513, %mul3A_3518 : vector<16xf32>
    %swap3A_3520 = arith.constant 13 : i32
    %swap3A_3521 = arith.index_cast %swap3A_3520 : i32 to index
    %swap3A_3522 = arith.constant 208 : index
    %swap3A_3523 = tpu.vector_load %arg13[%swap3A_3521, %swap3A_3522] {strides = array<i32>} : memref<16x256xf32, #tpu.memory_space<vmem>>, vector<16xf32>,
    tpu.vector_store %arg13[%swap3A_3521, %swap3A_3522], %add3A_3519 {strides = array<i32>} : memref<16x256xf32, #tpu.memory_space<vmem>>, vector<16xf32>,
    %get3A_3524 = arith.constant 14 : i32
    %get3A_3525 = arith.index_cast %get3A_3524 : i32 to index
    %get3A_3526 = arith.constant 208 : index
    %get3A_3527 = tpu.vector_load %arg11[%get3A_3525, %get3A_3526] {strides = array<i32>} : memref<16x256xf32, #tpu.memory_space<vmem>>, vector<16xf32>,
    %get3A_3528 = arith.constant 14 : i32
    %get3A_3529 = arith.index_cast %get3A_3528 : i32 to index
    %get3A_3530 = arith.constant 208 : index
    %get3A_3531 = tpu.vector_load %arg12[%get3A_3529, %get3A_3530] {strides = array<i32>} : memref<16x256xf32, #tpu.memory_space<vmem>>, vector<16xf32>,
    %mul3A_3532 = arith.mulf %get3A_3531, %add3A_3327 : vector<16xf32>
    %add3A_3533 = arith.addf %get3A_3527, %mul3A_3532 : vector<16xf32>
    %swap3A_3534 = arith.constant 14 : i32
    %swap3A_3535 = arith.index_cast %swap3A_3534 : i32 to index
    %swap3A_3536 = arith.constant 208 : index
    %swap3A_3537 = tpu.vector_load %arg13[%swap3A_3535, %swap3A_3536] {strides = array<i32>} : memref<16x256xf32, #tpu.memory_space<vmem>>, vector<16xf32>,
    tpu.vector_store %arg13[%swap3A_3535, %swap3A_3536], %add3A_3533 {strides = array<i32>} : memref<16x256xf32, #tpu.memory_space<vmem>>, vector<16xf32>,
    %get3A_3538 = arith.constant 15 : i32
    %get3A_3539 = arith.index_cast %get3A_3538 : i32 to index
    %get3A_3540 = arith.constant 208 : index
    %get3A_3541 = tpu.vector_load %arg11[%get3A_3539, %get3A_3540] {strides = array<i32>} : memref<16x256xf32, #tpu.memory_space<vmem>>, vector<16xf32>,
    %get3A_3542 = arith.constant 15 : i32
    %get3A_3543 = arith.index_cast %get3A_3542 : i32 to index
    %get3A_3544 = arith.constant 208 : index
    %get3A_3545 = tpu.vector_load %arg12[%get3A_3543, %get3A_3544] {strides = array<i32>} : memref<16x256xf32, #tpu.memory_space<vmem>>, vector<16xf32>,
    %mul3A_3546 = arith.mulf %get3A_3545, %add3A_3327 : vector<16xf32>
    %add3A_3547 = arith.addf %get3A_3541, %mul3A_3546 : vector<16xf32>
    %swap3A_3548 = arith.constant 15 : i32
    %swap3A_3549 = arith.index_cast %swap3A_3548 : i32 to index
    %swap3A_3550 = arith.constant 208 : index
    %swap3A_3551 = tpu.vector_load %arg13[%swap3A_3549, %swap3A_3550] {strides = array<i32>} : memref<16x256xf32, #tpu.memory_space<vmem>>, vector<16xf32>,
    tpu.vector_store %arg13[%swap3A_3549, %swap3A_3550], %add3A_3547 {strides = array<i32>} : memref<16x256xf32, #tpu.memory_space<vmem>>, vector<16xf32>,
    %iota3A_3552 = tpu.iota {dimensions = array<i32: 0>} : vector<16xi32>
    %add3A_3553 = arith.constant 224 : i32
    %add3A_3554 = arith.addi %mul3A_2, %add3A_3553 : i32
    %add3A_3555 = vector.broadcast %add3A_3554 : i32 to vector<16xi32>
    %add3A_3556 = arith.addi %iota3A_3552, %add3A_3555 : vector<16xi32>
    %div3A_3557 = arith.divsi %add3A_3556, %div3A : vector<16xi32>
    %mul3A_3558 = arith.muli %div3A_3557, %div3A : vector<16xi32>
    %sub3A_3559 = arith.subi %add3A_3556, %mul3A_3558 : vector<16xi32>
    %add3A_3560 = arith.constant 1 : i32
    %add3A_3561 = vector.broadcast %add3A_3560 : i32 to vector<16xi32>
    %add3A_3562 = arith.addi %div3A_3557, %add3A_3561 : vector<16xi32>
    %min3A_3563 = arith.constant 64 : i32
    %min3A_3564 = vector.broadcast %min3A_3563 : i32 to vector<16xi32>
    %min3A_3565 = arith.minsi %add3A_3562, %min3A_3564 : vector<16xi32>
    %ge3A_3566 = vector.broadcast %multiple_of3A_39 : i32 to vector<16xi32>
    %ge3A_3567 = arith.cmpi sge, %sub3A_3559, %ge3A_3566 : vector<16xi32>
    %sub3A_3568 = vector.broadcast %multiple_of3A_39 : i32 to vector<16xi32>
    %sub3A_3569 = arith.subi %sub3A_3559, %sub3A_3568 : vector<16xi32>
    %add3A_3570 = arith.constant 264 : i32
    %add3A_3571 = vector.broadcast %add3A_3570 : i32 to vector<16xi32>
    %add3A_3572 = arith.addi %sub3A_3559, %add3A_3571 : vector<16xi32>
    %select_n3A_3573 = arith.select %ge3A_3567, %sub3A_3569, %add3A_3572 : vector<16xi1>, vector<16xi32>
    %gather3A_3574 = tpu.vector_load_idx %arg8[%select_n3A_3573] : memref<520xf32, #tpu.memory_space<vmem>>[vector<16xi32>], vector<16xf32>,
    %gather3A_3575 = tpu.vector_load_idx %arg9[%min3A_3565] : memref<65xf32, #tpu.memory_space<vmem>>[vector<16xi32>], vector<16xf32>,
    %add3A_3576 = arith.addf %gather3A_3574, %gather3A_3575 : vector<16xf32>
    %get3A_3577 = arith.constant 0 : i32
    %get3A_3578 = arith.index_cast %get3A_3577 : i32 to index
    %get3A_3579 = arith.constant 224 : index
    %get3A_3580 = tpu.vector_load %arg11[%get3A_3578, %get3A_3579] {strides = array<i32>} : memref<16x256xf32, #tpu.memory_space<vmem>>, vector<16xf32>,
    %get3A_3581 = arith.constant 0 : i32
    %get3A_3582 = arith.index_cast %get3A_3581 : i32 to index
    %get3A_3583 = arith.constant 224 : index
    %get3A_3584 = tpu.vector_load %arg12[%get3A_3582, %get3A_3583] {strides = array<i32>} : memref<16x256xf32, #tpu.memory_space<vmem>>, vector<16xf32>,
    %mul3A_3585 = arith.mulf %get3A_3584, %add3A_3576 : vector<16xf32>
    %add3A_3586 = arith.addf %get3A_3580, %mul3A_3585 : vector<16xf32>
    %swap3A_3587 = arith.constant 0 : i32
    %swap3A_3588 = arith.index_cast %swap3A_3587 : i32 to index
    %swap3A_3589 = arith.constant 224 : index
    %swap3A_3590 = tpu.vector_load %arg13[%swap3A_3588, %swap3A_3589] {strides = array<i32>} : memref<16x256xf32, #tpu.memory_space<vmem>>, vector<16xf32>,
    tpu.vector_store %arg13[%swap3A_3588, %swap3A_3589], %add3A_3586 {strides = array<i32>} : memref<16x256xf32, #tpu.memory_space<vmem>>, vector<16xf32>,
    %get3A_3591 = arith.constant 1 : i32
    %get3A_3592 = arith.index_cast %get3A_3591 : i32 to index
    %get3A_3593 = arith.constant 224 : index
    %get3A_3594 = tpu.vector_load %arg11[%get3A_3592, %get3A_3593] {strides = array<i32>} : memref<16x256xf32, #tpu.memory_space<vmem>>, vector<16xf32>,
    %get3A_3595 = arith.constant 1 : i32
    %get3A_3596 = arith.index_cast %get3A_3595 : i32 to index
    %get3A_3597 = arith.constant 224 : index
    %get3A_3598 = tpu.vector_load %arg12[%get3A_3596, %get3A_3597] {strides = array<i32>} : memref<16x256xf32, #tpu.memory_space<vmem>>, vector<16xf32>,
    %mul3A_3599 = arith.mulf %get3A_3598, %add3A_3576 : vector<16xf32>
    %add3A_3600 = arith.addf %get3A_3594, %mul3A_3599 : vector<16xf32>
    %swap3A_3601 = arith.constant 1 : i32
    %swap3A_3602 = arith.index_cast %swap3A_3601 : i32 to index
    %swap3A_3603 = arith.constant 224 : index
    %swap3A_3604 = tpu.vector_load %arg13[%swap3A_3602, %swap3A_3603] {strides = array<i32>} : memref<16x256xf32, #tpu.memory_space<vmem>>, vector<16xf32>,
    tpu.vector_store %arg13[%swap3A_3602, %swap3A_3603], %add3A_3600 {strides = array<i32>} : memref<16x256xf32, #tpu.memory_space<vmem>>, vector<16xf32>,
    %get3A_3605 = arith.constant 2 : i32
    %get3A_3606 = arith.index_cast %get3A_3605 : i32 to index
    %get3A_3607 = arith.constant 224 : index
    %get3A_3608 = tpu.vector_load %arg11[%get3A_3606, %get3A_3607] {strides = array<i32>} : memref<16x256xf32, #tpu.memory_space<vmem>>, vector<16xf32>,
    %get3A_3609 = arith.constant 2 : i32
    %get3A_3610 = arith.index_cast %get3A_3609 : i32 to index
    %get3A_3611 = arith.constant 224 : index
    %get3A_3612 = tpu.vector_load %arg12[%get3A_3610, %get3A_3611] {strides = array<i32>} : memref<16x256xf32, #tpu.memory_space<vmem>>, vector<16xf32>,
    %mul3A_3613 = arith.mulf %get3A_3612, %add3A_3576 : vector<16xf32>
    %add3A_3614 = arith.addf %get3A_3608, %mul3A_3613 : vector<16xf32>
    %swap3A_3615 = arith.constant 2 : i32
    %swap3A_3616 = arith.index_cast %swap3A_3615 : i32 to index
    %swap3A_3617 = arith.constant 224 : index
    %swap3A_3618 = tpu.vector_load %arg13[%swap3A_3616, %swap3A_3617] {strides = array<i32>} : memref<16x256xf32, #tpu.memory_space<vmem>>, vector<16xf32>,
    tpu.vector_store %arg13[%swap3A_3616, %swap3A_3617], %add3A_3614 {strides = array<i32>} : memref<16x256xf32, #tpu.memory_space<vmem>>, vector<16xf32>,
    %get3A_3619 = arith.constant 3 : i32
    %get3A_3620 = arith.index_cast %get3A_3619 : i32 to index
    %get3A_3621 = arith.constant 224 : index
    %get3A_3622 = tpu.vector_load %arg11[%get3A_3620, %get3A_3621] {strides = array<i32>} : memref<16x256xf32, #tpu.memory_space<vmem>>, vector<16xf32>,
    %get3A_3623 = arith.constant 3 : i32
    %get3A_3624 = arith.index_cast %get3A_3623 : i32 to index
    %get3A_3625 = arith.constant 224 : index
    %get3A_3626 = tpu.vector_load %arg12[%get3A_3624, %get3A_3625] {strides = array<i32>} : memref<16x256xf32, #tpu.memory_space<vmem>>, vector<16xf32>,
    %mul3A_3627 = arith.mulf %get3A_3626, %add3A_3576 : vector<16xf32>
    %add3A_3628 = arith.addf %get3A_3622, %mul3A_3627 : vector<16xf32>
    %swap3A_3629 = arith.constant 3 : i32
    %swap3A_3630 = arith.index_cast %swap3A_3629 : i32 to index
    %swap3A_3631 = arith.constant 224 : index
    %swap3A_3632 = tpu.vector_load %arg13[%swap3A_3630, %swap3A_3631] {strides = array<i32>} : memref<16x256xf32, #tpu.memory_space<vmem>>, vector<16xf32>,
    tpu.vector_store %arg13[%swap3A_3630, %swap3A_3631], %add3A_3628 {strides = array<i32>} : memref<16x256xf32, #tpu.memory_space<vmem>>, vector<16xf32>,
    %get3A_3633 = arith.constant 4 : i32
    %get3A_3634 = arith.index_cast %get3A_3633 : i32 to index
    %get3A_3635 = arith.constant 224 : index
    %get3A_3636 = tpu.vector_load %arg11[%get3A_3634, %get3A_3635] {strides = array<i32>} : memref<16x256xf32, #tpu.memory_space<vmem>>, vector<16xf32>,
    %get3A_3637 = arith.constant 4 : i32
    %get3A_3638 = arith.index_cast %get3A_3637 : i32 to index
    %get3A_3639 = arith.constant 224 : index
    %get3A_3640 = tpu.vector_load %arg12[%get3A_3638, %get3A_3639] {strides = array<i32>} : memref<16x256xf32, #tpu.memory_space<vmem>>, vector<16xf32>,
    %mul3A_3641 = arith.mulf %get3A_3640, %add3A_3576 : vector<16xf32>
    %add3A_3642 = arith.addf %get3A_3636, %mul3A_3641 : vector<16xf32>
    %swap3A_3643 = arith.constant 4 : i32
    %swap3A_3644 = arith.index_cast %swap3A_3643 : i32 to index
    %swap3A_3645 = arith.constant 224 : index
    %swap3A_3646 = tpu.vector_load %arg13[%swap3A_3644, %swap3A_3645] {strides = array<i32>} : memref<16x256xf32, #tpu.memory_space<vmem>>, vector<16xf32>,
    tpu.vector_store %arg13[%swap3A_3644, %swap3A_3645], %add3A_3642 {strides = array<i32>} : memref<16x256xf32, #tpu.memory_space<vmem>>, vector<16xf32>,
    %get3A_3647 = arith.constant 5 : i32
    %get3A_3648 = arith.index_cast %get3A_3647 : i32 to index
    %get3A_3649 = arith.constant 224 : index
    %get3A_3650 = tpu.vector_load %arg11[%get3A_3648, %get3A_3649] {strides = array<i32>} : memref<16x256xf32, #tpu.memory_space<vmem>>, vector<16xf32>,
    %get3A_3651 = arith.constant 5 : i32
    %get3A_3652 = arith.index_cast %get3A_3651 : i32 to index
    %get3A_3653 = arith.constant 224 : index
    %get3A_3654 = tpu.vector_load %arg12[%get3A_3652, %get3A_3653] {strides = array<i32>} : memref<16x256xf32, #tpu.memory_space<vmem>>, vector<16xf32>,
    %mul3A_3655 = arith.mulf %get3A_3654, %add3A_3576 : vector<16xf32>
    %add3A_3656 = arith.addf %get3A_3650, %mul3A_3655 : vector<16xf32>
    %swap3A_3657 = arith.constant 5 : i32
    %swap3A_3658 = arith.index_cast %swap3A_3657 : i32 to index
    %swap3A_3659 = arith.constant 224 : index
    %swap3A_3660 = tpu.vector_load %arg13[%swap3A_3658, %swap3A_3659] {strides = array<i32>} : memref<16x256xf32, #tpu.memory_space<vmem>>, vector<16xf32>,
    tpu.vector_store %arg13[%swap3A_3658, %swap3A_3659], %add3A_3656 {strides = array<i32>} : memref<16x256xf32, #tpu.memory_space<vmem>>, vector<16xf32>,
    %get3A_3661 = arith.constant 6 : i32
    %get3A_3662 = arith.index_cast %get3A_3661 : i32 to index
    %get3A_3663 = arith.constant 224 : index
    %get3A_3664 = tpu.vector_load %arg11[%get3A_3662, %get3A_3663] {strides = array<i32>} : memref<16x256xf32, #tpu.memory_space<vmem>>, vector<16xf32>,
    %get3A_3665 = arith.constant 6 : i32
    %get3A_3666 = arith.index_cast %get3A_3665 : i32 to index
    %get3A_3667 = arith.constant 224 : index
    %get3A_3668 = tpu.vector_load %arg12[%get3A_3666, %get3A_3667] {strides = array<i32>} : memref<16x256xf32, #tpu.memory_space<vmem>>, vector<16xf32>,
    %mul3A_3669 = arith.mulf %get3A_3668, %add3A_3576 : vector<16xf32>
    %add3A_3670 = arith.addf %get3A_3664, %mul3A_3669 : vector<16xf32>
    %swap3A_3671 = arith.constant 6 : i32
    %swap3A_3672 = arith.index_cast %swap3A_3671 : i32 to index
    %swap3A_3673 = arith.constant 224 : index
    %swap3A_3674 = tpu.vector_load %arg13[%swap3A_3672, %swap3A_3673] {strides = array<i32>} : memref<16x256xf32, #tpu.memory_space<vmem>>, vector<16xf32>,
    tpu.vector_store %arg13[%swap3A_3672, %swap3A_3673], %add3A_3670 {strides = array<i32>} : memref<16x256xf32, #tpu.memory_space<vmem>>, vector<16xf32>,
    %get3A_3675 = arith.constant 7 : i32
    %get3A_3676 = arith.index_cast %get3A_3675 : i32 to index
    %get3A_3677 = arith.constant 224 : index
    %get3A_3678 = tpu.vector_load %arg11[%get3A_3676, %get3A_3677] {strides = array<i32>} : memref<16x256xf32, #tpu.memory_space<vmem>>, vector<16xf32>,
    %get3A_3679 = arith.constant 7 : i32
    %get3A_3680 = arith.index_cast %get3A_3679 : i32 to index
    %get3A_3681 = arith.constant 224 : index
    %get3A_3682 = tpu.vector_load %arg12[%get3A_3680, %get3A_3681] {strides = array<i32>} : memref<16x256xf32, #tpu.memory_space<vmem>>, vector<16xf32>,
    %mul3A_3683 = arith.mulf %get3A_3682, %add3A_3576 : vector<16xf32>
    %add3A_3684 = arith.addf %get3A_3678, %mul3A_3683 : vector<16xf32>
    %swap3A_3685 = arith.constant 7 : i32
    %swap3A_3686 = arith.index_cast %swap3A_3685 : i32 to index
    %swap3A_3687 = arith.constant 224 : index
    %swap3A_3688 = tpu.vector_load %arg13[%swap3A_3686, %swap3A_3687] {strides = array<i32>} : memref<16x256xf32, #tpu.memory_space<vmem>>, vector<16xf32>,
    tpu.vector_store %arg13[%swap3A_3686, %swap3A_3687], %add3A_3684 {strides = array<i32>} : memref<16x256xf32, #tpu.memory_space<vmem>>, vector<16xf32>,
    %get3A_3689 = arith.constant 8 : i32
    %get3A_3690 = arith.index_cast %get3A_3689 : i32 to index
    %get3A_3691 = arith.constant 224 : index
    %get3A_3692 = tpu.vector_load %arg11[%get3A_3690, %get3A_3691] {strides = array<i32>} : memref<16x256xf32, #tpu.memory_space<vmem>>, vector<16xf32>,
    %get3A_3693 = arith.constant 8 : i32
    %get3A_3694 = arith.index_cast %get3A_3693 : i32 to index
    %get3A_3695 = arith.constant 224 : index
    %get3A_3696 = tpu.vector_load %arg12[%get3A_3694, %get3A_3695] {strides = array<i32>} : memref<16x256xf32, #tpu.memory_space<vmem>>, vector<16xf32>,
    %mul3A_3697 = arith.mulf %get3A_3696, %add3A_3576 : vector<16xf32>
    %add3A_3698 = arith.addf %get3A_3692, %mul3A_3697 : vector<16xf32>
    %swap3A_3699 = arith.constant 8 : i32
    %swap3A_3700 = arith.index_cast %swap3A_3699 : i32 to index
    %swap3A_3701 = arith.constant 224 : index
    %swap3A_3702 = tpu.vector_load %arg13[%swap3A_3700, %swap3A_3701] {strides = array<i32>} : memref<16x256xf32, #tpu.memory_space<vmem>>, vector<16xf32>,
    tpu.vector_store %arg13[%swap3A_3700, %swap3A_3701], %add3A_3698 {strides = array<i32>} : memref<16x256xf32, #tpu.memory_space<vmem>>, vector<16xf32>,
    %get3A_3703 = arith.constant 9 : i32
    %get3A_3704 = arith.index_cast %get3A_3703 : i32 to index
    %get3A_3705 = arith.constant 224 : index
    %get3A_3706 = tpu.vector_load %arg11[%get3A_3704, %get3A_3705] {strides = array<i32>} : memref<16x256xf32, #tpu.memory_space<vmem>>, vector<16xf32>,
    %get3A_3707 = arith.constant 9 : i32
    %get3A_3708 = arith.index_cast %get3A_3707 : i32 to index
    %get3A_3709 = arith.constant 224 : index
    %get3A_3710 = tpu.vector_load %arg12[%get3A_3708, %get3A_3709] {strides = array<i32>} : memref<16x256xf32, #tpu.memory_space<vmem>>, vector<16xf32>,
    %mul3A_3711 = arith.mulf %get3A_3710, %add3A_3576 : vector<16xf32>
    %add3A_3712 = arith.addf %get3A_3706, %mul3A_3711 : vector<16xf32>
    %swap3A_3713 = arith.constant 9 : i32
    %swap3A_3714 = arith.index_cast %swap3A_3713 : i32 to index
    %swap3A_3715 = arith.constant 224 : index
    %swap3A_3716 = tpu.vector_load %arg13[%swap3A_3714, %swap3A_3715] {strides = array<i32>} : memref<16x256xf32, #tpu.memory_space<vmem>>, vector<16xf32>,
    tpu.vector_store %arg13[%swap3A_3714, %swap3A_3715], %add3A_3712 {strides = array<i32>} : memref<16x256xf32, #tpu.memory_space<vmem>>, vector<16xf32>,
    %get3A_3717 = arith.constant 10 : i32
    %get3A_3718 = arith.index_cast %get3A_3717 : i32 to index
    %get3A_3719 = arith.constant 224 : index
    %get3A_3720 = tpu.vector_load %arg11[%get3A_3718, %get3A_3719] {strides = array<i32>} : memref<16x256xf32, #tpu.memory_space<vmem>>, vector<16xf32>,
    %get3A_3721 = arith.constant 10 : i32
    %get3A_3722 = arith.index_cast %get3A_3721 : i32 to index
    %get3A_3723 = arith.constant 224 : index
    %get3A_3724 = tpu.vector_load %arg12[%get3A_3722, %get3A_3723] {strides = array<i32>} : memref<16x256xf32, #tpu.memory_space<vmem>>, vector<16xf32>,
    %mul3A_3725 = arith.mulf %get3A_3724, %add3A_3576 : vector<16xf32>
    %add3A_3726 = arith.addf %get3A_3720, %mul3A_3725 : vector<16xf32>
    %swap3A_3727 = arith.constant 10 : i32
    %swap3A_3728 = arith.index_cast %swap3A_3727 : i32 to index
    %swap3A_3729 = arith.constant 224 : index
    %swap3A_3730 = tpu.vector_load %arg13[%swap3A_3728, %swap3A_3729] {strides = array<i32>} : memref<16x256xf32, #tpu.memory_space<vmem>>, vector<16xf32>,
    tpu.vector_store %arg13[%swap3A_3728, %swap3A_3729], %add3A_3726 {strides = array<i32>} : memref<16x256xf32, #tpu.memory_space<vmem>>, vector<16xf32>,
    %get3A_3731 = arith.constant 11 : i32
    %get3A_3732 = arith.index_cast %get3A_3731 : i32 to index
    %get3A_3733 = arith.constant 224 : index
    %get3A_3734 = tpu.vector_load %arg11[%get3A_3732, %get3A_3733] {strides = array<i32>} : memref<16x256xf32, #tpu.memory_space<vmem>>, vector<16xf32>,
    %get3A_3735 = arith.constant 11 : i32
    %get3A_3736 = arith.index_cast %get3A_3735 : i32 to index
    %get3A_3737 = arith.constant 224 : index
    %get3A_3738 = tpu.vector_load %arg12[%get3A_3736, %get3A_3737] {strides = array<i32>} : memref<16x256xf32, #tpu.memory_space<vmem>>, vector<16xf32>,
    %mul3A_3739 = arith.mulf %get3A_3738, %add3A_3576 : vector<16xf32>
    %add3A_3740 = arith.addf %get3A_3734, %mul3A_3739 : vector<16xf32>
    %swap3A_3741 = arith.constant 11 : i32
    %swap3A_3742 = arith.index_cast %swap3A_3741 : i32 to index
    %swap3A_3743 = arith.constant 224 : index
    %swap3A_3744 = tpu.vector_load %arg13[%swap3A_3742, %swap3A_3743] {strides = array<i32>} : memref<16x256xf32, #tpu.memory_space<vmem>>, vector<16xf32>,
    tpu.vector_store %arg13[%swap3A_3742, %swap3A_3743], %add3A_3740 {strides = array<i32>} : memref<16x256xf32, #tpu.memory_space<vmem>>, vector<16xf32>,
    %get3A_3745 = arith.constant 12 : i32
    %get3A_3746 = arith.index_cast %get3A_3745 : i32 to index
    %get3A_3747 = arith.constant 224 : index
    %get3A_3748 = tpu.vector_load %arg11[%get3A_3746, %get3A_3747] {strides = array<i32>} : memref<16x256xf32, #tpu.memory_space<vmem>>, vector<16xf32>,
    %get3A_3749 = arith.constant 12 : i32
    %get3A_3750 = arith.index_cast %get3A_3749 : i32 to index
    %get3A_3751 = arith.constant 224 : index
    %get3A_3752 = tpu.vector_load %arg12[%get3A_3750, %get3A_3751] {strides = array<i32>} : memref<16x256xf32, #tpu.memory_space<vmem>>, vector<16xf32>,
    %mul3A_3753 = arith.mulf %get3A_3752, %add3A_3576 : vector<16xf32>
    %add3A_3754 = arith.addf %get3A_3748, %mul3A_3753 : vector<16xf32>
    %swap3A_3755 = arith.constant 12 : i32
    %swap3A_3756 = arith.index_cast %swap3A_3755 : i32 to index
    %swap3A_3757 = arith.constant 224 : index
    %swap3A_3758 = tpu.vector_load %arg13[%swap3A_3756, %swap3A_3757] {strides = array<i32>} : memref<16x256xf32, #tpu.memory_space<vmem>>, vector<16xf32>,
    tpu.vector_store %arg13[%swap3A_3756, %swap3A_3757], %add3A_3754 {strides = array<i32>} : memref<16x256xf32, #tpu.memory_space<vmem>>, vector<16xf32>,
    %get3A_3759 = arith.constant 13 : i32
    %get3A_3760 = arith.index_cast %get3A_3759 : i32 to index
    %get3A_3761 = arith.constant 224 : index
    %get3A_3762 = tpu.vector_load %arg11[%get3A_3760, %get3A_3761] {strides = array<i32>} : memref<16x256xf32, #tpu.memory_space<vmem>>, vector<16xf32>,
    %get3A_3763 = arith.constant 13 : i32
    %get3A_3764 = arith.index_cast %get3A_3763 : i32 to index
    %get3A_3765 = arith.constant 224 : index
    %get3A_3766 = tpu.vector_load %arg12[%get3A_3764, %get3A_3765] {strides = array<i32>} : memref<16x256xf32, #tpu.memory_space<vmem>>, vector<16xf32>,
    %mul3A_3767 = arith.mulf %get3A_3766, %add3A_3576 : vector<16xf32>
    %add3A_3768 = arith.addf %get3A_3762, %mul3A_3767 : vector<16xf32>
    %swap3A_3769 = arith.constant 13 : i32
    %swap3A_3770 = arith.index_cast %swap3A_3769 : i32 to index
    %swap3A_3771 = arith.constant 224 : index
    %swap3A_3772 = tpu.vector_load %arg13[%swap3A_3770, %swap3A_3771] {strides = array<i32>} : memref<16x256xf32, #tpu.memory_space<vmem>>, vector<16xf32>,
    tpu.vector_store %arg13[%swap3A_3770, %swap3A_3771], %add3A_3768 {strides = array<i32>} : memref<16x256xf32, #tpu.memory_space<vmem>>, vector<16xf32>,
    %get3A_3773 = arith.constant 14 : i32
    %get3A_3774 = arith.index_cast %get3A_3773 : i32 to index
    %get3A_3775 = arith.constant 224 : index
    %get3A_3776 = tpu.vector_load %arg11[%get3A_3774, %get3A_3775] {strides = array<i32>} : memref<16x256xf32, #tpu.memory_space<vmem>>, vector<16xf32>,
    %get3A_3777 = arith.constant 14 : i32
    %get3A_3778 = arith.index_cast %get3A_3777 : i32 to index
    %get3A_3779 = arith.constant 224 : index
    %get3A_3780 = tpu.vector_load %arg12[%get3A_3778, %get3A_3779] {strides = array<i32>} : memref<16x256xf32, #tpu.memory_space<vmem>>, vector<16xf32>,
    %mul3A_3781 = arith.mulf %get3A_3780, %add3A_3576 : vector<16xf32>
    %add3A_3782 = arith.addf %get3A_3776, %mul3A_3781 : vector<16xf32>
    %swap3A_3783 = arith.constant 14 : i32
    %swap3A_3784 = arith.index_cast %swap3A_3783 : i32 to index
    %swap3A_3785 = arith.constant 224 : index
    %swap3A_3786 = tpu.vector_load %arg13[%swap3A_3784, %swap3A_3785] {strides = array<i32>} : memref<16x256xf32, #tpu.memory_space<vmem>>, vector<16xf32>,
    tpu.vector_store %arg13[%swap3A_3784, %swap3A_3785], %add3A_3782 {strides = array<i32>} : memref<16x256xf32, #tpu.memory_space<vmem>>, vector<16xf32>,
    %get3A_3787 = arith.constant 15 : i32
    %get3A_3788 = arith.index_cast %get3A_3787 : i32 to index
    %get3A_3789 = arith.constant 224 : index
    %get3A_3790 = tpu.vector_load %arg11[%get3A_3788, %get3A_3789] {strides = array<i32>} : memref<16x256xf32, #tpu.memory_space<vmem>>, vector<16xf32>,
    %get3A_3791 = arith.constant 15 : i32
    %get3A_3792 = arith.index_cast %get3A_3791 : i32 to index
    %get3A_3793 = arith.constant 224 : index
    %get3A_3794 = tpu.vector_load %arg12[%get3A_3792, %get3A_3793] {strides = array<i32>} : memref<16x256xf32, #tpu.memory_space<vmem>>, vector<16xf32>,
    %mul3A_3795 = arith.mulf %get3A_3794, %add3A_3576 : vector<16xf32>
    %add3A_3796 = arith.addf %get3A_3790, %mul3A_3795 : vector<16xf32>
    %swap3A_3797 = arith.constant 15 : i32
    %swap3A_3798 = arith.index_cast %swap3A_3797 : i32 to index
    %swap3A_3799 = arith.constant 224 : index
    %swap3A_3800 = tpu.vector_load %arg13[%swap3A_3798, %swap3A_3799] {strides = array<i32>} : memref<16x256xf32, #tpu.memory_space<vmem>>, vector<16xf32>,
    tpu.vector_store %arg13[%swap3A_3798, %swap3A_3799], %add3A_3796 {strides = array<i32>} : memref<16x256xf32, #tpu.memory_space<vmem>>, vector<16xf32>,
    %iota3A_3801 = tpu.iota {dimensions = array<i32: 0>} : vector<16xi32>
    %add3A_3802 = arith.constant 240 : i32
    %add3A_3803 = arith.addi %mul3A_2, %add3A_3802 : i32
    %add3A_3804 = vector.broadcast %add3A_3803 : i32 to vector<16xi32>
    %add3A_3805 = arith.addi %iota3A_3801, %add3A_3804 : vector<16xi32>
    %div3A_3806 = arith.divsi %add3A_3805, %div3A : vector<16xi32>
    %mul3A_3807 = arith.muli %div3A_3806, %div3A : vector<16xi32>
    %sub3A_3808 = arith.subi %add3A_3805, %mul3A_3807 : vector<16xi32>
    %add3A_3809 = arith.constant 1 : i32
    %add3A_3810 = vector.broadcast %add3A_3809 : i32 to vector<16xi32>
    %add3A_3811 = arith.addi %div3A_3806, %add3A_3810 : vector<16xi32>
    %min3A_3812 = arith.constant 64 : i32
    %min3A_3813 = vector.broadcast %min3A_3812 : i32 to vector<16xi32>
    %min3A_3814 = arith.minsi %add3A_3811, %min3A_3813 : vector<16xi32>
    %ge3A_3815 = vector.broadcast %multiple_of3A_39 : i32 to vector<16xi32>
    %ge3A_3816 = arith.cmpi sge, %sub3A_3808, %ge3A_3815 : vector<16xi32>
    %sub3A_3817 = vector.broadcast %multiple_of3A_39 : i32 to vector<16xi32>
    %sub3A_3818 = arith.subi %sub3A_3808, %sub3A_3817 : vector<16xi32>
    %add3A_3819 = arith.constant 264 : i32
    %add3A_3820 = vector.broadcast %add3A_3819 : i32 to vector<16xi32>
    %add3A_3821 = arith.addi %sub3A_3808, %add3A_3820 : vector<16xi32>
    %select_n3A_3822 = arith.select %ge3A_3816, %sub3A_3818, %add3A_3821 : vector<16xi1>, vector<16xi32>
    %gather3A_3823 = tpu.vector_load_idx %arg8[%select_n3A_3822] : memref<520xf32, #tpu.memory_space<vmem>>[vector<16xi32>], vector<16xf32>,
    %gather3A_3824 = tpu.vector_load_idx %arg9[%min3A_3814] : memref<65xf32, #tpu.memory_space<vmem>>[vector<16xi32>], vector<16xf32>,
    %add3A_3825 = arith.addf %gather3A_3823, %gather3A_3824 : vector<16xf32>
    %get3A_3826 = arith.constant 0 : i32
    %get3A_3827 = arith.index_cast %get3A_3826 : i32 to index
    %get3A_3828 = arith.constant 240 : index
    %get3A_3829 = tpu.vector_load %arg11[%get3A_3827, %get3A_3828] {strides = array<i32>} : memref<16x256xf32, #tpu.memory_space<vmem>>, vector<16xf32>,
    %get3A_3830 = arith.constant 0 : i32
    %get3A_3831 = arith.index_cast %get3A_3830 : i32 to index
    %get3A_3832 = arith.constant 240 : index
    %get3A_3833 = tpu.vector_load %arg12[%get3A_3831, %get3A_3832] {strides = array<i32>} : memref<16x256xf32, #tpu.memory_space<vmem>>, vector<16xf32>,
    %mul3A_3834 = arith.mulf %get3A_3833, %add3A_3825 : vector<16xf32>
    %add3A_3835 = arith.addf %get3A_3829, %mul3A_3834 : vector<16xf32>
    %swap3A_3836 = arith.constant 0 : i32
    %swap3A_3837 = arith.index_cast %swap3A_3836 : i32 to index
    %swap3A_3838 = arith.constant 240 : index
    %swap3A_3839 = tpu.vector_load %arg13[%swap3A_3837, %swap3A_3838] {strides = array<i32>} : memref<16x256xf32, #tpu.memory_space<vmem>>, vector<16xf32>,
    tpu.vector_store %arg13[%swap3A_3837, %swap3A_3838], %add3A_3835 {strides = array<i32>} : memref<16x256xf32, #tpu.memory_space<vmem>>, vector<16xf32>,
    %get3A_3840 = arith.constant 1 : i32
    %get3A_3841 = arith.index_cast %get3A_3840 : i32 to index
    %get3A_3842 = arith.constant 240 : index
    %get3A_3843 = tpu.vector_load %arg11[%get3A_3841, %get3A_3842] {strides = array<i32>} : memref<16x256xf32, #tpu.memory_space<vmem>>, vector<16xf32>,
    %get3A_3844 = arith.constant 1 : i32
    %get3A_3845 = arith.index_cast %get3A_3844 : i32 to index
    %get3A_3846 = arith.constant 240 : index
    %get3A_3847 = tpu.vector_load %arg12[%get3A_3845, %get3A_3846] {strides = array<i32>} : memref<16x256xf32, #tpu.memory_space<vmem>>, vector<16xf32>,
    %mul3A_3848 = arith.mulf %get3A_3847, %add3A_3825 : vector<16xf32>
    %add3A_3849 = arith.addf %get3A_3843, %mul3A_3848 : vector<16xf32>
    %swap3A_3850 = arith.constant 1 : i32
    %swap3A_3851 = arith.index_cast %swap3A_3850 : i32 to index
    %swap3A_3852 = arith.constant 240 : index
    %swap3A_3853 = tpu.vector_load %arg13[%swap3A_3851, %swap3A_3852] {strides = array<i32>} : memref<16x256xf32, #tpu.memory_space<vmem>>, vector<16xf32>,
    tpu.vector_store %arg13[%swap3A_3851, %swap3A_3852], %add3A_3849 {strides = array<i32>} : memref<16x256xf32, #tpu.memory_space<vmem>>, vector<16xf32>,
    %get3A_3854 = arith.constant 2 : i32
    %get3A_3855 = arith.index_cast %get3A_3854 : i32 to index
    %get3A_3856 = arith.constant 240 : index
    %get3A_3857 = tpu.vector_load %arg11[%get3A_3855, %get3A_3856] {strides = array<i32>} : memref<16x256xf32, #tpu.memory_space<vmem>>, vector<16xf32>,
    %get3A_3858 = arith.constant 2 : i32
    %get3A_3859 = arith.index_cast %get3A_3858 : i32 to index
    %get3A_3860 = arith.constant 240 : index
    %get3A_3861 = tpu.vector_load %arg12[%get3A_3859, %get3A_3860] {strides = array<i32>} : memref<16x256xf32, #tpu.memory_space<vmem>>, vector<16xf32>,
    %mul3A_3862 = arith.mulf %get3A_3861, %add3A_3825 : vector<16xf32>
    %add3A_3863 = arith.addf %get3A_3857, %mul3A_3862 : vector<16xf32>
    %swap3A_3864 = arith.constant 2 : i32
    %swap3A_3865 = arith.index_cast %swap3A_3864 : i32 to index
    %swap3A_3866 = arith.constant 240 : index
    %swap3A_3867 = tpu.vector_load %arg13[%swap3A_3865, %swap3A_3866] {strides = array<i32>} : memref<16x256xf32, #tpu.memory_space<vmem>>, vector<16xf32>,
    tpu.vector_store %arg13[%swap3A_3865, %swap3A_3866], %add3A_3863 {strides = array<i32>} : memref<16x256xf32, #tpu.memory_space<vmem>>, vector<16xf32>,
    %get3A_3868 = arith.constant 3 : i32
    %get3A_3869 = arith.index_cast %get3A_3868 : i32 to index
    %get3A_3870 = arith.constant 240 : index
    %get3A_3871 = tpu.vector_load %arg11[%get3A_3869, %get3A_3870] {strides = array<i32>} : memref<16x256xf32, #tpu.memory_space<vmem>>, vector<16xf32>,
    %get3A_3872 = arith.constant 3 : i32
    %get3A_3873 = arith.index_cast %get3A_3872 : i32 to index
    %get3A_3874 = arith.constant 240 : index
    %get3A_3875 = tpu.vector_load %arg12[%get3A_3873, %get3A_3874] {strides = array<i32>} : memref<16x256xf32, #tpu.memory_space<vmem>>, vector<16xf32>,
    %mul3A_3876 = arith.mulf %get3A_3875, %add3A_3825 : vector<16xf32>
    %add3A_3877 = arith.addf %get3A_3871, %mul3A_3876 : vector<16xf32>
    %swap3A_3878 = arith.constant 3 : i32
    %swap3A_3879 = arith.index_cast %swap3A_3878 : i32 to index
    %swap3A_3880 = arith.constant 240 : index
    %swap3A_3881 = tpu.vector_load %arg13[%swap3A_3879, %swap3A_3880] {strides = array<i32>} : memref<16x256xf32, #tpu.memory_space<vmem>>, vector<16xf32>,
    tpu.vector_store %arg13[%swap3A_3879, %swap3A_3880], %add3A_3877 {strides = array<i32>} : memref<16x256xf32, #tpu.memory_space<vmem>>, vector<16xf32>,
    %get3A_3882 = arith.constant 4 : i32
    %get3A_3883 = arith.index_cast %get3A_3882 : i32 to index
    %get3A_3884 = arith.constant 240 : index
    %get3A_3885 = tpu.vector_load %arg11[%get3A_3883, %get3A_3884] {strides = array<i32>} : memref<16x256xf32, #tpu.memory_space<vmem>>, vector<16xf32>,
    %get3A_3886 = arith.constant 4 : i32
    %get3A_3887 = arith.index_cast %get3A_3886 : i32 to index
    %get3A_3888 = arith.constant 240 : index
    %get3A_3889 = tpu.vector_load %arg12[%get3A_3887, %get3A_3888] {strides = array<i32>} : memref<16x256xf32, #tpu.memory_space<vmem>>, vector<16xf32>,
    %mul3A_3890 = arith.mulf %get3A_3889, %add3A_3825 : vector<16xf32>
    %add3A_3891 = arith.addf %get3A_3885, %mul3A_3890 : vector<16xf32>
    %swap3A_3892 = arith.constant 4 : i32
    %swap3A_3893 = arith.index_cast %swap3A_3892 : i32 to index
    %swap3A_3894 = arith.constant 240 : index
    %swap3A_3895 = tpu.vector_load %arg13[%swap3A_3893, %swap3A_3894] {strides = array<i32>} : memref<16x256xf32, #tpu.memory_space<vmem>>, vector<16xf32>,
    tpu.vector_store %arg13[%swap3A_3893, %swap3A_3894], %add3A_3891 {strides = array<i32>} : memref<16x256xf32, #tpu.memory_space<vmem>>, vector<16xf32>,
    %get3A_3896 = arith.constant 5 : i32
    %get3A_3897 = arith.index_cast %get3A_3896 : i32 to index
    %get3A_3898 = arith.constant 240 : index
    %get3A_3899 = tpu.vector_load %arg11[%get3A_3897, %get3A_3898] {strides = array<i32>} : memref<16x256xf32, #tpu.memory_space<vmem>>, vector<16xf32>,
    %get3A_3900 = arith.constant 5 : i32
    %get3A_3901 = arith.index_cast %get3A_3900 : i32 to index
    %get3A_3902 = arith.constant 240 : index
    %get3A_3903 = tpu.vector_load %arg12[%get3A_3901, %get3A_3902] {strides = array<i32>} : memref<16x256xf32, #tpu.memory_space<vmem>>, vector<16xf32>,
    %mul3A_3904 = arith.mulf %get3A_3903, %add3A_3825 : vector<16xf32>
    %add3A_3905 = arith.addf %get3A_3899, %mul3A_3904 : vector<16xf32>
    %swap3A_3906 = arith.constant 5 : i32
    %swap3A_3907 = arith.index_cast %swap3A_3906 : i32 to index
    %swap3A_3908 = arith.constant 240 : index
    %swap3A_3909 = tpu.vector_load %arg13[%swap3A_3907, %swap3A_3908] {strides = array<i32>} : memref<16x256xf32, #tpu.memory_space<vmem>>, vector<16xf32>,
    tpu.vector_store %arg13[%swap3A_3907, %swap3A_3908], %add3A_3905 {strides = array<i32>} : memref<16x256xf32, #tpu.memory_space<vmem>>, vector<16xf32>,
    %get3A_3910 = arith.constant 6 : i32
    %get3A_3911 = arith.index_cast %get3A_3910 : i32 to index
    %get3A_3912 = arith.constant 240 : index
    %get3A_3913 = tpu.vector_load %arg11[%get3A_3911, %get3A_3912] {strides = array<i32>} : memref<16x256xf32, #tpu.memory_space<vmem>>, vector<16xf32>,
    %get3A_3914 = arith.constant 6 : i32
    %get3A_3915 = arith.index_cast %get3A_3914 : i32 to index
    %get3A_3916 = arith.constant 240 : index
    %get3A_3917 = tpu.vector_load %arg12[%get3A_3915, %get3A_3916] {strides = array<i32>} : memref<16x256xf32, #tpu.memory_space<vmem>>, vector<16xf32>,
    %mul3A_3918 = arith.mulf %get3A_3917, %add3A_3825 : vector<16xf32>
    %add3A_3919 = arith.addf %get3A_3913, %mul3A_3918 : vector<16xf32>
    %swap3A_3920 = arith.constant 6 : i32
    %swap3A_3921 = arith.index_cast %swap3A_3920 : i32 to index
    %swap3A_3922 = arith.constant 240 : index
    %swap3A_3923 = tpu.vector_load %arg13[%swap3A_3921, %swap3A_3922] {strides = array<i32>} : memref<16x256xf32, #tpu.memory_space<vmem>>, vector<16xf32>,
    tpu.vector_store %arg13[%swap3A_3921, %swap3A_3922], %add3A_3919 {strides = array<i32>} : memref<16x256xf32, #tpu.memory_space<vmem>>, vector<16xf32>,
    %get3A_3924 = arith.constant 7 : i32
    %get3A_3925 = arith.index_cast %get3A_3924 : i32 to index
    %get3A_3926 = arith.constant 240 : index
    %get3A_3927 = tpu.vector_load %arg11[%get3A_3925, %get3A_3926] {strides = array<i32>} : memref<16x256xf32, #tpu.memory_space<vmem>>, vector<16xf32>,
    %get3A_3928 = arith.constant 7 : i32
    %get3A_3929 = arith.index_cast %get3A_3928 : i32 to index
    %get3A_3930 = arith.constant 240 : index
    %get3A_3931 = tpu.vector_load %arg12[%get3A_3929, %get3A_3930] {strides = array<i32>} : memref<16x256xf32, #tpu.memory_space<vmem>>, vector<16xf32>,
    %mul3A_3932 = arith.mulf %get3A_3931, %add3A_3825 : vector<16xf32>
    %add3A_3933 = arith.addf %get3A_3927, %mul3A_3932 : vector<16xf32>
    %swap3A_3934 = arith.constant 7 : i32
    %swap3A_3935 = arith.index_cast %swap3A_3934 : i32 to index
    %swap3A_3936 = arith.constant 240 : index
    %swap3A_3937 = tpu.vector_load %arg13[%swap3A_3935, %swap3A_3936] {strides = array<i32>} : memref<16x256xf32, #tpu.memory_space<vmem>>, vector<16xf32>,
    tpu.vector_store %arg13[%swap3A_3935, %swap3A_3936], %add3A_3933 {strides = array<i32>} : memref<16x256xf32, #tpu.memory_space<vmem>>, vector<16xf32>,
    %get3A_3938 = arith.constant 8 : i32
    %get3A_3939 = arith.index_cast %get3A_3938 : i32 to index
    %get3A_3940 = arith.constant 240 : index
    %get3A_3941 = tpu.vector_load %arg11[%get3A_3939, %get3A_3940] {strides = array<i32>} : memref<16x256xf32, #tpu.memory_space<vmem>>, vector<16xf32>,
    %get3A_3942 = arith.constant 8 : i32
    %get3A_3943 = arith.index_cast %get3A_3942 : i32 to index
    %get3A_3944 = arith.constant 240 : index
    %get3A_3945 = tpu.vector_load %arg12[%get3A_3943, %get3A_3944] {strides = array<i32>} : memref<16x256xf32, #tpu.memory_space<vmem>>, vector<16xf32>,
    %mul3A_3946 = arith.mulf %get3A_3945, %add3A_3825 : vector<16xf32>
    %add3A_3947 = arith.addf %get3A_3941, %mul3A_3946 : vector<16xf32>
    %swap3A_3948 = arith.constant 8 : i32
    %swap3A_3949 = arith.index_cast %swap3A_3948 : i32 to index
    %swap3A_3950 = arith.constant 240 : index
    %swap3A_3951 = tpu.vector_load %arg13[%swap3A_3949, %swap3A_3950] {strides = array<i32>} : memref<16x256xf32, #tpu.memory_space<vmem>>, vector<16xf32>,
    tpu.vector_store %arg13[%swap3A_3949, %swap3A_3950], %add3A_3947 {strides = array<i32>} : memref<16x256xf32, #tpu.memory_space<vmem>>, vector<16xf32>,
    %get3A_3952 = arith.constant 9 : i32
    %get3A_3953 = arith.index_cast %get3A_3952 : i32 to index
    %get3A_3954 = arith.constant 240 : index
    %get3A_3955 = tpu.vector_load %arg11[%get3A_3953, %get3A_3954] {strides = array<i32>} : memref<16x256xf32, #tpu.memory_space<vmem>>, vector<16xf32>,
    %get3A_3956 = arith.constant 9 : i32
    %get3A_3957 = arith.index_cast %get3A_3956 : i32 to index
    %get3A_3958 = arith.constant 240 : index
    %get3A_3959 = tpu.vector_load %arg12[%get3A_3957, %get3A_3958] {strides = array<i32>} : memref<16x256xf32, #tpu.memory_space<vmem>>, vector<16xf32>,
    %mul3A_3960 = arith.mulf %get3A_3959, %add3A_3825 : vector<16xf32>
    %add3A_3961 = arith.addf %get3A_3955, %mul3A_3960 : vector<16xf32>
    %swap3A_3962 = arith.constant 9 : i32
    %swap3A_3963 = arith.index_cast %swap3A_3962 : i32 to index
    %swap3A_3964 = arith.constant 240 : index
    %swap3A_3965 = tpu.vector_load %arg13[%swap3A_3963, %swap3A_3964] {strides = array<i32>} : memref<16x256xf32, #tpu.memory_space<vmem>>, vector<16xf32>,
    tpu.vector_store %arg13[%swap3A_3963, %swap3A_3964], %add3A_3961 {strides = array<i32>} : memref<16x256xf32, #tpu.memory_space<vmem>>, vector<16xf32>,
    %get3A_3966 = arith.constant 10 : i32
    %get3A_3967 = arith.index_cast %get3A_3966 : i32 to index
    %get3A_3968 = arith.constant 240 : index
    %get3A_3969 = tpu.vector_load %arg11[%get3A_3967, %get3A_3968] {strides = array<i32>} : memref<16x256xf32, #tpu.memory_space<vmem>>, vector<16xf32>,
    %get3A_3970 = arith.constant 10 : i32
    %get3A_3971 = arith.index_cast %get3A_3970 : i32 to index
    %get3A_3972 = arith.constant 240 : index
    %get3A_3973 = tpu.vector_load %arg12[%get3A_3971, %get3A_3972] {strides = array<i32>} : memref<16x256xf32, #tpu.memory_space<vmem>>, vector<16xf32>,
    %mul3A_3974 = arith.mulf %get3A_3973, %add3A_3825 : vector<16xf32>
    %add3A_3975 = arith.addf %get3A_3969, %mul3A_3974 : vector<16xf32>
    %swap3A_3976 = arith.constant 10 : i32
    %swap3A_3977 = arith.index_cast %swap3A_3976 : i32 to index
    %swap3A_3978 = arith.constant 240 : index
    %swap3A_3979 = tpu.vector_load %arg13[%swap3A_3977, %swap3A_3978] {strides = array<i32>} : memref<16x256xf32, #tpu.memory_space<vmem>>, vector<16xf32>,
    tpu.vector_store %arg13[%swap3A_3977, %swap3A_3978], %add3A_3975 {strides = array<i32>} : memref<16x256xf32, #tpu.memory_space<vmem>>, vector<16xf32>,
    %get3A_3980 = arith.constant 11 : i32
    %get3A_3981 = arith.index_cast %get3A_3980 : i32 to index
    %get3A_3982 = arith.constant 240 : index
    %get3A_3983 = tpu.vector_load %arg11[%get3A_3981, %get3A_3982] {strides = array<i32>} : memref<16x256xf32, #tpu.memory_space<vmem>>, vector<16xf32>,
    %get3A_3984 = arith.constant 11 : i32
    %get3A_3985 = arith.index_cast %get3A_3984 : i32 to index
    %get3A_3986 = arith.constant 240 : index
    %get3A_3987 = tpu.vector_load %arg12[%get3A_3985, %get3A_3986] {strides = array<i32>} : memref<16x256xf32, #tpu.memory_space<vmem>>, vector<16xf32>,
    %mul3A_3988 = arith.mulf %get3A_3987, %add3A_3825 : vector<16xf32>
    %add3A_3989 = arith.addf %get3A_3983, %mul3A_3988 : vector<16xf32>
    %swap3A_3990 = arith.constant 11 : i32
    %swap3A_3991 = arith.index_cast %swap3A_3990 : i32 to index
    %swap3A_3992 = arith.constant 240 : index
    %swap3A_3993 = tpu.vector_load %arg13[%swap3A_3991, %swap3A_3992] {strides = array<i32>} : memref<16x256xf32, #tpu.memory_space<vmem>>, vector<16xf32>,
    tpu.vector_store %arg13[%swap3A_3991, %swap3A_3992], %add3A_3989 {strides = array<i32>} : memref<16x256xf32, #tpu.memory_space<vmem>>, vector<16xf32>,
    %get3A_3994 = arith.constant 12 : i32
    %get3A_3995 = arith.index_cast %get3A_3994 : i32 to index
    %get3A_3996 = arith.constant 240 : index
    %get3A_3997 = tpu.vector_load %arg11[%get3A_3995, %get3A_3996] {strides = array<i32>} : memref<16x256xf32, #tpu.memory_space<vmem>>, vector<16xf32>,
    %get3A_3998 = arith.constant 12 : i32
    %get3A_3999 = arith.index_cast %get3A_3998 : i32 to index
    %get3A_4000 = arith.constant 240 : index
    %get3A_4001 = tpu.vector_load %arg12[%get3A_3999, %get3A_4000] {strides = array<i32>} : memref<16x256xf32, #tpu.memory_space<vmem>>, vector<16xf32>,
    %mul3A_4002 = arith.mulf %get3A_4001, %add3A_3825 : vector<16xf32>
    %add3A_4003 = arith.addf %get3A_3997, %mul3A_4002 : vector<16xf32>
    %swap3A_4004 = arith.constant 12 : i32
    %swap3A_4005 = arith.index_cast %swap3A_4004 : i32 to index
    %swap3A_4006 = arith.constant 240 : index
    %swap3A_4007 = tpu.vector_load %arg13[%swap3A_4005, %swap3A_4006] {strides = array<i32>} : memref<16x256xf32, #tpu.memory_space<vmem>>, vector<16xf32>,
    tpu.vector_store %arg13[%swap3A_4005, %swap3A_4006], %add3A_4003 {strides = array<i32>} : memref<16x256xf32, #tpu.memory_space<vmem>>, vector<16xf32>,
    %get3A_4008 = arith.constant 13 : i32
    %get3A_4009 = arith.index_cast %get3A_4008 : i32 to index
    %get3A_4010 = arith.constant 240 : index
    %get3A_4011 = tpu.vector_load %arg11[%get3A_4009, %get3A_4010] {strides = array<i32>} : memref<16x256xf32, #tpu.memory_space<vmem>>, vector<16xf32>,
    %get3A_4012 = arith.constant 13 : i32
    %get3A_4013 = arith.index_cast %get3A_4012 : i32 to index
    %get3A_4014 = arith.constant 240 : index
    %get3A_4015 = tpu.vector_load %arg12[%get3A_4013, %get3A_4014] {strides = array<i32>} : memref<16x256xf32, #tpu.memory_space<vmem>>, vector<16xf32>,
    %mul3A_4016 = arith.mulf %get3A_4015, %add3A_3825 : vector<16xf32>
    %add3A_4017 = arith.addf %get3A_4011, %mul3A_4016 : vector<16xf32>
    %swap3A_4018 = arith.constant 13 : i32
    %swap3A_4019 = arith.index_cast %swap3A_4018 : i32 to index
    %swap3A_4020 = arith.constant 240 : index
    %swap3A_4021 = tpu.vector_load %arg13[%swap3A_4019, %swap3A_4020] {strides = array<i32>} : memref<16x256xf32, #tpu.memory_space<vmem>>, vector<16xf32>,
    tpu.vector_store %arg13[%swap3A_4019, %swap3A_4020], %add3A_4017 {strides = array<i32>} : memref<16x256xf32, #tpu.memory_space<vmem>>, vector<16xf32>,
    %get3A_4022 = arith.constant 14 : i32
    %get3A_4023 = arith.index_cast %get3A_4022 : i32 to index
    %get3A_4024 = arith.constant 240 : index
    %get3A_4025 = tpu.vector_load %arg11[%get3A_4023, %get3A_4024] {strides = array<i32>} : memref<16x256xf32, #tpu.memory_space<vmem>>, vector<16xf32>,
    %get3A_4026 = arith.constant 14 : i32
    %get3A_4027 = arith.index_cast %get3A_4026 : i32 to index
    %get3A_4028 = arith.constant 240 : index
    %get3A_4029 = tpu.vector_load %arg12[%get3A_4027, %get3A_4028] {strides = array<i32>} : memref<16x256xf32, #tpu.memory_space<vmem>>, vector<16xf32>,
    %mul3A_4030 = arith.mulf %get3A_4029, %add3A_3825 : vector<16xf32>
    %add3A_4031 = arith.addf %get3A_4025, %mul3A_4030 : vector<16xf32>
    %swap3A_4032 = arith.constant 14 : i32
    %swap3A_4033 = arith.index_cast %swap3A_4032 : i32 to index
    %swap3A_4034 = arith.constant 240 : index
    %swap3A_4035 = tpu.vector_load %arg13[%swap3A_4033, %swap3A_4034] {strides = array<i32>} : memref<16x256xf32, #tpu.memory_space<vmem>>, vector<16xf32>,
    tpu.vector_store %arg13[%swap3A_4033, %swap3A_4034], %add3A_4031 {strides = array<i32>} : memref<16x256xf32, #tpu.memory_space<vmem>>, vector<16xf32>,
    %get3A_4036 = arith.constant 15 : i32
    %get3A_4037 = arith.index_cast %get3A_4036 : i32 to index
    %get3A_4038 = arith.constant 240 : index
    %get3A_4039 = tpu.vector_load %arg11[%get3A_4037, %get3A_4038] {strides = array<i32>} : memref<16x256xf32, #tpu.memory_space<vmem>>, vector<16xf32>,
    %get3A_4040 = arith.constant 15 : i32
    %get3A_4041 = arith.index_cast %get3A_4040 : i32 to index
    %get3A_4042 = arith.constant 240 : index
    %get3A_4043 = tpu.vector_load %arg12[%get3A_4041, %get3A_4042] {strides = array<i32>} : memref<16x256xf32, #tpu.memory_space<vmem>>, vector<16xf32>,
    %mul3A_4044 = arith.mulf %get3A_4043, %add3A_3825 : vector<16xf32>
    %add3A_4045 = arith.addf %get3A_4039, %mul3A_4044 : vector<16xf32>
    %swap3A_4046 = arith.constant 15 : i32
    %swap3A_4047 = arith.index_cast %swap3A_4046 : i32 to index
    %swap3A_4048 = arith.constant 240 : index
    %swap3A_4049 = tpu.vector_load %arg13[%swap3A_4047, %swap3A_4048] {strides = array<i32>} : memref<16x256xf32, #tpu.memory_space<vmem>>, vector<16xf32>,
    tpu.vector_store %arg13[%swap3A_4047, %swap3A_4048], %add3A_4045 {strides = array<i32>} : memref<16x256xf32, #tpu.memory_space<vmem>>, vector<16xf32>,
    %add3A_4050 = arith.constant 128 : i32
    %add3A_4051 = arith.addi %mul3A_2, %add3A_4050 : i32
    %dma_start3A_4052 = arith.constant 0 : i32
    %dma_start3A_4053 = arith.constant 128 : i32
    %dma_start3A_4054 = tpu.memref_slice %arg13[%dma_start3A_4052, %dma_start3A_4053] : memref<16x256xf32, #tpu.memory_space<vmem>> -> memref<16x128xf32, #tpu.memory_space<vmem>>
    %dma_start3A_4055 = arith.constant 0 : i32
    %dma_start3A_4056 = tpu.memref_slice %arg7[%dma_start3A_4055, %add3A_4051] : memref<16x4096xf32, #tpu.memory_space<hbm>> -> memref<16x128xf32, #tpu.memory_space<hbm>>
    %dma_start3A_4057 = arith.constant 0 : i32
    %dma_start3A_4058 = tpu.memref_slice %arg7[%dma_start3A_4057, %add3A_4051] : memref<16x4096xf32, #tpu.memory_space<hbm>> -> memref<16x128xf32, #tpu.memory_space<hbm>>
    %dma_start3A_4059 = arith.constant 0 : i32
    %dma_start3A_4060 = arith.constant 128 : i32
    %dma_start3A_4061 = tpu.memref_slice %arg13[%dma_start3A_4059, %dma_start3A_4060] : memref<16x256xf32, #tpu.memory_space<vmem>> -> memref<16x128xf32, #tpu.memory_space<vmem>>
    tpu.enqueue_dma source(%dma_start3A_4061 : memref<16x128xf32, #tpu.memory_space<vmem>>) target(%dma_start3A_4058 : memref<16x128xf32, #tpu.memory_space<hbm>>) target_semaphore(%arg15 : memref<!tpu.dma_semaphore, #tpu.memory_space<semaphore_mem>>)
    %dma_wait3A_4062 = arith.constant 0 : i32
    %dma_wait3A_4063 = arith.constant 0 : i32
    %dma_wait3A_4064 = tpu.memref_slice %arg13[%dma_wait3A_4062, %dma_wait3A_4063] : memref<16x256xf32, #tpu.memory_space<vmem>> -> memref<16x128xf32, #tpu.memory_space<vmem>>
    %dma_wait3A_4065 = arith.constant 0 : i32
    %dma_wait3A_4066 = tpu.memref_slice %arg7[%dma_wait3A_4065, %mul3A_2] : memref<16x4096xf32, #tpu.memory_space<hbm>> -> memref<16x128xf32, #tpu.memory_space<hbm>>
    %dma_wait3A_4067 = arith.constant 0 : i32
    %dma_wait3A_4068 = tpu.memref_slice %arg7[%dma_wait3A_4067, %mul3A_2] : memref<16x4096xf32, #tpu.memory_space<hbm>> -> memref<16x128xf32, #tpu.memory_space<hbm>>
    %dma_wait3A_4069 = arith.constant 0 : i32
    %dma_wait3A_4070 = arith.constant 0 : i32
    %dma_wait3A_4071 = tpu.memref_slice %arg13[%dma_wait3A_4069, %dma_wait3A_4070] : memref<16x256xf32, #tpu.memory_space<vmem>> -> memref<16x128xf32, #tpu.memory_space<vmem>>
    tpu.wait_dma2 semaphore(%arg15 : memref<!tpu.dma_semaphore, #tpu.memory_space<semaphore_mem>>) src(%dma_wait3A_4071 : memref<16x128xf32, #tpu.memory_space<vmem>>) dst(%dma_wait3A_4068 : memref<16x128xf32, #tpu.memory_space<hbm>>)
    %dma_wait3A_4072 = arith.constant 0 : i32
    %dma_wait3A_4073 = arith.constant 128 : i32
    %dma_wait3A_4074 = tpu.memref_slice %arg13[%dma_wait3A_4072, %dma_wait3A_4073] : memref<16x256xf32, #tpu.memory_space<vmem>> -> memref<16x128xf32, #tpu.memory_space<vmem>>
    %dma_wait3A_4075 = arith.constant 0 : i32
    %dma_wait3A_4076 = tpu.memref_slice %arg7[%dma_wait3A_4075, %add3A_4051] : memref<16x4096xf32, #tpu.memory_space<hbm>> -> memref<16x128xf32, #tpu.memory_space<hbm>>
    %dma_wait3A_4077 = arith.constant 0 : i32
    %dma_wait3A_4078 = tpu.memref_slice %arg7[%dma_wait3A_4077, %add3A_4051] : memref<16x4096xf32, #tpu.memory_space<hbm>> -> memref<16x128xf32, #tpu.memory_space<hbm>>
    %dma_wait3A_4079 = arith.constant 0 : i32
    %dma_wait3A_4080 = arith.constant 128 : i32
    %dma_wait3A_4081 = tpu.memref_slice %arg13[%dma_wait3A_4079, %dma_wait3A_4080] : memref<16x256xf32, #tpu.memory_space<vmem>> -> memref<16x128xf32, #tpu.memory_space<vmem>>
    tpu.wait_dma2 semaphore(%arg15 : memref<!tpu.dma_semaphore, #tpu.memory_space<semaphore_mem>>) src(%dma_wait3A_4081 : memref<16x128xf32, #tpu.memory_space<vmem>>) dst(%dma_wait3A_4078 : memref<16x128xf32, #tpu.memory_space<hbm>>)
    return
  }
}

module attributes {stable_mosaic.version = 14 : i64} {
  func.func @_dots_tc(%arg0: memref<4096x256xf32, #tpu.memory_space<vmem>>, %arg1: memref<65x256xf32, #tpu.memory_space<vmem>>, %arg2: memref<1x256xf32, #tpu.memory_space<vmem>>, %arg3: memref<1x1xf32, #tpu.memory_space<vmem>>, %arg4: memref<1x4096xf32, #tpu.memory_space<vmem>>, %arg5: memref<1x65xf32, #tpu.memory_space<vmem>>) attributes {dimension_semantics = [], scalar_prefetch = 0 : i64, scratch_operands = 0 : i64, tpu.core_type = #tpu.core_type<tc>} {
    %get3A = arith.constant 0 : index
    %get3A_0 = arith.constant 0 : index
    %get3A_1 = vector.load %arg3[%get3A, %get3A_0] : memref<1x1xf32, #tpu.memory_space<vmem>>, vector<1x1xf32>
    %get3A_2 = vector.extract %get3A_1[0, 0] : f32 from vector<1x1xf32>
    %get3A_3 = arith.constant 0 : index
    %get3A_4 = arith.constant 0 : index
    %get3A_5 = vector.load %arg2[%get3A_3, %get3A_4] : memref<1x256xf32, #tpu.memory_space<vmem>>, vector<1x256xf32>
    %get3A_6 = arith.constant 0 : index
    %get3A_7 = arith.constant 0 : index
    %get3A_8 = vector.load %arg0[%get3A_6, %get3A_7] : memref<4096x256xf32, #tpu.memory_space<vmem>>, vector<4096x256xf32>
    %dot_general3A = arith.constant dense<0.000000e+00> : vector<1x4096xf32>
    %dot_general3A_9 = tpu.matmul %get3A_5, %get3A_8, %dot_general3A {dimension_numbers = #tpu.dot_dimension_numbers<[1], [1], [0], [0], [0, 0, 1, 0], [], []>, transpose_lhs_hint = false} : vector<1x256xf32>, vector<4096x256xf32>, vector<1x4096xf32> -> vector<1x4096xf32>
    %get3A_10 = arith.constant 0 : index
    %get3A_11 = arith.constant 0 : index
    %get3A_12 = vector.load %arg1[%get3A_10, %get3A_11] : memref<65x256xf32, #tpu.memory_space<vmem>>, vector<65x256xf32>
    %dot_general3A_13 = arith.constant dense<0.000000e+00> : vector<1x65xf32>
    %dot_general3A_14 = tpu.matmul %get3A_5, %get3A_12, %dot_general3A_13 {dimension_numbers = #tpu.dot_dimension_numbers<[1], [1], [0], [0], [0, 0, 1, 0], [], []>, transpose_lhs_hint = false} : vector<1x256xf32>, vector<65x256xf32>, vector<1x65xf32> -> vector<1x65xf32>
    %mul3A = vector.broadcast %get3A_2 : f32 to vector<1x4096xf32>
    %mul3A_15 = arith.mulf %mul3A, %dot_general3A_9 : vector<1x4096xf32>
    %swap3A = arith.constant 0 : index
    %swap3A_16 = arith.constant 0 : index
    %swap3A_17 = vector.load %arg4[%swap3A, %swap3A_16] : memref<1x4096xf32, #tpu.memory_space<vmem>>, vector<1x4096xf32>
    tpu.vector_store %arg4[%swap3A, %swap3A_16], %mul3A_15 {strides = array<i32>} : memref<1x4096xf32, #tpu.memory_space<vmem>>, vector<1x4096xf32>,
    %mul3A_18 = vector.broadcast %get3A_2 : f32 to vector<1x65xf32>
    %mul3A_19 = arith.mulf %mul3A_18, %dot_general3A_14 : vector<1x65xf32>
    %swap3A_20 = arith.constant 0 : index
    %swap3A_21 = arith.constant 0 : index
    %swap3A_22 = vector.load %arg5[%swap3A_20, %swap3A_21] : memref<1x65xf32, #tpu.memory_space<vmem>>, vector<1x65xf32>
    tpu.vector_store %arg5[%swap3A_20, %swap3A_21], %mul3A_19 {strides = array<i32>} : memref<1x65xf32, #tpu.memory_space<vmem>>, vector<1x65xf32>,
    return
  }
}

</mosaic_0001>

<sc_bundles>
// kernel: kernel.4.cloned.1.call-start
scs
__scs_entry_jumppad:
0x0: {  	(pc) =	sbr.rel $0x88, $3  }
0x1: {  	(tag) =	ssettag $0x0;
	lr =	simm.s32 $0x1  }
0x2: {  	[smem:$0x3F9A] =	sst lr;
	_ =	strace $0xD0000000  }
0x3: {  	_ = 	snop  }
0x4: {  	_ = 	snop  }
0x5: {  	_ = 	snop  }
0x6: {  	_ = 	snop  }
0x7: {  	_ = 	snop  }
__scs_overlays_trampoline_lowered:
0x8: {  	[smem:$0x3FA9] =	sst s0  }
0x9: {  	[smem:$0x3FAA] =	sst s1  }
0xa: {  	[smem:$0x3FAB] =	sst s2  }
0xb: {  	[smem:$0x3FAC] =	sst s3  }
0xc: {  	[smem:$0x3FAD] =	sst s4  }
0xd: {  	[smem:$0x3FAE] =	sst s5  }
0xe: {  	[smem:$0x3FAF] =	sst s6  }
0xf: {  	[smem:$0x3FB0] =	sst s7  }
0x10: {  	[smem:$0x3FB1] =	sst s8  }
0x11: {  	[smem:$0x3FB2] =	sst s9;
	s0 =	simm.s32 @!p0 $0x0  }
0x12: {  	s1 =	sld [smem:$0x3F98];
	s0 =	simm.s32 @p0 $0x1  }
0x13: {  	[smem:$0x3FB3] =	sst s0;
	s0 =	simm.s32 @!p1 $0x0  }
0x14: {  	s2 =	sld [smem:$0x3F97];
	s0 =	simm.s32 @p1 $0x1  }
0x15: {  	[smem:$0x3FB4] =	sst s0;
	s0 =	simm.s32 @!p2 $0x0  }
0x16: {  	s3 =	sld [smem:$0x3FDB];
	s0 =	simm.s32 @p2 $0x1  }
0x17: {  	s4 =	simm.s32 $0x1BF5;
	[smem:$0x3FB6] =	sst s0  }
0x18: {  	s0 =	sld [smem:$0x3F99];
	_ =	swait.ge [sflag:s4], $0x0  }
0x19: {  	s7 =	sld [smem:$0x3F9A]  }
0x1a: {  	s8 =	sadd.s32 $0xFFFFE003, lr  }
0x1b: {  	s9 =	sadd.s32 $0xFFFFFEF7, lr;
	s5 =	simm.s32 $0xFFFFFFFF;
	p2 =	slt.u32 s8, $0xFFFFF086  }
0x1c: {  	p1 =	slt.u32 s9, $0xF7A;
	s5 =	simm.s32 @!p2 $0x0  }
0x1d: {  	s5 =	simm.s32 @p1 $0x1;
	p0 =	seq.s32 s7, s2  }
0x1e: {  	s7 =	smul.u32 @!p0 $0xF7A, s2;
	p2 =	seq.s32 @!p0 s5, $0x0  }
0x1f: {  	s9 =	smul.u32 $0xF7A, s1;
	s8 =	simm.s32 @!p0 $0x1BF5;
	p2 =	por !p2, p0  }
0x20: {  	[sflag:s8] =	ssyncset.s32 @!p0 $0xFFFFF086;
	s6 =	sadd.s32 @!p0 s3, s7;
	s7 =	simm.s32 @!p0 $0x108  }
0x21: {  	s3 =	sadd.s32 s3, s9;
	s6 =	sadd.s32 @!p0 $0x88, s6;
	s7 =	simm.s32 @p2 $0x1082  }
0x22: {  	[simem:s7], [sflag:s8] =	dma.local @!p0 [hbm:s6], $0xF7A  }
0x23: {  	s9 =	sor.u32 $0xD0000000, s2;
	s6 =	simm.s32 $0x108;
	_ =	swait.ge @!p0 [sflag:s8], $0x0  }
0x24: {  	s3 =	sadd.s32 $0x88, s3;
	s6 =	simm.s32 @!p1 $0x1082;
	[sflag:s4] =	ssyncset.s32 $0xFFFFF086  }
0x25: {  	[simem:s6], [sflag:s4] =	dma.local [hbm:s3], $0xF7A  }
0x26: {  	[smem:$0x3F9A] =	sst s1;
	(tag) =	ssettag s2;
	_ =	strace s9  }
0x27: {  	s1 =	sld [smem:$0x3FAA]  }
0x28: {  	s2 =	sld [smem:$0x3FAB]  }
0x29: {  	s4 =	sld [smem:$0x3FAD]  }
0x2a: {  	p0 =	seq.s32 s5, $0x0;
	s5 =	sld [smem:$0x3FAE]  }
0x2b: {  	s6 =	sld [smem:$0x3FAF]  }
0x2c: {  	s7 =	sld [smem:$0x3FB0]  }
0x2d: {  	s3 =	simm.s32 $0x108;
	s8 =	sld [smem:$0x3FB1]  }
0x2e: {  	s3 =	simm.s32 @!p0 $0x1082;
	s9 =	sld [smem:$0x3FB2]  }
0x2f: {  	lr =	sadd.s32 s0, s3;
	s0 =	sld [smem:$0x3FA9]  }
0x30: {  	s3 =	sld [smem:$0x3FAC]  }
0x31: {  	[smem:$0x3FB5] =	sst s10  }
0x32: {  	s10 =	sld [smem:$0x3FB3];
	_ =	sdelay $0x3  }
0x33: {  	p0 =	seq.s32 s10, $0x1;
	s10 =	sld [smem:$0x3FB5];
	_ =	sdelay $0x3  }
0x34: {  	[smem:$0x3FB5] =	sst s10  }
0x35: {  	s10 =	sld [smem:$0x3FB4];
	_ =	sdelay $0x3  }
0x36: {  	p1 =	seq.s32 s10, $0x1;
	s10 =	sld [smem:$0x3FB5];
	_ =	sdelay $0x3  }
0x37: {  	[smem:$0x3FB5] =	sst s10  }
0x38: {  	s10 =	sld [smem:$0x3FB6]  }
0x39: {  	_ = 	snop;
	(pc) =	sbr.ind lr, $3  }
0x3a: {  	_ = 	snop  }
0x3b: {  	_ = 	snop  }
0x3c: {  	p2 =	seq.s32 s10, $0x1;
	s10 =	sld [smem:$0x3FB5]  }
0x3d: {  	_ =	shalt  }
0x3e: {  	_ =	shalt  }
0x3f: {  	_ =	shalt  }
0x40: {  	_ =	shalt  }
0x41: {  	_ =	shalt  }
0x42: {  	_ =	shalt  }
0x43: {  	_ =	shalt  }
0x44: {  	_ =	shalt  }
0x45: {  	_ =	shalt  }
0x46: {  	_ =	shalt  }
0x47: {  	_ =	shalt  }
0x48: {  	_ =	shalt  }
0x49: {  	_ =	shalt  }
0x4a: {  	_ =	shalt  }
0x4b: {  	_ =	shalt  }
0x4c: {  	_ =	shalt  }
0x4d: {  	_ =	shalt  }
0x4e: {  	_ =	shalt  }
0x4f: {  	_ =	shalt  }
0x50: {  	_ =	shalt  }
0x51: {  	_ =	shalt  }
0x52: {  	_ =	shalt  }
0x53: {  	_ =	shalt  }
0x54: {  	_ =	shalt  }
0x55: {  	_ =	shalt  }
0x56: {  	_ =	shalt  }
0x57: {  	_ =	shalt  }
0x58: {  	_ =	shalt  }
0x59: {  	_ =	shalt  }
0x5a: {  	_ =	shalt  }
0x5b: {  	_ =	shalt  }
0x5c: {  	_ =	shalt  }
0x5d: {  	_ =	shalt  }
0x5e: {  	_ =	shalt  }
0x5f: {  	_ =	shalt  }
0x60: {  	_ =	shalt  }
0x61: {  	_ =	shalt  }
0x62: {  	_ =	shalt  }
0x63: {  	_ =	shalt  }
0x64: {  	_ =	shalt  }
0x65: {  	_ =	shalt  }
0x66: {  	_ =	shalt  }
0x67: {  	_ =	shalt  }
0x68: {  	_ =	shalt  }
0x69: {  	_ =	shalt  }
0x6a: {  	_ =	shalt  }
0x6b: {  	_ =	shalt  }
0x6c: {  	_ =	shalt  }
0x6d: {  	_ =	shalt  }
0x6e: {  	_ =	shalt  }
0x6f: {  	_ =	shalt  }
0x70: {  	_ =	shalt  }
0x71: {  	_ =	shalt  }
0x72: {  	_ =	shalt  }
0x73: {  	_ =	shalt  }
0x74: {  	_ =	shalt  }
0x75: {  	_ =	shalt  }
0x76: {  	_ =	shalt  }
0x77: {  	_ =	shalt  }
0x78: {  	_ =	shalt  }
0x79: {  	_ =	shalt  }
0x7a: {  	_ =	shalt  }
0x7b: {  	_ =	shalt  }
0x7c: {  	_ =	shalt  }
0x7d: {  	_ =	shalt  }
0x7e: {  	_ =	shalt  }
0x7f: {  	_ =	shalt  }
0x80: {  	_ =	shalt  }
0x81: {  	_ =	shalt  }
0x82: {  	_ =	shalt  }
0x83: {  	_ =	shalt  }
0x84: {  	_ =	shalt  }
0x85: {  	_ =	shalt  }
0x86: {  	_ =	shalt  }
0x87: {  	_ =	shalt  }
.Lfunc_end0:
.L_simem_size_0:
called_computation_lowered:
.L_overlay_start_0:
0x88: {  	s0 =	sld [smem:$0x3FD9]  }
0x89: {  	s1 =	sld [smem:$0x3FFE];
	_ =	sdelay $0x3  }
0x8a: {  	s0 =	sadd.s32 s1, s0  }
0x8b: {  	[smem:$0x3FC1] =	sst s0  }
0x8c: {  	_ = 	snop  }
0x8d: {  	s0 =	sld [smem:$0x3FC9]  }
0x8e: {  	s16 =	sld [smem:$0x3FC8]  }
0x8f: {  	s2 =	sld [smem:$0x3FC7]  }
0x90: {  	s3 =	sld [smem:$0x3FD0];
	(tm) =	ssettm $0x1  }
0x91: {  	s4 =	sld [smem:$0x3FFB];
	_ =	sdelay $0x3  }
0x92: {  	_ =	strace s4  }
0x93: {  	s4 =	sld [smem:$0x3FFC];
	_ =	sdelay $0x3  }
0x94: {  	_ =	strace s4  }
0x95: {  	s4 =	sld [smem:$0x3FFD];
	_ =	sdelay $0x3  }
0x96: {  	_ =	strace s4  }
0x97: {  	_ =	strace $0x8FFFFFFF  }
0x98: {  	s17 =	sld [smem:$0x3FDB];
	_ =	sdelay $0x1  }
0x99: {  	s5 =	simm.s32 $_scs_section_size  }
0x9a: {  	s6 =	simm.s32 $_size__tile_overlayer_lowered;
	s7 =	simm.s32 $_tile_overlayer_lowered  }
0x9b: {  	s20 =	simm.s32 $0x1BFF;
	s19 =	sshll.u32 s7, $0x1;
	s4 =	sadd.s32 s5, s17  }
0x9c: {  	s8 =	simm.s32 $0x0;
	s18 =	sshll.u32 s6, $0x1;
	s6 =	sadd.s32 s19, s4  }
0x9d: {  	[timem:s8], [sflag:s20] =	dma.local [hbm:s6], s18  }
0x9e: {  	_ =	swait.ge [sflag:s20], s18  }
0x9f: {  	s5 =	ssub.s32 $0x0, s18;
	[sflag:s20] =	ssyncset.done $0x0  }
0xa0: {  	[sflag:s20] =	ssyncadd.s32 s5;
	_ =	sdelay $0x1  }
0xa1: {  	s21 =	simm.s32 $0x1B8B  }
0xa2: {  	_ =	swait.ge [sflag:s21], $0x1  }
0xa3: {  	[sflag:s21] =	ssyncset.done $0x0  }
0xa4: {  	s23 =	simm.s32 $0x1B8E;
	s22 =	sld [smem:$0x3FFE];
	[sflag:s21] =	ssyncadd.s32 $0xFFFFFFFF  }
0xa5: {  	s24 =	simm.s32 $execute0_lowered;
	[smem:$0x3FD2] =	sst s23  }
0xa6: {  	s6 =	sshll.u32 s24, $0x1;
	_ =	strace $0x80000046;
	[dreg:$0x1] =	wrdreg $0xFFFFFFFF  }
0xa7: {  	s25 =	simm.s32 $_size_execute0_lowered;
	s4 =	sadd.s32 s4, s6;
	[dreg:$0x0] =	wrdreg $0x0  }
0xa8: {  	s6 =	sshll.u32 s25, $0x1;
	[dreg:$0x2] =	wrdreg s4  }
0xa9: {  	[dreg:$0x3] =	wrdreg s6  }
0xaa: {  	[dreg:$0x4] =	wrdreg $0xC0  }
0xab: {  	_ =	task [dreg:s8], $0x5FFFF  }
0xac: {  	[dreg:$0x1] =	wrdreg $0xFFFFFFFF  }
0xad: {  	[dreg:$0x0] =	wrdreg $0x60  }
0xae: {  	[dreg:$0x2] =	wrdreg s0  }
0xaf: {  	[dreg:$0x3] =	wrdreg s2  }
0xb0: {  	[dreg:$0x4] =	wrdreg s16  }
0xb1: {  	[dreg:$0x5] =	wrdreg s22  }
0xb2: {  	[dreg:$0x6] =	wrdreg s3  }
0xb3: {  	[dreg:$0x7] =	wrdreg $0x9  }
0xb4: {  	_ =	task.clear_ibuf [dreg:s8], $0x8FFFF;
	_ =	strace $0x90000046  }
0xb5: {  	s26 =	simm.s32 $0x9;
	_ =	strace $0x80000048  }
0xb6: {  	_ =	swait.ge [sflag:s26], $0x1  }
0xb7: {  	[sflag:s26] =	ssyncadd.s32 $0xFFFFFFFF  }
0xb8: {  	_ =	strace $0x90000048  }
0xb9: {  	_ =	sfence  }
0xba: {  	s28 =	sld [smem:$0x0];
	_ =	sdelay $0x1  }
0xbb: {  	s29 =	srdreg.scid  }
0xbc: {  	s30 =	sshll.u32 s29, $0xD;
	s31 =	sshrl.u32 s29, $0x2  }
0xbd: {  	s1 =	sand.u32 $0x1, s29;
	s2 =	sand.u32 $0x4000, s30;
	s0 =	sadd.s32 s31, s28  }
0xbe: {  	s1 =	sor.u32 s2, s1;
	s0 =	sshll.u32 s0, $0x11  }
0xbf: {  	s0 =	sor.u32 s0, s1  }
0xc0: {  	s0 =	sadd.s32 $0x8F2B, s0  }
0xc1: {  	[sflag:s0] =	ssyncadd.remote.s32 $0x1  }
0xc2: {  	_ =	sfence.sel $0xFFFF  }
0xc3: {  	[dreg:$0x0] =	wrdreg $0xFFFFFFFF;
	(pc) =	sbr.abs _section_cstart, $3  }
0xc4: {  	[dreg:$0x1] =	wrdreg $0xFFFFFFFF  }
0xc5: {  	_ =	task.clear_ibuf [dreg:s8], $0x2FFFF;
	_ =	strace $0x9FFFFFFF  }
0xc6: {  	(tm) =	ssettm $0x7FFFFFFF  }
0xc7: {  	_ =	shalt  }
tec
execute0_lowered:
.L_overlay_start_1:
0x0: {  	(tag) =	ssettag $0x1  }
0x1: {  	s2 =	rddreg [dreg:$0x0]  }
0x2: {  	s3 =	rddreg [dreg:$0x1]  }
0x3: {  	s5 =	rddreg [dreg:$0x3];
	s0 =	stileid.u32;
	s17 =	simm.s32 $0x0  }
0x4: {  	s7 =	sshll.u32 s0, $0x8;
	[smem:$0x7FF] =	sst s17  }
0x5: {  	s1 =	sadd.s32 $0x1000, s5;
	[dreg:$0x8] =	wrdreg s7  }
0x6: {  	s6 =	smin.u32 s7, $0xEF8;
	[smem:$0x7F4] =	sst s1  }
0x7: {  	[smem:$0x7F2] =	sst s6;
	s6 =	sshrl.u32 s6, $0x3  }
0x8: {  	s4 =	rddreg [dreg:$0x2];
	_ =	strace $0x80000047;
	s6 =	sadd.s32 s1, s6  }
0x9: {  	[tilespmem:s17], [sflag:$0x1] =	stream.linear.gather [hbm4b:s6+s17], $0x108, $0x38;
	[tilespmem:$0x3380] =	vst v63  }
0xa: {  	s18 =	simm.s32 $0x108  }
0xb: {  	[tilespmem:s18], [sflag:$0x1] =	stream.linear.gather [hbm4b:s1+s17], $0x100, $0x38;
	[tilespmem:$0x3380] =	vst v63  }
0xc: {  	s19 =	simm.s32 $0x280;
	s21 =	simm.s32 $0x800;
	s5 =	sadd.s32 $0x1200, s5  }
0xd: {  	[tilespmem:s19], [sflag:$0x1] =	stream.linear.gather [hbm4b:s5+s17], $0x80, $0x38;
	[tilespmem:$0x3380] =	vst v63  }
0xe: {  	s22 =	simm.s32 $0x8000;
	s8 =	simm.s32 $0x380;
	s2 =	sadd.s32 s2, s7  }
0xf: {  	[tilespmem:s8], [sflag:$0x1] =	stream.strided.gather [hbm4b:s2+s21], $0x1000, s22, s21, $0x38;
	[tilespmem:$0x3380] =	vst v63  }
0x10: {  	s24 =	simm.s32 $0x1380;
	s23 =	sadd.s32 s3, s7  }
0x11: {  	[tilespmem:s24], [sflag:$0x1] =	stream.strided.gather [hbm4b:s23+s21], $0x1000, s22, s21, $0x38;
	[tilespmem:$0x3380] =	vst v63  }
0x12: {  	s20 =	simm.s32 $0x0;
	s25 =	simm.s32 $0x300;
	s26 =	simm.s32 $0x2  }
0x13: {  	[tilespmem:s25], [sflag:$0x2] =	stream.linear.gather [hbm4b:s4+s20], $0x80, $0x38;
	[tilespmem:$0x3380] =	vst v63  }
0x14: {  	_ =	swait.ge [sflag:s26], $0x80  }
0x15: {  	[sflag:s26] =	ssyncset.done $0x0  }
0x16: {  	[sflag:s26] =	ssyncadd.s32 $0xFFFFFF80  }
0x17: {  	v0 =	vld [tilespmem:$0x300];
	_ =	sdelay $0x4  }
0x18: {  	(v2sf) =	vpush v0, $0x0  }
0x19: {  	(v2sf) =	vpush v0, $0xF  }
0x1a: {  	(v2sf) =	vpush v0, $0x1  }
0x1b: {  	(v2sf) =	vpush v0, $0x2;
	_ =	sdelay $0x1  }
0x1c: {  	(v2sf) =	vpush v0, $0x3  }
0x1d: {  	(v2sf) =	vpush v0, $0x4;
	_ =	sdelay $0x1  }
0x1e: {  	(v2sf) =	vpush v0, $0x5;
	_ =	sdelay $0x1  }
0x1f: {  	(v2sf) =	vpush v0, $0x6  }
0x20: {  	(v2sf) =	vpush v0, $0x7;
	_ =	sdelay $0x3  }
0x21: {  	s28 =	spop (v2sf);
	(v2sf) =	vpush v0, $0x8  }
0x22: {  	s2 =	sshra.s32 s28, $0x1F;
	s29 =	spop (v2sf);
	(v2sf) =	vpush v0, $0x9  }
0x23: {  	s19 =	simm.s32 $0x1000;
	s3 =	sxor.u32 s2, s28;
	s31 =	spop (v2sf);
	(v2sf) =	vpush v0, $0xA  }
0x24: {  	s30 =	ssub.s32 s3, s2;
	s3 =	sshra.s32 s29, $0x1F;
	s1 =	spop (v2sf);
	(v2sf) =	vpush v0, $0xB  }
0x25: {  	v1 =	vxor.u32 $0x80000000, v0;
	(drf) =	sdiv.u32 s19, s30;
	s4 =	sxor.u32 s3, s29;
	s6 =	sshra.s32 s1, $0x1F  }
0x26: {  	(xrf0) =	vmax.scan.msk.u32 $0xffff, v1;
	s9 =	spop (v2sf);
	(v2sf) =	vpush v0, $0xC;
	s0 =	ssub.s32 s4, s3;
	s4 =	sshra.s32 s31, $0x1F  }
0x27: {  	s8 =	sxor.u32 s6, s1;
	s10 =	spop (v2sf);
	(drf) =	sdiv.u32 s19, s0  }
0x28: {  	(v2sf) =	vpush v0, $0xD;
	s5 =	sxor.u32 s4, s31;
	s7 =	ssub.s32 s8, s6;
	s8 =	sshra.s32 s9, $0x1F  }
0x29: {  	s11 =	sshra.s32 s10, $0x1F;
	s12 =	spop (v2sf);
	s5 =	ssub.s32 s5, s4  }
0x2a: {  	(v2sf) =	vpush v0, $0xE;
	s9 =	sxor.u32 s8, s9;
	s13 =	sxor.u32 s11, s10;
	s10 =	sshra.s32 s12, $0x1F  }
0x2b: {  	s15 =	spop (v2sf);
	(drf) =	sdiv.u32 s19, s5;
	s5 =	ssub.s32 s9, s8  }
0x2c: {  	v56, _, _ =	vpop (xrf0);
	s14 =	sxor.u32 s10, s12;
	s18 =	spop (v2sf);
	(drf) =	sdiv.u32 s19, s7  }
0x2d: {  	(v2sf) =	vpush v56, $0xF;
	(drf) =	sdiv.u32 s19, s5;
	s5 =	ssub.s32 s13, s11;
	s13 =	sshra.s32 s15, $0x1F  }
0x2e: {  	s16 =	ssub.s32 s14, s10;
	(drf) =	sdiv.u32 s19, s5;
	s17 =	sxor.u32 s13, s15  }
0x2f: {  	(drf) =	sdiv.u32 s19, s16;
	s5 =	ssub.s32 s17, s13;
	s16 =	sshra.s32 s18, $0x1F  }
0x30: {  	(drf) =	sdiv.u32 s19, s5;
	s21 =	sxor.u32 s16, s18;
	s20 =	spop (v2sf)  }
0x31: {  	s5 =	ssub.s32 s21, s16;
	s14 =	sshra.s32 s20, $0x1F;
	s23 =	spop (v2sf)  }
0x32: {  	(drf) =	sdiv.u32 s19, s5;
	s22 =	sxor.u32 s14, s20;
	s26 =	spop (v2sf)  }
0x33: {  	s17 =	sshra.s32 s23, $0x1F;
	s24 =	ssub.s32 s22, s14;
	s18 =	spop (v2sf)  }
0x34: {  	s25 =	sxor.u32 s17, s23;
	s15 =	sshra.s32 s26, $0x1F;
	s22 =	spop (drf)  }
0x35: {  	(drf) =	sdiv.u32 s19, s24;
	s5 =	ssub.s32 s25, s17;
	s31 =	spop (v2sf)  }
0x36: {  	s28 =	sxor.u32 s15, s26;
	s12 =	sshra.s32 s18, $0x1F;
	s23 =	spop (drf)  }
0x37: {  	(drf) =	sdiv.u32 s19, s5;
	s5 =	ssub.s32 s28, s15;
	s0 =	spop (v2sf)  }
0x38: {  	s29 =	sxor.u32 s12, s18;
	s18 =	sshra.s32 s31, $0x1F;
	s24 =	spop (drf)  }
0x39: {  	(drf) =	sdiv.u32 s19, s5;
	s30 =	ssub.s32 s29, s12;
	s1 =	spop (v2sf)  }
0x3a: {  	s20 =	sxor.u32 s18, s31;
	s9 =	sshra.s32 s0, $0x1F;
	s25 =	spop (drf)  }
0x3b: {  	(drf) =	sdiv.u32 s19, s30;
	s20 =	ssub.s32 s20, s18;
	s5 =	sxor.u32 s9, s0  }
0x3c: {  	s7 =	spop (v2sf);
	(drf) =	sdiv.u32 s19, s20;
	s5 =	ssub.s32 s5, s9  }
0x3d: {  	s21 =	sxor.u32 $0x80000000, s7;
	(drf) =	sdiv.u32 s19, s5;
	s5 =	sshra.s32 s1, $0x1F  }
0x3e: {  	s26 =	spop (drf);
	s28 =	sshra.s32 s21, $0x1F;
	s20 =	sxor.u32 s5, s1  }
0x3f: {  	s29 =	spop (drf);
	s21 =	sxor.u32 s28, s21;
	s20 =	ssub.s32 s20, s5  }
0x40: {  	s30 =	spop (drf);
	s21 =	ssub.s32 s21, s28;
	(drf) =	sdiv.u32 s19, s20  }
0x41: {  	s31 =	spop (drf);
	(drf) =	sdiv.u32 s19, s21  }
0x42: {  	s0 =	spop (drf)  }
0x43: {  	s1 =	spop (drf)  }
0x44: {  	s7 =	spop (drf)  }
0x45: {  	s19 =	spop (drf)  }
0x46: {  	s20 =	spop (drf)  }
0x47: {  	s21 =	spop (drf)  }
0x48: {  	[smem:$0x7F0] =	sst s21;
	s21 =	spop (drf)  }
0x49: {  	[smem:$0x7F1] =	sst s21;
	s21 =	spop (drf)  }
0x4a: {  	[smem:$0x7F3] =	sst s21;
	s21 =	spop (drf)  }
0x4b: {  	s21 =	sxor.u32 s28, s21  }
0x4c: {  	s21 =	ssub.s32 s21, s28  }
0x4d: {  	s21 =	sshll.u32 s21, $0x10  }
0x4e: {  	s28 =	sshra.s32 s21, $0x10;
	s21 =	sshra.s32 s21, $0x1F  }
0x4f: {  	s28 =	sxor.u32 s21, s28  }
0x50: {  	s21 =	ssub.s32 s28, s21;
	s28 =	rddreg [dreg:$0x8]  }
0x51: {  	(drf) =	srem.u32 s28, s21;
	_ =	sdelay $0x6  }
0x52: {  	s23 =	sxor.u32 s3, s23  }
0x53: {  	s22 =	sxor.u32 s2, s22;
	s3 =	ssub.s32 s23, s3  }
0x54: {  	s21 =	ssub.s32 s22, s2;
	s2 =	simm.s32 $0x1;
	s23 =	spop (drf)  }
0x55: {  	s24 =	sxor.u32 s4, s24;
	_ =	swait.ge [sflag:s2], $0x108  }
0x56: {  	s4 =	ssub.s32 s24, s4;
	s24 =	sxor.u32 s6, s25;
	[sflag:s2] =	ssyncset.done $0x0  }
0x57: {  	s6 =	ssub.s32 s24, s6;
	[sflag:s2] =	ssyncadd.s32 $0xFFFFFEF8  }
0x58: {  	s25 =	sxor.u32 s8, s26;
	s26 =	sxor.u32 s11, s29;
	_ =	swait.ge [sflag:s2], $0x100  }
0x59: {  	vm9 =	vcmask $0x300;
	v57 =	vmov s3;
	s8 =	ssub.s32 s25, s8;
	s29 =	ssub.s32 s26, s11;
	[sflag:s2] =	ssyncset.done $0x0  }
0x5a: {  	vm10 =	vcmask $0x704;
	s30 =	sxor.u32 s10, s30;
	s31 =	sxor.u32 s13, s31;
	v0 =	vsel vm9, s21, v57;
	[sflag:s2] =	ssyncadd.s32 $0xFFFFFF00  }
0x5b: {  	vm11 =	vcmask $0xB08;
	s10 =	ssub.s32 s30, s10;
	s13 =	ssub.s32 s31, s13;
	v0 =	vsel vm10, s4, v0;
	_ =	swait.ge [sflag:s2], $0x80  }
0x5c: {  	vm12 =	vcmask $0xF0C;
	s0 =	sxor.u32 s16, s0;
	s1 =	sxor.u32 s14, s1;
	v0 =	vsel vm11, s6, v0;
	[sflag:s2] =	ssyncset.done $0x0  }
0x5d: {  	vm13 =	vcmask $0x1310;
	s0 =	ssub.s32 s0, s16;
	s1 =	ssub.s32 s1, s14;
	v0 =	vsel vm12, s8, v0;
	[sflag:s2] =	ssyncadd.s32 $0xFFFFFF80  }
0x5e: {  	s16 =	sxor.u32 s17, s7;
	v0 =	vsel vm13, s29, v0;
	s29 =	sld [smem:$0x7F0];
	_ =	swait.ge [sflag:s2], $0x1000  }
0x5f: {  	vm14 =	vcmask $0x1714;
	s17 =	ssub.s32 s16, s17;
	s24 =	sxor.u32 s12, s20;
	[sflag:s2] =	ssyncset.done $0x0  }
0x60: {  	vm7 =	vcmask $0x1B18;
	s25 =	ssub.s32 s24, s12;
	s21 =	sxor.u32 s15, s19;
	v0 =	vsel vm14, s10, v0;
	[sflag:s2] =	ssyncadd.s32 $0xFFFFF000  }
0x61: {  	vm8 =	vcmask $0x1F1C;
	v0 =	vsel vm7, s13, v0;
	s31 =	sand.u32 $0xFF8, s23;
	s8 =	sld [smem:$0x7F1];
	_ =	swait.ge [sflag:s2], $0x1000  }
0x62: {  	vm6 =	vcmask $0x2320;
	s22 =	ssub.s32 s21, s15;
	v0 =	vsel vm8, s0, v0;
	s26 =	smin.u32 s31, $0xEF8;
	s10 =	sld [smem:$0x7F2]  }
0x63: {  	vm5 =	vcmask $0x2724;
	v0 =	vsel vm6, s1, v0;
	s6 =	sxor.u32 s18, s29;
	s11 =	sld [smem:$0x7F3];
	[sflag:s2] =	ssyncset.done $0x0  }
0x64: {  	vm4 =	vcmask $0x2B28;
	v0 =	vsel vm5, s17, v0;
	s1 =	sxor.u32 s9, s8;
	[sflag:s2] =	ssyncadd.s32 $0xFFFFF000;
	s2 =	sld [smem:$0x7F4]  }
0x65: {  	vm3 =	vcmask $0x2F2C;
	v0 =	vsel vm4, s22, v0;
	s30 =	ssub.s32 s6, s18;
	s1 =	ssub.s32 s1, s9;
	p0 =	seq.s32 s10, s26  }
0x66: {  	vm2 =	vcmask $0x3330;
	v0 =	vsel vm3, s25, v0;
	s3 =	sxor.u32 s5, s11;
	s7 =	sshrl.u32 @!p0 s26, $0x3;
	s4 =	simm.s32 @!p0 $0x0  }
0x67: {  	vm1 =	vcmask $0x3734;
	v0 =	vsel vm2, s30, v0;
	s12 =	ssub.s32 s3, s5;
	s0 =	simm.s32 @!p0 $0x3;
	s2 =	sadd.s32 @!p0 s2, s7  }
0x68: {  	vm0 =	vcmask $0x3B38;
	v0 =	vsel vm1, s1, v0;
	[tilespmem:s4], [sflag:$0x3] =	stream.linear.gather @!p0 [hbm4b:s2+s4], $0x108, $0x38;
	[tilespmem:$0x3380] =	vst v63  }
0x69: {  	v2 =	vlaneseq.u32;
	v0 =	vsel vm0, s12, v0;
	_ =	swait.ge @!p0 [sflag:s0], $0x108  }
0x6a: {  	v58 =	vor.u32 s28, v2;
	(v2sf) =	vpush v0, $0x0  }
0x6b: {  	(v2sf) =	vpush v58, $0x0  }
0x6c: {  	(v2sf) =	vpush v0, $0xF  }
0x6d: {  	(v2sf) =	vpush v58, $0xF  }
0x6e: {  	(v2sf) =	vpush v0, $0x1;
	_ =	sdelay $0x1  }
0x6f: {  	(v2sf) =	vpush v58, $0x1  }
0x70: {  	(v2sf) =	vpush v0, $0x2  }
0x71: {  	(v2sf) =	vpush v58, $0x2  }
0x72: {  	(v2sf) =	vpush v0, $0x3  }
0x73: {  	(v2sf) =	vpush v58, $0x3  }
0x74: {  	(v2sf) =	vpush v0, $0x4  }
0x75: {  	(v2sf) =	vpush v58, $0x4;
	_ =	sdelay $0x1  }
0x76: {  	(v2sf) =	vpush v0, $0x5  }
0x77: {  	(v2sf) =	vpush v58, $0x5;
	s13 =	spop (v2sf)  }
0x78: {  	(v2sf) =	vpush v0, $0x6;
	s29 =	sshra.s32 s13, $0x1F;
	s14 =	spop (v2sf)  }
0x79: {  	s1 =	sxor.u32 s29, s13;
	s16 =	spop (v2sf)  }
0x7a: {  	(v2sf) =	vpush v58, $0x6;
	s15 =	ssub.s32 s1, s29;
	s25 =	sshra.s32 s16, $0x1F;
	s17 =	spop (v2sf)  }
0x7b: {  	(v2sf) =	vpush v0, $0x7;
	(drf) =	sdiv.u32 s14, s15;
	s18 =	sxor.u32 s25, s16;
	s19 =	spop (v2sf)  }
0x7c: {  	(v2sf) =	vpush v58, $0x7;
	[dreg:$0x7] =	wrdreg s15;
	s11 =	ssub.s32 s18, s25;
	s5 =	sshra.s32 s19, $0x1F  }
0x7d: {  	(v2sf) =	vpush v0, $0x8;
	s20 =	spop (v2sf);
	(drf) =	sdiv.u32 s17, s11;
	s21 =	sxor.u32 s5, s19  }
0x7e: {  	(v2sf) =	vpush v58, $0x8;
	[dreg:$0xb] =	wrdreg s11;
	s22 =	spop (v2sf);
	s23 =	ssub.s32 s21, s5  }
0x7f: {  	s7 =	smov.u32 s28;
	(v2sf) =	vpush v0, $0x9;
	s24 =	spop (v2sf);
	[dreg:$0xc] =	wrdreg s23  }
0x80: {  	(v2sf) =	vpush v58, $0x9;
	s6 =	sshra.s32 s22, $0x1F;
	(drf) =	sdiv.u32 s20, s23;
	s30 =	spop (v2sf)  }
0x81: {  	(v2sf) =	vpush v0, $0xA;
	s28 =	sxor.u32 s6, s22;
	s12 =	sshra.s32 s30, $0x1F;
	s0 =	spop (v2sf)  }
0x82: {  	(v2sf) =	vpush v58, $0xA;
	s31 =	ssub.s32 s28, s6;
	s3 =	sxor.u32 s12, s30;
	s4 =	spop (v2sf)  }
0x83: {  	(v2sf) =	vpush v0, $0xB;
	(drf) =	sdiv.u32 s24, s31;
	s8 =	ssub.s32 s3, s12;
	s9 =	spop (v2sf)  }
0x84: {  	s14 =	sshra.s32 s4, $0x1F;
	[dreg:$0xe] =	wrdreg s8;
	(drf) =	sdiv.u32 s0, s8  }
0x85: {  	(v2sf) =	vpush v58, $0xB;
	s10 =	sxor.u32 s14, s4;
	s13 =	spop (v2sf);
	s4 =	sor.u32 $0x10, s7  }
0x86: {  	(v2sf) =	vpush v0, $0xC;
	s28 =	ssub.s32 s10, s14;
	s23 =	sshra.s32 s13, $0x1F;
	s16 =	spop (v2sf)  }
0x87: {  	(v2sf) =	vpush v58, $0xC;
	(drf) =	sdiv.u32 s9, s28;
	s17 =	sxor.u32 s23, s13;
	s18 =	spop (v2sf)  }
0x88: {  	(v2sf) =	vpush v0, $0xD;
	[dreg:$0x1d] =	wrdreg s28;
	s30 =	ssub.s32 s17, s23;
	s20 =	sshra.s32 s18, $0x1F  }
0x89: {  	s19 =	spop (v2sf);
	(drf) =	sdiv.u32 s16, s30;
	s21 =	sxor.u32 s20, s18  }
0x8a: {  	[smem:$0x7F6] =	sst s30;
	s22 =	spop (v2sf);
	s24 =	ssub.s32 s21, s20  }
0x8b: {  	s7 =	spop (v2sf);
	s21 =	sshra.s32 s22, $0x1F;
	[dreg:$0xf] =	wrdreg s24  }
0x8c: {  	(drf) =	sdiv.u32 s19, s24;
	s9 =	spop (v2sf);
	s10 =	sxor.u32 s21, s22  }
0x8d: {  	s8 =	sshra.s32 s9, $0x1F;
	s13 =	spop (v2sf);
	s16 =	ssub.s32 s10, s21  }
0x8e: {  	[dreg:$0x11] =	wrdreg s16;
	s1 =	sxor.u32 s8, s9;
	s17 =	spop (v2sf)  }
0x8f: {  	(drf) =	sdiv.u32 s7, s16;
	s18 =	ssub.s32 s1, s8;
	s19 =	spop (v2sf)  }
0x90: {  	s24 =	sshra.s32 s17, $0x1F;
	[dreg:$0x12] =	wrdreg s18;
	s22 =	spop (v2sf)  }
0x91: {  	(v2sf) =	vpush v58, $0xD;
	(drf) =	sdiv.u32 s13, s18;
	s2 =	sxor.u32 s24, s17;
	s0 =	spop (v2sf)  }
0x92: {  	(v2sf) =	vpush v0, $0xE;
	s9 =	sshra.s32 s22, $0x1F;
	s18 =	ssub.s32 s2, s24;
	s10 =	spop (v2sf)  }
0x93: {  	s7 =	sxor.u32 s9, s22;
	(drf) =	sdiv.u32 s19, s18;
	[smem:$0x7F7] =	sst s18  }
0x94: {  	v3 =	vor.u32 s4, v2;
	(v2sf) =	vpush v58, $0xE;
	s19 =	ssub.s32 s7, s9;
	s13 =	spop (v2sf);
	s22 =	sshra.s32 s10, $0x1F  }
0x95: {  	(v2sf) =	vpush v3, $0x0;
	(drf) =	sdiv.u32 s0, s19;
	s16 =	spop (v2sf);
	s3 =	sxor.u32 s22, s10  }
0x96: {  	(v2sf) =	vpush v3, $0xF;
	[smem:$0x7F8] =	sst s19;
	s0 =	spop (v2sf);
	s17 =	ssub.s32 s3, s22  }
0x97: {  	s10 =	spop (v2sf);
	[smem:$0x7F5] =	sst s17  }
0x98: {  	[dreg:$0x19] =	wrdreg s20  }
0x99: {  	[dreg:$0x1b] =	wrdreg s8  }
0x9a: {  	[dreg:$0xd] =	wrdreg s31  }
0x9b: {  	[dreg:$0x1e] =	wrdreg s9  }
0x9c: {  	[dreg:$0x1f] =	wrdreg s22  }
0x9d: {  	[dreg:$0x10] =	wrdreg s25  }
0x9e: {  	s4 =	sshra.s32 s16, $0x1F;
	[dreg:$0x15] =	wrdreg s12  }
0x9f: {  	s2 =	sxor.u32 s4, s16;
	[dreg:$0x1a] =	wrdreg s21;
	(drf) =	sdiv.u32 s13, s17  }
0xa0: {  	s16 =	ssub.s32 s2, s4;
	s1 =	spop (v2sf);
	s13 =	sshra.s32 s10, $0x1F  }
0xa1: {  	(drf) =	sdiv.u32 s0, s16;
	s0 =	spop (v2sf);
	s3 =	sxor.u32 s13, s10  }
0xa2: {  	s7 =	spop (drf);
	s10 =	sshra.s32 s0, $0x1F;
	s3 =	ssub.s32 s3, s13  }
0xa3: {  	s2 =	sxor.u32 s10, s0;
	s0 =	spop (drf);
	(drf) =	sdiv.u32 s1, s3  }
0xa4: {  	[dreg:$0x9] =	wrdreg s3;
	s1 =	spop (v2sf);
	s2 =	ssub.s32 s2, s10  }
0xa5: {  	(drf) =	sdiv.u32 s1, s2;
	s1 =	spop (v2sf)  }
0xa6: {  	s0 =	sxor.u32 s25, s0;
	(drf) =	sdiv.u32 s1, s15;
	s15 =	spop (v2sf)  }
0xa7: {  	s0 =	ssub.s32 s0, s25;
	(drf) =	sdiv.u32 s15, s11;
	s15 =	sxor.u32 s29, s7  }
0xa8: {  	(v2sf) =	vpush v3, $0x1;
	s11 =	smov.u32 s29;
	s7 =	spop (drf);
	s1 =	ssub.s32 s15, s29  }
0xa9: {  	v4 =	vmov s0;
	s15 =	smov.u32 s5;
	s7 =	sxor.u32 s5, s7;
	s29 =	spop (drf)  }
0xaa: {  	(v2sf) =	vpush v3, $0x2;
	v4 =	vsel vm9, s1, v4;
	s5 =	ssub.s32 s7, s5;
	s7 =	sxor.u32 s6, s29;
	s29 =	spop (drf)  }
0xab: {  	(v2sf) =	vpush v3, $0x3;
	v4 =	vsel vm10, s5, v4;
	s5 =	ssub.s32 s7, s6;
	s7 =	sxor.u32 s12, s29;
	s29 =	spop (drf)  }
0xac: {  	(v2sf) =	vpush v3, $0x4;
	v4 =	vsel vm11, s5, v4;
	s5 =	ssub.s32 s7, s12;
	s7 =	sxor.u32 s14, s29;
	s29 =	spop (drf)  }
0xad: {  	(v2sf) =	vpush v3, $0x5;
	v4 =	vsel vm12, s5, v4;
	s5 =	ssub.s32 s7, s14;
	s7 =	sxor.u32 s23, s29;
	s29 =	spop (drf)  }
0xae: {  	(v2sf) =	vpush v3, $0x6;
	v4 =	vsel vm13, s5, v4;
	s1 =	ssub.s32 s7, s23;
	s29 =	sxor.u32 s20, s29;
	s5 =	spop (drf)  }
0xaf: {  	v4 =	vsel vm14, s1, v4;
	s20 =	ssub.s32 s29, s20;
	s29 =	sxor.u32 s21, s5;
	s5 =	spop (drf)  }
0xb0: {  	(v2sf) =	vpush v3, $0x7;
	v4 =	vsel vm7, s20, v4;
	s20 =	ssub.s32 s29, s21;
	s29 =	sxor.u32 s8, s5;
	s5 =	spop (drf)  }
0xb1: {  	(v2sf) =	vpush v3, $0x8;
	v4 =	vsel vm8, s20, v4;
	s20 =	ssub.s32 s29, s8;
	s29 =	sxor.u32 s24, s5;
	s5 =	spop (drf)  }
0xb2: {  	v4 =	vsel vm6, s20, v4;
	s8 =	ssub.s32 s29, s24;
	s20 =	sxor.u32 s9, s5;
	s29 =	spop (drf)  }
0xb3: {  	[smem:$0x7FC] =	sst s10;
	(v2sf) =	vpush v3, $0x9;
	v4 =	vsel vm5, s8, v4;
	s5 =	ssub.s32 s20, s9;
	s8 =	spop (drf)  }
0xb4: {  	(v2sf) =	vpush v3, $0xA;
	s7 =	sxor.u32 s22, s29;
	v4 =	vsel vm4, s5, v4;
	s29 =	sxor.u32 s4, s8;
	s5 =	spop (drf)  }
0xb5: {  	(v2sf) =	vpush v3, $0xB;
	s20 =	ssub.s32 s7, s22;
	s8 =	ssub.s32 s29, s4;
	s29 =	spop (drf)  }
0xb6: {  	[dreg:$0x13] =	wrdreg s15;
	(v2sf) =	vpush v3, $0xC;
	v4 =	vsel vm3, s20, v4;
	s20 =	sxor.u32 s13, s5;
	s0 =	spop (drf)  }
0xb7: {  	v4 =	vsel vm2, s8, v4;
	s5 =	ssub.s32 s20, s13;
	s8 =	sxor.u32 s10, s29;
	s29 =	spop (v2sf)  }
0xb8: {  	(v2sf) =	vpush v3, $0xD;
	s20 =	ssub.s32 s8, s10;
	s1 =	spop (drf);
	s8 =	rddreg [dreg:$0xc]  }
0xb9: {  	(v2sf) =	vpush v3, $0xE;
	v4 =	vsel vm1, s5, v4;
	s5 =	spop (v2sf);
	(drf) =	sdiv.u32 s29, s8  }
0xba: {  	v4 =	vsel vm0, s20, v4;
	s10 =	spop (v2sf);
	s20 =	rddreg [dreg:$0xe]  }
0xbb: {  	v5 =	vmul.u32 v0, v4;
	(drf) =	sdiv.u32 s5, s31;
	s29 =	spop (v2sf)  }
0xbc: {  	(drf) =	sdiv.u32 s10, s20;
	s5 =	spop (v2sf)  }
0xbd: {  	v59 =	vmov s26;
	v5 =	vsub.s32 v58, v5;
	(drf) =	sdiv.u32 s29, s28;
	s10 =	spop (v2sf)  }
0xbe: {  	v1 =	vsub.s32 $0x0, v59;
	s29 =	rddreg [dreg:$0xf];
	vm15 =	vlt.s32 v5, s26;
	(drf) =	sdiv.u32 s5, s30  }
0xbf: {  	s7 =	simm.s32 $0x0;
	v4 =	vadd.s32 $0x1, v4;
	s28 =	spop (v2sf);
	v6 =	vsel vm15, $0x108, v1;
	(drf) =	sdiv.u32 s10, s29  }
0xc0: {  	s0 =	sxor.u32 s11, s0;
	vm15 =	vlt.s32 v4, $0x40;
	s10 =	rddreg [dreg:$0x11];
	s30 =	spop (v2sf);
	v5 =	vadd.s32 v5, v6  }
0xc1: {  	s5 =	simm.s32 @!p0 $0x3;
	v4 =	vnsel vm15, $0x40, v4;
	(drf) =	sdiv.u32 s28, s10;
	s28 =	rddreg [dreg:$0x12]  }
0xc2: {  	[sflag:s5] =	ssyncset.done @!p0 $0x0;
	(drf) =	sdiv.u32 s30, s28;
	s30 =	spop (v2sf)  }
0xc3: {  	[sflag:s5] =	ssyncadd.s32 @!p0 $0xFFFFFEF8;
	(drf) =	sdiv.u32 s30, s18;
	s18 =	spop (v2sf)  }
0xc4: {  	s1 =	sxor.u32 s25, s1;
	s0 =	ssub.s32 s0, s11;
	v7 =	vld [tilespmem:$0x380];
	s30 =	spop (v2sf)  }
0xc5: {  	(drf) =	sdiv.u32 s18, s19;
	s19 =	simm.s32 $0x280;
	v5 =	vld.idx.msk [tilespmem:v5+s7+$0x0], $0xffff;
	s7 =	spop (v2sf)  }
0xc6: {  	s1 =	ssub.s32 s1, s25;
	(drf) =	sdiv.u32 s30, s17;
	v60 =	vld.idx.msk [tilespmem:v4+s19+$0x0], $0xffff;
	s19 =	spop (drf)  }
0xc7: {  	v8 =	vld [tilespmem:$0x1380];
	s30 =	smov.u32 s11;
	(drf) =	sdiv.u32 s7, s16;
	s17 =	spop (v2sf)  }
0xc8: {  	v9 =	vld [tilespmem:$0x400];
	s5 =	sxor.u32 s15, s19;
	s19 =	smov.u32 s6;
	s18 =	spop (v2sf)  }
0xc9: {  	v10 =	vld [tilespmem:$0x1400];
	(drf) =	sdiv.u32 s17, s3;
	s3 =	spop (drf);
	s15 =	ssub.s32 s5, s15  }
0xca: {  	v61 =	vmov s1;
	v11 =	vld [tilespmem:$0x480];
	(drf) =	sdiv.u32 s18, s2;
	s11 =	spop (drf);
	s17 =	sxor.u32 s6, s3  }
0xcb: {  	v12 =	vld [tilespmem:$0x1480];
	v4 =	vsel vm9, s0, v61;
	s18 =	spop (drf);
	s3 =	ssub.s32 s17, s6;
	s11 =	sxor.u32 s12, s11  }
0xcc: {  	v13 =	vld [tilespmem:$0x500];
	v4 =	vsel vm10, s15, v4;
	s15 =	sxor.u32 s14, s18;
	s17 =	ssub.s32 s11, s12;
	s11 =	rddreg [dreg:$0x8]  }
0xcd: {  	v14 =	vld [tilespmem:$0x1500];
	s6 =	smov.u32 s14;
	v4 =	vsel vm11, s3, v4;
	s18 =	ssub.s32 s15, s14;
	s14 =	sor.u32 $0x20, s11  }
0xce: {  	[dreg:$0x16] =	wrdreg s16;
	v15 =	vld [tilespmem:$0x580];
	v16 =	vsel vm12, s17, v4;
	v4 =	vor.u32 s14, v2  }
0xcf: {  	[smem:$0x7FB] =	sst s13;
	v17 =	vld [tilespmem:$0x1580];
	(v2sf) =	vpush v4, $0x0  }
0xd0: {  	[dreg:$0xa] =	wrdreg s2;
	v18 =	vld [tilespmem:$0x600];
	(v2sf) =	vpush v4, $0xF  }
0xd1: {  	v19 =	vld [tilespmem:$0x1600];
	[dreg:$0x17] =	wrdreg s30;
	s3 =	spop (drf);
	(v2sf) =	vpush v4, $0x1  }
0xd2: {  	v20 =	vld [tilespmem:$0x680];
	s15 =	spop (drf);
	s11 =	rddreg [dreg:$0x19];
	(v2sf) =	vpush v4, $0x2  }
0xd3: {  	v21 =	vld [tilespmem:$0x1680];
	s7 =	sxor.u32 s23, s3;
	v16 =	vsel vm13, s18, v16;
	s17 =	sxor.u32 s11, s15;
	s18 =	spop (drf)  }
0xd4: {  	v22 =	vld [tilespmem:$0x700];
	s0 =	ssub.s32 s7, s23;
	s3 =	ssub.s32 s17, s11;
	s5 =	sxor.u32 s21, s18;
	(v2sf) =	vpush v4, $0x3  }
0xd5: {  	v23 =	vld [tilespmem:$0x1700];
	v16 =	vsel vm14, s0, v16;
	s7 =	spop (drf);
	s17 =	rddreg [dreg:$0x1b];
	s14 =	ssub.s32 s5, s21;
	(v2sf) =	vpush v4, $0x4  }
0xd6: {  	v24 =	vld [tilespmem:$0xB80];
	v16 =	vsel vm7, s3, v16;
	s15 =	sxor.u32 s17, s7;
	s18 =	spop (drf);
	s7 =	smov.u32 s24;
	(v2sf) =	vpush v4, $0x5  }
0xd7: {  	v62 =	vld [tilespmem:$0x1B80];
	v16 =	vsel vm8, s14, v16;
	s3 =	ssub.s32 s15, s17;
	s14 =	sxor.u32 s24, s18;
	s15 =	spop (drf);
	(v2sf) =	vpush v4, $0x6  }
0xd8: {  	v25 =	vld [tilespmem:$0xC00];
	v16 =	vsel vm6, s3, v16;
	s18 =	ssub.s32 s14, s24;
	s24 =	sxor.u32 s9, s15;
	s3 =	spop (drf);
	(v2sf) =	vpush v4, $0x7  }
0xd9: {  	v26 =	vld [tilespmem:$0x1C00];
	[dreg:$0x18] =	wrdreg s6;
	v16 =	vsel vm5, s18, v16;
	s9 =	ssub.s32 s24, s9;
	s14 =	sxor.u32 s22, s3;
	(v2sf) =	vpush v4, $0x8  }
0xda: {  	v27 =	vld [tilespmem:$0xC80];
	[dreg:$0x1c] =	wrdreg s7;
	s15 =	spop (drf);
	v16 =	vsel vm4, s9, v16;
	s18 =	ssub.s32 s14, s22  }
0xdb: {  	v28 =	vld [tilespmem:$0x1C80];
	s22 =	sxor.u32 s4, s15;
	v16 =	vsel vm3, s18, v16;
	s18 =	sld [smem:$0x7FC];
	(v2sf) =	vpush v4, $0x9  }
0xdc: {  	v31 =	vld [tilespmem:$0xD00];
	s24 =	smov.u32 s4;
	s3 =	spop (drf);
	s4 =	ssub.s32 s22, s4  }
0xdd: {  	v33 =	vld [tilespmem:$0x1D00];
	v5 =	vadd.f32 v60, v5;
	s5 =	sxor.u32 s13, s3;
	s9 =	spop (drf);
	s3 =	rddreg [dreg:$0xb];
	(v2sf) =	vpush v4, $0xA  }
0xde: {  	v35 =	vld [tilespmem:$0x1D80];
	s14 =	sxor.u32 s18, s9;
	s9 =	rddreg [dreg:$0x7];
	s22 =	spop (v2sf)  }
0xdf: {  	v37 =	vld [tilespmem:$0x1E00];
	v8 =	vmul.f32 v8, v5;
	(v2sf) =	vpush v4, $0xB;
	(drf) =	sdiv.u32 s22, s9;
	s1 =	spop (v2sf)  }
0xe0: {  	v40 =	vld [tilespmem:$0xD80];
	v10 =	vmul.f32 v10, v5;
	v16 =	vsel vm2, s4, v16;
	(v2sf) =	vpush v4, $0xC;
	(drf) =	sdiv.u32 s1, s3;
	s4 =	spop (v2sf)  }
0xe1: {  	v41 =	vld [tilespmem:$0xE00];
	v12 =	vmul.f32 v12, v5;
	v7 =	vadd.f32 v8, v7;
	(v2sf) =	vpush v4, $0xD;
	(drf) =	sdiv.u32 s4, s8;
	s8 =	spop (v2sf)  }
0xe2: {  	v43 =	vld [tilespmem:$0x1E80];
	v14 =	vmul.f32 v14, v5;
	v63 =	vadd.f32 v10, v9;
	s13 =	ssub.s32 s5, s13;
	(v2sf) =	vpush v4, $0xE;
	s22 =	rddreg [dreg:$0x1d];
	(drf) =	sdiv.u32 s8, s31  }
0xe3: {  	v46 =	vld [tilespmem:$0x1F00];
	v17 =	vmul.f32 v17, v5;
	v11 =	vadd.f32 v12, v11;
	[tilespmem:$0x2380] =	vst v7;
	v16 =	vsel vm1, s13, v16;
	s13 =	spop (v2sf);
	s8 =	sld [smem:$0x7F6]  }
0xe4: {  	v52 =	vld [tilespmem:$0xE80];
	v30 =	vmul.f32 v19, v5;
	v29 =	vadd.f32 v14, v13;
	[tilespmem:$0x2400] =	vst v63;
	s15 =	ssub.s32 s14, s18;
	(drf) =	sdiv.u32 s13, s20;
	s14 =	spop (v2sf)  }
0xe5: {  	v54 =	vld [tilespmem:$0xF00];
	v32 =	vmul.f32 v21, v5;
	v9 =	vadd.f32 v17, v15;
	[tilespmem:$0x2480] =	vst v11;
	v16 =	vsel vm0, s15, v16;
	(drf) =	sdiv.u32 s14, s22;
	s15 =	spop (v2sf)  }
0xe6: {  	v58 =	vld [tilespmem:$0x390];
	v34 =	vmul.f32 v23, v5;
	v13 =	vadd.f32 v30, v18;
	[tilespmem:$0x2500] =	vst v29;
	(drf) =	sdiv.u32 s15, s8;
	s4 =	spop (v2sf)  }
0xe7: {  	v59 =	vld [tilespmem:$0x1390];
	v6 =	vmul.f32 v62, v5;
	v36 =	vadd.f32 v32, v20;
	[tilespmem:$0x2580] =	vst v9;
	(drf) =	sdiv.u32 s4, s29;
	s13 =	spop (v2sf)  }
0xe8: {  	v61 =	vld [tilespmem:$0x1410];
	v39 =	vmul.f32 v26, v5;
	v45 =	vmul.f32 v35, v5;
	v38 =	vadd.f32 v34, v22;
	[tilespmem:$0x2600] =	vst v13;
	(drf) =	sdiv.u32 s13, s10;
	s14 =	spop (v2sf)  }
0xe9: {  	v60 =	vld [tilespmem:$0x410];
	v48 =	vmul.f32 v37, v5;
	v6 =	vadd.f32 v6, v24;
	[tilespmem:$0x2680] =	vst v36;
	v50 =	vmul.u32 v0, v16;
	s10 =	sld [smem:$0x7F7];
	s0 =	spop (drf)  }
0xea: {  	v53 =	vmul.f32 v43, v5;
	v62 =	vld [tilespmem:$0x490];
	v10 =	vmul.f32 v28, v5;
	v42 =	vadd.f32 v39, v25;
	[tilespmem:$0x2700] =	vst v38;
	s4 =	sld [smem:$0x7F8];
	s15 =	spop (v2sf)  }
0xeb: {  	v35 =	vld [tilespmem:$0x690];
	v17 =	vmul.f32 v33, v5;
	v49 =	vadd.f32 v45, v40;
	[tilespmem:$0x2B80] =	vst v6;
	v3 =	vsub.s32 v3, v50;
	(drf) =	sdiv.u32 s14, s28;
	s1 =	spop (drf)  }
0xec: {  	v37 =	vld [tilespmem:$0x710];
	v51 =	vadd.f32 v48, v41;
	v5 =	vmul.f32 v46, v5;
	[tilespmem:$0x2C00] =	vst v42;
	vm15 =	vlt.s32 v3, s26;
	s28 =	spop (v2sf);
	(drf) =	sdiv.u32 s15, s10  }
0xed: {  	v43 =	vld [tilespmem:$0xC90];
	v44 =	vadd.f32 v10, v27;
	[tilespmem:$0x2D80] =	vst v49;
	v55 =	vadd.s32 $0x1, v16;
	v56 =	vsel vm15, $0x108, v1;
	s1 =	sxor.u32 s25, s1;
	(drf) =	sdiv.u32 s28, s4;
	s28 =	sld [smem:$0x7F5]  }
0xee: {  	v28 =	vld [tilespmem:$0x510];
	v47 =	vadd.f32 v17, v31;
	[tilespmem:$0x2E00] =	vst v51;
	vm15 =	vlt.s32 v55, $0x40;
	v3 =	vadd.s32 v3, v56;
	s29 =	spop (v2sf);
	s1 =	ssub.s32 s1, s25;
	s25 =	rddreg [dreg:$0x13]  }
0xef: {  	v30 =	vld [tilespmem:$0x590];
	v6 =	vadd.f32 v53, v52;
	[tilespmem:$0x2C80] =	vst v44;
	v57 =	vnsel vm15, $0x40, v55;
	s31 =	simm.s32 $0x0;
	s13 =	spop (v2sf);
	v33 =	vmov s1;
	s1 =	rddreg [dreg:$0x1f]  }
0xf0: {  	v32 =	vld [tilespmem:$0x610];
	v5 =	vadd.f32 v5, v54;
	[tilespmem:$0x2D00] =	vst v47;
	s20 =	simm.s32 $0x280;
	s14 =	spop (v2sf);
	(drf) =	sdiv.u32 s29, s28  }
0xf1: {  	v34 =	vld [tilespmem:$0x1610];
	[tilespmem:$0x2E80] =	vst v6;
	s0 =	sxor.u32 s30, s0;
	s15 =	spop (v2sf);
	(drf) =	sdiv.u32 s13, s16  }
0xf2: {  	v39 =	vld [tilespmem:$0xB90];
	[tilespmem:$0x2F00] =	vst v5;
	s0 =	ssub.s32 s0, s30;
	s13 =	rddreg [dreg:$0x9];
	s16 =	spop (drf)  }
0xf3: {  	v3 =	vld.idx.msk [tilespmem:v3+s31+$0x0], $0xffff;
	(drf) =	sdiv.u32 s14, s13;
	s29 =	sxor.u32 s25, s16;
	s30 =	spop (drf)  }
0xf4: {  	v5 =	vld.idx.msk [tilespmem:v57+s20+$0x0], $0xffff;
	(drf) =	sdiv.u32 s15, s2;
	s14 =	ssub.s32 s29, s25;
	s16 =	spop (drf)  }
0xf5: {  	v40 =	vld [tilespmem:$0x1B90];
	v17 =	vsel vm9, s0, v33;
	s15 =	sxor.u32 s19, s30;
	s29 =	sxor.u32 s12, s16;
	s30 =	spop (drf)  }
0xf6: {  	v41 =	vld [tilespmem:$0xC10];
	v17 =	vsel vm10, s14, v17;
	s25 =	ssub.s32 s15, s19;
	s2 =	ssub.s32 s29, s12;
	s12 =	spop (drf)  }
0xf7: {  	v45 =	vld [tilespmem:$0x1C90];
	s14 =	smov.u32 s19;
	v17 =	vsel vm11, s25, v17;
	s5 =	sxor.u32 s6, s30;
	s16 =	sxor.u32 s23, s12  }
0xf8: {  	v63 =	vld [tilespmem:$0x1490];
	v17 =	vsel vm12, s2, v17;
	s15 =	ssub.s32 s5, s6;
	s19 =	spop (drf);
	s25 =	ssub.s32 s16, s23  }
0xf9: {  	v29 =	vld [tilespmem:$0x1510];
	v3 =	vadd.f32 v5, v3;
	v17 =	vsel vm13, s15, v17;
	s16 =	smov.u32 s23;
	s29 =	sxor.u32 s11, s19;
	s30 =	spop (drf)  }
0xfa: {  	v31 =	vld [tilespmem:$0x1590];
	v17 =	vsel vm14, s25, v17;
	s2 =	ssub.s32 s29, s11;
	s5 =	sxor.u32 s21, s30;
	s6 =	spop (drf)  }
0xfb: {  	v36 =	vld [tilespmem:$0x1690];
	v7 =	vmul.f32 v59, v3;
	v17 =	vsel vm7, s2, v17;
	s11 =	ssub.s32 s5, s21;
	s12 =	sxor.u32 s17, s6;
	s15 =	spop (drf)  }
0xfc: {  	v38 =	vld [tilespmem:$0x1710];
	v9 =	vmul.f32 v61, v3;
	v17 =	vsel vm8, s11, v17;
	s17 =	ssub.s32 s12, s17;
	s19 =	sxor.u32 s7, s15;
	s21 =	spop (drf)  }
0xfd: {  	v22 =	vld [tilespmem:$0x1E90];
	v44 =	vmul.f32 v63, v3;
	v6 =	vadd.f32 v7, v58;
	v17 =	vsel vm6, s17, v17;
	s23 =	ssub.s32 s19, s7;
	s17 =	rddreg [dreg:$0x1e];
	s29 =	spop (drf)  }
0xfe: {  	v42 =	vld [tilespmem:$0x1C10];
	v46 =	vmul.f32 v29, v3;
	v8 =	vadd.f32 v9, v60;
	s19 =	smov.u32 s24;
	s25 =	sxor.u32 s17, s21;
	v17 =	vsel vm5, s23, v17;
	s23 =	sld [smem:$0x7FB]  }
0xff: {  	v25 =	vld [tilespmem:$0x1F10];
	v49 =	vmul.f32 v31, v3;
	v53 =	vmul.f32 v34, v3;
	v48 =	vadd.f32 v44, v62;
	[tilespmem:$0x2390] =	vst v6;
	s6 =	sxor.u32 s1, s29;
	s7 =	spop (drf);
	s30 =	ssub.s32 s25, s17  }
0x100: {  	v50 =	vld [tilespmem:$0x1D10];
	v56 =	vmul.f32 v36, v3;
	v52 =	vadd.f32 v46, v28;
	[tilespmem:$0x2410] =	vst v8;
	s11 =	ssub.s32 s6, s1;
	s12 =	sxor.u32 s24, s7;
	s15 =	spop (drf);
	v17 =	vsel vm4, s30, v17  }
0x101: {  	v54 =	vld [tilespmem:$0x1D90];
	v59 =	vmul.f32 v38, v3;
	v55 =	vadd.f32 v49, v30;
	[tilespmem:$0x2490] =	vst v48;
	s21 =	ssub.s32 s12, s24;
	s29 =	spop (drf);
	v17 =	vsel vm3, s11, v17;
	s24 =	sxor.u32 s23, s15  }
0x102: {  	v57 =	vld [tilespmem:$0x1E10];
	v5 =	vmul.f32 v40, v3;
	v58 =	vadd.f32 v53, v32;
	[tilespmem:$0x2510] =	vst v52;
	s30 =	sxor.u32 s18, s29;
	v51 =	vsel vm2, s21, v17;
	s25 =	ssub.s32 s24, s23  }
0x103: {  	v47 =	vld [tilespmem:$0xD10];
	v21 =	vmul.f32 v42, v3;
	v61 =	vadd.f32 v56, v35;
	[tilespmem:$0x2590] =	vst v55;
	s0 =	ssub.s32 s30, s18;
	v15 =	vsel vm1, s25, v51  }
0x104: {  	v23 =	vmul.f32 v45, v3;
	v31 =	vld [tilespmem:$0xE90];
	v63 =	vadd.f32 v59, v37;
	[tilespmem:$0x2610] =	vst v58;
	v15 =	vsel vm0, s0, v15  }
0x105: {  	v10 =	vmul.f32 v50, v3;
	v34 =	vld [tilespmem:$0xF10];
	v5 =	vadd.f32 v5, v39;
	[tilespmem:$0x2690] =	vst v61;
	v27 =	vmul.u32 v0, v15  }
0x106: {  	v29 =	vmul.f32 v54, v3;
	v36 =	vmul.f32 v22, v3;
	v60 =	vld [tilespmem:$0xD90];
	v28 =	vadd.f32 v21, v41;
	[tilespmem:$0x2710] =	vst v63  }
0x107: {  	v62 =	vld [tilespmem:$0xE10];
	v30 =	vmul.f32 v57, v3;
	v32 =	vadd.f32 v23, v43;
	[tilespmem:$0x2B90] =	vst v5;
	v4 =	vsub.s32 v4, v27  }
0x108: {  	v33 =	vadd.f32 v10, v47;
	v3 =	vmul.f32 v25, v3;
	[tilespmem:$0x2C10] =	vst v28;
	vm15 =	vlt.s32 v4, s26  }
0x109: {  	[tilespmem:$0x2C90] =	vst v32;
	v5 =	vadd.f32 v36, v31;
	v37 =	vadd.s32 $0x1, v15;
	v38 =	vsel vm15, $0x108, v1  }
0x10a: {  	[tilespmem:$0x2D10] =	vst v33;
	v3 =	vadd.f32 v3, v34;
	vm15 =	vlt.s32 v37, $0x40;
	v4 =	vadd.s32 v4, v38  }
0x10b: {  	v35 =	vadd.f32 v29, v60;
	[tilespmem:$0x2E90] =	vst v5;
	v39 =	vnsel vm15, $0x40, v37  }
0x10c: {  	v7 =	vadd.f32 v30, v62;
	[tilespmem:$0x2F10] =	vst v3  }
0x10d: {  	[tilespmem:$0x2D90] =	vst v35  }
0x10e: {  	[tilespmem:$0x2E10] =	vst v7  }
0x10f: {  	v3 =	vld.idx.msk [tilespmem:v4+s31+$0x0], $0xffff  }
0x110: {  	v40 =	vld.idx.msk [tilespmem:v39+s20+$0x0], $0xffff;
	_ =	sdelay $0x1  }
0x111: {  	v46 =	vld [tilespmem:$0x14A0];
	_ =	sdelay $0x1  }
0x112: {  	v45 =	vld [tilespmem:$0x4A0]  }
0x113: {  	v3 =	vadd.f32 v40, v3;
	_ =	sdelay $0x1  }
0x114: {  	s31 =	rddreg [dreg:$0x8];
	v59 =	vmul.f32 v46, v3  }
0x115: {  	s2 =	sor.u32 $0x30, s31  }
0x116: {  	v63 =	vadd.f32 v59, v45;
	v45 =	vor.u32 s2, v2  }
0x117: {  	(v2sf) =	vpush v45, $0x0  }
0x118: {  	(v2sf) =	vpush v45, $0xF  }
0x119: {  	(v2sf) =	vpush v45, $0x1  }
0x11a: {  	(v2sf) =	vpush v45, $0x2  }
0x11b: {  	(v2sf) =	vpush v45, $0x3  }
0x11c: {  	(v2sf) =	vpush v45, $0x4  }
0x11d: {  	(v2sf) =	vpush v45, $0x5  }
0x11e: {  	(v2sf) =	vpush v45, $0x6  }
0x11f: {  	(v2sf) =	vpush v45, $0x7  }
0x120: {  	v56 =	vld [tilespmem:$0x1720];
	(v2sf) =	vpush v45, $0x8;
	_ =	sdelay $0x1  }
0x121: {  	v55 =	vld [tilespmem:$0x720];
	(v2sf) =	vpush v45, $0x9;
	_ =	sdelay $0x1  }
0x122: {  	(v2sf) =	vpush v45, $0xA  }
0x123: {  	v30 =	vmul.f32 v56, v3;
	(v2sf) =	vpush v45, $0xB  }
0x124: {  	(v2sf) =	vpush v45, $0xC;
	s5 =	spop (v2sf)  }
0x125: {  	v4 =	vadd.f32 v30, v55;
	(v2sf) =	vpush v45, $0xD;
	(drf) =	sdiv.u32 s5, s9;
	s6 =	spop (v2sf)  }
0x126: {  	s7 =	sor.u32 $0x40, s31;
	(v2sf) =	vpush v45, $0xE;
	s11 =	spop (v2sf)  }
0x127: {  	[tilespmem:$0x2720] =	vst v4;
	v4 =	vor.u32 s7, v2;
	(drf) =	sdiv.u32 s6, s3;
	s12 =	spop (v2sf)  }
0x128: {  	[smem:$0x7FD] =	sst s26;
	(v2sf) =	vpush v4, $0x0;
	s15 =	spop (v2sf)  }
0x129: {  	s26 =	rddreg [dreg:$0xd];
	(v2sf) =	vpush v4, $0xF;
	s20 =	spop (v2sf)  }
0x12a: {  	s31 =	rddreg [dreg:$0x12];
	s21 =	spop (v2sf)  }
0x12b: {  	s7 =	rddreg [dreg:$0xc];
	s24 =	spop (v2sf)  }
0x12c: {  	s2 =	smov.u32 s3;
	s3 =	rddreg [dreg:$0xe];
	s25 =	spop (v2sf)  }
0x12d: {  	s6 =	rddreg [dreg:$0xf];
	s29 =	spop (v2sf)  }
0x12e: {  	(drf) =	sdiv.u32 s11, s7;
	s0 =	spop (drf)  }
0x12f: {  	(drf) =	sdiv.u32 s12, s26;
	s30 =	spop (v2sf)  }
0x130: {  	s5 =	spop (drf);
	(drf) =	sdiv.u32 s15, s3  }
0x131: {  	s11 =	spop (v2sf);
	(drf) =	sdiv.u32 s20, s22  }
0x132: {  	s12 =	spop (v2sf);
	(drf) =	sdiv.u32 s21, s8  }
0x133: {  	s8 =	rddreg [dreg:$0x11];
	s15 =	spop (v2sf)  }
0x134: {  	(drf) =	sdiv.u32 s24, s6;
	s20 =	spop (v2sf)  }
0x135: {  	(drf) =	sdiv.u32 s25, s8;
	s21 =	spop (v2sf)  }
0x136: {  	(drf) =	sdiv.u32 s29, s31;
	s29 =	rddreg [dreg:$0x16]  }
0x137: {  	v44 =	vld [tilespmem:$0x1420];
	s24 =	spop (v2sf);
	(drf) =	sdiv.u32 s30, s10  }
0x138: {  	v48 =	vld [tilespmem:$0x1520];
	s30 =	spop (v2sf);
	(drf) =	sdiv.u32 s11, s4  }
0x139: {  	v43 =	vld [tilespmem:$0x420];
	s25 =	smov.u32 s10;
	s10 =	rddreg [dreg:$0x10];
	(drf) =	sdiv.u32 s12, s28  }
0x13a: {  	v47 =	vld [tilespmem:$0x520];
	s11 =	rddreg [dreg:$0x13];
	(drf) =	sdiv.u32 s15, s29  }
0x13b: {  	s5 =	sxor.u32 s10, s5;
	s15 =	rddreg [dreg:$0xa];
	(drf) =	sdiv.u32 s20, s13  }
0x13c: {  	v8 =	vmul.f32 v44, v3;
	s12 =	smov.u32 s13;
	(drf) =	sdiv.u32 s21, s15;
	s21 =	rddreg [dreg:$0x17]  }
0x13d: {  	v61 =	vmul.f32 v48, v3;
	s1 =	ssub.s32 s5, s10;
	(drf) =	sdiv.u32 s24, s9;
	s9 =	spop (drf)  }
0x13e: {  	v42 =	vld [tilespmem:$0x13A0];
	v7 =	vadd.f32 v8, v43;
	s0 =	sxor.u32 s21, s0;
	(drf) =	sdiv.u32 s30, s2;
	s13 =	sxor.u32 s11, s9  }
0x13f: {  	v50 =	vld [tilespmem:$0x15A0];
	v23 =	vadd.f32 v61, v47;
	v47 =	vmov s1;
	s0 =	ssub.s32 s0, s21;
	s20 =	spop (drf);
	s24 =	ssub.s32 s13, s11  }
0x140: {  	v54 =	vld [tilespmem:$0x16A0];
	[tilespmem:$0x2420] =	vst v7;
	(v2sf) =	vpush v4, $0x1;
	v7 =	vsel vm9, s0, v47;
	s30 =	sxor.u32 s14, s20;
	s2 =	spop (drf);
	s13 =	rddreg [dreg:$0x15]  }
0x141: {  	v22 =	vld [tilespmem:$0xCA0];
	v7 =	vsel vm10, s24, v7;
	s9 =	ssub.s32 s30, s14;
	s24 =	spop (drf);
	s30 =	rddreg [dreg:$0x18]  }
0x142: {  	v41 =	vld [tilespmem:$0x3A0];
	(v2sf) =	vpush v4, $0x2;
	s20 =	sxor.u32 s13, s2;
	v7 =	vsel vm11, s9, v7;
	s9 =	sxor.u32 s30, s24  }
0x143: {  	v49 =	vld [tilespmem:$0x5A0];
	s2 =	ssub.s32 s20, s13;
	s13 =	spop (drf);
	s20 =	ssub.s32 s9, s30  }
0x144: {  	v53 =	vld [tilespmem:$0x6A0];
	(v2sf) =	vpush v4, $0x3;
	v7 =	vsel vm12, s2, v7;
	s24 =	sxor.u32 s16, s13;
	s2 =	spop (drf);
	s13 =	rddreg [dreg:$0x19]  }
0x145: {  	v57 =	vld [tilespmem:$0xBA0];
	(v2sf) =	vpush v4, $0x4;
	v7 =	vsel vm13, s20, v7;
	s9 =	ssub.s32 s24, s16;
	s20 =	sxor.u32 s13, s2  }
0x146: {  	v25 =	vld [tilespmem:$0x1CA0];
	(v2sf) =	vpush v4, $0x5;
	s24 =	spop (drf);
	v7 =	vsel vm14, s9, v7;
	s9 =	ssub.s32 s20, s13;
	s13 =	rddreg [dreg:$0x1a]  }
0x147: {  	v52 =	vld [tilespmem:$0x1620];
	[smem:$0x7FA] =	sst s19;
	(v2sf) =	vpush v4, $0x6;
	s20 =	sxor.u32 s13, s24  }
0x148: {  	v58 =	vld [tilespmem:$0x1BA0];
	(v2sf) =	vpush v4, $0x7;
	s24 =	spop (drf);
	v7 =	vsel vm7, s9, v7;
	s9 =	rddreg [dreg:$0x1b];
	s2 =	ssub.s32 s20, s13  }
0x149: {  	v28 =	vld [tilespmem:$0x1D20];
	(v2sf) =	vpush v4, $0x8;
	s13 =	sxor.u32 s9, s24;
	s20 =	spop (drf);
	s24 =	rddreg [dreg:$0x1c]  }
0x14a: {  	v31 =	vld [tilespmem:$0x1DA0];
	(v2sf) =	vpush v4, $0x9;
	v7 =	vsel vm8, s2, v7;
	s2 =	ssub.s32 s13, s9;
	s5 =	sxor.u32 s24, s20;
	s9 =	spop (drf)  }
0x14b: {  	v62 =	vld [tilespmem:$0x1C20];
	v6 =	vmul.f32 v42, v3;
	(v2sf) =	vpush v4, $0xA;
	v7 =	vsel vm6, s2, v7;
	s13 =	ssub.s32 s5, s24;
	s20 =	sxor.u32 s17, s9;
	s2 =	spop (drf)  }
0x14c: {  	v51 =	vld [tilespmem:$0x620];
	(v2sf) =	vpush v4, $0xB;
	v7 =	vsel vm5, s13, v7;
	s9 =	ssub.s32 s20, s17;
	s20 =	rddreg [dreg:$0x1f];
	s17 =	spop (drf)  }
0x14d: {  	v34 =	vld [tilespmem:$0xD20];
	v5 =	vadd.f32 v6, v41;
	(v2sf) =	vpush v4, $0xC;
	s13 =	sxor.u32 s20, s2;
	v7 =	vsel vm4, s9, v7;
	s5 =	sxor.u32 s19, s17;
	s9 =	spop (drf)  }
0x14e: {  	v60 =	vld [tilespmem:$0xC20];
	v14 =	vmul.f32 v50, v3;
	v24 =	vmul.f32 v52, v3;
	(v2sf) =	vpush v4, $0xD;
	s2 =	ssub.s32 s13, s20;
	s13 =	ssub.s32 s5, s19;
	s19 =	spop (drf)  }
0x14f: {  	v27 =	vmul.f32 v54, v3;
	v33 =	vmul.f32 v58, v3;
	v48 =	vld [tilespmem:$0x1E20];
	[tilespmem:$0x23A0] =	vst v5;
	s17 =	sxor.u32 s23, s9;
	s9 =	spop (v2sf);
	v7 =	vsel vm3, s2, v7  }
0x150: {  	v36 =	vld [tilespmem:$0xDA0];
	v26 =	vadd.f32 v14, v49;
	[tilespmem:$0x24A0] =	vst v63;
	(v2sf) =	vpush v4, $0xE;
	s1 =	ssub.s32 s17, s23;
	s2 =	sxor.u32 s18, s19;
	s0 =	spop (drf);
	v7 =	vsel vm2, s13, v7  }
0x151: {  	v35 =	vmul.f32 v62, v3;
	v46 =	vld [tilespmem:$0xE20];
	v29 =	vadd.f32 v24, v51;
	[tilespmem:$0x2520] =	vst v23;
	s5 =	ssub.s32 s2, s18;
	s13 =	spop (v2sf);
	v7 =	vsel vm1, s1, v7  }
0x152: {  	v38 =	vmul.f32 v25, v3;
	v32 =	vadd.f32 v27, v53;
	v49 =	vld [tilespmem:$0x1EA0];
	[tilespmem:$0x25A0] =	vst v26;
	(drf) =	sdiv.u32 s9, s7;
	s1 =	spop (drf);
	v7 =	vsel vm0, s5, v7  }
0x153: {  	v40 =	vmul.f32 v28, v3;
	v50 =	vld [tilespmem:$0x1F20];
	v37 =	vadd.f32 v33, v57;
	[tilespmem:$0x2620] =	vst v29;
	s18 =	sld [smem:$0x7FD];
	s17 =	spop (v2sf);
	v51 =	vmul.u32 v0, v7  }
0x154: {  	v42 =	vmul.f32 v31, v3;
	v52 =	vld [tilespmem:$0xEA0];
	v39 =	vadd.f32 v35, v60;
	[tilespmem:$0x26A0] =	vst v32;
	v8 =	vmul.f32 v48, v3;
	s2 =	sld [smem:$0x7F6];
	s19 =	spop (v2sf)  }
0x155: {  	v41 =	vadd.f32 v38, v22;
	v43 =	vadd.f32 v40, v34;
	v53 =	vld [tilespmem:$0xF20];
	[tilespmem:$0x2BA0] =	vst v37;
	(drf) =	sdiv.u32 s13, s26;
	s26 =	spop (v2sf);
	v6 =	vsub.s32 v45, v51  }
0x156: {  	v44 =	vadd.f32 v42, v36;
	[tilespmem:$0x2C20] =	vst v39;
	v5 =	vadd.f32 v8, v46;
	(drf) =	sdiv.u32 s17, s3;
	s7 =	spop (v2sf);
	vm15 =	vlt.s32 v6, s18  }
0x157: {  	[tilespmem:$0x2CA0] =	vst v41;
	v54 =	vmul.f32 v49, v3;
	s0 =	sxor.u32 s21, s0;
	v7 =	vadd.s32 $0x1, v7;
	(drf) =	sdiv.u32 s19, s22;
	s9 =	spop (v2sf);
	v55 =	vsel vm15, $0x108, v1  }
0x158: {  	[tilespmem:$0x2D20] =	vst v43;
	v3 =	vmul.f32 v50, v3;
	s0 =	ssub.s32 s0, s21;
	(drf) =	sdiv.u32 s26, s2;
	s13 =	spop (v2sf);
	vm15 =	vlt.s32 v7, $0x40;
	v6 =	vadd.s32 v6, v55  }
0x159: {  	v58 =	vld [tilespmem:$0x13B0];
	[tilespmem:$0x2DA0] =	vst v44;
	v8 =	vadd.f32 v54, v52;
	s3 =	smov.u32 s22;
	(drf) =	sdiv.u32 s7, s6;
	s17 =	spop (v2sf);
	v7 =	vnsel vm15, $0x40, v7  }
0x15a: {  	v28 =	vld [tilespmem:$0x530];
	[tilespmem:$0x2E20] =	vst v5;
	v3 =	vadd.f32 v3, v53;
	s1 =	sxor.u32 s10, s1;
	(drf) =	sdiv.u32 s9, s8;
	s22 =	spop (v2sf)  }
0x15b: {  	v31 =	vld [tilespmem:$0x15B0];
	[tilespmem:$0x2EA0] =	vst v8;
	s19 =	simm.s32 $0x0;
	(drf) =	sdiv.u32 s13, s31;
	s6 =	spop (v2sf)  }
0x15c: {  	v57 =	vld [tilespmem:$0x3B0];
	[tilespmem:$0x2F20] =	vst v3;
	s26 =	simm.s32 $0x280;
	(drf) =	sdiv.u32 s17, s25;
	s7 =	spop (v2sf)  }
0x15d: {  	s13 =	smov.u32 s29;
	s17 =	rddreg [dreg:$0x8];
	v5 =	vld.idx.msk [tilespmem:v6+s19+$0x0], $0xffff;
	s19 =	spop (v2sf)  }
0x15e: {  	(drf) =	sdiv.u32 s22, s4;
	s9 =	sor.u32 $0x50, s17;
	v56 =	vld.idx.msk [tilespmem:v7+s26+$0x0], $0xffff;
	s26 =	spop (drf)  }
0x15f: {  	v59 =	vld [tilespmem:$0x430];
	(drf) =	sdiv.u32 s6, s28;
	s6 =	smov.u32 s28;
	s22 =	spop (v2sf)  }
0x160: {  	v60 =	vld [tilespmem:$0x1430];
	v3 =	vor.u32 s9, v2;
	(drf) =	sdiv.u32 s7, s29;
	s28 =	sxor.u32 s11, s26;
	s29 =	spop (drf)  }
0x161: {  	v61 =	vld [tilespmem:$0x4B0];
	s1 =	ssub.s32 s1, s10;
	(v2sf) =	vpush v3, $0x0;
	s9 =	ssub.s32 s28, s11;
	s11 =	spop (drf)  }
0x162: {  	v30 =	vld [tilespmem:$0x5B0];
	s7 =	smov.u32 s10;
	(drf) =	sdiv.u32 s19, s12;
	s21 =	spop (drf)  }
0x163: {  	v63 =	vld [tilespmem:$0x14B0];
	(v2sf) =	vpush v3, $0xF;
	s12 =	rddreg [dreg:$0x15];
	s10 =	sxor.u32 s14, s29;
	s29 =	spop (drf)  }
0x164: {  	v29 =	vld [tilespmem:$0x1530];
	v62 =	vmov s1;
	(drf) =	sdiv.u32 s22, s15;
	s19 =	sxor.u32 s12, s11;
	s11 =	spop (drf)  }
0x165: {  	v12 =	vsel vm9, s0, v62;
	s22 =	smov.u32 s30;
	s15 =	ssub.s32 s10, s14;
	v32 =	vld [tilespmem:$0x630]  }
0x166: {  	v12 =	vsel vm10, s9, v12;
	s26 =	ssub.s32 s19, s12;
	s28 =	sxor.u32 s30, s21;
	s10 =	sxor.u32 s16, s29;
	v33 =	vld [tilespmem:$0x1630];
	(v2sf) =	vpush v3, $0x1  }
0x167: {  	v12 =	vsel vm11, s15, v12;
	s9 =	ssub.s32 s28, s30;
	s15 =	ssub.s32 s10, s16;
	s10 =	rddreg [dreg:$0x19];
	v34 =	vld [tilespmem:$0x6B0]  }
0x168: {  	v12 =	vsel vm12, s26, v12;
	s21 =	spop (drf);
	s28 =	rddreg [dreg:$0x1a];
	v35 =	vld [tilespmem:$0x16B0];
	s19 =	sxor.u32 s10, s11;
	(v2sf) =	vpush v3, $0x2  }
0x169: {  	v5 =	vadd.f32 v56, v5;
	v12 =	vsel vm13, s9, v12;
	v36 =	vld [tilespmem:$0x730];
	s29 =	sxor.u32 s28, s21;
	s30 =	spop (drf);
	s26 =	ssub.s32 s19, s10;
	(v2sf) =	vpush v3, $0x3  }
0x16a: {  	v37 =	vld [tilespmem:$0x1730];
	v12 =	vsel vm14, s15, v12;
	s1 =	ssub.s32 s29, s28;
	s19 =	rddreg [dreg:$0x1b];
	s11 =	spop (drf);
	(v2sf) =	vpush v3, $0x4  }
0x16b: {  	v38 =	vld [tilespmem:$0xBB0];
	v8 =	vmul.f32 v58, v5;
	v12 =	vsel vm7, s26, v12;
	s9 =	sxor.u32 s19, s30;
	s21 =	sxor.u32 s24, s11;
	s26 =	spop (drf)  }
0x16c: {  	v39 =	vld [tilespmem:$0x1BB0];
	v10 =	vmul.f32 v60, v5;
	s11 =	rddreg [dreg:$0x1e];
	v12 =	vsel vm8, s1, v12;
	s15 =	ssub.s32 s9, s19;
	s30 =	spop (drf);
	(v2sf) =	vpush v3, $0x5  }
0x16d: {  	v40 =	vld [tilespmem:$0xC30];
	v42 =	vmul.f32 v63, v5;
	v44 =	vmul.f32 v29, v5;
	s28 =	ssub.s32 s21, s24;
	s29 =	sxor.u32 s11, s26;
	v12 =	vsel vm6, s15, v12;
	s15 =	sxor.u32 s20, s30  }
0x16e: {  	v41 =	vld [tilespmem:$0x1C30];
	v46 =	vmul.f32 v31, v5;
	v7 =	vadd.f32 v8, v57;
	s21 =	spop (drf);
	(v2sf) =	vpush v3, $0x6;
	s24 =	ssub.s32 s15, s20;
	s20 =	sld [smem:$0x7FA]  }
0x16f: {  	v45 =	vld [tilespmem:$0x1CB0];
	v9 =	vadd.f32 v10, v59;
	s9 =	ssub.s32 s29, s11;
	v12 =	vsel vm5, s28, v12;
	s28 =	spop (drf);
	(v2sf) =	vpush v3, $0x7  }
0x170: {  	v43 =	vld [tilespmem:$0xCB0];
	v8 =	vadd.f32 v42, v61;
	v12 =	vsel vm4, s9, v12;
	s30 =	sxor.u32 s23, s28;
	s28 =	rddreg [dreg:$0x7];
	(v2sf) =	vpush v3, $0x8;
	s9 =	spop (v2sf)  }
0x171: {  	v50 =	vld [tilespmem:$0x1D30];
	v48 =	vadd.f32 v44, v28;
	v12 =	vsel vm3, s24, v12;
	(v2sf) =	vpush v3, $0x9;
	s24 =	sld [smem:$0x7FC];
	s26 =	sxor.u32 s20, s21;
	(drf) =	sdiv.u32 s9, s28  }
0x172: {  	v47 =	vld [tilespmem:$0xD30];
	[tilespmem:$0x23B0] =	vst v7;
	v49 =	vmul.f32 v33, v5;
	v52 =	vmul.f32 v35, v5;
	(v2sf) =	vpush v3, $0xA;
	s29 =	ssub.s32 s26, s20;
	s15 =	spop (v2sf);
	s26 =	rddreg [dreg:$0xb]  }
0x173: {  	v53 =	vld [tilespmem:$0x1DB0];
	[tilespmem:$0x2430] =	vst v9;
	v55 =	vmul.f32 v37, v5;
	v58 =	vmul.f32 v39, v5;
	(v2sf) =	vpush v3, $0xB;
	(drf) =	sdiv.u32 s15, s26  }
0x174: {  	v56 =	vld [tilespmem:$0x1E30];
	v51 =	vadd.f32 v46, v30;
	[tilespmem:$0x24B0] =	vst v8;
	v62 =	vmul.f32 v41, v5;
	v24 =	vmul.f32 v45, v5;
	s5 =	ssub.s32 s30, s23;
	s21 =	spop (drf)  }
0x175: {  	v26 =	vld [tilespmem:$0x1F30];
	[tilespmem:$0x2530] =	vst v48;
	v54 =	vadd.f32 v49, v32;
	v12 =	vsel vm2, s29, v12;
	s0 =	sxor.u32 s24, s21;
	(v2sf) =	vpush v3, $0xC;
	s15 =	rddreg [dreg:$0xc];
	s29 =	spop (v2sf)  }
0x176: {  	v63 =	vld [tilespmem:$0x1EB0];
	[tilespmem:$0x25B0] =	vst v51;
	v14 =	vmul.f32 v50, v5;
	v57 =	vadd.f32 v52, v34;
	v12 =	vsel vm1, s5, v12;
	s0 =	ssub.s32 s0, s24;
	(drf) =	sdiv.u32 s29, s15  }
0x177: {  	v59 =	vld [tilespmem:$0xDB0];
	v60 =	vadd.f32 v55, v36;
	[tilespmem:$0x2630] =	vst v54;
	(v2sf) =	vpush v3, $0xD;
	v12 =	vsel vm0, s0, v12;
	s30 =	spop (v2sf);
	s29 =	rddreg [dreg:$0xd]  }
0x178: {  	v61 =	vld [tilespmem:$0xE30];
	v6 =	vadd.f32 v58, v38;
	[tilespmem:$0x26B0] =	vst v57;
	(v2sf) =	vpush v3, $0xE;
	v27 =	vmul.u32 v0, v12;
	(drf) =	sdiv.u32 s30, s29;
	s9 =	spop (v2sf)  }
0x179: {  	v30 =	vld [tilespmem:$0xEB0];
	v28 =	vmul.f32 v53, v5;
	v29 =	vmul.f32 v56, v5;
	v8 =	vadd.f32 v62, v40;
	[tilespmem:$0x2730] =	vst v60;
	s30 =	rddreg [dreg:$0xe];
	s21 =	spop (v2sf)  }
0x17a: {  	v33 =	vld [tilespmem:$0xF30];
	v31 =	vadd.f32 v24, v43;
	v32 =	vadd.f32 v14, v47;
	[tilespmem:$0x2BB0] =	vst v6;
	v4 =	vsub.s32 v4, v27;
	(drf) =	sdiv.u32 s9, s30;
	s0 =	spop (drf)  }
0x17b: {  	v36 =	vmul.f32 v63, v5;
	v5 =	vmul.f32 v26, v5;
	[tilespmem:$0x2C30] =	vst v8;
	vm15 =	vlt.s32 v4, s18;
	(drf) =	sdiv.u32 s21, s3;
	s9 =	spop (v2sf)  }
0x17c: {  	v42 =	vld [tilespmem:$0x440];
	v34 =	vadd.f32 v28, v59;
	[tilespmem:$0x2CB0] =	vst v31;
	v37 =	vadd.s32 $0x1, v12;
	v38 =	vsel vm15, $0x108, v1;
	s1 =	spop (drf);
	(drf) =	sdiv.u32 s9, s2  }
0x17d: {  	v44 =	vld [tilespmem:$0x4C0];
	v35 =	vadd.f32 v29, v61;
	[tilespmem:$0x2D30] =	vst v32;
	vm15 =	vlt.s32 v37, $0x40;
	v4 =	vadd.s32 v4, v38;
	s21 =	spop (v2sf);
	s9 =	rddreg [dreg:$0xf]  }
0x17e: {  	v46 =	vld [tilespmem:$0x14C0];
	v6 =	vadd.f32 v36, v30;
	[tilespmem:$0x2DB0] =	vst v34;
	v39 =	vnsel vm15, $0x40, v37;
	(drf) =	sdiv.u32 s21, s9;
	s3 =	spop (v2sf)  }
0x17f: {  	v41 =	vld [tilespmem:$0x13C0];
	[tilespmem:$0x2E30] =	vst v35;
	v5 =	vadd.f32 v5, v33;
	(drf) =	sdiv.u32 s3, s8;
	s21 =	spop (v2sf)  }
0x180: {  	v48 =	vld [tilespmem:$0x1540];
	[tilespmem:$0x2EB0] =	vst v6;
	(drf) =	sdiv.u32 s21, s31;
	s3 =	spop (v2sf)  }
0x181: {  	v51 =	vld [tilespmem:$0x15C0];
	[tilespmem:$0x2F30] =	vst v5;
	s21 =	simm.s32 $0x0;
	(drf) =	sdiv.u32 s3, s25;
	s3 =	spop (v2sf)  }
0x182: {  	v5 =	vld.idx.msk [tilespmem:v4+s21+$0x0], $0xffff;
	s21 =	simm.s32 $0x280;
	(drf) =	sdiv.u32 s3, s4;
	s3 =	spop (v2sf)  }
0x183: {  	v6 =	vld.idx.msk [tilespmem:v39+s21+$0x0], $0xffff;
	s5 =	spop (drf);
	(drf) =	sdiv.u32 s3, s6  }
0x184: {  	v53 =	vld [tilespmem:$0x1640];
	s1 =	sxor.u32 s7, s1;
	s21 =	spop (v2sf);
	s6 =	rddreg [dreg:$0x9]  }
0x185: {  	v56 =	vld [tilespmem:$0x740];
	s1 =	ssub.s32 s1, s7;
	s7 =	spop (drf);
	(drf) =	sdiv.u32 s21, s13  }
0x186: {  	v43 =	vld [tilespmem:$0x1440];
	s3 =	spop (v2sf);
	s21 =	rddreg [dreg:$0xa]  }
0x187: {  	v55 =	vld [tilespmem:$0x16C0];
	(drf) =	sdiv.u32 s3, s6;
	s13 =	spop (v2sf)  }
0x188: {  	v59 =	vld [tilespmem:$0x1BC0];
	(drf) =	sdiv.u32 s13, s21;
	s13 =	rddreg [dreg:$0x17];
	v5 =	vadd.f32 v6, v5  }
0x189: {  	v57 =	vld [tilespmem:$0x1740];
	s7 =	sxor.u32 s14, s7;
	s3 =	rddreg [dreg:$0x13];
	s0 =	sxor.u32 s13, s0  }
0x18a: {  	v34 =	vld [tilespmem:$0x1D40];
	v45 =	vmov s1;
	s1 =	sxor.u32 s3, s5;
	s5 =	spop (drf);
	s0 =	ssub.s32 s0, s13;
	v8 =	vmul.f32 v41, v5  }
0x18b: {  	v40 =	vld [tilespmem:$0x3C0];
	s1 =	ssub.s32 s1, s3;
	s3 =	spop (drf);
	s5 =	sxor.u32 s12, s5;
	v4 =	vsel vm9, s0, v45;
	v10 =	vmul.f32 v43, v5;
	v12 =	vmul.f32 v46, v5  }
0x18c: {  	v47 =	vld [tilespmem:$0x540];
	s3 =	sxor.u32 s22, s3;
	v14 =	vmul.f32 v48, v5;
	v28 =	vmul.f32 v51, v5;
	v4 =	vsel vm10, s1, v4;
	s1 =	ssub.s32 s7, s14;
	s7 =	ssub.s32 s5, s12  }
0x18d: {  	v49 =	vld [tilespmem:$0x5C0];
	v31 =	vmul.f32 v53, v5;
	v33 =	vmul.f32 v55, v5;
	v4 =	vsel vm11, s1, v4;
	s1 =	ssub.s32 s3, s22;
	s3 =	spop (drf);
	s22 =	sor.u32 $0x60, s17  }
0x18e: {  	v52 =	vld [tilespmem:$0x640];
	v35 =	vmul.f32 v57, v5;
	v50 =	vsel vm12, s7, v4;
	s7 =	sxor.u32 s16, s3;
	s3 =	spop (drf);
	v4 =	vor.u32 s22, v2  }
0x18f: {  	v58 =	vld [tilespmem:$0xBC0];
	v6 =	vmul.f32 v59, v5;
	v17 =	vmul.f32 v34, v5;
	s17 =	smov.u32 s10;
	s0 =	ssub.s32 s7, s16;
	s7 =	sxor.u32 s10, s3;
	(v2sf) =	vpush v4, $0x0  }
0x190: {  	v36 =	vld [tilespmem:$0x1DC0];
	v7 =	vadd.f32 v8, v40;
	v16 =	vsel vm13, s1, v50;
	s22 =	spop (drf);
	s3 =	ssub.s32 s7, s10;
	s7 =	rddreg [dreg:$0x1a];
	(v2sf) =	vpush v4, $0xF  }
0x191: {  	v54 =	vld [tilespmem:$0x6C0];
	v63 =	vadd.f32 v10, v42;
	s1 =	rddreg [dreg:$0x1c];
	v16 =	vsel vm14, s0, v16;
	s10 =	sxor.u32 s7, s22;
	s22 =	spop (drf);
	(v2sf) =	vpush v4, $0x1  }
0x192: {  	v61 =	vld [tilespmem:$0x1C40];
	v11 =	vadd.f32 v12, v44;
	v16 =	vsel vm7, s3, v16;
	s3 =	ssub.s32 s10, s7;
	s7 =	sxor.u32 s19, s22;
	s10 =	spop (drf);
	(v2sf) =	vpush v4, $0x2  }
0x193: {  	v29 =	vld [tilespmem:$0x1CC0];
	v30 =	vadd.f32 v14, v47;
	v16 =	vsel vm8, s3, v16;
	s22 =	ssub.s32 s7, s19;
	s5 =	sxor.u32 s1, s10;
	s7 =	spop (drf);
	(v2sf) =	vpush v4, $0x3  }
0x194: {  	v60 =	vld [tilespmem:$0xC40];
	v9 =	vadd.f32 v28, v49;
	v16 =	vsel vm6, s22, v16;
	s10 =	ssub.s32 s5, s1;
	s22 =	sxor.u32 s11, s7;
	(v2sf) =	vpush v4, $0x4  }
0x195: {  	v32 =	vld [tilespmem:$0xD40];
	v46 =	vmul.f32 v36, v5;
	v13 =	vadd.f32 v31, v52;
	s3 =	spop (drf);
	s7 =	ssub.s32 s22, s11;
	s22 =	rddreg [dreg:$0x1f];
	(v2sf) =	vpush v4, $0x5  }
0x196: {  	v38 =	vld [tilespmem:$0x1E40];
	v37 =	vadd.f32 v33, v54;
	[tilespmem:$0x23C0] =	vst v7;
	v16 =	vsel vm5, s10, v16;
	s11 =	spop (drf);
	s10 =	sxor.u32 s22, s3;
	(v2sf) =	vpush v4, $0x6  }
0x197: {  	v62 =	vld [tilespmem:$0xCC0];
	v39 =	vadd.f32 v35, v56;
	[tilespmem:$0x2440] =	vst v63;
	v16 =	vsel vm4, s7, v16;
	s7 =	sxor.u32 s20, s11;
	s3 =	ssub.s32 s10, s22;
	s10 =	spop (drf);
	(v2sf) =	vpush v4, $0x7  }
0x198: {  	v41 =	vld [tilespmem:$0xDC0];
	v40 =	vmul.f32 v61, v5;
	[tilespmem:$0x24C0] =	vst v11;
	s11 =	ssub.s32 s7, s20;
	v16 =	vsel vm3, s3, v16;
	s20 =	sxor.u32 s23, s10;
	s3 =	spop (drf);
	(v2sf) =	vpush v4, $0x8  }
0x199: {  	v6 =	vadd.f32 v6, v58;
	v10 =	vmul.f32 v29, v5;
	v42 =	vld [tilespmem:$0xE40];
	[tilespmem:$0x2540] =	vst v30;
	v16 =	vsel vm2, s11, v16;
	s7 =	ssub.s32 s20, s23;
	s10 =	sxor.u32 s24, s3  }
0x19a: {  	v44 =	vld [tilespmem:$0x1EC0];
	v48 =	vadd.f32 v17, v32;
	[tilespmem:$0x25C0] =	vst v9;
	(v2sf) =	vpush v4, $0x9;
	v16 =	vsel vm1, s7, v16;
	s11 =	ssub.s32 s10, s24  }
0x19b: {  	v49 =	vmul.f32 v38, v5;
	v43 =	vadd.f32 v40, v60;
	[tilespmem:$0x2640] =	vst v13;
	v16 =	vsel vm0, s11, v16  }
0x19c: {  	v47 =	vld [tilespmem:$0x1F40];
	v45 =	vadd.f32 v10, v62;
	[tilespmem:$0x26C0] =	vst v37;
	(v2sf) =	vpush v4, $0xA;
	v51 =	vmul.u32 v0, v16  }
0x19d: {  	[dreg:$0x14] =	wrdreg s14;
	v53 =	vld [tilespmem:$0xEC0];
	[tilespmem:$0x2740] =	vst v39;
	v50 =	vadd.f32 v46, v41;
	(v2sf) =	vpush v4, $0xB  }
0x19e: {  	v55 =	vld [tilespmem:$0xF40];
	[tilespmem:$0x2BC0] =	vst v6;
	v52 =	vadd.f32 v49, v42;
	s5 =	rddreg [dreg:$0x10];
	(v2sf) =	vpush v4, $0xC;
	s20 =	spop (v2sf);
	v3 =	vsub.s32 v3, v51  }
0x19f: {  	[tilespmem:$0x2D40] =	vst v48;
	v54 =	vmul.f32 v44, v5;
	(v2sf) =	vpush v4, $0xD;
	(drf) =	sdiv.u32 s20, s28;
	s24 =	spop (v2sf);
	vm15 =	vlt.s32 v3, s18  }
0x1a0: {  	[tilespmem:$0x2C40] =	vst v43;
	s7 =	smov.u32 s26;
	v56 =	vadd.s32 $0x1, v16;
	(v2sf) =	vpush v4, $0xE;
	(drf) =	sdiv.u32 s24, s26;
	v57 =	vsel vm15, $0x108, v1;
	s26 =	spop (v2sf)  }
0x1a1: {  	[tilespmem:$0x2CC0] =	vst v45;
	v5 =	vmul.f32 v47, v5;
	vm15 =	vlt.s32 v56, $0x40;
	v3 =	vadd.s32 v3, v57;
	(drf) =	sdiv.u32 s26, s15;
	s10 =	spop (v2sf)  }
0x1a2: {  	[tilespmem:$0x2DC0] =	vst v50;
	v6 =	vadd.f32 v54, v53;
	v58 =	vnsel vm15, $0x40, v56;
	(drf) =	sdiv.u32 s10, s29;
	s11 =	spop (v2sf)  }
0x1a3: {  	[tilespmem:$0x2E40] =	vst v52;
	v5 =	vadd.f32 v5, v55;
	(drf) =	sdiv.u32 s11, s30;
	s20 =	spop (v2sf)  }
0x1a4: {  	[tilespmem:$0x2EC0] =	vst v6;
	s3 =	smov.u32 s18;
	s11 =	rddreg [dreg:$0x1d];
	s26 =	spop (v2sf)  }
0x1a5: {  	[tilespmem:$0x2F40] =	vst v5;
	s18 =	simm.s32 $0x0;
	(drf) =	sdiv.u32 s20, s11;
	s10 =	spop (v2sf)  }
0x1a6: {  	s24 =	simm.s32 $0x280;
	(drf) =	sdiv.u32 s26, s2;
	v3 =	vld.idx.msk [tilespmem:v3+s18+$0x0], $0xffff;
	s18 =	spop (v2sf)  }
0x1a7: {  	v5 =	vld.idx.msk [tilespmem:v58+s24+$0x0], $0xffff;
	(drf) =	sdiv.u32 s10, s9;
	s24 =	spop (v2sf)  }
0x1a8: {  	s20 =	smov.u32 s2;
	(drf) =	sdiv.u32 s18, s8;
	s0 =	spop (drf)  }
0x1a9: {  	s2 =	smov.u32 s9;
	(drf) =	sdiv.u32 s24, s31;
	s26 =	spop (v2sf)  }
0x1aa: {  	v23 =	vld [tilespmem:$0x1ED0];
	s9 =	smov.u32 s31;
	s1 =	spop (drf);
	(drf) =	sdiv.u32 s26, s25  }
0x1ab: {  	v59 =	vld [tilespmem:$0x3D0];
	s18 =	smov.u32 s4;
	s31 =	spop (v2sf);
	s26 =	sld [smem:$0x7F5]  }
0x1ac: {  	v36 =	vld [tilespmem:$0x6D0];
	s24 =	smov.u32 s25;
	(drf) =	sdiv.u32 s31, s4;
	s4 =	spop (v2sf)  }
0x1ad: {  	v61 =	vld [tilespmem:$0x450];
	s25 =	rddreg [dreg:$0x16];
	s0 =	sxor.u32 s13, s0;
	s10 =	spop (v2sf)  }
0x1ae: {  	v28 =	vld [tilespmem:$0x14D0];
	s1 =	sxor.u32 s5, s1;
	(drf) =	sdiv.u32 s4, s26;
	s31 =	spop (v2sf)  }
0x1af: {  	v29 =	vld [tilespmem:$0x550];
	s0 =	ssub.s32 s0, s13;
	(drf) =	sdiv.u32 s10, s25;
	s4 =	spop (v2sf)  }
0x1b0: {  	v31 =	vld [tilespmem:$0x5D0];
	s1 =	ssub.s32 s1, s5;
	(drf) =	sdiv.u32 s31, s6;
	s6 =	spop (drf)  }
0x1b1: {  	v32 =	vld [tilespmem:$0x15D0];
	s10 =	smov.u32 s13;
	s13 =	rddreg [dreg:$0x13];
	s31 =	spop (drf)  }
0x1b2: {  	v33 =	vld [tilespmem:$0x650];
	v34 =	vmov s1;
	(drf) =	sdiv.u32 s4, s21;
	s21 =	sxor.u32 s13, s6;
	s6 =	sxor.u32 s14, s31  }
0x1b3: {  	v35 =	vld [tilespmem:$0x1650];
	v17 =	vsel vm9, s0, v34;
	s4 =	ssub.s32 s21, s13;
	s13 =	spop (drf);
	s14 =	ssub.s32 s6, s14  }
0x1b4: {  	v38 =	vld [tilespmem:$0x750];
	v17 =	vsel vm10, s4, v17;
	s21 =	sxor.u32 s12, s13;
	s31 =	spop (drf);
	s13 =	rddreg [dreg:$0x18]  }
0x1b5: {  	v60 =	vld [tilespmem:$0x13D0];
	v17 =	vsel vm11, s14, v17;
	s4 =	ssub.s32 s21, s12;
	s6 =	sxor.u32 s13, s31;
	s12 =	spop (drf)  }
0x1b6: {  	v62 =	vld [tilespmem:$0x1450];
	s14 =	smov.u32 s16;
	v17 =	vsel vm12, s4, v17;
	s31 =	sxor.u32 s16, s12;
	s4 =	spop (drf)  }
0x1b7: {  	v63 =	vld [tilespmem:$0x4D0];
	s21 =	ssub.s32 s6, s13;
	s6 =	ssub.s32 s31, s16;
	s12 =	sxor.u32 s17, s4  }
0x1b8: {  	v30 =	vld [tilespmem:$0x1550];
	v17 =	vsel vm13, s21, v17;
	s16 =	spop (drf);
	s21 =	ssub.s32 s12, s17;
	s12 =	rddreg [dreg:$0x1a]  }
0x1b9: {  	v37 =	vld [tilespmem:$0x16D0];
	v17 =	vsel vm14, s6, v17;
	s31 =	sxor.u32 s12, s16  }
0x1ba: {  	v39 =	vld [tilespmem:$0x1750];
	s4 =	spop (drf);
	v17 =	vsel vm7, s21, v17;
	s6 =	ssub.s32 s31, s12  }
0x1bb: {  	v40 =	vld [tilespmem:$0xBD0];
	v3 =	vadd.f32 v5, v3;
	s16 =	sxor.u32 s19, s4;
	s31 =	spop (drf);
	v17 =	vsel vm8, s6, v17;
	s6 =	rddreg [dreg:$0x1c]  }
0x1bc: {  	v48 =	vld [tilespmem:$0xD50];
	s1 =	sld [smem:$0x7FA];
	s4 =	ssub.s32 s16, s19;
	s16 =	sxor.u32 s6, s31  }
0x1bd: {  	v41 =	vld [tilespmem:$0x1BD0];
	v7 =	vmul.f32 v60, v3;
	s31 =	spop (drf);
	v17 =	vsel vm6, s4, v17;
	s4 =	ssub.s32 s16, s6;
	s6 =	rddreg [dreg:$0x1e]  }
0x1be: {  	v46 =	vld [tilespmem:$0x1CD0];
	v9 =	vmul.f32 v62, v3;
	s16 =	sxor.u32 s6, s31;
	s31 =	spop (drf)  }
0x1bf: {  	v43 =	vld [tilespmem:$0x1C50];
	v45 =	vmul.f32 v28, v3;
	v6 =	vadd.f32 v7, v59;
	v17 =	vsel vm5, s4, v17;
	s4 =	ssub.s32 s16, s6;
	s6 =	sxor.u32 s22, s31;
	s16 =	spop (drf)  }
0x1c0: {  	v42 =	vld [tilespmem:$0xC50];
	v47 =	vmul.f32 v30, v3;
	v8 =	vadd.f32 v9, v61;
	v17 =	vsel vm4, s4, v17;
	s31 =	ssub.s32 s6, s22;
	s6 =	sxor.u32 s1, s16;
	s16 =	spop (drf)  }
0x1c1: {  	v51 =	vld [tilespmem:$0x1D50];
	v50 =	vmul.f32 v32, v3;
	v49 =	vadd.f32 v45, v63;
	[tilespmem:$0x23D0] =	vst v6;
	v17 =	vsel vm3, s31, v17;
	s31 =	sxor.u32 s23, s16;
	s16 =	sld [smem:$0x7FC]  }
0x1c2: {  	v55 =	vld [tilespmem:$0x1DD0];
	v54 =	vmul.f32 v35, v3;
	v57 =	vmul.f32 v37, v3;
	v53 =	vadd.f32 v47, v29;
	[tilespmem:$0x2450] =	vst v8  }
0x1c3: {  	v58 =	vld [tilespmem:$0x1E50];
	v60 =	vmul.f32 v39, v3;
	v5 =	vmul.f32 v41, v3;
	v56 =	vadd.f32 v50, v31;
	[tilespmem:$0x24D0] =	vst v49;
	s22 =	ssub.s32 s6, s1;
	s4 =	spop (drf)  }
0x1c4: {  	v44 =	vld [tilespmem:$0xCD0];
	v22 =	vmul.f32 v43, v3;
	v59 =	vadd.f32 v54, v33;
	[tilespmem:$0x2550] =	vst v53;
	v52 =	vsel vm2, s22, v17;
	s1 =	ssub.s32 s31, s23;
	s5 =	sxor.u32 s16, s4  }
0x1c5: {  	v27 =	vld [tilespmem:$0x1F50];
	v25 =	vmul.f32 v46, v3;
	v62 =	vadd.f32 v57, v36;
	[tilespmem:$0x25D0] =	vst v56;
	v15 =	vsel vm1, s1, v52;
	s0 =	ssub.s32 s5, s16  }
0x1c6: {  	v10 =	vmul.f32 v51, v3;
	v32 =	vld [tilespmem:$0xED0];
	v21 =	vadd.f32 v60, v38;
	[tilespmem:$0x2650] =	vst v59;
	v15 =	vsel vm0, s0, v15  }
0x1c7: {  	v30 =	vmul.f32 v55, v3;
	v35 =	vld [tilespmem:$0xF50];
	v5 =	vadd.f32 v5, v40;
	[tilespmem:$0x26D0] =	vst v62;
	v28 =	vmul.u32 v0, v15  }
0x1c8: {  	v37 =	vmul.f32 v23, v3;
	v61 =	vld [tilespmem:$0xDD0];
	v29 =	vadd.f32 v22, v42;
	v31 =	vmul.f32 v58, v3;
	[tilespmem:$0x2750] =	vst v21  }
0x1c9: {  	v63 =	vld [tilespmem:$0xE50];
	v33 =	vadd.f32 v25, v44;
	v34 =	vadd.f32 v10, v48;
	[tilespmem:$0x2BD0] =	vst v5;
	v4 =	vsub.s32 v4, v28  }
0x1ca: {  	v3 =	vmul.f32 v27, v3;
	[tilespmem:$0x2C50] =	vst v29;
	v38 =	vadd.s32 $0x1, v15;
	vm15 =	vlt.s32 v4, s3  }
0x1cb: {  	[tilespmem:$0x2CD0] =	vst v33;
	v5 =	vadd.f32 v37, v32;
	v39 =	vsel vm15, $0x108, v1;
	vm15 =	vlt.s32 v38, $0x40  }
0x1cc: {  	[tilespmem:$0x2D50] =	vst v34;
	v3 =	vadd.f32 v3, v35;
	v40 =	vnsel vm15, $0x40, v38  }
0x1cd: {  	v36 =	vadd.f32 v30, v61;
	[tilespmem:$0x2ED0] =	vst v5  }
0x1ce: {  	v7 =	vadd.f32 v31, v63;
	[tilespmem:$0x2F50] =	vst v3  }
0x1cf: {  	[tilespmem:$0x2DD0] =	vst v36  }
0x1d0: {  	[tilespmem:$0x2E50] =	vst v7;
	s22 =	simm.s32 $0x280  }
0x1d1: {  	v5 =	vld.idx.msk [tilespmem:v40+s22+$0x0], $0xffff;
	s22 =	rddreg [dreg:$0x8]  }
0x1d2: {  	s31 =	sor.u32 $0x70, s22  }
0x1d3: {  	v3 =	vor.u32 s31, v2  }
0x1d4: {  	(v2sf) =	vpush v3, $0x0  }
0x1d5: {  	(v2sf) =	vpush v3, $0xF  }
0x1d6: {  	(v2sf) =	vpush v3, $0x1  }
0x1d7: {  	(v2sf) =	vpush v3, $0x2  }
0x1d8: {  	(v2sf) =	vpush v3, $0x3  }
0x1d9: {  	(v2sf) =	vpush v3, $0x4;
	_ =	sdelay $0x1  }
0x1da: {  	(v2sf) =	vpush v3, $0x5  }
0x1db: {  	v41 =	vld [tilespmem:$0x3E0];
	(v2sf) =	vpush v3, $0x6  }
0x1dc: {  	v43 =	vld [tilespmem:$0x460];
	(v2sf) =	vpush v3, $0x7  }
0x1dd: {  	v46 =	vld [tilespmem:$0x14E0]  }
0x1de: {  	v51 =	vld [tilespmem:$0x660]  }
0x1df: {  	v55 =	vld [tilespmem:$0x760]  }
0x1e0: {  	v42 =	vld [tilespmem:$0x13E0]  }
0x1e1: {  	v44 =	vld [tilespmem:$0x1460];
	v4 =	vadd.s32 v4, v39  }
0x1e2: {  	v45 =	vld [tilespmem:$0x4E0];
	s1 =	spop (v2sf)  }
0x1e3: {  	v48 =	vld [tilespmem:$0x1560];
	s23 =	smov.u32 s3;
	(v2sf) =	vpush v3, $0x8;
	(drf) =	sdiv.u32 s1, s28;
	s3 =	spop (v2sf)  }
0x1e4: {  	v50 =	vld [tilespmem:$0x15E0];
	(drf) =	sdiv.u32 s3, s7;
	s4 =	spop (v2sf)  }
0x1e5: {  	v54 =	vld [tilespmem:$0x16E0];
	s6 =	simm.s32 $0x0;
	(v2sf) =	vpush v3, $0x9;
	(drf) =	sdiv.u32 s4, s15;
	s5 =	spop (v2sf)  }
0x1e6: {  	v4 =	vld.idx.msk [tilespmem:v4+s6+$0x0], $0xffff;
	(v2sf) =	vpush v3, $0xA;
	(drf) =	sdiv.u32 s5, s29;
	s6 =	spop (v2sf)  }
0x1e7: {  	v57 =	vld [tilespmem:$0xBE0];
	(v2sf) =	vpush v3, $0xB;
	(drf) =	sdiv.u32 s6, s30;
	s7 =	spop (v2sf)  }
0x1e8: {  	v58 =	vld [tilespmem:$0x1BE0];
	(drf) =	sdiv.u32 s7, s11  }
0x1e9: {  	v60 =	vld [tilespmem:$0x1C60];
	(v2sf) =	vpush v3, $0xC;
	s11 =	spop (v2sf)  }
0x1ea: {  	v56 =	vld [tilespmem:$0x1760];
	(v2sf) =	vpush v3, $0xD;
	(drf) =	sdiv.u32 s11, s20;
	s15 =	spop (v2sf)  }
0x1eb: {  	v52 =	vld [tilespmem:$0x1660];
	s20 =	spop (v2sf)  }
0x1ec: {  	v63 =	vld [tilespmem:$0x1CE0];
	v4 =	vadd.f32 v5, v4;
	s3 =	spop (drf)  }
0x1ed: {  	v30 =	vld [tilespmem:$0x1D60];
	s28 =	spop (drf)  }
0x1ee: {  	v36 =	vld [tilespmem:$0x1DE0];
	v7 =	vmul.f32 v42, v4;
	v9 =	vmul.f32 v44, v4;
	(v2sf) =	vpush v3, $0xE;
	(drf) =	sdiv.u32 s15, s2;
	s5 =	spop (drf)  }
0x1ef: {  	v62 =	vmul.f32 v46, v4;
	v26 =	vmul.f32 v48, v4;
	v44 =	vld [tilespmem:$0x1EE0];
	(drf) =	sdiv.u32 s20, s8;
	s7 =	spop (drf)  }
0x1f0: {  	v29 =	vmul.f32 v50, v4;
	v32 =	vmul.f32 v52, v4;
	v46 =	vld [tilespmem:$0x1F60];
	s20 =	rddreg [dreg:$0x10];
	s0 =	spop (drf)  }
0x1f1: {  	[smem:$0x7F9] =	sst s14;
	v35 =	vmul.f32 v54, v4;
	v5 =	vmul.f32 v58, v4;
	v6 =	vadd.f32 v7, v41;
	v41 =	vld [tilespmem:$0x1E60];
	s1 =	sxor.u32 s20, s28;
	s2 =	spop (drf)  }
0x1f2: {  	s31 =	rddreg [dreg:$0x9];
	v38 =	vmul.f32 v56, v4;
	v48 =	vmul.f32 v30, v4;
	v8 =	vadd.f32 v9, v43;
	s1 =	ssub.s32 s1, s20;
	s30 =	spop (v2sf)  }
0x1f3: {  	s21 =	smov.u32 s12;
	v52 =	vld [tilespmem:$0xF60];
	v28 =	vadd.f32 v62, v45;
	v5 =	vadd.f32 v5, v57;
	v57 =	vmov s1;
	s1 =	rddreg [dreg:$0x1c];
	s4 =	spop (drf)  }
0x1f4: {  	v37 =	vadd.f32 v32, v51;
	v43 =	vmul.f32 v60, v4;
	v45 =	vmul.f32 v63, v4;
	s29 =	smov.u32 s18;
	(drf) =	sdiv.u32 s30, s9;
	s11 =	spop (v2sf)  }
0x1f5: {  	v42 =	vadd.f32 v38, v55;
	v51 =	vmul.f32 v36, v4;
	v55 =	vmul.f32 v44, v4;
	s3 =	sxor.u32 s10, s3;
	(drf) =	sdiv.u32 s11, s24;
	s15 =	spop (v2sf)  }
0x1f6: {  	v7 =	vmul.f32 v41, v4;
	v4 =	vmul.f32 v46, v4;
	s28 =	smov.u32 s10;
	(drf) =	sdiv.u32 s15, s18;
	s18 =	spop (v2sf)  }
0x1f7: {  	s2 =	sxor.u32 s13, s2;
	s6 =	spop (drf);
	(drf) =	sdiv.u32 s18, s26  }
0x1f8: {  	v4 =	vadd.f32 v4, v52;
	s11 =	ssub.s32 s3, s10;
	s30 =	spop (v2sf);
	s18 =	rddreg [dreg:$0x13]  }
0x1f9: {  	s3 =	ssub.s32 s2, s13;
	(drf) =	sdiv.u32 s30, s25;
	s30 =	spop (v2sf)  }
0x1fa: {  	[tilespmem:$0x2F60] =	vst v4;
	v4 =	vsel vm9, s11, v57;
	s11 =	rddreg [dreg:$0x14];
	s20 =	sxor.u32 s18, s5;
	(drf) =	sdiv.u32 s30, s31  }
0x1fb: {  	s10 =	ssub.s32 s20, s18;
	s18 =	sxor.u32 s11, s7;
	s30 =	rddreg [dreg:$0x15]  }
0x1fc: {  	s4 =	sxor.u32 s14, s4;
	v4 =	vsel vm10, s10, v4;
	s20 =	ssub.s32 s18, s11;
	s0 =	sxor.u32 s30, s0  }
0x1fd: {  	s31 =	spop (v2sf);
	s11 =	rddreg [dreg:$0xa];
	v4 =	vsel vm11, s20, v4;
	s0 =	ssub.s32 s0, s30  }
0x1fe: {  	s8 =	spop (drf);
	s6 =	sxor.u32 s17, s6;
	(drf) =	sdiv.u32 s31, s11;
	v4 =	vsel vm12, s0, v4  }
0x1ff: {  	v47 =	vld [tilespmem:$0x560];
	s8 =	sxor.u32 s12, s8;
	s5 =	ssub.s32 s4, s14;
	v4 =	vsel vm13, s3, v4;
	s10 =	spop (drf)  }
0x200: {  	v27 =	vld [tilespmem:$0xD60];
	s14 =	ssub.s32 s8, s12;
	s7 =	ssub.s32 s6, s17;
	v4 =	vsel vm14, s5, v4;
	s18 =	sxor.u32 s19, s10  }
0x201: {  	v49 =	vld [tilespmem:$0x5E0];
	s20 =	spop (drf);
	v4 =	vsel vm7, s7, v4;
	s31 =	ssub.s32 s18, s19;
	s7 =	rddreg [dreg:$0x1e]  }
0x202: {  	v53 =	vld [tilespmem:$0x6E0];
	s4 =	sxor.u32 s1, s20;
	s5 =	spop (drf);
	v4 =	vsel vm8, s14, v4;
	s14 =	rddreg [dreg:$0x1f]  }
0x203: {  	v59 =	vld [tilespmem:$0xC60];
	s6 =	ssub.s32 s4, s1;
	s8 =	sxor.u32 s7, s5;
	s1 =	sld [smem:$0x7FA]  }
0x204: {  	v33 =	vld [tilespmem:$0xDE0];
	s10 =	spop (drf);
	v4 =	vsel vm6, s31, v4;
	s12 =	ssub.s32 s8, s7;
	s7 =	sld [smem:$0x7FB]  }
0x205: {  	v61 =	vld [tilespmem:$0xCE0];
	s18 =	sxor.u32 s14, s10;
	s20 =	spop (drf);
	v4 =	vsel vm5, s6, v4  }
0x206: {  	v39 =	vld [tilespmem:$0xE60];
	[tilespmem:$0x23E0] =	vst v6;
	s31 =	ssub.s32 s18, s14;
	s5 =	spop (drf);
	v4 =	vsel vm4, s12, v4;
	s4 =	sxor.u32 s1, s20  }
0x207: {  	v30 =	vld [tilespmem:$0x570];
	v31 =	vadd.f32 v26, v47;
	[tilespmem:$0x2460] =	vst v8;
	v4 =	vsel vm3, s31, v4;
	s6 =	ssub.s32 s4, s1;
	s8 =	sxor.u32 s7, s5;
	s10 =	spop (drf)  }
0x208: {  	v34 =	vadd.f32 v29, v49;
	v49 =	vld [tilespmem:$0xEE0];
	[tilespmem:$0x24E0] =	vst v28;
	v4 =	vsel vm2, s6, v4;
	s12 =	ssub.s32 s8, s7;
	s14 =	sxor.u32 s16, s10  }
0x209: {  	v60 =	vld [tilespmem:$0x3F0];
	[tilespmem:$0x2560] =	vst v31;
	v4 =	vsel vm1, s12, v4;
	s18 =	ssub.s32 s14, s16  }
0x20a: {  	v40 =	vadd.f32 v35, v53;
	v62 =	vld [tilespmem:$0x470];
	[tilespmem:$0x25E0] =	vst v34;
	v4 =	vsel vm0, s18, v4  }
0x20b: {  	v63 =	vld [tilespmem:$0x1470];
	[tilespmem:$0x2660] =	vst v37;
	v58 =	vmul.u32 v0, v4  }
0x20c: {  	v29 =	vld [tilespmem:$0x14F0];
	[tilespmem:$0x26E0] =	vst v40  }
0x20d: {  	v53 =	vadd.f32 v48, v27;
	v32 =	vld [tilespmem:$0x5F0];
	[tilespmem:$0x2760] =	vst v42;
	v3 =	vsub.s32 v3, v58  }
0x20e: {  	v35 =	vld [tilespmem:$0x1670];
	v47 =	vadd.f32 v43, v59;
	[tilespmem:$0x2BE0] =	vst v5;
	vm15 =	vlt.s32 v3, s23  }
0x20f: {  	v36 =	vld [tilespmem:$0x6F0];
	v50 =	vadd.f32 v45, v61;
	[tilespmem:$0x2D60] =	vst v53;
	v4 =	vadd.s32 $0x1, v4;
	v59 =	vsel vm15, $0x108, v1  }
0x210: {  	v38 =	vld [tilespmem:$0x770];
	v54 =	vadd.f32 v51, v33;
	[tilespmem:$0x2C60] =	vst v47;
	vm15 =	vlt.s32 v4, $0x40;
	v3 =	vadd.s32 v3, v59  }
0x211: {  	v26 =	vld [tilespmem:$0x1EF0];
	[tilespmem:$0x2CE0] =	vst v50;
	v56 =	vadd.f32 v55, v49;
	v4 =	vnsel vm15, $0x40, v4  }
0x212: {  	v61 =	vld [tilespmem:$0x13F0];
	[tilespmem:$0x2DE0] =	vst v54;
	v7 =	vadd.f32 v7, v39  }
0x213: {  	v28 =	vld [tilespmem:$0x4F0];
	[tilespmem:$0x2EE0] =	vst v56  }
0x214: {  	v31 =	vld [tilespmem:$0x1570];
	[tilespmem:$0x2E60] =	vst v7;
	s20 =	simm.s32 $0x0  }
0x215: {  	s23 =	simm.s32 $0x280;
	v5 =	vld.idx.msk [tilespmem:v3+s20+$0x0], $0xffff  }
0x216: {  	v4 =	vld.idx.msk [tilespmem:v4+s23+$0x0], $0xffff  }
0x217: {  	v33 =	vld [tilespmem:$0x15F0]  }
0x218: {  	v34 =	vld [tilespmem:$0x670]  }
0x219: {  	v37 =	vld [tilespmem:$0x16F0]  }
0x21a: {  	v40 =	vld [tilespmem:$0xBF0]  }
0x21b: {  	v42 =	vld [tilespmem:$0x1BF0];
	s31 =	sor.u32 $0x80, s22;
	v4 =	vadd.f32 v4, v5  }
0x21c: {  	v43 =	vld [tilespmem:$0xC70];
	v41 =	vor.u32 s31, v2  }
0x21d: {  	v45 =	vld [tilespmem:$0xCF0];
	(v2sf) =	vpush v41, $0x0;
	v7 =	vmul.f32 v61, v4  }
0x21e: {  	v44 =	vld [tilespmem:$0x1C70];
	v9 =	vmul.f32 v63, v4  }
0x21f: {  	v47 =	vld [tilespmem:$0x1CF0];
	(v2sf) =	vpush v41, $0xF;
	v46 =	vmul.f32 v29, v4;
	v6 =	vadd.f32 v7, v60  }
0x220: {  	v49 =	vld [tilespmem:$0xD70];
	v48 =	vmul.f32 v31, v4;
	v8 =	vadd.f32 v9, v62  }
0x221: {  	v55 =	vld [tilespmem:$0xDF0];
	v51 =	vmul.f32 v33, v4;
	v50 =	vadd.f32 v46, v28;
	[tilespmem:$0x23F0] =	vst v6  }
0x222: {  	v58 =	vld [tilespmem:$0x1DF0];
	v54 =	vmul.f32 v35, v4;
	v53 =	vadd.f32 v48, v30;
	[tilespmem:$0x2470] =	vst v8  }
0x223: {  	v39 =	vld [tilespmem:$0x1770];
	v57 =	vmul.f32 v37, v4;
	v56 =	vadd.f32 v51, v32;
	[tilespmem:$0x24F0] =	vst v50  }
0x224: {  	v52 =	vld [tilespmem:$0x1D70];
	v5 =	vmul.f32 v42, v4;
	v59 =	vadd.f32 v54, v34;
	[tilespmem:$0x2570] =	vst v53  }
0x225: {  	v63 =	vld [tilespmem:$0x1E70];
	v24 =	vmul.f32 v44, v4;
	v62 =	vadd.f32 v57, v36;
	[tilespmem:$0x25F0] =	vst v56  }
0x226: {  	v27 =	vmul.f32 v47, v4;
	v31 =	vld [tilespmem:$0xEF0];
	v5 =	vadd.f32 v5, v40;
	[tilespmem:$0x2670] =	vst v59  }
0x227: {  	v33 =	vmul.f32 v58, v4;
	v28 =	vld [tilespmem:$0x1F70];
	v29 =	vadd.f32 v24, v43;
	[tilespmem:$0x26F0] =	vst v62  }
0x228: {  	(v2sf) =	vpush v41, $0x1;
	v61 =	vld [tilespmem:$0xE70];
	v60 =	vmul.f32 v39, v4;
	v32 =	vadd.f32 v27, v45;
	[tilespmem:$0x2BF0] =	vst v5  }
0x229: {  	v30 =	vmul.f32 v52, v4;
	v34 =	vld [tilespmem:$0xF70];
	v36 =	vadd.f32 v33, v55;
	[tilespmem:$0x2C70] =	vst v29  }
0x22a: {  	(v2sf) =	vpush v41, $0x2;
	v37 =	vmul.f32 v26, v4;
	v21 =	vadd.f32 v60, v38;
	[tilespmem:$0x2CF0] =	vst v32  }
0x22b: {  	(v2sf) =	vpush v41, $0x3;
	v35 =	vadd.f32 v30, v49;
	[tilespmem:$0x2DF0] =	vst v36;
	v7 =	vmul.f32 v63, v4  }
0x22c: {  	s6 =	rddreg [dreg:$0x7];
	(v2sf) =	vpush v41, $0x4;
	s1 =	spop (v2sf);
	v38 =	vadd.f32 v37, v31;
	[tilespmem:$0x2770] =	vst v21;
	v4 =	vmul.f32 v28, v4  }
0x22d: {  	(v2sf) =	vpush v41, $0x5;
	(drf) =	sdiv.u32 s1, s6;
	[tilespmem:$0x2D70] =	vst v35;
	v7 =	vadd.f32 v7, v61  }
0x22e: {  	s7 =	rddreg [dreg:$0xb];
	(v2sf) =	vpush v41, $0x6;
	s3 =	spop (v2sf);
	[tilespmem:$0x2EF0] =	vst v38;
	v4 =	vadd.f32 v4, v34  }
0x22f: {  	s4 =	rddreg [dreg:$0x4];
	(v2sf) =	vpush v41, $0x7;
	(drf) =	sdiv.u32 s3, s7;
	[tilespmem:$0x2E70] =	vst v7  }
0x230: {  	s5 =	simm.s32 $0x2380;
	[dreg:$0x6] =	wrdreg s31;
	s0 =	sadd.s32 s4, s22;
	(v2sf) =	vpush v41, $0x8;
	[tilespmem:$0x2F70] =	vst v4  }
0x231: {  	(v2sf) =	vpush v41, $0x9;
	[hbm4b:s0+s20] =	stream.linear.scatter [tilespmem:s5], [sflag:$0x2], $0x400, $0x38;
	[tilespmem:$0x3380] =	vst v63  }
0x232: {  	s8 =	simm.s32 $0x2B80;
	s0 =	sadd.s32 $0x1000, s0;
	(v2sf) =	vpush v41, $0xA  }
0x233: {  	[hbm4b:s0+s20] =	stream.linear.scatter [tilespmem:s8], [sflag:$0x2], $0x400, $0x38;
	[tilespmem:$0x3380] =	vst v63  }
0x234: {  	(v2sf) =	vpush v41, $0xB;
	s8 =	rddreg [dreg:$0xc]  }
0x235: {  	s31 =	rddreg [dreg:$0xd];
	(v2sf) =	vpush v41, $0xC  }
0x236: {  	s0 =	spop (drf);
	s4 =	rddreg [dreg:$0xe];
	(v2sf) =	vpush v41, $0xD  }
0x237: {  	s12 =	spop (v2sf);
	s3 =	rddreg [dreg:$0x1d];
	(v2sf) =	vpush v41, $0xE  }
0x238: {  	s10 =	sor.u32 $0x90, s22;
	s5 =	sld [smem:$0x7F6];
	s2 =	spop (drf)  }
0x239: {  	v4 =	vor.u32 s10, v2;
	(drf) =	sdiv.u32 s12, s8;
	s14 =	spop (v2sf)  }
0x23a: {  	(drf) =	sdiv.u32 s14, s31;
	s16 =	spop (v2sf);
	(v2sf) =	vpush v4, $0x0  }
0x23b: {  	(drf) =	sdiv.u32 s16, s4;
	s18 =	spop (v2sf);
	(v2sf) =	vpush v4, $0xF  }
0x23c: {  	(drf) =	sdiv.u32 s18, s3;
	s20 =	spop (v2sf)  }
0x23d: {  	s18 =	rddreg [dreg:$0xf];
	(drf) =	sdiv.u32 s20, s5  }
0x23e: {  	s23 =	spop (v2sf);
	s20 =	rddreg [dreg:$0x11]  }
0x23f: {  	(drf) =	sdiv.u32 s23, s18;
	s10 =	spop (v2sf)  }
0x240: {  	(drf) =	sdiv.u32 s10, s20;
	s12 =	spop (v2sf)  }
0x241: {  	(drf) =	sdiv.u32 s12, s9;
	s14 =	spop (v2sf)  }
0x242: {  	(drf) =	sdiv.u32 s14, s24;
	s16 =	spop (v2sf)  }
0x243: {  	(drf) =	sdiv.u32 s16, s29;
	s23 =	spop (v2sf)  }
0x244: {  	s10 =	smov.u32 s24;
	s16 =	rddreg [dreg:$0x9];
	s24 =	spop (v2sf)  }
0x245: {  	s14 =	smov.u32 s26;
	(drf) =	sdiv.u32 s23, s26;
	s26 =	spop (v2sf)  }
0x246: {  	(drf) =	sdiv.u32 s24, s25;
	s12 =	spop (v2sf)  }
0x247: {  	s15 =	smov.u32 s25;
	(drf) =	sdiv.u32 s26, s16;
	s26 =	spop (drf)  }
0x248: {  	s0 =	sxor.u32 s28, s0;
	(drf) =	sdiv.u32 s12, s11;
	s12 =	rddreg [dreg:$0x10]  }
0x249: {  	s0 =	ssub.s32 s0, s28;
	s23 =	spop (v2sf);
	s11 =	rddreg [dreg:$0x13]  }
0x24a: {  	(drf) =	sdiv.u32 s23, s6;
	s24 =	spop (v2sf);
	s25 =	sxor.u32 s12, s2  }
0x24b: {  	(drf) =	sdiv.u32 s24, s7;
	s1 =	ssub.s32 s25, s12;
	s7 =	spop (drf)  }
0x24c: {  	s6 =	sxor.u32 s11, s26;
	s24 =	rddreg [dreg:$0x14];
	v39 =	vmov s1;
	s26 =	spop (drf)  }
0x24d: {  	s23 =	ssub.s32 s6, s11;
	s25 =	sxor.u32 s24, s7;
	v5 =	vsel vm9, s0, v39;
	s6 =	spop (drf)  }
0x24e: {  	s1 =	ssub.s32 s25, s24;
	s2 =	sxor.u32 s30, s26;
	v5 =	vsel vm10, s23, v5;
	s23 =	sxor.u32 s13, s6  }
0x24f: {  	s24 =	spop (drf);
	s25 =	ssub.s32 s23, s13;
	s13 =	sld [smem:$0x7F9]  }
0x250: {  	(v2sf) =	vpush v4, $0x1;
	s7 =	ssub.s32 s2, s30;
	s30 =	spop (drf)  }
0x251: {  	v5 =	vsel vm11, s1, v5;
	s2 =	sxor.u32 s17, s30;
	s6 =	spop (drf)  }
0x252: {  	(v2sf) =	vpush v4, $0x2;
	v5 =	vsel vm12, s7, v5;
	s7 =	ssub.s32 s2, s17;
	s23 =	spop (drf);
	s26 =	sxor.u32 s13, s24  }
0x253: {  	(v2sf) =	vpush v4, $0x3;
	v5 =	vsel vm13, s25, v5;
	s24 =	smov.u32 s17;
	s17 =	sxor.u32 s21, s6;
	s1 =	ssub.s32 s26, s13  }
0x254: {  	(v2sf) =	vpush v4, $0x4;
	s30 =	spop (drf);
	s6 =	rddreg [dreg:$0x1c];
	s25 =	ssub.s32 s17, s21;
	v5 =	vsel vm14, s1, v5  }
0x255: {  	(v2sf) =	vpush v4, $0x5;
	s26 =	sxor.u32 s19, s23;
	s17 =	spop (drf);
	v5 =	vsel vm7, s7, v5;
	s7 =	sxor.u32 s6, s30  }
0x256: {  	(v2sf) =	vpush v4, $0x6;
	s1 =	ssub.s32 s26, s19;
	s19 =	ssub.s32 s7, s6;
	s7 =	rddreg [dreg:$0x1e]  }
0x257: {  	(v2sf) =	vpush v4, $0x7;
	v5 =	vsel vm8, s25, v5;
	s21 =	sxor.u32 s7, s17  }
0x258: {  	(v2sf) =	vpush v4, $0x8;
	v5 =	vsel vm6, s1, v5;
	s25 =	ssub.s32 s21, s7;
	s21 =	rddreg [dreg:$0x1f]  }
0x259: {  	(v2sf) =	vpush v4, $0x9;
	s23 =	spop (drf);
	v5 =	vsel vm5, s19, v5;
	s19 =	sld [smem:$0x7FB]  }
0x25a: {  	(v2sf) =	vpush v4, $0xA;
	s30 =	spop (drf);
	s26 =	sxor.u32 s21, s23;
	s23 =	sld [smem:$0x7FA]  }
0x25b: {  	(v2sf) =	vpush v4, $0xB;
	s17 =	spop (drf)  }
0x25c: {  	(v2sf) =	vpush v4, $0xC;
	s1 =	ssub.s32 s26, s21;
	s26 =	sxor.u32 s19, s17;
	s17 =	sld [smem:$0x7FC]  }
0x25d: {  	(v2sf) =	vpush v4, $0xD;
	v5 =	vsel vm4, s25, v5;
	s2 =	sxor.u32 s23, s30;
	s30 =	spop (drf)  }
0x25e: {  	v5 =	vsel vm3, s1, v5;
	s25 =	ssub.s32 s2, s23;
	s0 =	spop (drf)  }
0x25f: {  	(v2sf) =	vpush v4, $0xE;
	s1 =	ssub.s32 s26, s19;
	v5 =	vsel vm2, s25, v5;
	s25 =	sxor.u32 s17, s30;
	s30 =	spop (v2sf)  }
0x260: {  	v5 =	vsel vm1, s1, v5;
	s1 =	spop (drf);
	(drf) =	sdiv.u32 s30, s8  }
0x261: {  	s26 =	ssub.s32 s25, s17;
	s25 =	spop (v2sf);
	s30 =	sld [smem:$0x7FD]  }
0x262: {  	v5 =	vsel vm0, s26, v5;
	(drf) =	sdiv.u32 s25, s31;
	s26 =	spop (v2sf)  }
0x263: {  	(drf) =	sdiv.u32 s26, s4;
	s25 =	spop (v2sf)  }
0x264: {  	v40 =	vmul.u32 v0, v5;
	(drf) =	sdiv.u32 s25, s3;
	s26 =	spop (v2sf)  }
0x265: {  	(drf) =	sdiv.u32 s26, s5;
	s3 =	spop (v2sf)  }
0x266: {  	v42 =	vld [tilespmem:$0x780];
	v3 =	vsub.s32 v41, v40;
	s26 =	smov.u32 s18;
	(drf) =	sdiv.u32 s3, s18;
	s18 =	spop (v2sf)  }
0x267: {  	v43 =	vld [tilespmem:$0x1780];
	vm15 =	vlt.s32 v3, s30;
	(drf) =	sdiv.u32 s18, s20;
	s3 =	spop (v2sf)  }
0x268: {  	v44 =	vld [tilespmem:$0x800];
	s0 =	sxor.u32 s28, s0;
	v5 =	vadd.s32 $0x1, v5;
	v41 =	vsel vm15, $0x108, v1;
	(drf) =	sdiv.u32 s3, s9;
	s18 =	spop (v2sf)  }
0x269: {  	v45 =	vld [tilespmem:$0x1800];
	s0 =	ssub.s32 s0, s28;
	vm15 =	vlt.s32 v5, $0x40;
	v3 =	vadd.s32 v3, v41;
	(drf) =	sdiv.u32 s18, s10;
	s3 =	spop (v2sf)  }
0x26a: {  	v46 =	vld [tilespmem:$0x880];
	s1 =	sxor.u32 s12, s1;
	v5 =	vnsel vm15, $0x40, v5;
	(drf) =	sdiv.u32 s3, s29;
	s10 =	spop (v2sf)  }
0x26b: {  	v48 =	vld [tilespmem:$0x1880];
	s1 =	ssub.s32 s1, s12;
	(drf) =	sdiv.u32 s10, s14;
	s14 =	spop (v2sf)  }
0x26c: {  	v49 =	vld [tilespmem:$0x900];
	s25 =	smov.u32 s20;
	s20 =	simm.s32 $0x0;
	s18 =	spop (v2sf)  }
0x26d: {  	v50 =	vld [tilespmem:$0x1900];
	(drf) =	sdiv.u32 s14, s15;
	s15 =	sor.u32 $0xA0, s22;
	s22 =	spop (drf)  }
0x26e: {  	s9 =	simm.s32 $0x280;
	s3 =	rddreg [dreg:$0xa];
	v6 =	vld.idx.msk [tilespmem:v3+s20+$0x0], $0xffff;
	s20 =	spop (v2sf)  }
0x26f: {  	v5 =	vld.idx.msk [tilespmem:v5+s9+$0x0], $0xffff;
	(drf) =	sdiv.u32 s18, s16;
	s2 =	sxor.u32 s11, s22;
	s9 =	spop (drf)  }
0x270: {  	v51 =	vld [tilespmem:$0x980];
	v3 =	vor.u32 s15, v2;
	(drf) =	sdiv.u32 s20, s3;
	s10 =	ssub.s32 s2, s11;
	s11 =	rddreg [dreg:$0x14]  }
0x271: {  	v52 =	vld [tilespmem:$0x1980];
	v47 =	vmov s1;
	s14 =	smov.u32 s28;
	(v2sf) =	vpush v3, $0x0;
	s15 =	spop (drf);
	s20 =	rddreg [dreg:$0x15]  }
0x272: {  	v53 =	vld [tilespmem:$0xA00];
	v12 =	vsel vm9, s0, v47;
	s16 =	smov.u32 s12;
	(v2sf) =	vpush v3, $0xF;
	s12 =	sxor.u32 s11, s9;
	s22 =	sxor.u32 s20, s15  }
0x273: {  	v54 =	vld [tilespmem:$0x1A00];
	v12 =	vsel vm10, s10, v12;
	s28 =	spop (drf);
	s10 =	rddreg [dreg:$0x18];
	s18 =	ssub.s32 s12, s11;
	(v2sf) =	vpush v3, $0x1  }
0x274: {  	v55 =	vld [tilespmem:$0xA80];
	s9 =	ssub.s32 s22, s20;
	s22 =	smov.u32 s20;
	s11 =	sxor.u32 s10, s28  }
0x275: {  	v56 =	vld [tilespmem:$0x1A80];
	s12 =	spop (drf);
	v12 =	vsel vm11, s18, v12;
	s15 =	ssub.s32 s11, s10;
	s18 =	smov.u32 s13;
	(v2sf) =	vpush v3, $0x2  }
0x276: {  	v57 =	vld [tilespmem:$0xB00];
	s20 =	sxor.u32 s13, s12;
	s28 =	spop (drf);
	s11 =	rddreg [dreg:$0x1a];
	v12 =	vsel vm12, s9, v12;
	v5 =	vadd.f32 v5, v6;
	(v2sf) =	vpush v3, $0x3  }
0x277: {  	v58 =	vld [tilespmem:$0x1B00];
	s1 =	ssub.s32 s20, s13;
	s2 =	sxor.u32 s24, s28;
	s9 =	spop (drf);
	v12 =	vsel vm13, s15, v12;
	(v2sf) =	vpush v3, $0x4  }
0x278: {  	v29 =	vld [tilespmem:$0x2080];
	s12 =	ssub.s32 s2, s24;
	s13 =	sxor.u32 s11, s9;
	s15 =	spop (drf);
	v12 =	vsel vm14, s1, v12;
	v8 =	vmul.f32 v43, v5;
	(v2sf) =	vpush v3, $0x5  }
0x279: {  	v59 =	vld [tilespmem:$0xF80];
	s20 =	ssub.s32 s13, s11;
	s28 =	spop (drf);
	v10 =	vmul.f32 v45, v5;
	v63 =	vmul.f32 v48, v5;
	v12 =	vsel vm7, s12, v12;
	s12 =	rddreg [dreg:$0x1b]  }
0x27a: {  	v34 =	vld [tilespmem:$0x2100];
	v28 =	vmul.f32 v50, v5;
	v30 =	vmul.f32 v52, v5;
	s9 =	sxor.u32 s6, s28;
	s13 =	spop (drf);
	(v2sf) =	vpush v3, $0x6;
	s24 =	sxor.u32 s12, s15  }
0x27b: {  	v60 =	vld [tilespmem:$0x1F80];
	v33 =	vmul.f32 v54, v5;
	v12 =	vsel vm8, s20, v12;
	s20 =	sxor.u32 s7, s13;
	(v2sf) =	vpush v3, $0x7;
	s1 =	ssub.s32 s24, s12;
	s24 =	spop (drf)  }
0x27c: {  	v61 =	vld [tilespmem:$0x1000];
	v36 =	vmul.f32 v56, v5;
	s28 =	smov.u32 s7;
	(v2sf) =	vpush v3, $0x8;
	v12 =	vsel vm6, s1, v12;
	s1 =	ssub.s32 s20, s7;
	s7 =	spop (drf)  }
0x27d: {  	v62 =	vld [tilespmem:$0x2000];
	v39 =	vmul.f32 v58, v5;
	v48 =	vmul.f32 v29, v5;
	s15 =	ssub.s32 s9, s6;
	v7 =	vadd.f32 v8, v42;
	s6 =	sxor.u32 s21, s24;
	s13 =	sxor.u32 s23, s7  }
0x27e: {  	v40 =	vld [tilespmem:$0x2200];
	v9 =	vadd.f32 v10, v44;
	(v2sf) =	vpush v3, $0x9;
	v12 =	vsel vm5, s15, v12;
	s9 =	ssub.s32 s6, s21;
	s15 =	spop (drf);
	s20 =	ssub.s32 s13, s23  }
0x27f: {  	v27 =	vld [tilespmem:$0x1080];
	v14 =	vmul.f32 v34, v5;
	v8 =	vadd.f32 v63, v46;
	[tilespmem:$0x2780] =	vst v7;
	v12 =	vsel vm4, s1, v12;
	s24 =	sxor.u32 s19, s15;
	s13 =	rddreg [dreg:$0x7];
	s7 =	spop (drf)  }
0x280: {  	v31 =	vld [tilespmem:$0x1100];
	v32 =	vadd.f32 v28, v49;
	[tilespmem:$0x2800] =	vst v9;
	(v2sf) =	vpush v3, $0xA;
	s15 =	rddreg [dreg:$0xb];
	v12 =	vsel vm3, s9, v12;
	s1 =	ssub.s32 s24, s19;
	s2 =	spop (v2sf)  }
0x281: {  	v37 =	vld [tilespmem:$0x2180];
	v35 =	vadd.f32 v30, v51;
	[tilespmem:$0x2880] =	vst v8;
	(v2sf) =	vpush v3, $0xB;
	s0 =	sxor.u32 s17, s7;
	v12 =	vsel vm2, s20, v12;
	(drf) =	sdiv.u32 s2, s13;
	s6 =	spop (v2sf)  }
0x282: {  	v47 =	vld [tilespmem:$0x2280];
	v38 =	vadd.f32 v33, v53;
	[tilespmem:$0x2900] =	vst v32;
	(v2sf) =	vpush v3, $0xC;
	s0 =	ssub.s32 s0, s17;
	v12 =	vsel vm1, s1, v12;
	(drf) =	sdiv.u32 s6, s15;
	s9 =	spop (v2sf)  }
0x283: {  	v43 =	vld [tilespmem:$0x1180];
	v52 =	vmul.f32 v40, v5;
	v41 =	vadd.f32 v36, v55;
	[tilespmem:$0x2980] =	vst v35;
	v12 =	vsel vm0, s0, v12;
	(drf) =	sdiv.u32 s9, s8  }
0x284: {  	v45 =	vld [tilespmem:$0x1200];
	v44 =	vadd.f32 v39, v57;
	[tilespmem:$0x2A00] =	vst v38;
	(v2sf) =	vpush v3, $0xD;
	v50 =	vmul.u32 v0, v12;
	s20 =	spop (v2sf);
	s8 =	rddreg [dreg:$0x1d]  }
0x285: {  	v42 =	vmul.f32 v60, v5;
	v49 =	vld [tilespmem:$0x2300];
	v54 =	vadd.f32 v48, v27;
	[tilespmem:$0x2A80] =	vst v41;
	s7 =	smov.u32 s31;
	(v2sf) =	vpush v3, $0xE;
	(drf) =	sdiv.u32 s20, s31;
	s24 =	spop (v2sf)  }
0x286: {  	v46 =	vmul.f32 v62, v5;
	v53 =	vld [tilespmem:$0x1280];
	v55 =	vadd.f32 v14, v31;
	[tilespmem:$0x2B00] =	vst v44;
	v4 =	vsub.s32 v4, v50;
	s20 =	smov.u32 s30;
	(drf) =	sdiv.u32 s24, s4;
	s31 =	spop (v2sf)  }
0x287: {  	v56 =	vld [tilespmem:$0x1300];
	v51 =	vmul.f32 v37, v5;
	v6 =	vadd.f32 v42, v59;
	[tilespmem:$0x3080] =	vst v54;
	vm15 =	vlt.s32 v4, s30;
	s30 =	smov.u32 s4;
	(drf) =	sdiv.u32 s31, s8;
	s4 =	spop (v2sf)  }
0x288: {  	v8 =	vadd.f32 v46, v61;
	v59 =	vmul.f32 v47, v5;
	[tilespmem:$0x3100] =	vst v55;
	(drf) =	sdiv.u32 s4, s5  }
0x289: {  	v57 =	vadd.f32 v51, v43;
	v58 =	vadd.f32 v52, v45;
	[tilespmem:$0x2F80] =	vst v6;
	v61 =	vsel vm15, $0x108, v1;
	s6 =	spop (v2sf);
	s4 =	rddreg [dreg:$0x12]  }
0x28a: {  	[tilespmem:$0x3000] =	vst v8;
	v5 =	vmul.f32 v49, v5;
	v60 =	vadd.s32 $0x1, v12;
	s9 =	smov.u32 s5;
	v4 =	vadd.s32 v4, v61;
	s5 =	sld [smem:$0x7F7];
	s24 =	spop (v2sf)  }
0x28b: {  	[tilespmem:$0x3180] =	vst v57;
	v6 =	vadd.f32 v59, v53;
	vm15 =	vlt.s32 v60, $0x40;
	(drf) =	sdiv.u32 s6, s26;
	s26 =	spop (v2sf)  }
0x28c: {  	[tilespmem:$0x3200] =	vst v58;
	v5 =	vadd.f32 v5, v56;
	v62 =	vnsel vm15, $0x40, v60;
	(drf) =	sdiv.u32 s24, s25;
	s0 =	spop (drf)  }
0x28d: {  	[tilespmem:$0x3280] =	vst v6;
	(drf) =	sdiv.u32 s26, s4;
	s31 =	spop (v2sf)  }
0x28e: {  	[tilespmem:$0x3300] =	vst v5;
	s6 =	simm.s32 $0x0;
	s1 =	spop (drf);
	(drf) =	sdiv.u32 s31, s5  }
0x28f: {  	s25 =	simm.s32 $0x280;
	s24 =	spop (v2sf);
	v5 =	vld.idx.msk [tilespmem:v4+s6+$0x0], $0xffff;
	s6 =	sld [smem:$0x7F5]  }
0x290: {  	(drf) =	sdiv.u32 s24, s29;
	s24 =	smov.u32 s29;
	s26 =	spop (v2sf)  }
0x291: {  	v6 =	vld.idx.msk [tilespmem:v62+s25+$0x0], $0xffff;
	s25 =	rddreg [dreg:$0x9];
	s1 =	sxor.u32 s16, s1;
	s29 =	spop (v2sf)  }
0x292: {  	s1 =	ssub.s32 s1, s16;
	s16 =	rddreg [dreg:$0x13];
	(drf) =	sdiv.u32 s26, s6  }
0x293: {  	v29 =	vld [tilespmem:$0x1790];
	s26 =	rddreg [dreg:$0x16];
	s31 =	spop (v2sf)  }
0x294: {  	v34 =	vld [tilespmem:$0x1890];
	(drf) =	sdiv.u32 s29, s26;
	s29 =	spop (v2sf)  }
0x295: {  	v40 =	vld [tilespmem:$0xA10];
	s0 =	sxor.u32 s14, s0;
	(drf) =	sdiv.u32 s31, s25;
	s31 =	spop (drf)  }
0x296: {  	v63 =	vld [tilespmem:$0x790];
	s0 =	ssub.s32 s0, s14;
	(drf) =	sdiv.u32 s29, s3;
	s31 =	sxor.u32 s16, s31  }
0x297: {  	v30 =	vld [tilespmem:$0x810];
	v33 =	vmov s1;
	s3 =	spop (drf);
	s1 =	ssub.s32 s31, s16;
	s31 =	rddreg [dreg:$0x14]  }
0x298: {  	v31 =	vld [tilespmem:$0x1810];
	v4 =	vsel vm9, s0, v33;
	s29 =	smov.u32 s14;
	s2 =	spop (drf);
	s14 =	sxor.u32 s31, s3  }
0x299: {  	v36 =	vld [tilespmem:$0x1910];
	v4 =	vsel vm10, s1, v4;
	s2 =	sxor.u32 s22, s2;
	s1 =	ssub.s32 s14, s31  }
0x29a: {  	v37 =	vld [tilespmem:$0x990];
	s3 =	ssub.s32 s2, s22;
	v4 =	vsel vm11, s1, v4  }
0x29b: {  	v39 =	vld [tilespmem:$0x1990];
	v38 =	vsel vm12, s3, v4;
	s3 =	rddreg [dreg:$0x8]  }
0x29c: {  	v48 =	vld [tilespmem:$0x1010];
	s2 =	sor.u32 $0xB0, s3  }
0x29d: {  	v28 =	vld [tilespmem:$0x1190];
	v4 =	vor.u32 s2, v2  }
0x29e: {  	v32 =	vld [tilespmem:$0x890];
	s16 =	spop (drf);
	(v2sf) =	vpush v4, $0x0  }
0x29f: {  	v35 =	vld [tilespmem:$0x910];
	s14 =	sxor.u32 s10, s16  }
0x2a0: {  	v41 =	vld [tilespmem:$0x1A10];
	v5 =	vadd.f32 v6, v5;
	s16 =	smov.u32 s22;
	s1 =	ssub.s32 s14, s10;
	s14 =	spop (drf);
	(v2sf) =	vpush v4, $0xF  }
0x2a1: {  	v42 =	vld [tilespmem:$0xA90];
	s22 =	sxor.u32 s18, s14;
	s10 =	spop (drf);
	s14 =	rddreg [dreg:$0x19];
	(v2sf) =	vpush v4, $0x1  }
0x2a2: {  	v43 =	vld [tilespmem:$0x1A90];
	v8 =	vmul.f32 v29, v5;
	v16 =	vsel vm13, s1, v38;
	s0 =	ssub.s32 s22, s18;
	s18 =	sxor.u32 s14, s10;
	s22 =	spop (drf);
	(v2sf) =	vpush v4, $0x2  }
0x2a3: {  	v45 =	vld [tilespmem:$0x1B10];
	v10 =	vmul.f32 v31, v5;
	v16 =	vsel vm14, s0, v16;
	s3 =	ssub.s32 s18, s14;
	s10 =	sxor.u32 s11, s22;
	(v2sf) =	vpush v4, $0x3  }
0x2a4: {  	v44 =	vld [tilespmem:$0xB10];
	v12 =	vmul.f32 v34, v5;
	s18 =	spop (drf);
	s22 =	smov.u32 s11;
	v16 =	vsel vm7, s3, v16;
	s10 =	ssub.s32 s10, s11;
	(v2sf) =	vpush v4, $0x4  }
0x2a5: {  	v47 =	vld [tilespmem:$0x1F90];
	v14 =	vmul.f32 v36, v5;
	s11 =	sxor.u32 s12, s18;
	s18 =	spop (drf);
	v16 =	vsel vm8, s10, v16;
	s10 =	rddreg [dreg:$0x1c];
	(v2sf) =	vpush v4, $0x5  }
0x2a6: {  	v46 =	vld [tilespmem:$0xF90];
	v52 =	vmul.f32 v39, v5;
	v55 =	vmul.f32 v41, v5;
	s3 =	smov.u32 s12;
	s1 =	ssub.s32 s11, s12;
	s12 =	sxor.u32 s10, s18  }
0x2a7: {  	v49 =	vld [tilespmem:$0x2010];
	v57 =	vmul.f32 v43, v5;
	s18 =	spop (drf);
	v16 =	vsel vm6, s1, v16;
	s1 =	ssub.s32 s12, s10;
	(v2sf) =	vpush v4, $0x6  }
0x2a8: {  	v53 =	vld [tilespmem:$0x2090];
	v59 =	vmul.f32 v45, v5;
	v7 =	vadd.f32 v8, v63;
	s12 =	smov.u32 s10;
	s2 =	sxor.u32 s28, s18;
	s10 =	spop (drf);
	(v2sf) =	vpush v4, $0x7  }
0x2a9: {  	v58 =	vld [tilespmem:$0x2110];
	v51 =	vadd.f32 v10, v30;
	v16 =	vsel vm5, s1, v16;
	s11 =	ssub.s32 s2, s28;
	s18 =	sxor.u32 s21, s10;
	s28 =	spop (drf);
	(v2sf) =	vpush v4, $0x8  }
0x2aa: {  	v56 =	vld [tilespmem:$0x1110];
	v6 =	vmul.f32 v47, v5;
	v11 =	vadd.f32 v12, v32;
	[tilespmem:$0x2790] =	vst v7;
	v16 =	vsel vm4, s11, v16;
	s1 =	ssub.s32 s18, s21;
	s2 =	sxor.u32 s23, s28;
	s10 =	spop (drf)  }
0x2ab: {  	v60 =	vld [tilespmem:$0x2190];
	v54 =	vadd.f32 v14, v35;
	[tilespmem:$0x2810] =	vst v51;
	v16 =	vsel vm3, s1, v16;
	s11 =	ssub.s32 s2, s23;
	s18 =	sxor.u32 s19, s10;
	s28 =	spop (drf);
	(v2sf) =	vpush v4, $0x9  }
0x2ac: {  	v50 =	vld [tilespmem:$0x1090];
	v9 =	vadd.f32 v52, v37;
	[tilespmem:$0x2890] =	vst v11;
	v16 =	vsel vm2, s11, v16;
	s1 =	ssub.s32 s18, s19;
	s2 =	sxor.u32 s17, s28;
	(v2sf) =	vpush v4, $0xA  }
0x2ad: {  	v62 =	vld [tilespmem:$0x2210];
	v26 =	vmul.f32 v49, v5;
	v13 =	vadd.f32 v55, v40;
	[tilespmem:$0x2910] =	vst v54;
	v16 =	vsel vm1, s1, v16;
	s10 =	ssub.s32 s2, s17;
	s11 =	spop (v2sf)  }
0x2ae: {  	v29 =	vld [tilespmem:$0x1210];
	v61 =	vadd.f32 v57, v42;
	[tilespmem:$0x2990] =	vst v9;
	v16 =	vsel vm0, s10, v16;
	(v2sf) =	vpush v4, $0xB;
	(drf) =	sdiv.u32 s11, s13  }
0x2af: {  	v31 =	vld [tilespmem:$0x2290];
	v63 =	vadd.f32 v59, v44;
	[tilespmem:$0x2A10] =	vst v13;
	v38 =	vmul.u32 v0, v16;
	(v2sf) =	vpush v4, $0xC;
	s13 =	spop (v2sf);
	s11 =	rddreg [dreg:$0xc]  }
0x2b0: {  	v17 =	vmul.f32 v58, v5;
	v33 =	vmul.f32 v60, v5;
	v34 =	vld [tilespmem:$0x2310];
	v6 =	vadd.f32 v6, v46;
	[tilespmem:$0x2A90] =	vst v61;
	(drf) =	sdiv.u32 s13, s15;
	s17 =	spop (v2sf)  }
0x2b1: {  	v30 =	vadd.f32 v26, v48;
	v40 =	vld [tilespmem:$0x1290];
	[tilespmem:$0x2B10] =	vst v63;
	v3 =	vsub.s32 v3, v38;
	(v2sf) =	vpush v4, $0xD;
	(drf) =	sdiv.u32 s17, s11;
	s18 =	spop (v2sf)  }
0x2b2: {  	v10 =	vmul.f32 v53, v5;
	v35 =	vadd.f32 v17, v56;
	v42 =	vld [tilespmem:$0x1310];
	[tilespmem:$0x2F90] =	vst v6;
	s10 =	smov.u32 s20;
	vm15 =	vlt.s32 v3, s20;
	(drf) =	sdiv.u32 s18, s7;
	s20 =	spop (v2sf)  }
0x2b3: {  	v36 =	vmul.f32 v62, v5;
	v37 =	vadd.f32 v33, v28;
	[tilespmem:$0x3010] =	vst v30;
	(v2sf) =	vpush v4, $0xE;
	(drf) =	sdiv.u32 s20, s30;
	s7 =	spop (v2sf)  }
0x2b4: {  	v32 =	vadd.f32 v10, v50;
	[tilespmem:$0x3110] =	vst v35;
	v41 =	vmul.f32 v31, v5;
	v44 =	vsel vm15, $0x108, v1;
	(drf) =	sdiv.u32 s7, s8;
	s13 =	spop (v2sf)  }
0x2b5: {  	[tilespmem:$0x3190] =	vst v37;
	v39 =	vadd.f32 v36, v29;
	v5 =	vmul.f32 v34, v5;
	v3 =	vadd.s32 v3, v44;
	s20 =	rddreg [dreg:$0xf];
	(drf) =	sdiv.u32 s13, s9  }
0x2b6: {  	v47 =	vld [tilespmem:$0x17A0];
	[tilespmem:$0x3090] =	vst v32;
	v6 =	vadd.f32 v41, v40;
	s15 =	spop (v2sf);
	s9 =	rddreg [dreg:$0x11]  }
0x2b7: {  	v49 =	vld [tilespmem:$0x1820];
	[tilespmem:$0x3210] =	vst v39;
	v5 =	vadd.f32 v5, v42;
	(drf) =	sdiv.u32 s15, s20;
	s17 =	spop (v2sf)  }
0x2b8: {  	v58 =	vld [tilespmem:$0x1A20];
	[tilespmem:$0x3290] =	vst v6;
	(drf) =	sdiv.u32 s17, s9;
	s18 =	spop (v2sf)  }
0x2b9: {  	v60 =	vld [tilespmem:$0x1AA0];
	[tilespmem:$0x3310] =	vst v5;
	s28 =	simm.s32 $0x0;
	s0 =	spop (drf);
	(drf) =	sdiv.u32 s18, s4  }
0x2ba: {  	v3 =	vld.idx.msk [tilespmem:v3+s28+$0x0], $0xffff;
	s28 =	spop (v2sf);
	s18 =	rddreg [dreg:$0x10]  }
0x2bb: {  	v62 =	vld [tilespmem:$0x1B20];
	s7 =	simm.s32 $0x280;
	(drf) =	sdiv.u32 s28, s5;
	s4 =	spop (v2sf)  }
0x2bc: {  	v46 =	vld [tilespmem:$0x7A0];
	s1 =	spop (drf);
	s0 =	sxor.u32 s29, s0;
	(drf) =	sdiv.u32 s4, s24  }
0x2bd: {  	v48 =	vld [tilespmem:$0x820];
	v43 =	vadd.s32 $0x1, v16;
	s28 =	smov.u32 s29;
	s5 =	spop (v2sf);
	s4 =	rddreg [dreg:$0x13]  }
0x2be: {  	v52 =	vld [tilespmem:$0x920];
	vm15 =	vlt.s32 v43, $0x40;
	s24 =	smov.u32 s6;
	(drf) =	sdiv.u32 s5, s6;
	s13 =	spop (v2sf)  }
0x2bf: {  	v53 =	vld [tilespmem:$0x1920];
	v45 =	vnsel vm15, $0x40, v43;
	s1 =	sxor.u32 s18, s1;
	(drf) =	sdiv.u32 s13, s26;
	s26 =	spop (drf)  }
0x2c0: {  	v55 =	vld [tilespmem:$0x19A0];
	s0 =	ssub.s32 s0, s29;
	s6 =	rddreg [dreg:$0xa];
	s15 =	spop (v2sf)  }
0x2c1: {  	v56 =	vld [tilespmem:$0xA20];
	s1 =	ssub.s32 s1, s18;
	s5 =	sxor.u32 s4, s26;
	s13 =	spop (drf)  }
0x2c2: {  	v59 =	vld [tilespmem:$0xAA0];
	(drf) =	sdiv.u32 s15, s25;
	s17 =	spop (v2sf);
	s15 =	smov.u32 s4  }
0x2c3: {  	v28 =	vld [tilespmem:$0x1FA0];
	v57 =	vmov s1;
	s26 =	sxor.u32 s31, s13;
	s29 =	spop (drf);
	(drf) =	sdiv.u32 s17, s6  }
0x2c4: {  	v5 =	vld.idx.msk [tilespmem:v45+s7+$0x0], $0xffff;
	v17 =	vsel vm9, s0, v57;
	s17 =	ssub.s32 s5, s4;
	s4 =	ssub.s32 s26, s31;
	s5 =	sxor.u32 s16, s29  }
0x2c5: {  	v33 =	vld [tilespmem:$0x20A0];
	s13 =	spop (drf);
	v17 =	vsel vm10, s17, v17;
	s16 =	ssub.s32 s5, s16;
	s5 =	sld [smem:$0x7F9]  }
0x2c6: {  	v50 =	vld [tilespmem:$0x8A0];
	s18 =	rddreg [dreg:$0x18];
	s17 =	smov.u32 s31;
	s31 =	spop (drf);
	v17 =	vsel vm11, s4, v17  }
0x2c7: {  	v51 =	vld [tilespmem:$0x18A0];
	s26 =	sxor.u32 s18, s13;
	v17 =	vsel vm12, s16, v17;
	s16 =	spop (drf)  }
0x2c8: {  	v54 =	vld [tilespmem:$0x9A0];
	s4 =	ssub.s32 s26, s18;
	s13 =	sxor.u32 s5, s31;
	s29 =	sxor.u32 s14, s16  }
0x2c9: {  	v61 =	vld [tilespmem:$0xB20];
	v3 =	vadd.f32 v5, v3;
	s31 =	spop (drf);
	s26 =	ssub.s32 s13, s5;
	s1 =	ssub.s32 s29, s14  }
0x2ca: {  	v63 =	vld [tilespmem:$0xFA0];
	v17 =	vsel vm13, s4, v17;
	s2 =	sxor.u32 s22, s31;
	s4 =	spop (drf);
	s31 =	rddreg [dreg:$0x1e]  }
0x2cb: {  	v30 =	vld [tilespmem:$0x2020];
	v7 =	vmul.f32 v47, v3;
	v17 =	vsel vm14, s26, v17;
	s5 =	ssub.s32 s2, s22;
	s13 =	sxor.u32 s3, s4;
	s14 =	spop (drf)  }
0x2cc: {  	v35 =	vld [tilespmem:$0x1120];
	v9 =	vmul.f32 v49, v3;
	v32 =	vmul.f32 v51, v3;
	v17 =	vsel vm7, s1, v17;
	s16 =	ssub.s32 s13, s3;
	s22 =	sxor.u32 s12, s14;
	s26 =	spop (drf)  }
0x2cd: {  	v29 =	vld [tilespmem:$0x1020];
	v34 =	vmul.f32 v53, v3;
	v6 =	vadd.f32 v7, v46;
	v17 =	vsel vm8, s5, v17;
	s29 =	ssub.s32 s22, s12;
	s22 =	smov.u32 s12;
	s3 =	sxor.u32 s31, s26  }
0x2ce: {  	v38 =	vld [tilespmem:$0x2120];
	v37 =	vmul.f32 v55, v3;
	v8 =	vadd.f32 v9, v48;
	s4 =	spop (drf);
	s12 =	smov.u32 s31;
	v17 =	vsel vm6, s16, v17;
	s5 =	ssub.s32 s3, s31  }
0x2cf: {  	v31 =	vld [tilespmem:$0x10A0];
	v41 =	vmul.f32 v58, v3;
	v36 =	vadd.f32 v32, v50;
	[tilespmem:$0x27A0] =	vst v6;
	s13 =	sxor.u32 s21, s4;
	s14 =	spop (drf);
	s3 =	sld [smem:$0x7FC];
	v17 =	vsel vm5, s29, v17  }
0x2d0: {  	v42 =	vld [tilespmem:$0x21A0];
	v44 =	vmul.f32 v60, v3;
	v40 =	vadd.f32 v34, v52;
	[tilespmem:$0x2820] =	vst v8;
	s16 =	ssub.s32 s13, s21;
	s21 =	sxor.u32 s23, s14;
	s26 =	spop (drf);
	v17 =	vsel vm4, s5, v17  }
0x2d1: {  	v45 =	vld [tilespmem:$0x2220];
	v47 =	vmul.f32 v62, v3;
	v43 =	vadd.f32 v37, v54;
	[tilespmem:$0x28A0] =	vst v36;
	s29 =	ssub.s32 s21, s23;
	s31 =	sxor.u32 s19, s26;
	s2 =	spop (drf);
	v17 =	vsel vm3, s16, v17  }
0x2d2: {  	v5 =	vmul.f32 v28, v3;
	v53 =	vld [tilespmem:$0x22A0];
	v46 =	vadd.f32 v41, v56;
	[tilespmem:$0x2920] =	vst v40;
	s1 =	ssub.s32 s31, s19;
	s4 =	sxor.u32 s3, s2;
	v39 =	vsel vm2, s29, v17  }
0x2d3: {  	v10 =	vmul.f32 v38, v3;
	v48 =	vld [tilespmem:$0x11A0];
	v49 =	vadd.f32 v44, v59;
	[tilespmem:$0x29A0] =	vst v43;
	s0 =	ssub.s32 s4, s3;
	v15 =	vsel vm1, s1, v39  }
0x2d4: {  	v55 =	vld [tilespmem:$0x2320];
	v51 =	vadd.f32 v47, v61;
	v5 =	vadd.f32 v5, v63;
	[tilespmem:$0x2A20] =	vst v46;
	v15 =	vsel vm0, s0, v15  }
0x2d5: {  	v50 =	vld [tilespmem:$0x1220];
	v52 =	vmul.f32 v30, v3;
	v54 =	vmul.f32 v33, v3;
	[tilespmem:$0x2AA0] =	vst v49;
	v56 =	vmul.u32 v0, v15  }
0x2d6: {  	v58 =	vmul.f32 v42, v3;
	v60 =	vld [tilespmem:$0x12A0];
	v59 =	vmul.f32 v45, v3;
	v62 =	vadd.f32 v10, v35;
	[tilespmem:$0x2B20] =	vst v51  }
0x2d7: {  	v63 =	vld [tilespmem:$0x1320];
	v57 =	vadd.f32 v52, v29;
	[tilespmem:$0x2FA0] =	vst v5;
	v61 =	vadd.f32 v54, v31;
	v4 =	vsub.s32 v4, v56  }
0x2d8: {  	[tilespmem:$0x3120] =	vst v62;
	v16 =	vadd.f32 v58, v48;
	v18 =	vadd.s32 $0x1, v15;
	vm15 =	vlt.s32 v4, s10  }
0x2d9: {  	[tilespmem:$0x3020] =	vst v57;
	v17 =	vmul.f32 v53, v3;
	v19 =	vsel vm15, $0x108, v1;
	vm15 =	vlt.s32 v18, $0x40  }
0x2da: {  	[tilespmem:$0x30A0] =	vst v61;
	v7 =	vadd.f32 v59, v50;
	v3 =	vmul.f32 v55, v3;
	v20 =	vnsel vm15, $0x40, v18  }
0x2db: {  	[tilespmem:$0x31A0] =	vst v16;
	v5 =	vadd.f32 v17, v60  }
0x2dc: {  	[tilespmem:$0x3220] =	vst v7;
	v3 =	vadd.f32 v3, v63  }
0x2dd: {  	[tilespmem:$0x32A0] =	vst v5  }
0x2de: {  	s19 =	rddreg [dreg:$0x8];
	[tilespmem:$0x3320] =	vst v3  }
0x2df: {  	v21 =	vld.idx.msk [tilespmem:v20+s7+$0x0], $0xffff;
	s7 =	sor.u32 $0xC0, s19  }
0x2e0: {  	v32 =	vor.u32 s7, v2  }
0x2e1: {  	(v2sf) =	vpush v32, $0x0  }
0x2e2: {  	(v2sf) =	vpush v32, $0xF  }
0x2e3: {  	(v2sf) =	vpush v32, $0x1  }
0x2e4: {  	(v2sf) =	vpush v32, $0x2  }
0x2e5: {  	(v2sf) =	vpush v32, $0x3  }
0x2e6: {  	v4 =	vadd.s32 v4, v19;
	(v2sf) =	vpush v32, $0x4  }
0x2e7: {  	(v2sf) =	vpush v32, $0x5  }
0x2e8: {  	(v2sf) =	vpush v32, $0x6  }
0x2e9: {  	(v2sf) =	vpush v32, $0x7  }
0x2ea: {  	s5 =	simm.s32 $0x0;
	(v2sf) =	vpush v32, $0x8  }
0x2eb: {  	v3 =	vld.idx.msk [tilespmem:v4+s5+$0x0], $0xffff;
	_ =	sdelay $0x1  }
0x2ec: {  	v27 =	vld [tilespmem:$0x1930]  }
0x2ed: {  	s31 =	rddreg [dreg:$0xd];
	(v2sf) =	vpush v32, $0x9  }
0x2ee: {  	v29 =	vld [tilespmem:$0x930];
	s3 =	rddreg [dreg:$0x7]  }
0x2ef: {  	s21 =	smov.u32 s10;
	s5 =	rddreg [dreg:$0xb];
	v4 =	vadd.f32 v21, v3;
	s10 =	spop (v2sf)  }
0x2f0: {  	v22 =	vld [tilespmem:$0x7B0];
	(v2sf) =	vpush v32, $0xA;
	(drf) =	sdiv.u32 s10, s3;
	s13 =	spop (v2sf)  }
0x2f1: {  	v23 =	vld [tilespmem:$0x17B0];
	v3 =	vmul.f32 v27, v4;
	(drf) =	sdiv.u32 s13, s5;
	s16 =	spop (v2sf)  }
0x2f2: {  	v25 =	vld [tilespmem:$0x1830];
	(v2sf) =	vpush v32, $0xB;
	(drf) =	sdiv.u32 s16, s11;
	s26 =	spop (v2sf)  }
0x2f3: {  	v26 =	vld [tilespmem:$0x18B0];
	v3 =	vadd.f32 v3, v29;
	(v2sf) =	vpush v32, $0xC;
	(drf) =	sdiv.u32 s26, s31;
	s29 =	spop (v2sf)  }
0x2f4: {  	v24 =	vld [tilespmem:$0x830];
	s14 =	sor.u32 $0xD0, s19;
	(v2sf) =	vpush v32, $0xD;
	(drf) =	sdiv.u32 s29, s30;
	s7 =	spop (v2sf)  }
0x2f5: {  	v28 =	vld [tilespmem:$0x8B0];
	[tilespmem:$0x2930] =	vst v3;
	v3 =	vor.u32 s14, v2;
	(v2sf) =	vpush v32, $0xE;
	(drf) =	sdiv.u32 s7, s8;
	s8 =	spop (v2sf)  }
0x2f6: {  	v6 =	vmul.f32 v23, v4;
	(v2sf) =	vpush v3, $0x0;
	s26 =	sld [smem:$0x7F6];
	s10 =	spop (v2sf)  }
0x2f7: {  	s4 =	smov.u32 s11;
	v8 =	vmul.f32 v25, v4;
	s11 =	spop (v2sf)  }
0x2f8: {  	v30 =	vmul.f32 v26, v4;
	v5 =	vadd.f32 v6, v22;
	s13 =	spop (v2sf)  }
0x2f9: {  	v7 =	vadd.f32 v8, v24;
	s0 =	spop (drf);
	(drf) =	sdiv.u32 s8, s26  }
0x2fa: {  	v31 =	vadd.f32 v30, v28;
	[tilespmem:$0x27B0] =	vst v5;
	s1 =	spop (drf);
	(drf) =	sdiv.u32 s10, s20  }
0x2fb: {  	[tilespmem:$0x2830] =	vst v7;
	s10 =	rddreg [dreg:$0x12];
	(drf) =	sdiv.u32 s11, s9  }
0x2fc: {  	[tilespmem:$0x28B0] =	vst v31;
	s14 =	spop (v2sf);
	(drf) =	sdiv.u32 s13, s10  }
0x2fd: {  	s11 =	sld [smem:$0x7F7]  }
0x2fe: {  	s29 =	sld [smem:$0x7F8]  }
0x2ff: {  	s16 =	spop (v2sf)  }
0x300: {  	s13 =	rddreg [dreg:$0x16];
	(drf) =	sdiv.u32 s14, s11  }
0x301: {  	s7 =	smov.u32 s20;
	s20 =	spop (v2sf);
	(drf) =	sdiv.u32 s16, s29  }
0x302: {  	s8 =	smov.u32 s24;
	(drf) =	sdiv.u32 s20, s24;
	s24 =	spop (v2sf)  }
0x303: {  	(drf) =	sdiv.u32 s24, s13;
	s14 =	spop (v2sf)  }
0x304: {  	(drf) =	sdiv.u32 s14, s25;
	s16 =	spop (v2sf)  }
0x305: {  	(drf) =	sdiv.u32 s16, s6;
	s20 =	spop (v2sf)  }
0x306: {  	(drf) =	sdiv.u32 s20, s3;
	s20 =	rddreg [dreg:$0x10]  }
0x307: {  	s0 =	sxor.u32 s28, s0;
	(v2sf) =	vpush v3, $0xF;
	s1 =	sxor.u32 s20, s1  }
0x308: {  	s0 =	ssub.s32 s0, s28;
	s24 =	spop (drf);
	s1 =	ssub.s32 s1, s20  }
0x309: {  	s16 =	smov.u32 s6;
	s6 =	spop (drf);
	s3 =	sxor.u32 s15, s24;
	v34 =	vmov s1  }
0x30a: {  	s14 =	ssub.s32 s3, s15;
	s15 =	sxor.u32 s17, s6;
	v7 =	vsel vm9, s0, v34  }
0x30b: {  	(v2sf) =	vpush v3, $0x1;
	s24 =	spop (drf);
	s1 =	ssub.s32 s15, s17;
	s17 =	rddreg [dreg:$0x15];
	v7 =	vsel vm10, s14, v7  }
0x30c: {  	s18 =	smov.u32 s18;
	v33 =	vld [tilespmem:$0x9B0];
	(v2sf) =	vpush v3, $0x2;
	s3 =	spop (drf);
	v7 =	vsel vm11, s1, v7;
	s1 =	sld [smem:$0x7F9]  }
0x30d: {  	v35 =	vld [tilespmem:$0x19B0];
	(v2sf) =	vpush v3, $0x3;
	s2 =	sxor.u32 s17, s24;
	s14 =	sxor.u32 s18, s3  }
0x30e: {  	v36 =	vld [tilespmem:$0xA30];
	(v2sf) =	vpush v3, $0x4;
	s15 =	spop (drf);
	s6 =	ssub.s32 s2, s17;
	s24 =	ssub.s32 s14, s18  }
0x30f: {  	v37 =	vld [tilespmem:$0x1A30];
	s14 =	rddreg [dreg:$0x19];
	v7 =	vsel vm12, s6, v7;
	s6 =	spop (drf);
	s2 =	sxor.u32 s1, s15  }
0x310: {  	v38 =	vld [tilespmem:$0xAB0];
	(v2sf) =	vpush v3, $0x5;
	v7 =	vsel vm13, s24, v7;
	s18 =	sxor.u32 s14, s6;
	s24 =	spop (drf);
	s15 =	ssub.s32 s2, s1  }
0x311: {  	v39 =	vld [tilespmem:$0x1AB0];
	(v2sf) =	vpush v3, $0x6;
	s6 =	rddreg [dreg:$0x1a];
	s3 =	ssub.s32 s18, s14;
	s18 =	spop (drf);
	v7 =	vsel vm14, s15, v7  }
0x312: {  	v40 =	vld [tilespmem:$0xB30];
	s15 =	sxor.u32 s6, s24;
	s24 =	rddreg [dreg:$0x1b];
	v7 =	vsel vm7, s3, v7;
	s3 =	spop (drf)  }
0x313: {  	v41 =	vld [tilespmem:$0x1B30];
	(v2sf) =	vpush v3, $0x7;
	s1 =	ssub.s32 s15, s6;
	s2 =	sxor.u32 s24, s18;
	s15 =	sxor.u32 s22, s3  }
0x314: {  	v42 =	vld [tilespmem:$0xFB0];
	(v2sf) =	vpush v3, $0x8;
	v7 =	vsel vm8, s1, v7;
	s6 =	ssub.s32 s2, s24;
	s18 =	spop (drf);
	s1 =	ssub.s32 s15, s22  }
0x315: {  	v43 =	vld [tilespmem:$0x1FB0];
	(v2sf) =	vpush v3, $0x9;
	v7 =	vsel vm6, s6, v7;
	s3 =	sxor.u32 s12, s18;
	s6 =	spop (drf);
	s15 =	rddreg [dreg:$0x1f]  }
0x316: {  	v45 =	vld [tilespmem:$0x2030];
	s12 =	ssub.s32 s3, s12;
	s18 =	sxor.u32 s15, s6;
	s6 =	spop (v2sf)  }
0x317: {  	v46 =	vld [tilespmem:$0x10B0];
	(v2sf) =	vpush v3, $0xA;
	v7 =	vsel vm5, s1, v7;
	s22 =	spop (drf);
	s1 =	ssub.s32 s18, s15;
	(drf) =	sdiv.u32 s6, s5  }
0x318: {  	v47 =	vld [tilespmem:$0x20B0];
	(v2sf) =	vpush v3, $0xB;
	s3 =	sxor.u32 s23, s22;
	s15 =	spop (drf);
	s18 =	sld [smem:$0x7FB]  }
0x319: {  	v50 =	vld [tilespmem:$0x2130];
	(v2sf) =	vpush v3, $0xC;
	v7 =	vsel vm4, s12, v7;
	s12 =	ssub.s32 s3, s23;
	s22 =	spop (drf);
	s23 =	sld [smem:$0x7FC]  }
0x31a: {  	v52 =	vld [tilespmem:$0x21B0];
	(v2sf) =	vpush v3, $0xD;
	s3 =	spop (v2sf)  }
0x31b: {  	v54 =	vld [tilespmem:$0x2230];
	v8 =	vmul.f32 v35, v4;
	v7 =	vsel vm3, s1, v7;
	(v2sf) =	vpush v3, $0xE;
	(drf) =	sdiv.u32 s3, s4;
	s4 =	spop (v2sf);
	s0 =	sxor.u32 s18, s15  }
0x31c: {  	v55 =	vld [tilespmem:$0x11B0];
	v10 =	vmul.f32 v37, v4;
	v49 =	vmul.f32 v39, v4;
	v7 =	vsel vm2, s12, v7;
	s6 =	spop (v2sf);
	s0 =	ssub.s32 s0, s18;
	s1 =	sxor.u32 s23, s22  }
0x31d: {  	v60 =	vld [tilespmem:$0x22B0];
	v51 =	vmul.f32 v41, v4;
	v6 =	vadd.f32 v8, v33;
	(drf) =	sdiv.u32 s4, s31;
	s12 =	spop (v2sf);
	v7 =	vsel vm1, s0, v7;
	s2 =	ssub.s32 s1, s23  }
0x31e: {  	v62 =	vld [tilespmem:$0x2330];
	v53 =	vmul.f32 v43, v4;
	v9 =	vadd.f32 v10, v36;
	(drf) =	sdiv.u32 s6, s30;
	s0 =	spop (drf);
	v7 =	vsel vm0, s2, v7  }
0x31f: {  	v57 =	vld [tilespmem:$0x1230];
	v58 =	vmul.f32 v45, v4;
	v8 =	vadd.f32 v49, v38;
	[tilespmem:$0x29B0] =	vst v6;
	s30 =	rddreg [dreg:$0x1d];
	s15 =	spop (v2sf);
	v63 =	vmul.u32 v0, v7  }
0x320: {  	v28 =	vld [tilespmem:$0x1330];
	v59 =	vmul.f32 v47, v4;
	v61 =	vmul.f32 v50, v4;
	v10 =	vadd.f32 v51, v40;
	[tilespmem:$0x2A30] =	vst v9;
	s4 =	smov.u32 s10;
	(drf) =	sdiv.u32 s12, s30;
	s18 =	spop (v2sf)  }
0x321: {  	v44 =	vld [tilespmem:$0x1030];
	v24 =	vmul.f32 v52, v4;
	v56 =	vadd.f32 v53, v42;
	[tilespmem:$0x2AB0] =	vst v8;
	s6 =	smov.u32 s11;
	(drf) =	sdiv.u32 s15, s26;
	s1 =	spop (drf);
	v5 =	vsub.s32 v32, v63  }
0x322: {  	v48 =	vld [tilespmem:$0x1130];
	v25 =	vmul.f32 v54, v4;
	v27 =	vadd.f32 v59, v46;
	[tilespmem:$0x2B30] =	vst v10;
	s23 =	simm.s32 $0x0;
	(drf) =	sdiv.u32 s18, s7;
	vm15 =	vlt.s32 v5, s21;
	s21 =	spop (v2sf)  }
0x323: {  	v26 =	vld [tilespmem:$0x12B0];
	v31 =	vmul.f32 v60, v4;
	v4 =	vmul.f32 v62, v4;
	v29 =	vadd.f32 v24, v55;
	[tilespmem:$0x2FB0] =	vst v56;
	s15 =	smov.u32 s9;
	(drf) =	sdiv.u32 s21, s9;
	s22 =	spop (v2sf)  }
0x324: {  	v30 =	vadd.f32 v25, v57;
	[tilespmem:$0x30B0] =	vst v27;
	s0 =	sxor.u32 s28, s0;
	(drf) =	sdiv.u32 s22, s10;
	s3 =	spop (v2sf)  }
0x325: {  	v4 =	vadd.f32 v4, v28;
	[tilespmem:$0x31B0] =	vst v29;
	v32 =	vsel vm15, $0x108, v1;
	s10 =	sor.u32 $0xE0, s19;
	s19 =	spop (drf);
	s22 =	rddreg [dreg:$0x13]  }
0x326: {  	v9 =	vadd.f32 v58, v44;
	[tilespmem:$0x3230] =	vst v30;
	v7 =	vadd.s32 $0x1, v7;
	s7 =	simm.s32 $0x280;
	v5 =	vadd.s32 v5, v32;
	(drf) =	sdiv.u32 s3, s11;
	s9 =	spop (v2sf)  }
0x327: {  	v8 =	vadd.f32 v61, v48;
	[tilespmem:$0x3330] =	vst v4;
	s0 =	ssub.s32 s0, s28;
	vm15 =	vlt.s32 v7, $0x40;
	(drf) =	sdiv.u32 s9, s29;
	s11 =	spop (v2sf)  }
0x328: {  	v6 =	vadd.f32 v31, v26;
	[tilespmem:$0x3030] =	vst v9;
	s1 =	sxor.u32 s20, s1;
	v7 =	vnsel vm15, $0x40, v7;
	(drf) =	sdiv.u32 s11, s8;
	s12 =	spop (v2sf)  }
0x329: {  	v35 =	vld [tilespmem:$0x840];
	[tilespmem:$0x3130] =	vst v8;
	s3 =	smov.u32 s13;
	(drf) =	sdiv.u32 s12, s13;
	s13 =	spop (v2sf)  }
0x32a: {  	v37 =	vld [tilespmem:$0x8C0];
	[tilespmem:$0x32B0] =	vst v6;
	s1 =	ssub.s32 s1, s20;
	s21 =	sxor.u32 s22, s19;
	s18 =	spop (v2sf)  }
0x32b: {  	s9 =	smov.u32 s8;
	v5 =	vld.idx.msk [tilespmem:v5+s23+$0x0], $0xffff;
	(drf) =	sdiv.u32 s13, s25;
	s23 =	spop (drf)  }
0x32c: {  	v41 =	vld [tilespmem:$0x1940];
	v39 =	vmov s1;
	s1 =	ssub.s32 s21, s22;
	(drf) =	sdiv.u32 s18, s16;
	s18 =	rddreg [dreg:$0x14]  }
0x32d: {  	v4 =	vor.u32 s10, v2;
	s21 =	smov.u32 s17;
	v6 =	vld.idx.msk [tilespmem:v7+s7+$0x0], $0xffff;
	s10 =	spop (drf);
	s7 =	sxor.u32 s18, s23  }
0x32e: {  	v43 =	vld [tilespmem:$0x19C0];
	s12 =	sxor.u32 s17, s10;
	s13 =	spop (drf);
	s23 =	rddreg [dreg:$0x18]  }
0x32f: {  	v45 =	vld [tilespmem:$0x1A40];
	(v2sf) =	vpush v4, $0x0;
	s8 =	smov.u32 s16;
	s16 =	ssub.s32 s12, s17;
	s17 =	sxor.u32 s23, s13  }
0x330: {  	v47 =	vld [tilespmem:$0x1AC0];
	v13 =	vsel vm9, s0, v39;
	s11 =	ssub.s32 s7, s18;
	s7 =	ssub.s32 s17, s23;
	s17 =	sld [smem:$0x7F9]  }
0x331: {  	v50 =	vld [tilespmem:$0xFC0];
	v13 =	vsel vm10, s1, v13;
	(v2sf) =	vpush v4, $0xF  }
0x332: {  	v52 =	vld [tilespmem:$0x1040];
	s19 =	spop (drf);
	v13 =	vsel vm11, s11, v13  }
0x333: {  	v62 =	vld [tilespmem:$0x2140];
	s1 =	rddreg [dreg:$0x1c];
	(v2sf) =	vpush v4, $0x1;
	s11 =	spop (drf);
	v13 =	vsel vm12, s16, v13;
	s10 =	sxor.u32 s17, s19  }
0x334: {  	v33 =	vld [tilespmem:$0x7C0];
	(v2sf) =	vpush v4, $0x2;
	s16 =	smov.u32 s14;
	v13 =	vsel vm13, s7, v13;
	s19 =	spop (drf);
	s12 =	ssub.s32 s10, s17  }
0x335: {  	v36 =	vld [tilespmem:$0x1840];
	s13 =	sxor.u32 s14, s11;
	s10 =	rddreg [dreg:$0x1a];
	v13 =	vsel vm14, s12, v13;
	s12 =	spop (drf)  }
0x336: {  	v38 =	vld [tilespmem:$0x18C0];
	(v2sf) =	vpush v4, $0x3;
	s7 =	ssub.s32 s13, s14;
	s11 =	sxor.u32 s10, s19;
	s14 =	sxor.u32 s24, s12  }
0x337: {  	v40 =	vld [tilespmem:$0x940];
	s13 =	ssub.s32 s11, s10;
	s19 =	spop (drf);
	s24 =	ssub.s32 s14, s24  }
0x338: {  	v42 =	vld [tilespmem:$0x9C0];
	(v2sf) =	vpush v4, $0x4;
	v13 =	vsel vm7, s7, v13;
	s11 =	sxor.u32 s1, s19;
	s12 =	spop (drf);
	s14 =	rddreg [dreg:$0x1e]  }
0x339: {  	v34 =	vld [tilespmem:$0x17C0];
	(v2sf) =	vpush v4, $0x5;
	v13 =	vsel vm8, s13, v13;
	s13 =	ssub.s32 s11, s1;
	s19 =	sxor.u32 s14, s12  }
0x33a: {  	v46 =	vld [tilespmem:$0xAC0];
	v13 =	vsel vm6, s24, v13;
	s24 =	spop (drf);
	s1 =	ssub.s32 s19, s14;
	s19 =	rddreg [dreg:$0x1f]  }
0x33b: {  	v49 =	vld [tilespmem:$0x1B40];
	(v2sf) =	vpush v4, $0x6;
	s7 =	sxor.u32 s19, s24;
	s24 =	sld [smem:$0x7FA]  }
0x33c: {  	v51 =	vld [tilespmem:$0x1FC0];
	v5 =	vadd.f32 v6, v5;
	(v2sf) =	vpush v4, $0x7  }
0x33d: {  	v53 =	vld [tilespmem:$0x2040];
	(v2sf) =	vpush v4, $0x8;
	v13 =	vsel vm5, s13, v13;
	s11 =	spop (drf);
	s12 =	ssub.s32 s7, s19  }
0x33e: {  	v55 =	vld [tilespmem:$0x10C0];
	v8 =	vmul.f32 v34, v5;
	v10 =	vmul.f32 v36, v5;
	v13 =	vsel vm4, s1, v13;
	s7 =	spop (v2sf);
	s13 =	sxor.u32 s24, s11;
	s11 =	rddreg [dreg:$0x7]  }
0x33f: {  	v57 =	vld [tilespmem:$0x20C0];
	v54 =	vmul.f32 v38, v5;
	(v2sf) =	vpush v4, $0x9;
	s1 =	spop (drf);
	v13 =	vsel vm3, s12, v13;
	(drf) =	sdiv.u32 s7, s11;
	s12 =	ssub.s32 s13, s24  }
0x340: {  	v44 =	vld [tilespmem:$0xA40];
	v56 =	vmul.f32 v41, v5;
	v7 =	vadd.f32 v8, v33;
	s13 =	spop (v2sf);
	v13 =	vsel vm2, s12, v13;
	s12 =	sld [smem:$0x7FB]  }
0x341: {  	v59 =	vld [tilespmem:$0x1140];
	v58 =	vmul.f32 v43, v5;
	v9 =	vadd.f32 v10, v35;
	(v2sf) =	vpush v4, $0xA;
	s7 =	sld [smem:$0x7FC];
	(drf) =	sdiv.u32 s13, s5  }
0x342: {  	v48 =	vld [tilespmem:$0xB40];
	v61 =	vmul.f32 v45, v5;
	v8 =	vadd.f32 v54, v37;
	[tilespmem:$0x27C0] =	vst v7;
	(v2sf) =	vpush v4, $0xB;
	s5 =	spop (v2sf);
	s13 =	rddreg [dreg:$0xc]  }
0x343: {  	v27 =	vld [tilespmem:$0x21C0];
	v29 =	vmul.f32 v47, v5;
	v60 =	vadd.f32 v56, v40;
	[tilespmem:$0x2840] =	vst v9;
	(v2sf) =	vpush v4, $0xC;
	(drf) =	sdiv.u32 s5, s13;
	s11 =	spop (v2sf);
	s0 =	sxor.u32 s12, s1  }
0x344: {  	v30 =	vld [tilespmem:$0x2240];
	v31 =	vmul.f32 v49, v5;
	v63 =	vadd.f32 v58, v42;
	[tilespmem:$0x28C0] =	vst v8;
	s2 =	spop (drf);
	(v2sf) =	vpush v4, $0xD;
	(drf) =	sdiv.u32 s11, s31;
	s0 =	ssub.s32 s0, s12  }
0x345: {  	v32 =	vmul.f32 v51, v5;
	v28 =	vadd.f32 v61, v44;
	v33 =	vld [tilespmem:$0x11C0];
	[tilespmem:$0x2940] =	vst v60;
	s31 =	spop (v2sf);
	s11 =	rddreg [dreg:$0xe];
	v13 =	vsel vm1, s0, v13;
	s0 =	sxor.u32 s7, s2  }
0x346: {  	v36 =	vmul.f32 v53, v5;
	v34 =	vadd.f32 v29, v46;
	v35 =	vld [tilespmem:$0x1240];
	[tilespmem:$0x29C0] =	vst v63;
	(v2sf) =	vpush v4, $0xE;
	(drf) =	sdiv.u32 s31, s11;
	s0 =	ssub.s32 s0, s7  }
0x347: {  	v38 =	vmul.f32 v57, v5;
	v6 =	vadd.f32 v32, v50;
	v37 =	vld [tilespmem:$0x22C0];
	[tilespmem:$0x2A40] =	vst v28;
	s31 =	sld [smem:$0x7FD];
	s5 =	spop (v2sf);
	v13 =	vsel vm0, s0, v13  }
0x348: {  	v39 =	vld [tilespmem:$0x2340];
	v14 =	vmul.f32 v62, v5;
	v41 =	vadd.f32 v36, v52;
	[tilespmem:$0x2AC0] =	vst v34;
	(drf) =	sdiv.u32 s5, s30;
	s5 =	spop (v2sf);
	v40 =	vmul.u32 v0, v13  }
0x349: {  	v43 =	vmul.f32 v30, v5;
	v42 =	vmul.f32 v27, v5;
	v44 =	vld [tilespmem:$0x12C0];
	v45 =	vadd.f32 v38, v55;
	[tilespmem:$0x2FC0] =	vst v6;
	(drf) =	sdiv.u32 s5, s26  }
0x34a: {  	v47 =	vld [tilespmem:$0x1340];
	v46 =	vadd.f32 v14, v59;
	v7 =	vadd.f32 v31, v48;
	[tilespmem:$0x3040] =	vst v41;
	s30 =	spop (v2sf);
	s5 =	rddreg [dreg:$0xf];
	v3 =	vsub.s32 v3, v40  }
0x34b: {  	[tilespmem:$0x30C0] =	vst v45;
	v48 =	vadd.f32 v42, v33;
	v49 =	vadd.f32 v43, v35;
	(drf) =	sdiv.u32 s30, s5;
	s30 =	spop (v2sf);
	vm15 =	vlt.s32 v3, s31  }
0x34c: {  	[tilespmem:$0x3140] =	vst v46;
	v50 =	vmul.f32 v37, v5;
	(drf) =	sdiv.u32 s30, s15;
	s30 =	spop (v2sf);
	v51 =	vadd.s32 $0x1, v13;
	v52 =	vsel vm15, $0x108, v1  }
0x34d: {  	[tilespmem:$0x2B40] =	vst v7;
	v5 =	vmul.f32 v39, v5;
	s1 =	spop (drf);
	vm15 =	vlt.s32 v51, $0x40;
	v3 =	vadd.s32 v3, v52  }
0x34e: {  	[tilespmem:$0x31C0] =	vst v48;
	v6 =	vadd.f32 v50, v44;
	(drf) =	sdiv.u32 s30, s4;
	s4 =	spop (v2sf);
	v53 =	vnsel vm15, $0x40, v51  }
0x34f: {  	[tilespmem:$0x3240] =	vst v49;
	v5 =	vadd.f32 v5, v47;
	s15 =	simm.s32 $0x0;
	s0 =	spop (drf)  }
0x350: {  	[tilespmem:$0x32C0] =	vst v6;
	s30 =	smov.u32 s6;
	(drf) =	sdiv.u32 s4, s6;
	s6 =	spop (v2sf)  }
0x351: {  	[tilespmem:$0x3340] =	vst v5;
	(drf) =	sdiv.u32 s6, s29;
	s6 =	simm.s32 $0x280;
	s4 =	spop (v2sf)  }
0x352: {  	s0 =	sxor.u32 s20, s0;
	(drf) =	sdiv.u32 s4, s9;
	v3 =	vld.idx.msk [tilespmem:v3+s15+$0x0], $0xffff;
	s15 =	spop (v2sf)  }
0x353: {  	v5 =	vld.idx.msk [tilespmem:v53+s6+$0x0], $0xffff;
	s6 =	smov.u32 s3;
	(drf) =	sdiv.u32 s15, s3;
	s3 =	spop (v2sf)  }
0x354: {  	s1 =	sxor.u32 s28, s1;
	s0 =	ssub.s32 s0, s20;
	s15 =	spop (drf)  }
0x355: {  	v21 =	vld [tilespmem:$0x12D0];
	(drf) =	sdiv.u32 s3, s25;
	s4 =	spop (v2sf);
	s3 =	ssub.s32 s1, s28  }
0x356: {  	v22 =	vld [tilespmem:$0x1350];
	v58 =	vmov s0;
	(drf) =	sdiv.u32 s4, s8;
	s4 =	sxor.u32 s22, s15;
	s15 =	spop (drf)  }
0x357: {  	v57 =	vld [tilespmem:$0x1850];
	v10 =	vsel vm9, s3, v58;
	s3 =	ssub.s32 s4, s22;
	s4 =	sxor.u32 s18, s15;
	s15 =	spop (drf)  }
0x358: {  	v62 =	vld [tilespmem:$0x1950];
	v10 =	vsel vm10, s3, v10;
	s3 =	ssub.s32 s4, s18;
	s4 =	sxor.u32 s21, s15;
	s15 =	spop (drf)  }
0x359: {  	v30 =	vld [tilespmem:$0x1A50];
	v10 =	vsel vm11, s3, v10;
	s3 =	ssub.s32 s4, s21;
	s4 =	sxor.u32 s23, s15;
	s15 =	spop (drf)  }
0x35a: {  	v54 =	vld [tilespmem:$0x7D0];
	v10 =	vsel vm12, s3, v10;
	s3 =	ssub.s32 s4, s23;
	s4 =	sxor.u32 s17, s15;
	s15 =	spop (drf)  }
0x35b: {  	v55 =	vld [tilespmem:$0x17D0];
	v10 =	vsel vm13, s3, v10;
	s3 =	ssub.s32 s4, s17;
	s4 =	sxor.u32 s16, s15  }
0x35c: {  	v56 =	vld [tilespmem:$0x850];
	s15 =	spop (drf);
	s1 =	ssub.s32 s4, s16  }
0x35d: {  	v59 =	vld [tilespmem:$0x8D0];
	v10 =	vsel vm14, s3, v10;
	s2 =	sxor.u32 s10, s15;
	s4 =	spop (drf);
	s15 =	rddreg [dreg:$0x1b]  }
0x35e: {  	v61 =	vld [tilespmem:$0x950];
	s3 =	smov.u32 s10;
	v10 =	vsel vm7, s1, v10;
	s1 =	ssub.s32 s2, s10;
	s4 =	sxor.u32 s15, s4  }
0x35f: {  	v29 =	vld [tilespmem:$0xA50];
	s10 =	spop (drf);
	v10 =	vsel vm8, s1, v10;
	s1 =	ssub.s32 s4, s15;
	s4 =	rddreg [dreg:$0x1c]  }
0x360: {  	v32 =	vld [tilespmem:$0x1AD0];
	s2 =	sxor.u32 s4, s10;
	s10 =	spop (drf)  }
0x361: {  	v36 =	vld [tilespmem:$0x1FD0];
	v10 =	vsel vm6, s1, v10;
	s1 =	ssub.s32 s2, s4;
	s2 =	sxor.u32 s14, s10;
	s10 =	spop (drf)  }
0x362: {  	v60 =	vld [tilespmem:$0x18D0];
	v10 =	vsel vm5, s1, v10;
	s1 =	ssub.s32 s2, s14;
	s10 =	sxor.u32 s19, s10  }
0x363: {  	v63 =	vld [tilespmem:$0x9D0];
	v10 =	vsel vm4, s1, v10;
	s10 =	ssub.s32 s10, s19  }
0x364: {  	v28 =	vld [tilespmem:$0x19D0];
	v10 =	vsel vm3, s10, v10;
	s10 =	rddreg [dreg:$0x8]  }
0x365: {  	v31 =	vld [tilespmem:$0xAD0];
	s0 =	sor.u32 $0xF0, s10  }
0x366: {  	v34 =	vld [tilespmem:$0x1B50];
	v2 =	vor.u32 s0, v2  }
0x367: {  	v41 =	vld [tilespmem:$0x10D0];
	(v2sf) =	vpush v2, $0x0  }
0x368: {  	v45 =	vld [tilespmem:$0x1150];
	v3 =	vadd.f32 v5, v3;
	(v2sf) =	vpush v2, $0xF  }
0x369: {  	v33 =	vld [tilespmem:$0xB50];
	(v2sf) =	vpush v2, $0x1  }
0x36a: {  	v35 =	vld [tilespmem:$0xFD0];
	v7 =	vmul.f32 v55, v3;
	(v2sf) =	vpush v2, $0x2  }
0x36b: {  	v39 =	vld [tilespmem:$0x2050];
	v9 =	vmul.f32 v57, v3;
	v38 =	vmul.f32 v60, v3  }
0x36c: {  	v47 =	vld [tilespmem:$0x2150];
	v40 =	vmul.f32 v62, v3;
	v42 =	vmul.f32 v28, v3;
	(v2sf) =	vpush v2, $0x3  }
0x36d: {  	v52 =	vld [tilespmem:$0x21D0];
	v44 =	vmul.f32 v30, v3;
	v46 =	vmul.f32 v32, v3;
	(v2sf) =	vpush v2, $0x4  }
0x36e: {  	v37 =	vld [tilespmem:$0x1050];
	v5 =	vmul.f32 v34, v3;
	v6 =	vadd.f32 v7, v54;
	(v2sf) =	vpush v2, $0x5  }
0x36f: {  	v43 =	vld [tilespmem:$0x20D0];
	v51 =	vmul.f32 v36, v3;
	v8 =	vadd.f32 v9, v56;
	(v2sf) =	vpush v2, $0x6  }
0x370: {  	v49 =	vld [tilespmem:$0x11D0];
	v53 =	vmul.f32 v39, v3;
	v7 =	vadd.f32 v38, v59;
	v9 =	vadd.f32 v40, v61;
	[tilespmem:$0x27D0] =	vst v6;
	s2 =	spop (drf)  }
0x371: {  	v58 =	vld [tilespmem:$0x22D0];
	v60 =	vmul.f32 v47, v3;
	v11 =	vadd.f32 v42, v63;
	[tilespmem:$0x2850] =	vst v8;
	s1 =	sxor.u32 s24, s2;
	s2 =	spop (drf);
	(v2sf) =	vpush v2, $0x7  }
0x372: {  	v57 =	vld [tilespmem:$0x1250];
	v62 =	vmul.f32 v52, v3;
	v48 =	vadd.f32 v44, v29;
	[tilespmem:$0x28D0] =	vst v7;
	s1 =	ssub.s32 s1, s24;
	s2 =	sxor.u32 s12, s2;
	s10 =	spop (drf);
	(v2sf) =	vpush v2, $0x8  }
0x373: {  	v28 =	vld [tilespmem:$0x7E0];
	v50 =	vadd.f32 v46, v31;
	[tilespmem:$0x2950] =	vst v9;
	v10 =	vsel vm2, s1, v10;
	s2 =	ssub.s32 s2, s12;
	s0 =	sxor.u32 s7, s10;
	(v2sf) =	vpush v2, $0x9  }
0x374: {  	v30 =	vld [tilespmem:$0x860];
	v5 =	vadd.f32 v5, v33;
	[tilespmem:$0x29D0] =	vst v11;
	v10 =	vsel vm1, s2, v10;
	s0 =	ssub.s32 s0, s7;
	(v2sf) =	vpush v2, $0xA  }
0x375: {  	v54 =	vld [tilespmem:$0x2250];
	v55 =	vadd.f32 v51, v35;
	v56 =	vmul.f32 v43, v3;
	[tilespmem:$0x2A50] =	vst v48;
	v10 =	vsel vm0, s0, v10  }
0x376: {  	v61 =	vld [tilespmem:$0x2350];
	v20 =	vadd.f32 v60, v45;
	[tilespmem:$0x2AD0] =	vst v50;
	s10 =	rddreg [dreg:$0x7];
	v63 =	vmul.u32 v0, v10;
	(v2sf) =	vpush v2, $0xB;
	s0 =	spop (v2sf)  }
0x377: {  	v32 =	vld [tilespmem:$0x8E0];
	v7 =	vadd.f32 v53, v37;
	v59 =	vadd.f32 v56, v41;
	[tilespmem:$0x2B50] =	vst v5;
	s1 =	spop (v2sf);
	(drf) =	sdiv.u32 s0, s10  }
0x378: {  	v34 =	vld [tilespmem:$0x960];
	[tilespmem:$0x2FD0] =	vst v55;
	v8 =	vadd.f32 v62, v49;
	v4 =	vsub.s32 v4, v63;
	(v2sf) =	vpush v2, $0xC;
	s10 =	rddreg [dreg:$0xb];
	s2 =	spop (v2sf)  }
0x379: {  	v36 =	vld [tilespmem:$0x9E0];
	v11 =	vmul.f32 v58, v3;
	[tilespmem:$0x3150] =	vst v20;
	vm15 =	vlt.s32 v4, s31;
	(v2sf) =	vpush v2, $0xD;
	(drf) =	sdiv.u32 s1, s10;
	s0 =	spop (v2sf)  }
0x37a: {  	v47 =	vld [tilespmem:$0x1060];
	[tilespmem:$0x3050] =	vst v7;
	v12 =	vmul.f32 v54, v3;
	v25 =	vsel vm15, $0x108, v1;
	(v2sf) =	vpush v2, $0xE;
	(drf) =	sdiv.u32 s2, s13;
	s13 =	rddreg [dreg:$0xd]  }
0x37b: {  	v29 =	vld [tilespmem:$0x17E0];
	[tilespmem:$0x30D0] =	vst v59;
	v26 =	vadd.f32 v11, v21;
	v3 =	vmul.f32 v61, v3;
	v4 =	vadd.s32 v4, v25;
	s1 =	spop (v2sf);
	(drf) =	sdiv.u32 s0, s13  }
0x37c: {  	v31 =	vld [tilespmem:$0x1860];
	[tilespmem:$0x31D0] =	vst v8;
	v23 =	vadd.f32 v12, v57;
	s13 =	rddreg [dreg:$0x1d];
	s2 =	spop (v2sf)  }
0x37d: {  	v33 =	vld [tilespmem:$0x18E0];
	[tilespmem:$0x32D0] =	vst v26;
	v3 =	vadd.f32 v3, v22;
	(drf) =	sdiv.u32 s1, s11;
	s0 =	spop (v2sf)  }
0x37e: {  	v35 =	vld [tilespmem:$0x1960];
	[tilespmem:$0x3250] =	vst v23;
	(drf) =	sdiv.u32 s2, s13;
	s1 =	spop (v2sf)  }
0x37f: {  	v38 =	vld [tilespmem:$0xA60];
	[tilespmem:$0x3350] =	vst v3;
	s11 =	simm.s32 $0x0;
	(drf) =	sdiv.u32 s0, s26;
	s26 =	rddreg [dreg:$0x11]  }
0x380: {  	v3 =	vld.idx.msk [tilespmem:v4+s11+$0x0], $0xffff;
	s11 =	spop (v2sf);
	(drf) =	sdiv.u32 s1, s5  }
0x381: {  	v40 =	vld [tilespmem:$0x1A60];
	s13 =	spop (v2sf);
	(drf) =	sdiv.u32 s11, s26  }
0x382: {  	v42 =	vld [tilespmem:$0x1AE0];
	v24 =	vadd.s32 $0x1, v10;
	s11 =	rddreg [dreg:$0x12];
	s1 =	spop (v2sf)  }
0x383: {  	v43 =	vld [tilespmem:$0xB60];
	vm15 =	vlt.s32 v24, $0x40;
	(drf) =	sdiv.u32 s13, s11;
	s2 =	spop (v2sf)  }
0x384: {  	v44 =	vld [tilespmem:$0x1B60];
	v6 =	vnsel vm15, $0x40, v24;
	(drf) =	sdiv.u32 s1, s30;
	s30 =	spop (drf)  }
0x385: {  	v45 =	vld [tilespmem:$0xFE0];
	s13 =	spop (v2sf)  }
0x386: {  	v46 =	vld [tilespmem:$0x1FE0];
	(drf) =	sdiv.u32 s2, s29;
	s5 =	spop (drf)  }
0x387: {  	v51 =	vld [tilespmem:$0x20E0];
	s10 =	simm.s32 $0x280;
	s26 =	spop (v2sf);
	(drf) =	sdiv.u32 s13, s9  }
0x388: {  	v60 =	vld [tilespmem:$0x11E0];
	s0 =	sxor.u32 s28, s30;
	s29 =	spop (v2sf);
	(drf) =	sdiv.u32 s26, s6  }
0x389: {  	v27 =	vld.idx.msk [tilespmem:v6+s10+$0x0], $0xffff;
	s1 =	sxor.u32 s20, s5;
	(drf) =	sdiv.u32 s29, s25;
	s6 =	spop (v2sf)  }
0x38a: {  	v37 =	vld [tilespmem:$0x19E0];
	s1 =	ssub.s32 s1, s20;
	(drf) =	sdiv.u32 s6, s8;
	s8 =	spop (drf)  }
0x38b: {  	v41 =	vld [tilespmem:$0xAE0];
	s0 =	ssub.s32 s0, s28;
	v39 =	vmov s1;
	s9 =	spop (drf);
	s2 =	sxor.u32 s22, s8  }
0x38c: {  	v48 =	vld [tilespmem:$0x2060];
	v16 =	vsel vm9, s0, v39;
	s11 =	ssub.s32 s2, s22;
	s13 =	spop (drf);
	s1 =	sxor.u32 s18, s9  }
0x38d: {  	v49 =	vld [tilespmem:$0x10E0];
	v16 =	vsel vm10, s11, v16;
	s18 =	ssub.s32 s1, s18;
	s20 =	spop (drf);
	s2 =	sxor.u32 s21, s13  }
0x38e: {  	v53 =	vld [tilespmem:$0x1160];
	v3 =	vadd.f32 v27, v3;
	v16 =	vsel vm11, s18, v16;
	s21 =	ssub.s32 s2, s21;
	s22 =	spop (drf);
	s1 =	sxor.u32 s23, s20  }
0x38f: {  	v56 =	vld [tilespmem:$0x2160];
	v16 =	vsel vm12, s21, v16;
	s23 =	ssub.s32 s1, s23;
	s25 =	spop (drf);
	s2 =	sxor.u32 s17, s22  }
0x390: {  	v63 =	vld [tilespmem:$0x21E0];
	v6 =	vmul.f32 v29, v3;
	v8 =	vmul.f32 v31, v3;
	v16 =	vsel vm13, s23, v16;
	s26 =	ssub.s32 s2, s17;
	s28 =	spop (drf);
	s1 =	sxor.u32 s16, s25  }
0x391: {  	v24 =	vld [tilespmem:$0xB70];
	v50 =	vmul.f32 v33, v3;
	v52 =	vmul.f32 v35, v3;
	v16 =	vsel vm14, s26, v16;
	s29 =	ssub.s32 s1, s16;
	s30 =	spop (drf);
	s2 =	sxor.u32 s3, s28  }
0x392: {  	v25 =	vld [tilespmem:$0x1B70];
	v55 =	vmul.f32 v37, v3;
	v5 =	vadd.f32 v6, v28;
	v16 =	vsel vm7, s29, v16;
	s5 =	ssub.s32 s2, s3;
	s6 =	spop (drf);
	s1 =	sxor.u32 s15, s30  }
0x393: {  	v59 =	vmul.f32 v40, v3;
	v31 =	vld [tilespmem:$0x1260];
	v7 =	vadd.f32 v8, v30;
	v16 =	vsel vm8, s5, v16;
	s8 =	ssub.s32 s1, s15;
	s9 =	spop (drf);
	s2 =	sxor.u32 s4, s6  }
0x394: {  	v62 =	vmul.f32 v42, v3;
	v33 =	vld [tilespmem:$0x22E0];
	v54 =	vadd.f32 v50, v32;
	[tilespmem:$0x27E0] =	vst v5;
	v16 =	vsel vm6, s8, v16;
	s11 =	ssub.s32 s2, s4;
	s13 =	spop (drf);
	s1 =	sxor.u32 s14, s9  }
0x395: {  	v27 =	vmul.f32 v44, v3;
	v42 =	vld [tilespmem:$0x1360];
	v58 =	vadd.f32 v52, v34;
	[tilespmem:$0x2860] =	vst v7;
	v16 =	vsel vm5, s11, v16;
	s14 =	ssub.s32 s1, s14;
	s15 =	spop (drf);
	s2 =	sxor.u32 s19, s13  }
0x396: {  	v35 =	vmul.f32 v51, v3;
	v51 =	vld [tilespmem:$0x17F0];
	v61 =	vadd.f32 v55, v36;
	[tilespmem:$0x28E0] =	vst v54;
	v16 =	vsel vm4, s14, v16;
	s16 =	ssub.s32 s2, s19;
	s17 =	spop (drf);
	s1 =	sxor.u32 s24, s15  }
0x397: {  	v37 =	vmul.f32 v56, v3;
	v56 =	vld [tilespmem:$0x970];
	v26 =	vadd.f32 v59, v38;
	[tilespmem:$0x2960] =	vst v58;
	v16 =	vsel vm3, s16, v16;
	s18 =	ssub.s32 s1, s24;
	s19 =	sxor.u32 s12, s17;
	s20 =	spop (drf)  }
0x398: {  	v4 =	vmul.f32 v46, v3;
	v28 =	vld [tilespmem:$0x2260];
	v29 =	vadd.f32 v62, v41;
	[tilespmem:$0x29E0] =	vst v61;
	v57 =	vsel vm2, s18, v16;
	s21 =	ssub.s32 s19, s12;
	s22 =	sxor.u32 s7, s20  }
0x399: {  	v30 =	vmul.f32 v48, v3;
	v32 =	vadd.f32 v27, v43;
	v36 =	vld [tilespmem:$0x2360];
	[tilespmem:$0x2A60] =	vst v26;
	v14 =	vsel vm1, s21, v57;
	s23 =	ssub.s32 s22, s7  }
0x39a: {  	v4 =	vadd.f32 v4, v45;
	v38 =	vmul.f32 v63, v3;
	v39 =	vld [tilespmem:$0x12E0];
	[tilespmem:$0x2AE0] =	vst v29;
	v14 =	vsel vm0, s23, v14  }
0x39b: {  	v40 =	vadd.f32 v35, v49;
	v43 =	vadd.f32 v37, v53;
	v50 =	vld [tilespmem:$0x7F0];
	[tilespmem:$0x2B60] =	vst v32;
	v0 =	vmul.u32 v0, v14  }
0x39c: {  	v52 =	vld [tilespmem:$0x870];
	v34 =	vadd.f32 v30, v47;
	[tilespmem:$0x2FE0] =	vst v4;
	v44 =	vadd.f32 v38, v60;
	v47 =	vmul.f32 v33, v3  }
0x39d: {  	v53 =	vld [tilespmem:$0x1870];
	[tilespmem:$0x30E0] =	vst v40;
	v41 =	vmul.f32 v28, v3;
	v45 =	vadd.s32 $0x1, v14;
	v0 =	vsub.s32 v2, v0  }
0x39e: {  	v55 =	vld [tilespmem:$0x18F0];
	[tilespmem:$0x3160] =	vst v43;
	v3 =	vmul.f32 v36, v3;
	vm15 =	vlt.s32 v45, $0x40;
	vm14 =	vlt.s32 v0, s31  }
0x39f: {  	v59 =	vld [tilespmem:$0x19F0];
	[tilespmem:$0x3060] =	vst v34;
	v4 =	vadd.f32 v47, v39;
	v48 =	vnsel vm15, $0x40, v45;
	v1 =	vsel vm14, $0x108, v1  }
0x3a0: {  	v62 =	vld [tilespmem:$0xAF0];
	[tilespmem:$0x31E0] =	vst v44;
	v46 =	vadd.f32 v41, v31;
	v0 =	vadd.s32 v0, v1  }
0x3a1: {  	v63 =	vld [tilespmem:$0x1AF0];
	v49 =	vadd.f32 v3, v42;
	[tilespmem:$0x32E0] =	vst v4  }
0x3a2: {  	v27 =	vld [tilespmem:$0x1FF0];
	[tilespmem:$0x3260] =	vst v46  }
0x3a3: {  	s10 =	simm.s32 $0x280;
	v37 =	vld [tilespmem:$0x2170];
	[tilespmem:$0x3360] =	vst v49  }
0x3a4: {  	s24 =	simm.s32 $0x0;
	v1 =	vld.idx.msk [tilespmem:v48+s10+$0x0], $0xffff  }
0x3a5: {  	v0 =	vld.idx.msk [tilespmem:v0+s24+$0x0], $0xffff  }
0x3a6: {  	v54 =	vld [tilespmem:$0x8F0]  }
0x3a7: {  	v58 =	vld [tilespmem:$0x9F0]  }
0x3a8: {  	v60 =	vld [tilespmem:$0xA70]  }
0x3a9: {  	v61 =	vld [tilespmem:$0x1A70]  }
0x3aa: {  	v57 =	vld [tilespmem:$0x1970];
	v0 =	vadd.f32 v1, v0  }
0x3ab: {  	v26 =	vld [tilespmem:$0xFF0]  }
0x3ac: {  	v29 =	vld [tilespmem:$0x2070];
	v3 =	vmul.f32 v51, v0  }
0x3ad: {  	v30 =	vld [tilespmem:$0x10F0];
	v5 =	vmul.f32 v53, v0  }
0x3ae: {  	v32 =	vld [tilespmem:$0x20F0];
	v31 =	vmul.f32 v55, v0;
	v2 =	vadd.f32 v3, v50  }
0x3af: {  	v40 =	vld [tilespmem:$0x11F0];
	v33 =	vmul.f32 v57, v0;
	v4 =	vadd.f32 v5, v52  }
0x3b0: {  	v43 =	vld [tilespmem:$0x21F0];
	v36 =	vmul.f32 v59, v0;
	v35 =	vadd.f32 v31, v54;
	[tilespmem:$0x27F0] =	vst v2  }
0x3b1: {  	v34 =	vld [tilespmem:$0x1170];
	v39 =	vmul.f32 v61, v0;
	v38 =	vadd.f32 v33, v56;
	[tilespmem:$0x2870] =	vst v4  }
0x3b2: {  	v28 =	vld [tilespmem:$0x1070];
	v42 =	vmul.f32 v63, v0;
	v41 =	vadd.f32 v36, v58;
	[tilespmem:$0x28F0] =	vst v35  }
0x3b3: {  	v46 =	vld [tilespmem:$0x1270];
	v45 =	vmul.f32 v25, v0;
	v44 =	vadd.f32 v39, v60;
	[tilespmem:$0x2970] =	vst v38  }
0x3b4: {  	v48 =	vld [tilespmem:$0x2270];
	v1 =	vmul.f32 v27, v0;
	v47 =	vadd.f32 v42, v62;
	[tilespmem:$0x29F0] =	vst v41  }
0x3b5: {  	v51 =	vld [tilespmem:$0x22F0];
	v55 =	vmul.f32 v37, v0;
	v49 =	vadd.f32 v45, v24;
	[tilespmem:$0x2A70] =	vst v44  }
0x3b6: {  	v53 =	vld [tilespmem:$0x2370];
	v50 =	vmul.f32 v29, v0;
	v1 =	vadd.f32 v1, v26;
	[tilespmem:$0x2AF0] =	vst v47  }
0x3b7: {  	v52 =	vmul.f32 v32, v0;
	v56 =	vld [tilespmem:$0x12F0];
	v60 =	vadd.f32 v55, v34;
	[tilespmem:$0x2B70] =	vst v49  }
0x3b8: {  	v59 =	vld [tilespmem:$0x1370];
	v58 =	vmul.f32 v43, v0;
	v54 =	vadd.f32 v50, v28;
	[tilespmem:$0x2FF0] =	vst v1  }
0x3b9: {  	v3 =	vmul.f32 v48, v0;
	v57 =	vadd.f32 v52, v30;
	[tilespmem:$0x3170] =	vst v60  }
0x3ba: {  	v61 =	vadd.f32 v58, v40;
	v62 =	vmul.f32 v51, v0;
	[tilespmem:$0x3070] =	vst v54  }
0x3bb: {  	v3 =	vadd.f32 v3, v46;
	v0 =	vmul.f32 v53, v0;
	[tilespmem:$0x30F0] =	vst v57  }
0x3bc: {  	[tilespmem:$0x31F0] =	vst v61;
	v63 =	vadd.f32 v62, v56  }
0x3bd: {  	s25 =	rddreg [dreg:$0x4];
	[tilespmem:$0x3270] =	vst v3;
	v0 =	vadd.f32 v0, v59  }
0x3be: {  	s26 =	rddreg [dreg:$0x6];
	[tilespmem:$0x32F0] =	vst v63  }
0x3bf: {  	s28 =	simm.s32 $0x2780;
	s0 =	sadd.s32 s25, s26;
	[tilespmem:$0x3370] =	vst v0  }
0x3c0: {  	[hbm4b:s0+s24] =	stream.linear.scatter [tilespmem:s28], [sflag:$0x2], $0x400, $0x38;
	[tilespmem:$0x3380] =	vst v63  }
0x3c1: {  	s29 =	simm.s32 $0x2F80;
	s30 =	simm.s32 $0x2;
	s0 =	sadd.s32 $0x1000, s0  }
0x3c2: {  	[hbm4b:s0+s24] =	stream.linear.scatter [tilespmem:s29], [sflag:$0x2], $0x400, $0x38;
	[tilespmem:$0x3380] =	vst v63  }
0x3c3: {  	_ =	swait.ge [sflag:s30], $0x800  }
0x3c4: {  	[sflag:s30] =	ssyncset.done $0x0  }
0x3c5: {  	[sflag:s30] =	ssyncadd.s32 $0xFFFFF800  }
0x3c6: {  	_ =	swait.ge [sflag:s30], $0x800  }
0x3c7: {  	[sflag:s30] =	ssyncset.done $0x0  }
0x3c8: {  	[sflag:s30] =	ssyncadd.s32 $0xFFFFF800  }
0x3c9: {  	_ =	sfence.sel $0x180000  }
0x3ca: {  	[bflag:$0x0] =	sbarrier.arrive $0xFFFF  }
0x3cb: {  	_ =	strace $0x90000047  }
0x3cc: {  	s31 =	stileid.u32;
	[bflag:$0x2] =	sbarrier.arrive $0xFFFF  }
0x3cd: {  	p0 =	sne.s32 s31, $0x0;
	s0 =	rddreg [dreg:$0x5]  }
0x3ce: {  	s0 =	sadd.s32 @!p0 $0x100000, s0  }
0x3cf: {  	[sflag:s0] =	ssyncadd.tile.s32 @!p0 $0x1;
	_ =	shalt  }
.Lfunc_end2:
_tile_overlayer_lowered:
.L_overlay_start_2:
0x3d0: {  	(tag) =	ssettag $0x2  }
0x3d1: {  	s0 =	rddreg [dreg:$0x0];
	s2 =	stileid.u32  }
0x3d2: {  	s1 =	rddreg [dreg:$0x1];
	p0 =	sne.s32 s2, $0x0  }
0x3d3: {  	s3 =	rddreg [dreg:$0x2];
	[bflag:$0x3] =	sbarrier.arrive $0xFFFF;
	s2 =	simm.s32 @!p0 $0x1C03  }
0x3d4: {  	[timem:s3], [sflag:s2] =	dma.local @!p0 [hbm:s0], s1  }
0x3d5: {  	s0 =	simm.s32 @!p0 $0x3  }
0x3d6: {  	_ =	swait.ge @!p0 [sflag:s0], s1  }
0x3d7: {  	s1 =	ssub.s32 @!p0 $0x0, s1;
	[sflag:s0] =	ssyncset.done @!p0 $0x0  }
0x3d8: {  	[sflag:s0] =	ssyncadd.s32 @!p0 s1  }
0x3d9: {  	[bflag:$0x3] =	sbarrier.arrive $0xFFFF  }
0x3da: {  	_ =	shalt  }

</sc_bundles>
